<compile_context>
chip_gen: v7x
topology: tpu7x:2x2x1
jax: 0.10.2.dev20260603
libtpu: 0.0.44.dev20260713+nightly
codegen_flags: <defaults>
</compile_context>

<pallas_src>
import functools

import jax
import jax.numpy as jnp
from jax import lax
from jax.experimental import pallas as pl
from jax.experimental.pallas import tpu as pltpu
from jax.experimental.pallas import tpu_sc as plsc

N = 100000
E = 3200000
IN_CH = 896
HID = 16
OUT_CH = 640
LSTM_H = 32

NW = 32
EP = 3211264
EW = EP // NW
C = 784
NCH = EW // C
EPAD = EP - E
DISCARD = 352
NACC = N + DISCARD
RPT = NACC // 16

_mesh = plsc.VectorSubcoreMesh(core_axis_name="c", subcore_axis_name="s",
                               num_cores=2, num_subcores=16)


@functools.partial(
    pl.kernel,
    out_type=jax.ShapeDtypeStruct((2 * NACC, HID), jnp.float32),
    mesh=_mesh,
    scratch_types=[
        pltpu.VMEM((3, C), jnp.int32),
        pltpu.VMEM((3, C), jnp.int32),
        pltpu.VMEM((2, C, HID), jnp.float32),
        pltpu.VMEM_SHARED((NACC, HID), jnp.float32),
        pltpu.SemaphoreType.DMA,
        pltpu.SemaphoreType.DMA,
        pltpu.SemaphoreType.DMA,
    ],
    compiler_params=pltpu.CompilerParams(use_tc_tiling_on_sc=False),
)
def _sc_gather_scatter(srcf, dstf, feat, zero, out, idxs, idxd, rows, acc,
                       isem, gsem, ssem):
    cid = lax.axis_index("c")
    sid = lax.axis_index("s")
    wid = sid * 2 + cid
    pltpu.sync_copy(zero.at[pl.ds(sid * RPT, RPT)], acc.at[pl.ds(sid * RPT, RPT)])
    plsc.subcore_barrier()
    base = wid * EW

    def idx_descs(r, g):
        off = base + g * C
        return (
            pltpu.make_async_copy(srcf.at[pl.ds(off, C)], idxs.at[r], isem),
            pltpu.make_async_copy(dstf.at[pl.ds(off, C)], idxd.at[r], isem),
        )

    def gather_desc(r, p):
        return pltpu.make_async_copy(feat.at[idxs.at[r]], rows.at[p], gsem)

    def scatter_desc(r, p):
        return pltpu.make_async_copy(rows.at[p], acc.at[idxd.at[r]], ssem)

    for d in idx_descs(0, 0):
        d.start()
    for d in idx_descs(0, 0):
        d.wait()
    gather_desc(0, 0).start()
    for d in idx_descs(1, 1):
        d.start()

    def body(g, carry):
        p = lax.rem(g, 2)
        q = 1 - p
        r = lax.rem(g, 3)
        r1 = lax.rem(g + 1, 3)
        r2 = lax.rem(g + 2, 3)

        gather_desc(r, p).wait()

        @pl.when(g >= 1)
        def _():
            scatter_desc(r2, q).wait()

        scatter_desc(r, p).start(add=True)

        @pl.when(g <= NCH - 2)
        def _():
            for d in idx_descs(r1, g + 1):
                d.wait()
            gather_desc(r1, q).start()

        @pl.when(g <= NCH - 3)
        def _():
            for d in idx_descs(r2, g + 2):
                d.start()
        return carry

    lax.fori_loop(0, NCH, body, 0)
    scatter_desc((NCH - 1) % 3, (NCH - 1) % 2).wait()
    plsc.subcore_barrier()
    pltpu.sync_copy(
        acc.at[pl.ds(sid * RPT, RPT)],
        out.at[pl.ds(cid * NACC + sid * RPT, RPT)],
    )


@functools.partial(
    pl.kernel,
    out_type=jax.ShapeDtypeStruct((2 * NACC, HID), jnp.float32),
    mesh=_mesh,
    scratch_types=[
        pltpu.VMEM((3, C), jnp.int32),
        pltpu.VMEM((C, HID), jnp.float32),
        pltpu.VMEM_SHARED((NACC, HID), jnp.float32),
        pltpu.SemaphoreType.DMA,
        pltpu.SemaphoreType.DMA,
    ],
    compiler_params=pltpu.CompilerParams(use_tc_tiling_on_sc=False),
)
def _sc_degree(dstf, ones, zero, out, idxd, ones_v, acc, isem, ssem):
    cid = lax.axis_index("c")
    sid = lax.axis_index("s")
    wid = sid * 2 + cid
    pltpu.sync_copy(zero.at[pl.ds(sid * RPT, RPT)], acc.at[pl.ds(sid * RPT, RPT)])
    pltpu.sync_copy(ones, ones_v)
    plsc.subcore_barrier()
    base = wid * EW

    def idx_desc(r, g):
        return pltpu.make_async_copy(dstf.at[pl.ds(base + g * C, C)],
                                     idxd.at[r], isem)

    def scatter_desc(r):
        return pltpu.make_async_copy(ones_v, acc.at[idxd.at[r]], ssem)

    idx_desc(0, 0).start()
    idx_desc(0, 0).wait()
    idx_desc(1, 1).start()

    def body(g, carry):
        r = lax.rem(g, 3)
        r1 = lax.rem(g + 1, 3)
        r2 = lax.rem(g + 2, 3)

        @pl.when(g >= 1)
        def _():
            scatter_desc(r2).wait()

        scatter_desc(r).start(add=True)

        @pl.when(g <= NCH - 2)
        def _():
            idx_desc(r1, g + 1).wait()

        @pl.when(g <= NCH - 3)
        def _():
            idx_desc(r2, g + 2).start()
        return carry

    lax.fori_loop(0, NCH, body, 0)
    scatter_desc((NCH - 1) % 3).wait()
    plsc.subcore_barrier()
    pltpu.sync_copy(
        acc.at[pl.ds(sid * RPT, RPT)],
        out.at[pl.ds(cid * NACC + sid * RPT, RPT)],
    )


BM = 2000
GRID = N // BM
PHN = NACC * HID // 128

BL = PHN // 4
BLT = NACC // 4
GRID_L = 4


def _tc0_body(x_ref, w0_ref, h0_ref):
    h0_ref[...] = jnp.dot(x_ref[...], w0_ref[...],
                          preferred_element_type=jnp.float32)


def _tc0(x, w0):
    return pl.pallas_call(
        _tc0_body,
        grid=(GRID,),
        in_specs=[
            pl.BlockSpec((BM, IN_CH), lambda i: (i, 0)),
            pl.BlockSpec((IN_CH, HID), lambda i: (0, 0)),
        ],
        out_specs=pl.BlockSpec((BM, HID), lambda i: (i, 0)),
        out_shape=jax.ShapeDtypeStruct((N, HID), jnp.float32),
    )(x, w0)


def _pre_body(h0p_ref, dega_ref, degb_ref, dinv_ref, hp0_ref):
    dinv = lax.rsqrt(1.0 + dega_ref[...] + degb_ref[...])
    dinv_ref[...] = dinv
    hp0_ref[...] = h0p_ref[...] * dinv


def _tc_pre(h0p, dega, degb):
    return pl.pallas_call(
        _pre_body,
        grid=(GRID_L,),
        in_specs=[pl.BlockSpec((BL, 128), lambda i: (i, 0))] * 3,
        out_specs=[pl.BlockSpec((BL, 128), lambda i: (i, 0))] * 2,
        out_shape=[jax.ShapeDtypeStruct((PHN, 128), jnp.float32)] * 2,
    )(h0p, dega, degb)


def _ln_relu_p(conv, mmat, g, b):
    mu = jnp.dot(conv, mmat, preferred_element_type=jnp.float32)
    xc = conv - mu
    var = jnp.dot(xc * xc, mmat, preferred_element_type=jnp.float32)
    h = xc * lax.rsqrt(var + 1e-5) * g + b
    return jnp.maximum(h, 0.0)


def _layer_body(acca_ref, accb_ref, hp_ref, dinv_ref, mmat_ref, g_ref,
                bn_ref, bc_ref, wn_ref, h_ref, hpn_ref):
    dinv = dinv_ref[...]
    conv = dinv * (acca_ref[...] + accb_ref[...] + hp_ref[...]) + bc_ref[...]
    h = _ln_relu_p(conv, mmat_ref[...], g_ref[...], bn_ref[...])
    h_ref[...] = h
    hpn_ref[...] = (jnp.dot(h, wn_ref[...], preferred_element_type=jnp.float32)
                    * dinv)


def _tc_layer(acca, accb, hp, dinv, mmat, g, bn, bc, wn):
    return pl.pallas_call(
        _layer_body,
        grid=(GRID_L,),
        in_specs=[
            pl.BlockSpec((BL, 128), lambda i: (i, 0)),
            pl.BlockSpec((BL, 128), lambda i: (i, 0)),
            pl.BlockSpec((BL, 128), lambda i: (i, 0)),
            pl.BlockSpec((BL, 128), lambda i: (i, 0)),
            pl.BlockSpec((128, 128), lambda i: (0, 0)),
            pl.BlockSpec((1, 128), lambda i: (0, 0)),
            pl.BlockSpec((1, 128), lambda i: (0, 0)),
            pl.BlockSpec((1, 128), lambda i: (0, 0)),
            pl.BlockSpec((128, 128), lambda i: (0, 0)),
        ],
        out_specs=[pl.BlockSpec((BL, 128), lambda i: (i, 0))] * 2,
        out_shape=[jax.ShapeDtypeStruct((PHN, 128), jnp.float32)] * 2,
    )(acca, accb, hp, dinv, mmat, g, bn, bc, wn)


def _last_layer_body(acca_ref, accb_ref, hp_ref, dinv_ref, mmat_ref, g_ref,
                     bn_ref, bc_ref, h_ref):
    conv = (dinv_ref[...] * (acca_ref[...] + accb_ref[...] + hp_ref[...])
            + bc_ref[...])
    h_ref[...] = _ln_relu_p(conv, mmat_ref[...], g_ref[...], bn_ref[...])


def _tc_last_layer(acca, accb, hp, dinv, mmat, g, bn, bc):
    return pl.pallas_call(
        _last_layer_body,
        grid=(GRID_L,),
        in_specs=[
            pl.BlockSpec((BL, 128), lambda i: (i, 0)),
            pl.BlockSpec((BL, 128), lambda i: (i, 0)),
            pl.BlockSpec((BL, 128), lambda i: (i, 0)),
            pl.BlockSpec((BL, 128), lambda i: (i, 0)),
            pl.BlockSpec((128, 128), lambda i: (0, 0)),
            pl.BlockSpec((1, 128), lambda i: (0, 0)),
            pl.BlockSpec((1, 128), lambda i: (0, 0)),
            pl.BlockSpec((1, 128), lambda i: (0, 0)),
        ],
        out_specs=pl.BlockSpec((BL, 128), lambda i: (i, 0)),
        out_shape=jax.ShapeDtypeStruct((PHN, 128), jnp.float32),
    )(acca, accb, hp, dinv, mmat, g, bn, bc)


def _final_body(h1_ref, h2_ref, h3_ref, h4_ref, wsg_ref, whg_ref, bg_ref,
                awf_ref, awb_ref, attb_ref, linw_ref, linb_ref, out_ref):
    s = [h1_ref[...], h2_ref[...], h3_ref[...], h4_ref[...]]
    dot = lambda a, b: jnp.dot(a, b, preferred_element_type=jnp.float32)
    h = jnp.zeros((BM, 64), jnp.float32)
    c = jnp.zeros((BM, 64), jnp.float32)
    houts = [None] * 4
    for t in range(4):
        scat = jnp.concatenate([s[t], s[3 - t]], axis=1)

        def gate(k):
            return (dot(scat, wsg_ref[pl.ds(32 * k, 32), :])
                    + dot(h, whg_ref[pl.ds(64 * k, 64), :])
                    + bg_ref[k:k + 1, :])

        gi = jax.nn.sigmoid(gate(0))
        gf = jax.nn.sigmoid(gate(1))
        gg = jnp.tanh(gate(2))
        go = jax.nn.sigmoid(gate(3))
        c = gf * c + gi * gg
        h = go * jnp.tanh(c)
        houts[t] = h
    attb = attb_ref[0, 0]
    logits = [
        dot(houts[t], awf_ref[...]) + dot(houts[3 - t], awb_ref[...]) + attb
        for t in range(4)
    ]
    m = jnp.maximum(jnp.maximum(logits[0], logits[1]),
                    jnp.maximum(logits[2], logits[3]))
    es = [jnp.exp(l - m) for l in logits]
    z = es[0] + es[1] + es[2] + es[3]
    out16 = sum(es[t] * s[t] for t in range(4)) / z
    out_ref[...] = dot(out16, linw_ref[...]) + linb_ref[...]


def _tc_final(h1, h2, h3, h4, wsg, whg, bg, awf, awb, attb, linw, linb):
    blk = lambda r, c: pl.BlockSpec((r, c), lambda i: (0, 0))
    return pl.pallas_call(
        _final_body,
        grid=(GRID,),
        in_specs=[
            pl.BlockSpec((BM, HID), lambda i: (i, 0)),
            pl.BlockSpec((BM, HID), lambda i: (i, 0)),
            pl.BlockSpec((BM, HID), lambda i: (i, 0)),
            pl.BlockSpec((BM, HID), lambda i: (i, 0)),
            blk(128, 64), blk(256, 64), blk(4, 64),
            blk(64, 1), blk(64, 1), blk(1, 1),
            blk(HID, OUT_CH), blk(1, OUT_CH),
        ],
        out_specs=pl.BlockSpec((BM, OUT_CH), lambda i: (i, 0)),
        out_shape=jax.ShapeDtypeStruct((N, OUT_CH), jnp.float32),
    )(h1, h2, h3, h4, wsg, whg, bg, awf, awb, attb, linw, linb)


def kernel(x, edges, batch, w0, bc0, g0, bn0, w1, bc1, g1, bn1, w2, bc2, g2,
           bn2, w3, bc3, g3, bn3, lstm_wih, lstm_whh, lstm_bih, lstm_bhh,
           lstm_wih_r, lstm_whh_r, lstm_bih_r, lstm_bhh_r, att_w, att_b,
           lin_w, lin_b):
    src = edges[:, 0]
    dst = edges[:, 1]
    pad_dst = N + (jnp.arange(EPAD, dtype=jnp.int32) % DISCARD)
    srcf = jnp.concatenate([src, jnp.zeros((EPAD,), jnp.int32)])
    dstf = jnp.concatenate([dst, pad_dst])
    zero = jnp.zeros((NACC, HID), jnp.float32)
    ones = jnp.ones((C, HID), jnp.float32)

    def halves(o):
        op = o.reshape(2 * PHN, 128)
        return op[:PHN], op[PHN:]

    def unpack(a):
        return a.reshape(NACC, HID)

    eye8 = jnp.eye(8, dtype=jnp.float32)
    kron8 = lambda m: jnp.kron(eye8, m)
    mmat = kron8(jnp.full((HID, HID), 1.0 / HID, jnp.float32))
    tile8 = lambda v: jnp.tile(v, 8).reshape(1, 128)

    dega, degb = halves(_sc_degree(dstf, ones, zero))

    h0 = _tc0(x, w0)
    h0p = jnp.pad(h0.reshape(N * HID // 128, 128),
                  ((0, PHN - N * HID // 128), (0, 0)))
    dinv, hp = _tc_pre(h0p, dega, degb)

    hs = []
    for (g, bn, bc, wn) in ((g0, bn0, bc0, w1), (g1, bn1, bc1, w2),
                            (g2, bn2, bc2, w3)):
        acca, accb = halves(_sc_gather_scatter(srcf, dstf, unpack(hp), zero))
        h, hp = _tc_layer(acca, accb, hp, dinv, mmat, tile8(g), tile8(bn),
                          tile8(bc), kron8(wn))
        hs.append(unpack(h))
    acca, accb = halves(_sc_gather_scatter(srcf, dstf, unpack(hp), zero))
    hs.append(unpack(_tc_last_layer(acca, accb, hp, dinv, mmat, tile8(g3),
                                    tile8(bn3), tile8(bc3))))

    z16 = jnp.zeros((16, 32), jnp.float32)
    z32 = jnp.zeros((32, 32), jnp.float32)
    bf_all = lstm_bih + lstm_bhh
    bb_all = lstm_bih_r + lstm_bhh_r
    ws_blocks, wh_blocks, b_rows = [], [], []
    for k in range(4):
        r = slice(32 * k, 32 * k + 32)
        ws_blocks.append(jnp.concatenate([
            jnp.concatenate([lstm_wih[r].T, z16], axis=1),
            jnp.concatenate([z16, lstm_wih_r[r].T], axis=1),
        ], axis=0))
        wh_blocks.append(jnp.concatenate([
            jnp.concatenate([lstm_whh[r].T, z32], axis=1),
            jnp.concatenate([z32, lstm_whh_r[r].T], axis=1),
        ], axis=0))
        b_rows.append(jnp.concatenate([bf_all[r], bb_all[r]]))
    wsg = jnp.concatenate(ws_blocks, axis=0)
    whg = jnp.concatenate(wh_blocks, axis=0)
    bg = jnp.stack(b_rows, axis=0)
    z32c = jnp.zeros((32,), jnp.float32)
    awf = jnp.concatenate([att_w[0, :32], z32c]).reshape(64, 1)
    awb = jnp.concatenate([z32c, att_w[0, 32:]]).reshape(64, 1)

    out = _tc_final(hs[0], hs[1], hs[2], hs[3], wsg, whg, bg, awf, awb,
                    att_b.reshape(1, 1), lin_w, lin_b.reshape(1, -1))
    return out

# --- scband reference (transcript-rebuilt; emitter-appended) ---
"""Pipeline reference for scband-teacher-gnn-81655918232282 (READ-ONLY COPY).

The authoritative reference and input builder live on the scoring server;
editing this copy changes nothing except your own understanding.
"""

import jax, jax.numpy as jnp
import numpy as np

N_NODES = 100000
N_EDGES = 3200000
IN_CH = 896
HID = 16
OUT_CH = 640
N_LAYERS = 4
LSTM_H = (N_LAYERS * HID) // 2  # 32, PyG JumpingKnowledge lstm hidden size


def _p(key, i, shape, scale=0.05):
    return (scale * jax.random.normal(jax.random.fold_in(key, i), shape)).astype(jnp.float32)


def setup_inputs(seed: int = 0):
    key = jax.random.key(seed)
    inp = {}
    inp["x"] = jax.random.normal(jax.random.fold_in(key, 0), (N_NODES, IN_CH), dtype=jnp.float32)
    inp["edges"] = jax.random.randint(jax.random.fold_in(key, 1), (N_EDGES, 2), 0, N_NODES, dtype=jnp.int32)
    inp["batch"] = jnp.sort(jax.random.randint(jax.random.fold_in(key, 2), (N_NODES,), 0, 64, dtype=jnp.int32))
    for i in range(N_LAYERS):
        fan_in = IN_CH if i == 0 else HID
        inp["w%d" % i] = _p(key, 10 + i, (fan_in, HID))
        inp["bc%d" % i] = jnp.zeros((HID,), jnp.float32)
        inp["g%d" % i] = jnp.ones((HID,), jnp.float32)
        inp["bn%d" % i] = jnp.zeros((HID,), jnp.float32)
    inp["lstm_wih"] = _p(key, 20, (4 * LSTM_H, HID))
    inp["lstm_whh"] = _p(key, 21, (4 * LSTM_H, LSTM_H))
    inp["lstm_bih"] = jnp.zeros((4 * LSTM_H,), jnp.float32)
    inp["lstm_bhh"] = jnp.zeros((4 * LSTM_H,), jnp.float32)
    inp["lstm_wih_r"] = _p(key, 22, (4 * LSTM_H, HID))
    inp["lstm_whh_r"] = _p(key, 23, (4 * LSTM_H, LSTM_H))
    inp["lstm_bih_r"] = jnp.zeros((4 * LSTM_H,), jnp.float32)
    inp["lstm_bhh_r"] = jnp.zeros((4 * LSTM_H,), jnp.float32)
    inp["att_w"] = _p(key, 24, (1, 2 * LSTM_H))
    inp["att_b"] = jnp.zeros((1,), jnp.float32)
    inp["lin_w"] = _p(key, 25, (HID, OUT_CH))
    inp["lin_b"] = jnp.zeros((OUT_CH,), jnp.float32)
    return inp


def _gcn_conv(h_in, W, b, src, dst, n):
    # PyG GCNConv: lin first, then gcn_norm with self-loops, then scatter-add to dst
    h = h_in @ W
    loop = jnp.arange(n, dtype=src.dtype)
    s = jnp.concatenate([src, loop])
    d = jnp.concatenate([dst, loop])
    deg = jnp.zeros((n,), h.dtype).at[d].add(jnp.ones(s.shape[0], h.dtype))
    dinv = jnp.where(deg > 0, 1.0 / jnp.sqrt(deg), 0.0)
    norm = (dinv[s] * dinv[d])[:, None]
    out = jnp.zeros_like(h).at[d].add(h[s] * norm)
    return out + b


def _layer_norm(x, g, b, eps=1e-5):
    mu = jnp.mean(x, axis=-1, keepdims=True)
    var = jnp.mean((x - mu) ** 2, axis=-1, keepdims=True)
    return (x - mu) / jnp.sqrt(var + eps) * g + b


def _lstm_dir(seq, wih, whh, bih, bhh):
    n, t_len, _ = seq.shape
    hdim = whh.shape[1]
    h = jnp.zeros((n, hdim), seq.dtype)
    c = jnp.zeros((n, hdim), seq.dtype)
    outs = []
    for t in range(t_len):
        gates = seq[:, t] @ wih.T + bih + h @ whh.T + bhh
        i, f, g, o = jnp.split(gates, 4, axis=1)
        i = jax.nn.sigmoid(i)
        f = jax.nn.sigmoid(f)
        g = jnp.tanh(g)
        o = jax.nn.sigmoid(o)
        c = f * c + i * g
        h = o * jnp.tanh(c)
        outs.append(h)
    return jnp.stack(outs, axis=1)


def _forward(x, params, src, dst):
    (w0, bc0, g0, bn0, w1, bc1, g1, bn1, w2, bc2, g2, bn2, w3, bc3, g3, bn3,
     lstm_wih, lstm_whh, lstm_bih, lstm_bhh, lstm_wih_r, lstm_whh_r, lstm_bih_r, lstm_bhh_r,
     att_w, att_b, lin_w, lin_b) = params
    n = x.shape[0]
    h = x
    xs = []
    for (W, bc, g, bn) in ((w0, bc0, g0, bn0), (w1, bc1, g1, bn1), (w2, bc2, g2, bn2), (w3, bc3, g3, bn3)):
        h = _gcn_conv(h, W, bc, src, dst, n)
        h = _layer_norm(h, g, bn)
        h = jax.nn.relu(h)
        xs.append(h)
    seq = jnp.stack(xs, axis=1)  # [N, 4, 16]
    fwd = _lstm_dir(seq, lstm_wih, lstm_whh, lstm_bih, lstm_bhh)
    bwd = _lstm_dir(seq[:, ::-1], lstm_wih_r, lstm_whh_r, lstm_bih_r, lstm_bhh_r)[:, ::-1]
    alpha = jnp.concatenate([fwd, bwd], axis=-1) @ att_w.T + att_b  # [N, 4, 1]
    alpha = jax.nn.softmax(jnp.squeeze(alpha, -1), axis=-1)
    out = jnp.sum(seq * alpha[:, :, None], axis=1)  # [N, 16]
    return out @ lin_w + lin_b


def reference(x, edges, batch, w0, bc0, g0, bn0, w1, bc1, g1, bn1, w2, bc2, g2, bn2, w3, bc3, g3, bn3, lstm_wih, lstm_whh, lstm_bih, lstm_bhh, lstm_wih_r, lstm_whh_r, lstm_bih_r, lstm_bhh_r, att_w, att_b, lin_w, lin_b):
    # module does edges.T, so edges is [E, 2] with (src, dst) columns; batch is unused by node-mode LayerNorm
    src = edges[:, 0]
    dst = edges[:, 1]
    params = (w0, bc0, g0, bn0, w1, bc1, g1, bn1, w2, bc2, g2, bn2, w3, bc3, g3, bn3,
              lstm_wih, lstm_whh, lstm_bih, lstm_bhh, lstm_wih_r, lstm_whh_r, lstm_bih_r, lstm_bhh_r,
              att_w, att_b, lin_w, lin_b)
    return _forward(x, params, src, dst)

if __name__ == "__main__":
    import jax
    _d = setup_inputs()
    print(jax.jit(kernel)(*tuple(_d.values())))

</pallas_src>

<mosaic_0001>
#map = affine_map<(d0, d1) -> (0)>
#map1 = affine_map<(d0, d1) -> (0, 0)>
module attributes {stable_mosaic.version = 14 : i64} {
  func.func @_sc_gather_scatter(%arg0: i32, %arg1: i32, %arg2: memref<3211264xi32, #tpu.memory_space<hbm>>, %arg3: memref<3211264xi32, #tpu.memory_space<hbm>>, %arg4: memref<100352x16xf32, #tpu.memory_space<hbm>>, %arg5: memref<100352x16xf32, #tpu.memory_space<hbm>>, %arg6: memref<200704x16xf32, #tpu.memory_space<hbm>>, %arg7: memref<3x784xi32, #tpu.memory_space<vmem>>, %arg8: memref<3x784xi32, #tpu.memory_space<vmem>>, %arg9: memref<2x784x16xf32, #tpu.memory_space<vmem>>, %arg10: memref<100352x16xf32, #tpu.memory_space<vmem_shared>>, %arg11: memref<!tpu.dma_semaphore, #tpu.memory_space<semaphore_mem>>, %arg12: memref<!tpu.dma_semaphore, #tpu.memory_space<semaphore_mem>>, %arg13: memref<!tpu.dma_semaphore, #tpu.memory_space<semaphore_mem>>) attributes {dimension_semantics = [#tpu.dimension_semantics<core_parallel>, #tpu.dimension_semantics<subcore_parallel>], iteration_bounds = array<i64: 2, 16>, scalar_prefetch = 0 : i64, scratch_operands = 7 : i64, tpu.core_type = #tpu.core_type<sc_vector_subcore>, window_params = [{transform_indices = #map}, {transform_indices = #map}, {transform_indices = #map1}, {transform_indices = #map1}, {transform_indices = #map1}]} {
    %mul3A = arith.constant 2 : i32
    %mul3A_0 = arith.muli %arg1, %mul3A : i32
    %add3A = arith.addi %mul3A_0, %arg0 : i32
    %mul3A_1 = arith.constant 6272 : i32
    %mul3A_2 = arith.muli %arg1, %mul3A_1 : i32
    %mul3A_3 = arith.constant 6272 : i32
    %mul3A_4 = arith.muli %arg1, %mul3A_3 : i32
    "tpu.region"() ({
      %run_scoped3A = tpu.sem_alloc : memref<!tpu.dma_semaphore, #tpu.memory_space<semaphore_mem>>
      %dma_start3A_102 = arith.constant 0 : i32
      %dma_start3A_103 = tpu.memref_slice %arg10[%mul3A_4, %dma_start3A_102] : memref<100352x16xf32, #tpu.memory_space<vmem_shared>> -> memref<6272x16xf32, #tpu.memory_space<vmem_shared>>
      %dma_start3A_104 = arith.constant 0 : i32
      %dma_start3A_105 = tpu.memref_slice %arg5[%mul3A_2, %dma_start3A_104] : memref<100352x16xf32, #tpu.memory_space<hbm>> -> memref<6272x16xf32, #tpu.memory_space<hbm>>
      tpu.enqueue_dma source(%dma_start3A_105 : memref<6272x16xf32, #tpu.memory_space<hbm>>) target(%dma_start3A_103 : memref<6272x16xf32, #tpu.memory_space<vmem_shared>>) target_semaphore(%run_scoped3A : memref<!tpu.dma_semaphore, #tpu.memory_space<semaphore_mem>>)
      %dma_wait3A_106 = arith.constant 0 : i32
      %dma_wait3A_107 = tpu.memref_slice %arg10[%mul3A_4, %dma_wait3A_106] : memref<100352x16xf32, #tpu.memory_space<vmem_shared>> -> memref<6272x16xf32, #tpu.memory_space<vmem_shared>>
      %dma_wait3A_108 = arith.constant 0 : i32
      %dma_wait3A_109 = tpu.memref_slice %arg5[%mul3A_2, %dma_wait3A_108] : memref<100352x16xf32, #tpu.memory_space<hbm>> -> memref<6272x16xf32, #tpu.memory_space<hbm>>
      tpu.wait_dma2 semaphore(%run_scoped3A : memref<!tpu.dma_semaphore, #tpu.memory_space<semaphore_mem>>) src(%dma_wait3A_109 : memref<6272x16xf32, #tpu.memory_space<hbm>>) dst(%dma_wait3A_107 : memref<6272x16xf32, #tpu.memory_space<vmem_shared>>)
      tpu.yield
    }) : () -> ()
    %barrier3A = arith.constant 0 : index
    tpu.barrier barrier_id(%barrier3A)
    %mul3A_5 = arith.constant 100352 : i32
    %mul3A_6 = arith.muli %add3A, %mul3A_5 : i32
    %add3A_7 = arith.constant 0 : i32
    %add3A_8 = arith.addi %mul3A_6, %add3A_7 : i32
    %dma_start3A = arith.constant 0 : i32
    %dma_start3A_9 = arith.constant 0 : i32
    %dma_start3A_10 = tpu.memref_slice %arg7[%dma_start3A, %dma_start3A_9] : memref<3x784xi32, #tpu.memory_space<vmem>> -> memref<1x784xi32, #tpu.memory_space<vmem>>
    %dma_start3A_11 = tpu.memref_squeeze %dma_start3A_10 : memref<1x784xi32, #tpu.memory_space<vmem>> -> memref<784xi32, #tpu.memory_space<vmem>>
    %dma_start3A_12 = tpu.memref_slice %arg2[%add3A_8] : memref<3211264xi32, #tpu.memory_space<hbm>> -> memref<784xi32, #tpu.memory_space<hbm>>
    %dma_start3A_13 = arith.constant 0 : i32
    %dma_start3A_14 = tpu.memref_slice %arg7[%dma_start3A, %dma_start3A_13] : memref<3x784xi32, #tpu.memory_space<vmem>> -> memref<1x784xi32, #tpu.memory_space<vmem>>
    %dma_start3A_15 = tpu.memref_squeeze %dma_start3A_14 : memref<1x784xi32, #tpu.memory_space<vmem>> -> memref<784xi32, #tpu.memory_space<vmem>>
    %dma_start3A_16 = tpu.memref_slice %arg2[%add3A_8] : memref<3211264xi32, #tpu.memory_space<hbm>> -> memref<784xi32, #tpu.memory_space<hbm>>
    tpu.enqueue_dma source(%dma_start3A_16 : memref<784xi32, #tpu.memory_space<hbm>>) target(%dma_start3A_15 : memref<784xi32, #tpu.memory_space<vmem>>) target_semaphore(%arg11 : memref<!tpu.dma_semaphore, #tpu.memory_space<semaphore_mem>>)
    %dma_start3A_17 = arith.constant 0 : i32
    %dma_start3A_18 = arith.constant 0 : i32
    %dma_start3A_19 = tpu.memref_slice %arg8[%dma_start3A_17, %dma_start3A_18] : memref<3x784xi32, #tpu.memory_space<vmem>> -> memref<1x784xi32, #tpu.memory_space<vmem>>
    %dma_start3A_20 = tpu.memref_squeeze %dma_start3A_19 : memref<1x784xi32, #tpu.memory_space<vmem>> -> memref<784xi32, #tpu.memory_space<vmem>>
    %dma_start3A_21 = tpu.memref_slice %arg3[%add3A_8] : memref<3211264xi32, #tpu.memory_space<hbm>> -> memref<784xi32, #tpu.memory_space<hbm>>
    %dma_start3A_22 = arith.constant 0 : i32
    %dma_start3A_23 = tpu.memref_slice %arg8[%dma_start3A_17, %dma_start3A_22] : memref<3x784xi32, #tpu.memory_space<vmem>> -> memref<1x784xi32, #tpu.memory_space<vmem>>
    %dma_start3A_24 = tpu.memref_squeeze %dma_start3A_23 : memref<1x784xi32, #tpu.memory_space<vmem>> -> memref<784xi32, #tpu.memory_space<vmem>>
    %dma_start3A_25 = tpu.memref_slice %arg3[%add3A_8] : memref<3211264xi32, #tpu.memory_space<hbm>> -> memref<784xi32, #tpu.memory_space<hbm>>
    tpu.enqueue_dma source(%dma_start3A_25 : memref<784xi32, #tpu.memory_space<hbm>>) target(%dma_start3A_24 : memref<784xi32, #tpu.memory_space<vmem>>) target_semaphore(%arg11 : memref<!tpu.dma_semaphore, #tpu.memory_space<semaphore_mem>>)
    %add3A_26 = arith.constant 0 : i32
    %add3A_27 = arith.addi %mul3A_6, %add3A_26 : i32
    %dma_wait3A = arith.constant 0 : i32
    %dma_wait3A_28 = arith.constant 0 : i32
    %dma_wait3A_29 = tpu.memref_slice %arg7[%dma_wait3A, %dma_wait3A_28] : memref<3x784xi32, #tpu.memory_space<vmem>> -> memref<1x784xi32, #tpu.memory_space<vmem>>
    %dma_wait3A_30 = tpu.memref_squeeze %dma_wait3A_29 : memref<1x784xi32, #tpu.memory_space<vmem>> -> memref<784xi32, #tpu.memory_space<vmem>>
    %dma_wait3A_31 = tpu.memref_slice %arg2[%add3A_27] : memref<3211264xi32, #tpu.memory_space<hbm>> -> memref<784xi32, #tpu.memory_space<hbm>>
    %dma_wait3A_32 = arith.constant 0 : i32
    %dma_wait3A_33 = tpu.memref_slice %arg7[%dma_wait3A, %dma_wait3A_32] : memref<3x784xi32, #tpu.memory_space<vmem>> -> memref<1x784xi32, #tpu.memory_space<vmem>>
    %dma_wait3A_34 = tpu.memref_squeeze %dma_wait3A_33 : memref<1x784xi32, #tpu.memory_space<vmem>> -> memref<784xi32, #tpu.memory_space<vmem>>
    %dma_wait3A_35 = tpu.memref_slice %arg2[%add3A_27] : memref<3211264xi32, #tpu.memory_space<hbm>> -> memref<784xi32, #tpu.memory_space<hbm>>
    tpu.wait_dma2 semaphore(%arg11 : memref<!tpu.dma_semaphore, #tpu.memory_space<semaphore_mem>>) src(%dma_wait3A_35 : memref<784xi32, #tpu.memory_space<hbm>>) dst(%dma_wait3A_34 : memref<784xi32, #tpu.memory_space<vmem>>)
    %dma_wait3A_36 = arith.constant 0 : i32
    %dma_wait3A_37 = arith.constant 0 : i32
    %dma_wait3A_38 = tpu.memref_slice %arg8[%dma_wait3A_36, %dma_wait3A_37] : memref<3x784xi32, #tpu.memory_space<vmem>> -> memref<1x784xi32, #tpu.memory_space<vmem>>
    %dma_wait3A_39 = tpu.memref_squeeze %dma_wait3A_38 : memref<1x784xi32, #tpu.memory_space<vmem>> -> memref<784xi32, #tpu.memory_space<vmem>>
    %dma_wait3A_40 = tpu.memref_slice %arg3[%add3A_27] : memref<3211264xi32, #tpu.memory_space<hbm>> -> memref<784xi32, #tpu.memory_space<hbm>>
    %dma_wait3A_41 = arith.constant 0 : i32
    %dma_wait3A_42 = tpu.memref_slice %arg8[%dma_wait3A_36, %dma_wait3A_41] : memref<3x784xi32, #tpu.memory_space<vmem>> -> memref<1x784xi32, #tpu.memory_space<vmem>>
    %dma_wait3A_43 = tpu.memref_squeeze %dma_wait3A_42 : memref<1x784xi32, #tpu.memory_space<vmem>> -> memref<784xi32, #tpu.memory_space<vmem>>
    %dma_wait3A_44 = tpu.memref_slice %arg3[%add3A_27] : memref<3211264xi32, #tpu.memory_space<hbm>> -> memref<784xi32, #tpu.memory_space<hbm>>
    tpu.wait_dma2 semaphore(%arg11 : memref<!tpu.dma_semaphore, #tpu.memory_space<semaphore_mem>>) src(%dma_wait3A_44 : memref<784xi32, #tpu.memory_space<hbm>>) dst(%dma_wait3A_43 : memref<784xi32, #tpu.memory_space<vmem>>)
    %dma_start3A_45 = arith.constant 0 : i32
    %dma_start3A_46 = arith.constant 0 : i32
    %dma_start3A_47 = arith.constant 0 : i32
    %dma_start3A_48 = arith.constant 0 : i32
    %dma_start3A_49 = tpu.memref_slice %arg9[%dma_start3A_46, %dma_start3A_47, %dma_start3A_48] : memref<2x784x16xf32, #tpu.memory_space<vmem>> -> memref<1x784x16xf32, #tpu.memory_space<vmem>>
    %dma_start3A_50 = tpu.memref_squeeze %dma_start3A_49 : memref<1x784x16xf32, #tpu.memory_space<vmem>> -> memref<784x16xf32, #tpu.memory_space<vmem>>
    %dma_start3A_51 = arith.constant 0 : i32
    %dma_start3A_52 = tpu.memref_slice %arg7[%dma_start3A_45, %dma_start3A_51] : memref<3x784xi32, #tpu.memory_space<vmem>> -> memref<1x784xi32, #tpu.memory_space<vmem>>
    %dma_start3A_53 = tpu.memref_squeeze %dma_start3A_52 : memref<1x784xi32, #tpu.memory_space<vmem>> -> memref<784xi32, #tpu.memory_space<vmem>>
    %dma_start3A_54 = arith.constant 0 : i32
    %dma_start3A_55 = arith.constant 0 : i32
    %dma_start3A_56 = tpu.memref_slice %arg4[%dma_start3A_54, %dma_start3A_55] : memref<100352x16xf32, #tpu.memory_space<hbm>> -> memref<100352x16xf32, #tpu.memory_space<hbm>>
    tpu.enqueue_indirect_dma source(%dma_start3A_56 : memref<100352x16xf32, #tpu.memory_space<hbm>>) target(%dma_start3A_50 : memref<784x16xf32, #tpu.memory_space<vmem>>) offsets(%dma_start3A_53 : memref<784xi32, #tpu.memory_space<vmem>>) semaphore(%arg12 : memref<!tpu.dma_semaphore, #tpu.memory_space<semaphore_mem>>)
    %add3A_57 = arith.constant 784 : i32
    %add3A_58 = arith.addi %mul3A_6, %add3A_57 : i32
    %dma_start3A_59 = arith.constant 1 : i32
    %dma_start3A_60 = arith.constant 0 : i32
    %dma_start3A_61 = tpu.memref_slice %arg7[%dma_start3A_59, %dma_start3A_60] : memref<3x784xi32, #tpu.memory_space<vmem>> -> memref<1x784xi32, #tpu.memory_space<vmem>>
    %dma_start3A_62 = tpu.memref_squeeze %dma_start3A_61 : memref<1x784xi32, #tpu.memory_space<vmem>> -> memref<784xi32, #tpu.memory_space<vmem>>
    %dma_start3A_63 = tpu.memref_slice %arg2[%add3A_58] : memref<3211264xi32, #tpu.memory_space<hbm>> -> memref<784xi32, #tpu.memory_space<hbm>>
    %dma_start3A_64 = arith.constant 0 : i32
    %dma_start3A_65 = tpu.memref_slice %arg7[%dma_start3A_59, %dma_start3A_64] : memref<3x784xi32, #tpu.memory_space<vmem>> -> memref<1x784xi32, #tpu.memory_space<vmem>>
    %dma_start3A_66 = tpu.memref_squeeze %dma_start3A_65 : memref<1x784xi32, #tpu.memory_space<vmem>> -> memref<784xi32, #tpu.memory_space<vmem>>
    %dma_start3A_67 = tpu.memref_slice %arg2[%add3A_58] : memref<3211264xi32, #tpu.memory_space<hbm>> -> memref<784xi32, #tpu.memory_space<hbm>>
    tpu.enqueue_dma source(%dma_start3A_67 : memref<784xi32, #tpu.memory_space<hbm>>) target(%dma_start3A_66 : memref<784xi32, #tpu.memory_space<vmem>>) target_semaphore(%arg11 : memref<!tpu.dma_semaphore, #tpu.memory_space<semaphore_mem>>)
    %dma_start3A_68 = arith.constant 1 : i32
    %dma_start3A_69 = arith.constant 0 : i32
    %dma_start3A_70 = tpu.memref_slice %arg8[%dma_start3A_68, %dma_start3A_69] : memref<3x784xi32, #tpu.memory_space<vmem>> -> memref<1x784xi32, #tpu.memory_space<vmem>>
    %dma_start3A_71 = tpu.memref_squeeze %dma_start3A_70 : memref<1x784xi32, #tpu.memory_space<vmem>> -> memref<784xi32, #tpu.memory_space<vmem>>
    %dma_start3A_72 = tpu.memref_slice %arg3[%add3A_58] : memref<3211264xi32, #tpu.memory_space<hbm>> -> memref<784xi32, #tpu.memory_space<hbm>>
    %dma_start3A_73 = arith.constant 0 : i32
    %dma_start3A_74 = tpu.memref_slice %arg8[%dma_start3A_68, %dma_start3A_73] : memref<3x784xi32, #tpu.memory_space<vmem>> -> memref<1x784xi32, #tpu.memory_space<vmem>>
    %dma_start3A_75 = tpu.memref_squeeze %dma_start3A_74 : memref<1x784xi32, #tpu.memory_space<vmem>> -> memref<784xi32, #tpu.memory_space<vmem>>
    %dma_start3A_76 = tpu.memref_slice %arg3[%add3A_58] : memref<3211264xi32, #tpu.memory_space<hbm>> -> memref<784xi32, #tpu.memory_space<hbm>>
    tpu.enqueue_dma source(%dma_start3A_76 : memref<784xi32, #tpu.memory_space<hbm>>) target(%dma_start3A_75 : memref<784xi32, #tpu.memory_space<vmem>>) target_semaphore(%arg11 : memref<!tpu.dma_semaphore, #tpu.memory_space<semaphore_mem>>)
    %scan3A = arith.constant 0 : i32
    %scan3A_77 = arith.constant 0 : i32
    %scan3A_78 = arith.constant 128 : i32
    %scan3A_79 = arith.addi %scan3A_77, %scan3A_78 : i32
    %scan3A_80 = arith.constant 1 : i32
    scf.for %scan3A_102 = %scan3A_77 to %scan3A_79 step %scan3A_80  : i32 {
      %rem3A = arith.constant 2 : i32
      %rem3A_103 = arith.remsi %scan3A_102, %rem3A : i32
      %sub3A = arith.constant 1 : i32
      %sub3A_104 = arith.subi %sub3A, %rem3A_103 : i32
      %rem3A_105 = arith.constant 3 : i32
      %rem3A_106 = arith.remsi %scan3A_102, %rem3A_105 : i32
      %add3A_107 = arith.constant 1 : i32
      %add3A_108 = arith.addi %scan3A_102, %add3A_107 : i32
      %rem3A_109 = arith.constant 3 : i32
      %rem3A_110 = arith.remsi %add3A_108, %rem3A_109 : i32
      %add3A_111 = arith.constant 2 : i32
      %add3A_112 = arith.addi %scan3A_102, %add3A_111 : i32
      %rem3A_113 = arith.constant 3 : i32
      %rem3A_114 = arith.remsi %add3A_112, %rem3A_113 : i32
      %dma_wait3A_115 = arith.constant 0 : i32
      %dma_wait3A_116 = arith.constant 0 : i32
      %dma_wait3A_117 = tpu.memref_slice %arg9[%rem3A_103, %dma_wait3A_115, %dma_wait3A_116] : memref<2x784x16xf32, #tpu.memory_space<vmem>> -> memref<1x784x16xf32, #tpu.memory_space<vmem>>
      %dma_wait3A_118 = tpu.memref_squeeze %dma_wait3A_117 : memref<1x784x16xf32, #tpu.memory_space<vmem>> -> memref<784x16xf32, #tpu.memory_space<vmem>>
      %dma_wait3A_119 = arith.constant 0 : i32
      %dma_wait3A_120 = tpu.memref_slice %arg7[%rem3A_106, %dma_wait3A_119] : memref<3x784xi32, #tpu.memory_space<vmem>> -> memref<1x784xi32, #tpu.memory_space<vmem>>
      %dma_wait3A_121 = tpu.memref_squeeze %dma_wait3A_120 : memref<1x784xi32, #tpu.memory_space<vmem>> -> memref<784xi32, #tpu.memory_space<vmem>>
      %dma_wait3A_122 = arith.constant 0 : i32
      %dma_wait3A_123 = arith.constant 0 : i32
      %dma_wait3A_124 = tpu.memref_slice %arg4[%dma_wait3A_122, %dma_wait3A_123] : memref<100352x16xf32, #tpu.memory_space<hbm>> -> memref<100352x16xf32, #tpu.memory_space<hbm>>
      tpu.wait_indirect_dma semaphore(%arg12 : memref<!tpu.dma_semaphore, #tpu.memory_space<semaphore_mem>>) src(%dma_wait3A_124 : memref<100352x16xf32, #tpu.memory_space<hbm>>) dst(%dma_wait3A_118 : memref<784x16xf32, #tpu.memory_space<vmem>>)
      %ge3A = arith.constant 1 : i32
      %ge3A_125 = arith.cmpi sge, %scan3A_102, %ge3A : i32
      %convert_element_type3A = arith.extui %ge3A_125 : i1 to i32
      %cond3A = arith.constant 0 : i32
      %cond3A_126 = arith.cmpi ne, %convert_element_type3A, %cond3A : i32
      scf.if %cond3A_126 {
        %dma_wait3A_146 = arith.constant 0 : i32
        %dma_wait3A_147 = arith.constant 0 : i32
        %dma_wait3A_148 = tpu.memref_slice %arg9[%sub3A_104, %dma_wait3A_146, %dma_wait3A_147] : memref<2x784x16xf32, #tpu.memory_space<vmem>> -> memref<1x784x16xf32, #tpu.memory_space<vmem>>
        %dma_wait3A_149 = tpu.memref_squeeze %dma_wait3A_148 : memref<1x784x16xf32, #tpu.memory_space<vmem>> -> memref<784x16xf32, #tpu.memory_space<vmem>>
        %dma_wait3A_150 = arith.constant 0 : i32
        %dma_wait3A_151 = tpu.memref_slice %arg8[%rem3A_114, %dma_wait3A_150] : memref<3x784xi32, #tpu.memory_space<vmem>> -> memref<1x784xi32, #tpu.memory_space<vmem>>
        %dma_wait3A_152 = tpu.memref_squeeze %dma_wait3A_151 : memref<1x784xi32, #tpu.memory_space<vmem>> -> memref<784xi32, #tpu.memory_space<vmem>>
        %dma_wait3A_153 = arith.constant 0 : i32
        %dma_wait3A_154 = arith.constant 0 : i32
        %dma_wait3A_155 = tpu.memref_slice %arg10[%dma_wait3A_153, %dma_wait3A_154] : memref<100352x16xf32, #tpu.memory_space<vmem_shared>> -> memref<100352x16xf32, #tpu.memory_space<vmem_shared>>
        tpu.wait_indirect_dma semaphore(%arg13 : memref<!tpu.dma_semaphore, #tpu.memory_space<semaphore_mem>>) src(%dma_wait3A_149 : memref<784x16xf32, #tpu.memory_space<vmem>>) dst(%dma_wait3A_155 : memref<100352x16xf32, #tpu.memory_space<vmem_shared>>)
      } else {
      }
      %dma_start3A_127 = arith.constant 0 : i32
      %dma_start3A_128 = arith.constant 0 : i32
      %dma_start3A_129 = tpu.memref_slice %arg9[%rem3A_103, %dma_start3A_127, %dma_start3A_128] : memref<2x784x16xf32, #tpu.memory_space<vmem>> -> memref<1x784x16xf32, #tpu.memory_space<vmem>>
      %dma_start3A_130 = tpu.memref_squeeze %dma_start3A_129 : memref<1x784x16xf32, #tpu.memory_space<vmem>> -> memref<784x16xf32, #tpu.memory_space<vmem>>
      %dma_start3A_131 = arith.constant 0 : i32
      %dma_start3A_132 = tpu.memref_slice %arg8[%rem3A_106, %dma_start3A_131] : memref<3x784xi32, #tpu.memory_space<vmem>> -> memref<1x784xi32, #tpu.memory_space<vmem>>
      %dma_start3A_133 = tpu.memref_squeeze %dma_start3A_132 : memref<1x784xi32, #tpu.memory_space<vmem>> -> memref<784xi32, #tpu.memory_space<vmem>>
      %dma_start3A_134 = arith.constant 0 : i32
      %dma_start3A_135 = arith.constant 0 : i32
      %dma_start3A_136 = tpu.memref_slice %arg10[%dma_start3A_134, %dma_start3A_135] : memref<100352x16xf32, #tpu.memory_space<vmem_shared>> -> memref<100352x16xf32, #tpu.memory_space<vmem_shared>>
      tpu.enqueue_indirect_dma source(%dma_start3A_130 : memref<784x16xf32, #tpu.memory_space<vmem>>) target(%dma_start3A_136 : memref<100352x16xf32, #tpu.memory_space<vmem_shared>>) offsets(%dma_start3A_133 : memref<784xi32, #tpu.memory_space<vmem>>) semaphore(%arg13 : memref<!tpu.dma_semaphore, #tpu.memory_space<semaphore_mem>>) {add = true}
      %le3A = arith.constant 126 : i32
      %le3A_137 = arith.cmpi sle, %scan3A_102, %le3A : i32
      %convert_element_type3A_138 = arith.extui %le3A_137 : i1 to i32
      %cond3A_139 = arith.constant 0 : i32
      %cond3A_140 = arith.cmpi ne, %convert_element_type3A_138, %cond3A_139 : i32
      scf.if %cond3A_140 {
        %add3A_146 = arith.constant 1 : i32
        %add3A_147 = arith.addi %scan3A_102, %add3A_146 : i32
        %mul3A_148 = arith.constant 784 : i32
        %mul3A_149 = arith.muli %add3A_147, %mul3A_148 : i32
        %add3A_150 = arith.addi %mul3A_6, %mul3A_149 : i32
        %dma_wait3A_151 = arith.constant 0 : i32
        %dma_wait3A_152 = tpu.memref_slice %arg7[%rem3A_110, %dma_wait3A_151] : memref<3x784xi32, #tpu.memory_space<vmem>> -> memref<1x784xi32, #tpu.memory_space<vmem>>
        %dma_wait3A_153 = tpu.memref_squeeze %dma_wait3A_152 : memref<1x784xi32, #tpu.memory_space<vmem>> -> memref<784xi32, #tpu.memory_space<vmem>>
        %dma_wait3A_154 = tpu.memref_slice %arg2[%add3A_150] : memref<3211264xi32, #tpu.memory_space<hbm>> -> memref<784xi32, #tpu.memory_space<hbm>>
        %dma_wait3A_155 = arith.constant 0 : i32
        %dma_wait3A_156 = tpu.memref_slice %arg7[%rem3A_110, %dma_wait3A_155] : memref<3x784xi32, #tpu.memory_space<vmem>> -> memref<1x784xi32, #tpu.memory_space<vmem>>
        %dma_wait3A_157 = tpu.memref_squeeze %dma_wait3A_156 : memref<1x784xi32, #tpu.memory_space<vmem>> -> memref<784xi32, #tpu.memory_space<vmem>>
        %dma_wait3A_158 = tpu.memref_slice %arg2[%add3A_150] : memref<3211264xi32, #tpu.memory_space<hbm>> -> memref<784xi32, #tpu.memory_space<hbm>>
        tpu.wait_dma2 semaphore(%arg11 : memref<!tpu.dma_semaphore, #tpu.memory_space<semaphore_mem>>) src(%dma_wait3A_158 : memref<784xi32, #tpu.memory_space<hbm>>) dst(%dma_wait3A_157 : memref<784xi32, #tpu.memory_space<vmem>>)
        %dma_wait3A_159 = arith.constant 0 : i32
        %dma_wait3A_160 = tpu.memref_slice %arg8[%rem3A_110, %dma_wait3A_159] : memref<3x784xi32, #tpu.memory_space<vmem>> -> memref<1x784xi32, #tpu.memory_space<vmem>>
        %dma_wait3A_161 = tpu.memref_squeeze %dma_wait3A_160 : memref<1x784xi32, #tpu.memory_space<vmem>> -> memref<784xi32, #tpu.memory_space<vmem>>
        %dma_wait3A_162 = tpu.memref_slice %arg3[%add3A_150] : memref<3211264xi32, #tpu.memory_space<hbm>> -> memref<784xi32, #tpu.memory_space<hbm>>
        %dma_wait3A_163 = arith.constant 0 : i32
        %dma_wait3A_164 = tpu.memref_slice %arg8[%rem3A_110, %dma_wait3A_163] : memref<3x784xi32, #tpu.memory_space<vmem>> -> memref<1x784xi32, #tpu.memory_space<vmem>>
        %dma_wait3A_165 = tpu.memref_squeeze %dma_wait3A_164 : memref<1x784xi32, #tpu.memory_space<vmem>> -> memref<784xi32, #tpu.memory_space<vmem>>
        %dma_wait3A_166 = tpu.memref_slice %arg3[%add3A_150] : memref<3211264xi32, #tpu.memory_space<hbm>> -> memref<784xi32, #tpu.memory_space<hbm>>
        tpu.wait_dma2 semaphore(%arg11 : memref<!tpu.dma_semaphore, #tpu.memory_space<semaphore_mem>>) src(%dma_wait3A_166 : memref<784xi32, #tpu.memory_space<hbm>>) dst(%dma_wait3A_165 : memref<784xi32, #tpu.memory_space<vmem>>)
        %dma_start3A_167 = arith.constant 0 : i32
        %dma_start3A_168 = arith.constant 0 : i32
        %dma_start3A_169 = tpu.memref_slice %arg9[%sub3A_104, %dma_start3A_167, %dma_start3A_168] : memref<2x784x16xf32, #tpu.memory_space<vmem>> -> memref<1x784x16xf32, #tpu.memory_space<vmem>>
        %dma_start3A_170 = tpu.memref_squeeze %dma_start3A_169 : memref<1x784x16xf32, #tpu.memory_space<vmem>> -> memref<784x16xf32, #tpu.memory_space<vmem>>
        %dma_start3A_171 = arith.constant 0 : i32
        %dma_start3A_172 = tpu.memref_slice %arg7[%rem3A_110, %dma_start3A_171] : memref<3x784xi32, #tpu.memory_space<vmem>> -> memref<1x784xi32, #tpu.memory_space<vmem>>
        %dma_start3A_173 = tpu.memref_squeeze %dma_start3A_172 : memref<1x784xi32, #tpu.memory_space<vmem>> -> memref<784xi32, #tpu.memory_space<vmem>>
        %dma_start3A_174 = arith.constant 0 : i32
        %dma_start3A_175 = arith.constant 0 : i32
        %dma_start3A_176 = tpu.memref_slice %arg4[%dma_start3A_174, %dma_start3A_175] : memref<100352x16xf32, #tpu.memory_space<hbm>> -> memref<100352x16xf32, #tpu.memory_space<hbm>>
        tpu.enqueue_indirect_dma source(%dma_start3A_176 : memref<100352x16xf32, #tpu.memory_space<hbm>>) target(%dma_start3A_170 : memref<784x16xf32, #tpu.memory_space<vmem>>) offsets(%dma_start3A_173 : memref<784xi32, #tpu.memory_space<vmem>>) semaphore(%arg12 : memref<!tpu.dma_semaphore, #tpu.memory_space<semaphore_mem>>)
      } else {
      }
      %le3A_141 = arith.constant 125 : i32
      %le3A_142 = arith.cmpi sle, %scan3A_102, %le3A_141 : i32
      %convert_element_type3A_143 = arith.extui %le3A_142 : i1 to i32
      %cond3A_144 = arith.constant 0 : i32
      %cond3A_145 = arith.cmpi ne, %convert_element_type3A_143, %cond3A_144 : i32
      scf.if %cond3A_145 {
        %add3A_146 = arith.constant 2 : i32
        %add3A_147 = arith.addi %scan3A_102, %add3A_146 : i32
        %mul3A_148 = arith.constant 784 : i32
        %mul3A_149 = arith.muli %add3A_147, %mul3A_148 : i32
        %add3A_150 = arith.addi %mul3A_6, %mul3A_149 : i32
        %dma_start3A_151 = arith.constant 0 : i32
        %dma_start3A_152 = tpu.memref_slice %arg7[%rem3A_114, %dma_start3A_151] : memref<3x784xi32, #tpu.memory_space<vmem>> -> memref<1x784xi32, #tpu.memory_space<vmem>>
        %dma_start3A_153 = tpu.memref_squeeze %dma_start3A_152 : memref<1x784xi32, #tpu.memory_space<vmem>> -> memref<784xi32, #tpu.memory_space<vmem>>
        %dma_start3A_154 = tpu.memref_slice %arg2[%add3A_150] : memref<3211264xi32, #tpu.memory_space<hbm>> -> memref<784xi32, #tpu.memory_space<hbm>>
        %dma_start3A_155 = arith.constant 0 : i32
        %dma_start3A_156 = tpu.memref_slice %arg7[%rem3A_114, %dma_start3A_155] : memref<3x784xi32, #tpu.memory_space<vmem>> -> memref<1x784xi32, #tpu.memory_space<vmem>>
        %dma_start3A_157 = tpu.memref_squeeze %dma_start3A_156 : memref<1x784xi32, #tpu.memory_space<vmem>> -> memref<784xi32, #tpu.memory_space<vmem>>
        %dma_start3A_158 = tpu.memref_slice %arg2[%add3A_150] : memref<3211264xi32, #tpu.memory_space<hbm>> -> memref<784xi32, #tpu.memory_space<hbm>>
        tpu.enqueue_dma source(%dma_start3A_158 : memref<784xi32, #tpu.memory_space<hbm>>) target(%dma_start3A_157 : memref<784xi32, #tpu.memory_space<vmem>>) target_semaphore(%arg11 : memref<!tpu.dma_semaphore, #tpu.memory_space<semaphore_mem>>)
        %dma_start3A_159 = arith.constant 0 : i32
        %dma_start3A_160 = tpu.memref_slice %arg8[%rem3A_114, %dma_start3A_159] : memref<3x784xi32, #tpu.memory_space<vmem>> -> memref<1x784xi32, #tpu.memory_space<vmem>>
        %dma_start3A_161 = tpu.memref_squeeze %dma_start3A_160 : memref<1x784xi32, #tpu.memory_space<vmem>> -> memref<784xi32, #tpu.memory_space<vmem>>
        %dma_start3A_162 = tpu.memref_slice %arg3[%add3A_150] : memref<3211264xi32, #tpu.memory_space<hbm>> -> memref<784xi32, #tpu.memory_space<hbm>>
        %dma_start3A_163 = arith.constant 0 : i32
        %dma_start3A_164 = tpu.memref_slice %arg8[%rem3A_114, %dma_start3A_163] : memref<3x784xi32, #tpu.memory_space<vmem>> -> memref<1x784xi32, #tpu.memory_space<vmem>>
        %dma_start3A_165 = tpu.memref_squeeze %dma_start3A_164 : memref<1x784xi32, #tpu.memory_space<vmem>> -> memref<784xi32, #tpu.memory_space<vmem>>
        %dma_start3A_166 = tpu.memref_slice %arg3[%add3A_150] : memref<3211264xi32, #tpu.memory_space<hbm>> -> memref<784xi32, #tpu.memory_space<hbm>>
        tpu.enqueue_dma source(%dma_start3A_166 : memref<784xi32, #tpu.memory_space<hbm>>) target(%dma_start3A_165 : memref<784xi32, #tpu.memory_space<vmem>>) target_semaphore(%arg11 : memref<!tpu.dma_semaphore, #tpu.memory_space<semaphore_mem>>)
      } else {
      }
    }
    %scan3A_81 = arith.constant 128 : i32
    %dma_wait3A_82 = arith.constant 1 : i32
    %dma_wait3A_83 = arith.constant 1 : i32
    %dma_wait3A_84 = arith.constant 0 : i32
    %dma_wait3A_85 = arith.constant 0 : i32
    %dma_wait3A_86 = tpu.memref_slice %arg9[%dma_wait3A_82, %dma_wait3A_84, %dma_wait3A_85] : memref<2x784x16xf32, #tpu.memory_space<vmem>> -> memref<1x784x16xf32, #tpu.memory_space<vmem>>
    %dma_wait3A_87 = tpu.memref_squeeze %dma_wait3A_86 : memref<1x784x16xf32, #tpu.memory_space<vmem>> -> memref<784x16xf32, #tpu.memory_space<vmem>>
    %dma_wait3A_88 = arith.constant 0 : i32
    %dma_wait3A_89 = tpu.memref_slice %arg8[%dma_wait3A_83, %dma_wait3A_88] : memref<3x784xi32, #tpu.memory_space<vmem>> -> memref<1x784xi32, #tpu.memory_space<vmem>>
    %dma_wait3A_90 = tpu.memref_squeeze %dma_wait3A_89 : memref<1x784xi32, #tpu.memory_space<vmem>> -> memref<784xi32, #tpu.memory_space<vmem>>
    %dma_wait3A_91 = arith.constant 0 : i32
    %dma_wait3A_92 = arith.constant 0 : i32
    %dma_wait3A_93 = tpu.memref_slice %arg10[%dma_wait3A_91, %dma_wait3A_92] : memref<100352x16xf32, #tpu.memory_space<vmem_shared>> -> memref<100352x16xf32, #tpu.memory_space<vmem_shared>>
    tpu.wait_indirect_dma semaphore(%arg13 : memref<!tpu.dma_semaphore, #tpu.memory_space<semaphore_mem>>) src(%dma_wait3A_87 : memref<784x16xf32, #tpu.memory_space<vmem>>) dst(%dma_wait3A_93 : memref<100352x16xf32, #tpu.memory_space<vmem_shared>>)
    %barrier3A_94 = arith.constant 0 : index
    tpu.barrier barrier_id(%barrier3A_94)
    %mul3A_95 = arith.constant 6272 : i32
    %mul3A_96 = arith.muli %arg1, %mul3A_95 : i32
    %mul3A_97 = arith.constant 100352 : i32
    %mul3A_98 = arith.muli %arg0, %mul3A_97 : i32
    %mul3A_99 = arith.constant 6272 : i32
    %mul3A_100 = arith.muli %arg1, %mul3A_99 : i32
    %add3A_101 = arith.addi %mul3A_98, %mul3A_100 : i32
    "tpu.region"() ({
      %run_scoped3A = tpu.sem_alloc : memref<!tpu.dma_semaphore, #tpu.memory_space<semaphore_mem>>
      %dma_start3A_102 = arith.constant 0 : i32
      %dma_start3A_103 = tpu.memref_slice %arg6[%add3A_101, %dma_start3A_102] : memref<200704x16xf32, #tpu.memory_space<hbm>> -> memref<6272x16xf32, #tpu.memory_space<hbm>>
      %dma_start3A_104 = arith.constant 0 : i32
      %dma_start3A_105 = tpu.memref_slice %arg10[%mul3A_96, %dma_start3A_104] : memref<100352x16xf32, #tpu.memory_space<vmem_shared>> -> memref<6272x16xf32, #tpu.memory_space<vmem_shared>>
      tpu.enqueue_dma source(%dma_start3A_105 : memref<6272x16xf32, #tpu.memory_space<vmem_shared>>) target(%dma_start3A_103 : memref<6272x16xf32, #tpu.memory_space<hbm>>) target_semaphore(%run_scoped3A : memref<!tpu.dma_semaphore, #tpu.memory_space<semaphore_mem>>)
      %dma_wait3A_106 = arith.constant 0 : i32
      %dma_wait3A_107 = tpu.memref_slice %arg6[%add3A_101, %dma_wait3A_106] : memref<200704x16xf32, #tpu.memory_space<hbm>> -> memref<6272x16xf32, #tpu.memory_space<hbm>>
      %dma_wait3A_108 = arith.constant 0 : i32
      %dma_wait3A_109 = tpu.memref_slice %arg10[%mul3A_96, %dma_wait3A_108] : memref<100352x16xf32, #tpu.memory_space<vmem_shared>> -> memref<6272x16xf32, #tpu.memory_space<vmem_shared>>
      tpu.wait_dma2 semaphore(%run_scoped3A : memref<!tpu.dma_semaphore, #tpu.memory_space<semaphore_mem>>) src(%dma_wait3A_109 : memref<6272x16xf32, #tpu.memory_space<vmem_shared>>) dst(%dma_wait3A_107 : memref<6272x16xf32, #tpu.memory_space<hbm>>)
      tpu.yield
    }) : () -> ()
    return
  }
}

#map = affine_map<(d0, d1) -> (0)>
#map1 = affine_map<(d0, d1) -> (0, 0)>
module attributes {stable_mosaic.version = 14 : i64} {
  func.func @_sc_degree(%arg0: i32, %arg1: i32, %arg2: memref<3211264xi32, #tpu.memory_space<hbm>>, %arg3: memref<784x16xf32, #tpu.memory_space<hbm>>, %arg4: memref<100352x16xf32, #tpu.memory_space<hbm>>, %arg5: memref<200704x16xf32, #tpu.memory_space<hbm>>, %arg6: memref<3x784xi32, #tpu.memory_space<vmem>>, %arg7: memref<784x16xf32, #tpu.memory_space<vmem>>, %arg8: memref<100352x16xf32, #tpu.memory_space<vmem_shared>>, %arg9: memref<!tpu.dma_semaphore, #tpu.memory_space<semaphore_mem>>, %arg10: memref<!tpu.dma_semaphore, #tpu.memory_space<semaphore_mem>>) attributes {dimension_semantics = [#tpu.dimension_semantics<core_parallel>, #tpu.dimension_semantics<subcore_parallel>], iteration_bounds = array<i64: 2, 16>, scalar_prefetch = 0 : i64, scratch_operands = 5 : i64, tpu.core_type = #tpu.core_type<sc_vector_subcore>, window_params = [{transform_indices = #map}, {transform_indices = #map1}, {transform_indices = #map1}, {transform_indices = #map1}]} {
    %mul3A = arith.constant 2 : i32
    %mul3A_0 = arith.muli %arg1, %mul3A : i32
    %add3A = arith.addi %mul3A_0, %arg0 : i32
    %mul3A_1 = arith.constant 6272 : i32
    %mul3A_2 = arith.muli %arg1, %mul3A_1 : i32
    %mul3A_3 = arith.constant 6272 : i32
    %mul3A_4 = arith.muli %arg1, %mul3A_3 : i32
    "tpu.region"() ({
      %run_scoped3A = tpu.sem_alloc : memref<!tpu.dma_semaphore, #tpu.memory_space<semaphore_mem>>
      %dma_start3A_58 = arith.constant 0 : i32
      %dma_start3A_59 = tpu.memref_slice %arg8[%mul3A_4, %dma_start3A_58] : memref<100352x16xf32, #tpu.memory_space<vmem_shared>> -> memref<6272x16xf32, #tpu.memory_space<vmem_shared>>
      %dma_start3A_60 = arith.constant 0 : i32
      %dma_start3A_61 = tpu.memref_slice %arg4[%mul3A_2, %dma_start3A_60] : memref<100352x16xf32, #tpu.memory_space<hbm>> -> memref<6272x16xf32, #tpu.memory_space<hbm>>
      tpu.enqueue_dma source(%dma_start3A_61 : memref<6272x16xf32, #tpu.memory_space<hbm>>) target(%dma_start3A_59 : memref<6272x16xf32, #tpu.memory_space<vmem_shared>>) target_semaphore(%run_scoped3A : memref<!tpu.dma_semaphore, #tpu.memory_space<semaphore_mem>>)
      %dma_wait3A_62 = arith.constant 0 : i32
      %dma_wait3A_63 = tpu.memref_slice %arg8[%mul3A_4, %dma_wait3A_62] : memref<100352x16xf32, #tpu.memory_space<vmem_shared>> -> memref<6272x16xf32, #tpu.memory_space<vmem_shared>>
      %dma_wait3A_64 = arith.constant 0 : i32
      %dma_wait3A_65 = tpu.memref_slice %arg4[%mul3A_2, %dma_wait3A_64] : memref<100352x16xf32, #tpu.memory_space<hbm>> -> memref<6272x16xf32, #tpu.memory_space<hbm>>
      tpu.wait_dma2 semaphore(%run_scoped3A : memref<!tpu.dma_semaphore, #tpu.memory_space<semaphore_mem>>) src(%dma_wait3A_65 : memref<6272x16xf32, #tpu.memory_space<hbm>>) dst(%dma_wait3A_63 : memref<6272x16xf32, #tpu.memory_space<vmem_shared>>)
      tpu.yield
    }) : () -> ()
    "tpu.region"() ({
      %run_scoped3A = tpu.sem_alloc : memref<!tpu.dma_semaphore, #tpu.memory_space<semaphore_mem>>
      tpu.enqueue_dma source(%arg3 : memref<784x16xf32, #tpu.memory_space<hbm>>) target(%arg7 : memref<784x16xf32, #tpu.memory_space<vmem>>) target_semaphore(%run_scoped3A : memref<!tpu.dma_semaphore, #tpu.memory_space<semaphore_mem>>)
      tpu.wait_dma2 semaphore(%run_scoped3A : memref<!tpu.dma_semaphore, #tpu.memory_space<semaphore_mem>>) src(%arg3 : memref<784x16xf32, #tpu.memory_space<hbm>>) dst(%arg7 : memref<784x16xf32, #tpu.memory_space<vmem>>)
      tpu.yield
    }) : () -> ()
    %barrier3A = arith.constant 0 : index
    tpu.barrier barrier_id(%barrier3A)
    %mul3A_5 = arith.constant 100352 : i32
    %mul3A_6 = arith.muli %add3A, %mul3A_5 : i32
    %add3A_7 = arith.constant 0 : i32
    %add3A_8 = arith.addi %mul3A_6, %add3A_7 : i32
    %dma_start3A = arith.constant 0 : i32
    %dma_start3A_9 = arith.constant 0 : i32
    %dma_start3A_10 = tpu.memref_slice %arg6[%dma_start3A, %dma_start3A_9] : memref<3x784xi32, #tpu.memory_space<vmem>> -> memref<1x784xi32, #tpu.memory_space<vmem>>
    %dma_start3A_11 = tpu.memref_squeeze %dma_start3A_10 : memref<1x784xi32, #tpu.memory_space<vmem>> -> memref<784xi32, #tpu.memory_space<vmem>>
    %dma_start3A_12 = tpu.memref_slice %arg2[%add3A_8] : memref<3211264xi32, #tpu.memory_space<hbm>> -> memref<784xi32, #tpu.memory_space<hbm>>
    %dma_start3A_13 = arith.constant 0 : i32
    %dma_start3A_14 = tpu.memref_slice %arg6[%dma_start3A, %dma_start3A_13] : memref<3x784xi32, #tpu.memory_space<vmem>> -> memref<1x784xi32, #tpu.memory_space<vmem>>
    %dma_start3A_15 = tpu.memref_squeeze %dma_start3A_14 : memref<1x784xi32, #tpu.memory_space<vmem>> -> memref<784xi32, #tpu.memory_space<vmem>>
    %dma_start3A_16 = tpu.memref_slice %arg2[%add3A_8] : memref<3211264xi32, #tpu.memory_space<hbm>> -> memref<784xi32, #tpu.memory_space<hbm>>
    tpu.enqueue_dma source(%dma_start3A_16 : memref<784xi32, #tpu.memory_space<hbm>>) target(%dma_start3A_15 : memref<784xi32, #tpu.memory_space<vmem>>) target_semaphore(%arg9 : memref<!tpu.dma_semaphore, #tpu.memory_space<semaphore_mem>>)
    %add3A_17 = arith.constant 0 : i32
    %add3A_18 = arith.addi %mul3A_6, %add3A_17 : i32
    %dma_wait3A = arith.constant 0 : i32
    %dma_wait3A_19 = arith.constant 0 : i32
    %dma_wait3A_20 = tpu.memref_slice %arg6[%dma_wait3A, %dma_wait3A_19] : memref<3x784xi32, #tpu.memory_space<vmem>> -> memref<1x784xi32, #tpu.memory_space<vmem>>
    %dma_wait3A_21 = tpu.memref_squeeze %dma_wait3A_20 : memref<1x784xi32, #tpu.memory_space<vmem>> -> memref<784xi32, #tpu.memory_space<vmem>>
    %dma_wait3A_22 = tpu.memref_slice %arg2[%add3A_18] : memref<3211264xi32, #tpu.memory_space<hbm>> -> memref<784xi32, #tpu.memory_space<hbm>>
    %dma_wait3A_23 = arith.constant 0 : i32
    %dma_wait3A_24 = tpu.memref_slice %arg6[%dma_wait3A, %dma_wait3A_23] : memref<3x784xi32, #tpu.memory_space<vmem>> -> memref<1x784xi32, #tpu.memory_space<vmem>>
    %dma_wait3A_25 = tpu.memref_squeeze %dma_wait3A_24 : memref<1x784xi32, #tpu.memory_space<vmem>> -> memref<784xi32, #tpu.memory_space<vmem>>
    %dma_wait3A_26 = tpu.memref_slice %arg2[%add3A_18] : memref<3211264xi32, #tpu.memory_space<hbm>> -> memref<784xi32, #tpu.memory_space<hbm>>
    tpu.wait_dma2 semaphore(%arg9 : memref<!tpu.dma_semaphore, #tpu.memory_space<semaphore_mem>>) src(%dma_wait3A_26 : memref<784xi32, #tpu.memory_space<hbm>>) dst(%dma_wait3A_25 : memref<784xi32, #tpu.memory_space<vmem>>)
    %add3A_27 = arith.constant 784 : i32
    %add3A_28 = arith.addi %mul3A_6, %add3A_27 : i32
    %dma_start3A_29 = arith.constant 1 : i32
    %dma_start3A_30 = arith.constant 0 : i32
    %dma_start3A_31 = tpu.memref_slice %arg6[%dma_start3A_29, %dma_start3A_30] : memref<3x784xi32, #tpu.memory_space<vmem>> -> memref<1x784xi32, #tpu.memory_space<vmem>>
    %dma_start3A_32 = tpu.memref_squeeze %dma_start3A_31 : memref<1x784xi32, #tpu.memory_space<vmem>> -> memref<784xi32, #tpu.memory_space<vmem>>
    %dma_start3A_33 = tpu.memref_slice %arg2[%add3A_28] : memref<3211264xi32, #tpu.memory_space<hbm>> -> memref<784xi32, #tpu.memory_space<hbm>>
    %dma_start3A_34 = arith.constant 0 : i32
    %dma_start3A_35 = tpu.memref_slice %arg6[%dma_start3A_29, %dma_start3A_34] : memref<3x784xi32, #tpu.memory_space<vmem>> -> memref<1x784xi32, #tpu.memory_space<vmem>>
    %dma_start3A_36 = tpu.memref_squeeze %dma_start3A_35 : memref<1x784xi32, #tpu.memory_space<vmem>> -> memref<784xi32, #tpu.memory_space<vmem>>
    %dma_start3A_37 = tpu.memref_slice %arg2[%add3A_28] : memref<3211264xi32, #tpu.memory_space<hbm>> -> memref<784xi32, #tpu.memory_space<hbm>>
    tpu.enqueue_dma source(%dma_start3A_37 : memref<784xi32, #tpu.memory_space<hbm>>) target(%dma_start3A_36 : memref<784xi32, #tpu.memory_space<vmem>>) target_semaphore(%arg9 : memref<!tpu.dma_semaphore, #tpu.memory_space<semaphore_mem>>)
    %scan3A = arith.constant 0 : i32
    %scan3A_38 = arith.constant 0 : i32
    %scan3A_39 = arith.constant 128 : i32
    %scan3A_40 = arith.addi %scan3A_38, %scan3A_39 : i32
    %scan3A_41 = arith.constant 1 : i32
    scf.for %scan3A_58 = %scan3A_38 to %scan3A_40 step %scan3A_41  : i32 {
      %rem3A = arith.constant 3 : i32
      %rem3A_59 = arith.remsi %scan3A_58, %rem3A : i32
      %add3A_60 = arith.constant 1 : i32
      %add3A_61 = arith.addi %scan3A_58, %add3A_60 : i32
      %rem3A_62 = arith.constant 3 : i32
      %rem3A_63 = arith.remsi %add3A_61, %rem3A_62 : i32
      %add3A_64 = arith.constant 2 : i32
      %add3A_65 = arith.addi %scan3A_58, %add3A_64 : i32
      %rem3A_66 = arith.constant 3 : i32
      %rem3A_67 = arith.remsi %add3A_65, %rem3A_66 : i32
      %ge3A = arith.constant 1 : i32
      %ge3A_68 = arith.cmpi sge, %scan3A_58, %ge3A : i32
      %convert_element_type3A = arith.extui %ge3A_68 : i1 to i32
      %cond3A = arith.constant 0 : i32
      %cond3A_69 = arith.cmpi ne, %convert_element_type3A, %cond3A : i32
      scf.if %cond3A_69 {
        %dma_wait3A_85 = arith.constant 0 : i32
        %dma_wait3A_86 = tpu.memref_slice %arg6[%rem3A_67, %dma_wait3A_85] : memref<3x784xi32, #tpu.memory_space<vmem>> -> memref<1x784xi32, #tpu.memory_space<vmem>>
        %dma_wait3A_87 = tpu.memref_squeeze %dma_wait3A_86 : memref<1x784xi32, #tpu.memory_space<vmem>> -> memref<784xi32, #tpu.memory_space<vmem>>
        %dma_wait3A_88 = arith.constant 0 : i32
        %dma_wait3A_89 = arith.constant 0 : i32
        %dma_wait3A_90 = tpu.memref_slice %arg8[%dma_wait3A_88, %dma_wait3A_89] : memref<100352x16xf32, #tpu.memory_space<vmem_shared>> -> memref<100352x16xf32, #tpu.memory_space<vmem_shared>>
        tpu.wait_indirect_dma semaphore(%arg10 : memref<!tpu.dma_semaphore, #tpu.memory_space<semaphore_mem>>) src(%arg7 : memref<784x16xf32, #tpu.memory_space<vmem>>) dst(%dma_wait3A_90 : memref<100352x16xf32, #tpu.memory_space<vmem_shared>>)
      } else {
      }
      %dma_start3A_70 = arith.constant 0 : i32
      %dma_start3A_71 = tpu.memref_slice %arg6[%rem3A_59, %dma_start3A_70] : memref<3x784xi32, #tpu.memory_space<vmem>> -> memref<1x784xi32, #tpu.memory_space<vmem>>
      %dma_start3A_72 = tpu.memref_squeeze %dma_start3A_71 : memref<1x784xi32, #tpu.memory_space<vmem>> -> memref<784xi32, #tpu.memory_space<vmem>>
      %dma_start3A_73 = arith.constant 0 : i32
      %dma_start3A_74 = arith.constant 0 : i32
      %dma_start3A_75 = tpu.memref_slice %arg8[%dma_start3A_73, %dma_start3A_74] : memref<100352x16xf32, #tpu.memory_space<vmem_shared>> -> memref<100352x16xf32, #tpu.memory_space<vmem_shared>>
      tpu.enqueue_indirect_dma source(%arg7 : memref<784x16xf32, #tpu.memory_space<vmem>>) target(%dma_start3A_75 : memref<100352x16xf32, #tpu.memory_space<vmem_shared>>) offsets(%dma_start3A_72 : memref<784xi32, #tpu.memory_space<vmem>>) semaphore(%arg10 : memref<!tpu.dma_semaphore, #tpu.memory_space<semaphore_mem>>) {add = true}
      %le3A = arith.constant 126 : i32
      %le3A_76 = arith.cmpi sle, %scan3A_58, %le3A : i32
      %convert_element_type3A_77 = arith.extui %le3A_76 : i1 to i32
      %cond3A_78 = arith.constant 0 : i32
      %cond3A_79 = arith.cmpi ne, %convert_element_type3A_77, %cond3A_78 : i32
      scf.if %cond3A_79 {
        %add3A_85 = arith.constant 1 : i32
        %add3A_86 = arith.addi %scan3A_58, %add3A_85 : i32
        %mul3A_87 = arith.constant 784 : i32
        %mul3A_88 = arith.muli %add3A_86, %mul3A_87 : i32
        %add3A_89 = arith.addi %mul3A_6, %mul3A_88 : i32
        %dma_wait3A_90 = arith.constant 0 : i32
        %dma_wait3A_91 = tpu.memref_slice %arg6[%rem3A_63, %dma_wait3A_90] : memref<3x784xi32, #tpu.memory_space<vmem>> -> memref<1x784xi32, #tpu.memory_space<vmem>>
        %dma_wait3A_92 = tpu.memref_squeeze %dma_wait3A_91 : memref<1x784xi32, #tpu.memory_space<vmem>> -> memref<784xi32, #tpu.memory_space<vmem>>
        %dma_wait3A_93 = tpu.memref_slice %arg2[%add3A_89] : memref<3211264xi32, #tpu.memory_space<hbm>> -> memref<784xi32, #tpu.memory_space<hbm>>
        %dma_wait3A_94 = arith.constant 0 : i32
        %dma_wait3A_95 = tpu.memref_slice %arg6[%rem3A_63, %dma_wait3A_94] : memref<3x784xi32, #tpu.memory_space<vmem>> -> memref<1x784xi32, #tpu.memory_space<vmem>>
        %dma_wait3A_96 = tpu.memref_squeeze %dma_wait3A_95 : memref<1x784xi32, #tpu.memory_space<vmem>> -> memref<784xi32, #tpu.memory_space<vmem>>
        %dma_wait3A_97 = tpu.memref_slice %arg2[%add3A_89] : memref<3211264xi32, #tpu.memory_space<hbm>> -> memref<784xi32, #tpu.memory_space<hbm>>
        tpu.wait_dma2 semaphore(%arg9 : memref<!tpu.dma_semaphore, #tpu.memory_space<semaphore_mem>>) src(%dma_wait3A_97 : memref<784xi32, #tpu.memory_space<hbm>>) dst(%dma_wait3A_96 : memref<784xi32, #tpu.memory_space<vmem>>)
      } else {
      }
      %le3A_80 = arith.constant 125 : i32
      %le3A_81 = arith.cmpi sle, %scan3A_58, %le3A_80 : i32
      %convert_element_type3A_82 = arith.extui %le3A_81 : i1 to i32
      %cond3A_83 = arith.constant 0 : i32
      %cond3A_84 = arith.cmpi ne, %convert_element_type3A_82, %cond3A_83 : i32
      scf.if %cond3A_84 {
        %add3A_85 = arith.constant 2 : i32
        %add3A_86 = arith.addi %scan3A_58, %add3A_85 : i32
        %mul3A_87 = arith.constant 784 : i32
        %mul3A_88 = arith.muli %add3A_86, %mul3A_87 : i32
        %add3A_89 = arith.addi %mul3A_6, %mul3A_88 : i32
        %dma_start3A_90 = arith.constant 0 : i32
        %dma_start3A_91 = tpu.memref_slice %arg6[%rem3A_67, %dma_start3A_90] : memref<3x784xi32, #tpu.memory_space<vmem>> -> memref<1x784xi32, #tpu.memory_space<vmem>>
        %dma_start3A_92 = tpu.memref_squeeze %dma_start3A_91 : memref<1x784xi32, #tpu.memory_space<vmem>> -> memref<784xi32, #tpu.memory_space<vmem>>
        %dma_start3A_93 = tpu.memref_slice %arg2[%add3A_89] : memref<3211264xi32, #tpu.memory_space<hbm>> -> memref<784xi32, #tpu.memory_space<hbm>>
        %dma_start3A_94 = arith.constant 0 : i32
        %dma_start3A_95 = tpu.memref_slice %arg6[%rem3A_67, %dma_start3A_94] : memref<3x784xi32, #tpu.memory_space<vmem>> -> memref<1x784xi32, #tpu.memory_space<vmem>>
        %dma_start3A_96 = tpu.memref_squeeze %dma_start3A_95 : memref<1x784xi32, #tpu.memory_space<vmem>> -> memref<784xi32, #tpu.memory_space<vmem>>
        %dma_start3A_97 = tpu.memref_slice %arg2[%add3A_89] : memref<3211264xi32, #tpu.memory_space<hbm>> -> memref<784xi32, #tpu.memory_space<hbm>>
        tpu.enqueue_dma source(%dma_start3A_97 : memref<784xi32, #tpu.memory_space<hbm>>) target(%dma_start3A_96 : memref<784xi32, #tpu.memory_space<vmem>>) target_semaphore(%arg9 : memref<!tpu.dma_semaphore, #tpu.memory_space<semaphore_mem>>)
      } else {
      }
    }
    %scan3A_42 = arith.constant 128 : i32
    %dma_wait3A_43 = arith.constant 1 : i32
    %dma_wait3A_44 = arith.constant 0 : i32
    %dma_wait3A_45 = tpu.memref_slice %arg6[%dma_wait3A_43, %dma_wait3A_44] : memref<3x784xi32, #tpu.memory_space<vmem>> -> memref<1x784xi32, #tpu.memory_space<vmem>>
    %dma_wait3A_46 = tpu.memref_squeeze %dma_wait3A_45 : memref<1x784xi32, #tpu.memory_space<vmem>> -> memref<784xi32, #tpu.memory_space<vmem>>
    %dma_wait3A_47 = arith.constant 0 : i32
    %dma_wait3A_48 = arith.constant 0 : i32
    %dma_wait3A_49 = tpu.memref_slice %arg8[%dma_wait3A_47, %dma_wait3A_48] : memref<100352x16xf32, #tpu.memory_space<vmem_shared>> -> memref<100352x16xf32, #tpu.memory_space<vmem_shared>>
    tpu.wait_indirect_dma semaphore(%arg10 : memref<!tpu.dma_semaphore, #tpu.memory_space<semaphore_mem>>) src(%arg7 : memref<784x16xf32, #tpu.memory_space<vmem>>) dst(%dma_wait3A_49 : memref<100352x16xf32, #tpu.memory_space<vmem_shared>>)
    %barrier3A_50 = arith.constant 0 : index
    tpu.barrier barrier_id(%barrier3A_50)
    %mul3A_51 = arith.constant 6272 : i32
    %mul3A_52 = arith.muli %arg1, %mul3A_51 : i32
    %mul3A_53 = arith.constant 100352 : i32
    %mul3A_54 = arith.muli %arg0, %mul3A_53 : i32
    %mul3A_55 = arith.constant 6272 : i32
    %mul3A_56 = arith.muli %arg1, %mul3A_55 : i32
    %add3A_57 = arith.addi %mul3A_54, %mul3A_56 : i32
    "tpu.region"() ({
      %run_scoped3A = tpu.sem_alloc : memref<!tpu.dma_semaphore, #tpu.memory_space<semaphore_mem>>
      %dma_start3A_58 = arith.constant 0 : i32
      %dma_start3A_59 = tpu.memref_slice %arg5[%add3A_57, %dma_start3A_58] : memref<200704x16xf32, #tpu.memory_space<hbm>> -> memref<6272x16xf32, #tpu.memory_space<hbm>>
      %dma_start3A_60 = arith.constant 0 : i32
      %dma_start3A_61 = tpu.memref_slice %arg8[%mul3A_52, %dma_start3A_60] : memref<100352x16xf32, #tpu.memory_space<vmem_shared>> -> memref<6272x16xf32, #tpu.memory_space<vmem_shared>>
      tpu.enqueue_dma source(%dma_start3A_61 : memref<6272x16xf32, #tpu.memory_space<vmem_shared>>) target(%dma_start3A_59 : memref<6272x16xf32, #tpu.memory_space<hbm>>) target_semaphore(%run_scoped3A : memref<!tpu.dma_semaphore, #tpu.memory_space<semaphore_mem>>)
      %dma_wait3A_62 = arith.constant 0 : i32
      %dma_wait3A_63 = tpu.memref_slice %arg5[%add3A_57, %dma_wait3A_62] : memref<200704x16xf32, #tpu.memory_space<hbm>> -> memref<6272x16xf32, #tpu.memory_space<hbm>>
      %dma_wait3A_64 = arith.constant 0 : i32
      %dma_wait3A_65 = tpu.memref_slice %arg8[%mul3A_52, %dma_wait3A_64] : memref<100352x16xf32, #tpu.memory_space<vmem_shared>> -> memref<6272x16xf32, #tpu.memory_space<vmem_shared>>
      tpu.wait_dma2 semaphore(%run_scoped3A : memref<!tpu.dma_semaphore, #tpu.memory_space<semaphore_mem>>) src(%dma_wait3A_65 : memref<6272x16xf32, #tpu.memory_space<vmem_shared>>) dst(%dma_wait3A_63 : memref<6272x16xf32, #tpu.memory_space<hbm>>)
      tpu.yield
    }) : () -> ()
    return
  }
}

#map = affine_map<(d0, d1) -> (0)>
#map1 = affine_map<(d0, d1) -> (0, 0)>
module attributes {stable_mosaic.version = 14 : i64} {
  func.func @_sc_gather_scatter(%arg0: i32, %arg1: i32, %arg2: memref<3211264xi32, #tpu.memory_space<hbm>>, %arg3: memref<3211264xi32, #tpu.memory_space<hbm>>, %arg4: memref<100352x16xf32, #tpu.memory_space<hbm>>, %arg5: memref<100352x16xf32, #tpu.memory_space<hbm>>, %arg6: memref<200704x16xf32, #tpu.memory_space<hbm>>, %arg7: memref<3x784xi32, #tpu.memory_space<vmem>>, %arg8: memref<3x784xi32, #tpu.memory_space<vmem>>, %arg9: memref<2x784x16xf32, #tpu.memory_space<vmem>>, %arg10: memref<100352x16xf32, #tpu.memory_space<vmem_shared>>, %arg11: memref<!tpu.dma_semaphore, #tpu.memory_space<semaphore_mem>>, %arg12: memref<!tpu.dma_semaphore, #tpu.memory_space<semaphore_mem>>, %arg13: memref<!tpu.dma_semaphore, #tpu.memory_space<semaphore_mem>>) attributes {dimension_semantics = [#tpu.dimension_semantics<core_parallel>, #tpu.dimension_semantics<subcore_parallel>], iteration_bounds = array<i64: 2, 16>, scalar_prefetch = 0 : i64, scratch_operands = 7 : i64, tpu.core_type = #tpu.core_type<sc_vector_subcore>, window_params = [{transform_indices = #map}, {transform_indices = #map}, {transform_indices = #map1}, {transform_indices = #map1}, {transform_indices = #map1}]} {
    %mul3A = arith.constant 2 : i32
    %mul3A_0 = arith.muli %arg1, %mul3A : i32
    %add3A = arith.addi %mul3A_0, %arg0 : i32
    %mul3A_1 = arith.constant 6272 : i32
    %mul3A_2 = arith.muli %arg1, %mul3A_1 : i32
    %mul3A_3 = arith.constant 6272 : i32
    %mul3A_4 = arith.muli %arg1, %mul3A_3 : i32
    "tpu.region"() ({
      %run_scoped3A = tpu.sem_alloc : memref<!tpu.dma_semaphore, #tpu.memory_space<semaphore_mem>>
      %dma_start3A_102 = arith.constant 0 : i32
      %dma_start3A_103 = tpu.memref_slice %arg10[%mul3A_4, %dma_start3A_102] : memref<100352x16xf32, #tpu.memory_space<vmem_shared>> -> memref<6272x16xf32, #tpu.memory_space<vmem_shared>>
      %dma_start3A_104 = arith.constant 0 : i32
      %dma_start3A_105 = tpu.memref_slice %arg5[%mul3A_2, %dma_start3A_104] : memref<100352x16xf32, #tpu.memory_space<hbm>> -> memref<6272x16xf32, #tpu.memory_space<hbm>>
      tpu.enqueue_dma source(%dma_start3A_105 : memref<6272x16xf32, #tpu.memory_space<hbm>>) target(%dma_start3A_103 : memref<6272x16xf32, #tpu.memory_space<vmem_shared>>) target_semaphore(%run_scoped3A : memref<!tpu.dma_semaphore, #tpu.memory_space<semaphore_mem>>)
      %dma_wait3A_106 = arith.constant 0 : i32
      %dma_wait3A_107 = tpu.memref_slice %arg10[%mul3A_4, %dma_wait3A_106] : memref<100352x16xf32, #tpu.memory_space<vmem_shared>> -> memref<6272x16xf32, #tpu.memory_space<vmem_shared>>
      %dma_wait3A_108 = arith.constant 0 : i32
      %dma_wait3A_109 = tpu.memref_slice %arg5[%mul3A_2, %dma_wait3A_108] : memref<100352x16xf32, #tpu.memory_space<hbm>> -> memref<6272x16xf32, #tpu.memory_space<hbm>>
      tpu.wait_dma2 semaphore(%run_scoped3A : memref<!tpu.dma_semaphore, #tpu.memory_space<semaphore_mem>>) src(%dma_wait3A_109 : memref<6272x16xf32, #tpu.memory_space<hbm>>) dst(%dma_wait3A_107 : memref<6272x16xf32, #tpu.memory_space<vmem_shared>>)
      tpu.yield
    }) : () -> ()
    %barrier3A = arith.constant 0 : index
    tpu.barrier barrier_id(%barrier3A)
    %mul3A_5 = arith.constant 100352 : i32
    %mul3A_6 = arith.muli %add3A, %mul3A_5 : i32
    %add3A_7 = arith.constant 0 : i32
    %add3A_8 = arith.addi %mul3A_6, %add3A_7 : i32
    %dma_start3A = arith.constant 0 : i32
    %dma_start3A_9 = arith.constant 0 : i32
    %dma_start3A_10 = tpu.memref_slice %arg7[%dma_start3A, %dma_start3A_9] : memref<3x784xi32, #tpu.memory_space<vmem>> -> memref<1x784xi32, #tpu.memory_space<vmem>>
    %dma_start3A_11 = tpu.memref_squeeze %dma_start3A_10 : memref<1x784xi32, #tpu.memory_space<vmem>> -> memref<784xi32, #tpu.memory_space<vmem>>
    %dma_start3A_12 = tpu.memref_slice %arg2[%add3A_8] : memref<3211264xi32, #tpu.memory_space<hbm>> -> memref<784xi32, #tpu.memory_space<hbm>>
    %dma_start3A_13 = arith.constant 0 : i32
    %dma_start3A_14 = tpu.memref_slice %arg7[%dma_start3A, %dma_start3A_13] : memref<3x784xi32, #tpu.memory_space<vmem>> -> memref<1x784xi32, #tpu.memory_space<vmem>>
    %dma_start3A_15 = tpu.memref_squeeze %dma_start3A_14 : memref<1x784xi32, #tpu.memory_space<vmem>> -> memref<784xi32, #tpu.memory_space<vmem>>
    %dma_start3A_16 = tpu.memref_slice %arg2[%add3A_8] : memref<3211264xi32, #tpu.memory_space<hbm>> -> memref<784xi32, #tpu.memory_space<hbm>>
    tpu.enqueue_dma source(%dma_start3A_16 : memref<784xi32, #tpu.memory_space<hbm>>) target(%dma_start3A_15 : memref<784xi32, #tpu.memory_space<vmem>>) target_semaphore(%arg11 : memref<!tpu.dma_semaphore, #tpu.memory_space<semaphore_mem>>)
    %dma_start3A_17 = arith.constant 0 : i32
    %dma_start3A_18 = arith.constant 0 : i32
    %dma_start3A_19 = tpu.memref_slice %arg8[%dma_start3A_17, %dma_start3A_18] : memref<3x784xi32, #tpu.memory_space<vmem>> -> memref<1x784xi32, #tpu.memory_space<vmem>>
    %dma_start3A_20 = tpu.memref_squeeze %dma_start3A_19 : memref<1x784xi32, #tpu.memory_space<vmem>> -> memref<784xi32, #tpu.memory_space<vmem>>
    %dma_start3A_21 = tpu.memref_slice %arg3[%add3A_8] : memref<3211264xi32, #tpu.memory_space<hbm>> -> memref<784xi32, #tpu.memory_space<hbm>>
    %dma_start3A_22 = arith.constant 0 : i32
    %dma_start3A_23 = tpu.memref_slice %arg8[%dma_start3A_17, %dma_start3A_22] : memref<3x784xi32, #tpu.memory_space<vmem>> -> memref<1x784xi32, #tpu.memory_space<vmem>>
    %dma_start3A_24 = tpu.memref_squeeze %dma_start3A_23 : memref<1x784xi32, #tpu.memory_space<vmem>> -> memref<784xi32, #tpu.memory_space<vmem>>
    %dma_start3A_25 = tpu.memref_slice %arg3[%add3A_8] : memref<3211264xi32, #tpu.memory_space<hbm>> -> memref<784xi32, #tpu.memory_space<hbm>>
    tpu.enqueue_dma source(%dma_start3A_25 : memref<784xi32, #tpu.memory_space<hbm>>) target(%dma_start3A_24 : memref<784xi32, #tpu.memory_space<vmem>>) target_semaphore(%arg11 : memref<!tpu.dma_semaphore, #tpu.memory_space<semaphore_mem>>)
    %add3A_26 = arith.constant 0 : i32
    %add3A_27 = arith.addi %mul3A_6, %add3A_26 : i32
    %dma_wait3A = arith.constant 0 : i32
    %dma_wait3A_28 = arith.constant 0 : i32
    %dma_wait3A_29 = tpu.memref_slice %arg7[%dma_wait3A, %dma_wait3A_28] : memref<3x784xi32, #tpu.memory_space<vmem>> -> memref<1x784xi32, #tpu.memory_space<vmem>>
    %dma_wait3A_30 = tpu.memref_squeeze %dma_wait3A_29 : memref<1x784xi32, #tpu.memory_space<vmem>> -> memref<784xi32, #tpu.memory_space<vmem>>
    %dma_wait3A_31 = tpu.memref_slice %arg2[%add3A_27] : memref<3211264xi32, #tpu.memory_space<hbm>> -> memref<784xi32, #tpu.memory_space<hbm>>
    %dma_wait3A_32 = arith.constant 0 : i32
    %dma_wait3A_33 = tpu.memref_slice %arg7[%dma_wait3A, %dma_wait3A_32] : memref<3x784xi32, #tpu.memory_space<vmem>> -> memref<1x784xi32, #tpu.memory_space<vmem>>
    %dma_wait3A_34 = tpu.memref_squeeze %dma_wait3A_33 : memref<1x784xi32, #tpu.memory_space<vmem>> -> memref<784xi32, #tpu.memory_space<vmem>>
    %dma_wait3A_35 = tpu.memref_slice %arg2[%add3A_27] : memref<3211264xi32, #tpu.memory_space<hbm>> -> memref<784xi32, #tpu.memory_space<hbm>>
    tpu.wait_dma2 semaphore(%arg11 : memref<!tpu.dma_semaphore, #tpu.memory_space<semaphore_mem>>) src(%dma_wait3A_35 : memref<784xi32, #tpu.memory_space<hbm>>) dst(%dma_wait3A_34 : memref<784xi32, #tpu.memory_space<vmem>>)
    %dma_wait3A_36 = arith.constant 0 : i32
    %dma_wait3A_37 = arith.constant 0 : i32
    %dma_wait3A_38 = tpu.memref_slice %arg8[%dma_wait3A_36, %dma_wait3A_37] : memref<3x784xi32, #tpu.memory_space<vmem>> -> memref<1x784xi32, #tpu.memory_space<vmem>>
    %dma_wait3A_39 = tpu.memref_squeeze %dma_wait3A_38 : memref<1x784xi32, #tpu.memory_space<vmem>> -> memref<784xi32, #tpu.memory_space<vmem>>
    %dma_wait3A_40 = tpu.memref_slice %arg3[%add3A_27] : memref<3211264xi32, #tpu.memory_space<hbm>> -> memref<784xi32, #tpu.memory_space<hbm>>
    %dma_wait3A_41 = arith.constant 0 : i32
    %dma_wait3A_42 = tpu.memref_slice %arg8[%dma_wait3A_36, %dma_wait3A_41] : memref<3x784xi32, #tpu.memory_space<vmem>> -> memref<1x784xi32, #tpu.memory_space<vmem>>
    %dma_wait3A_43 = tpu.memref_squeeze %dma_wait3A_42 : memref<1x784xi32, #tpu.memory_space<vmem>> -> memref<784xi32, #tpu.memory_space<vmem>>
    %dma_wait3A_44 = tpu.memref_slice %arg3[%add3A_27] : memref<3211264xi32, #tpu.memory_space<hbm>> -> memref<784xi32, #tpu.memory_space<hbm>>
    tpu.wait_dma2 semaphore(%arg11 : memref<!tpu.dma_semaphore, #tpu.memory_space<semaphore_mem>>) src(%dma_wait3A_44 : memref<784xi32, #tpu.memory_space<hbm>>) dst(%dma_wait3A_43 : memref<784xi32, #tpu.memory_space<vmem>>)
    %dma_start3A_45 = arith.constant 0 : i32
    %dma_start3A_46 = arith.constant 0 : i32
    %dma_start3A_47 = arith.constant 0 : i32
    %dma_start3A_48 = arith.constant 0 : i32
    %dma_start3A_49 = tpu.memref_slice %arg9[%dma_start3A_46, %dma_start3A_47, %dma_start3A_48] : memref<2x784x16xf32, #tpu.memory_space<vmem>> -> memref<1x784x16xf32, #tpu.memory_space<vmem>>
    %dma_start3A_50 = tpu.memref_squeeze %dma_start3A_49 : memref<1x784x16xf32, #tpu.memory_space<vmem>> -> memref<784x16xf32, #tpu.memory_space<vmem>>
    %dma_start3A_51 = arith.constant 0 : i32
    %dma_start3A_52 = tpu.memref_slice %arg7[%dma_start3A_45, %dma_start3A_51] : memref<3x784xi32, #tpu.memory_space<vmem>> -> memref<1x784xi32, #tpu.memory_space<vmem>>
    %dma_start3A_53 = tpu.memref_squeeze %dma_start3A_52 : memref<1x784xi32, #tpu.memory_space<vmem>> -> memref<784xi32, #tpu.memory_space<vmem>>
    %dma_start3A_54 = arith.constant 0 : i32
    %dma_start3A_55 = arith.constant 0 : i32
    %dma_start3A_56 = tpu.memref_slice %arg4[%dma_start3A_54, %dma_start3A_55] : memref<100352x16xf32, #tpu.memory_space<hbm>> -> memref<100352x16xf32, #tpu.memory_space<hbm>>
    tpu.enqueue_indirect_dma source(%dma_start3A_56 : memref<100352x16xf32, #tpu.memory_space<hbm>>) target(%dma_start3A_50 : memref<784x16xf32, #tpu.memory_space<vmem>>) offsets(%dma_start3A_53 : memref<784xi32, #tpu.memory_space<vmem>>) semaphore(%arg12 : memref<!tpu.dma_semaphore, #tpu.memory_space<semaphore_mem>>)
    %add3A_57 = arith.constant 784 : i32
    %add3A_58 = arith.addi %mul3A_6, %add3A_57 : i32
    %dma_start3A_59 = arith.constant 1 : i32
    %dma_start3A_60 = arith.constant 0 : i32
    %dma_start3A_61 = tpu.memref_slice %arg7[%dma_start3A_59, %dma_start3A_60] : memref<3x784xi32, #tpu.memory_space<vmem>> -> memref<1x784xi32, #tpu.memory_space<vmem>>
    %dma_start3A_62 = tpu.memref_squeeze %dma_start3A_61 : memref<1x784xi32, #tpu.memory_space<vmem>> -> memref<784xi32, #tpu.memory_space<vmem>>
    %dma_start3A_63 = tpu.memref_slice %arg2[%add3A_58] : memref<3211264xi32, #tpu.memory_space<hbm>> -> memref<784xi32, #tpu.memory_space<hbm>>
    %dma_start3A_64 = arith.constant 0 : i32
    %dma_start3A_65 = tpu.memref_slice %arg7[%dma_start3A_59, %dma_start3A_64] : memref<3x784xi32, #tpu.memory_space<vmem>> -> memref<1x784xi32, #tpu.memory_space<vmem>>
    %dma_start3A_66 = tpu.memref_squeeze %dma_start3A_65 : memref<1x784xi32, #tpu.memory_space<vmem>> -> memref<784xi32, #tpu.memory_space<vmem>>
    %dma_start3A_67 = tpu.memref_slice %arg2[%add3A_58] : memref<3211264xi32, #tpu.memory_space<hbm>> -> memref<784xi32, #tpu.memory_space<hbm>>
    tpu.enqueue_dma source(%dma_start3A_67 : memref<784xi32, #tpu.memory_space<hbm>>) target(%dma_start3A_66 : memref<784xi32, #tpu.memory_space<vmem>>) target_semaphore(%arg11 : memref<!tpu.dma_semaphore, #tpu.memory_space<semaphore_mem>>)
    %dma_start3A_68 = arith.constant 1 : i32
    %dma_start3A_69 = arith.constant 0 : i32
    %dma_start3A_70 = tpu.memref_slice %arg8[%dma_start3A_68, %dma_start3A_69] : memref<3x784xi32, #tpu.memory_space<vmem>> -> memref<1x784xi32, #tpu.memory_space<vmem>>
    %dma_start3A_71 = tpu.memref_squeeze %dma_start3A_70 : memref<1x784xi32, #tpu.memory_space<vmem>> -> memref<784xi32, #tpu.memory_space<vmem>>
    %dma_start3A_72 = tpu.memref_slice %arg3[%add3A_58] : memref<3211264xi32, #tpu.memory_space<hbm>> -> memref<784xi32, #tpu.memory_space<hbm>>
    %dma_start3A_73 = arith.constant 0 : i32
    %dma_start3A_74 = tpu.memref_slice %arg8[%dma_start3A_68, %dma_start3A_73] : memref<3x784xi32, #tpu.memory_space<vmem>> -> memref<1x784xi32, #tpu.memory_space<vmem>>
    %dma_start3A_75 = tpu.memref_squeeze %dma_start3A_74 : memref<1x784xi32, #tpu.memory_space<vmem>> -> memref<784xi32, #tpu.memory_space<vmem>>
    %dma_start3A_76 = tpu.memref_slice %arg3[%add3A_58] : memref<3211264xi32, #tpu.memory_space<hbm>> -> memref<784xi32, #tpu.memory_space<hbm>>
    tpu.enqueue_dma source(%dma_start3A_76 : memref<784xi32, #tpu.memory_space<hbm>>) target(%dma_start3A_75 : memref<784xi32, #tpu.memory_space<vmem>>) target_semaphore(%arg11 : memref<!tpu.dma_semaphore, #tpu.memory_space<semaphore_mem>>)
    %scan3A = arith.constant 0 : i32
    %scan3A_77 = arith.constant 0 : i32
    %scan3A_78 = arith.constant 128 : i32
    %scan3A_79 = arith.addi %scan3A_77, %scan3A_78 : i32
    %scan3A_80 = arith.constant 1 : i32
    scf.for %scan3A_102 = %scan3A_77 to %scan3A_79 step %scan3A_80  : i32 {
      %rem3A = arith.constant 2 : i32
      %rem3A_103 = arith.remsi %scan3A_102, %rem3A : i32
      %sub3A = arith.constant 1 : i32
      %sub3A_104 = arith.subi %sub3A, %rem3A_103 : i32
      %rem3A_105 = arith.constant 3 : i32
      %rem3A_106 = arith.remsi %scan3A_102, %rem3A_105 : i32
      %add3A_107 = arith.constant 1 : i32
      %add3A_108 = arith.addi %scan3A_102, %add3A_107 : i32
      %rem3A_109 = arith.constant 3 : i32
      %rem3A_110 = arith.remsi %add3A_108, %rem3A_109 : i32
      %add3A_111 = arith.constant 2 : i32
      %add3A_112 = arith.addi %scan3A_102, %add3A_111 : i32
      %rem3A_113 = arith.constant 3 : i32
      %rem3A_114 = arith.remsi %add3A_112, %rem3A_113 : i32
      %dma_wait3A_115 = arith.constant 0 : i32
      %dma_wait3A_116 = arith.constant 0 : i32
      %dma_wait3A_117 = tpu.memref_slice %arg9[%rem3A_103, %dma_wait3A_115, %dma_wait3A_116] : memref<2x784x16xf32, #tpu.memory_space<vmem>> -> memref<1x784x16xf32, #tpu.memory_space<vmem>>
      %dma_wait3A_118 = tpu.memref_squeeze %dma_wait3A_117 : memref<1x784x16xf32, #tpu.memory_space<vmem>> -> memref<784x16xf32, #tpu.memory_space<vmem>>
      %dma_wait3A_119 = arith.constant 0 : i32
      %dma_wait3A_120 = tpu.memref_slice %arg7[%rem3A_106, %dma_wait3A_119] : memref<3x784xi32, #tpu.memory_space<vmem>> -> memref<1x784xi32, #tpu.memory_space<vmem>>
      %dma_wait3A_121 = tpu.memref_squeeze %dma_wait3A_120 : memref<1x784xi32, #tpu.memory_space<vmem>> -> memref<784xi32, #tpu.memory_space<vmem>>
      %dma_wait3A_122 = arith.constant 0 : i32
      %dma_wait3A_123 = arith.constant 0 : i32
      %dma_wait3A_124 = tpu.memref_slice %arg4[%dma_wait3A_122, %dma_wait3A_123] : memref<100352x16xf32, #tpu.memory_space<hbm>> -> memref<100352x16xf32, #tpu.memory_space<hbm>>
      tpu.wait_indirect_dma semaphore(%arg12 : memref<!tpu.dma_semaphore, #tpu.memory_space<semaphore_mem>>) src(%dma_wait3A_124 : memref<100352x16xf32, #tpu.memory_space<hbm>>) dst(%dma_wait3A_118 : memref<784x16xf32, #tpu.memory_space<vmem>>)
      %ge3A = arith.constant 1 : i32
      %ge3A_125 = arith.cmpi sge, %scan3A_102, %ge3A : i32
      %convert_element_type3A = arith.extui %ge3A_125 : i1 to i32
      %cond3A = arith.constant 0 : i32
      %cond3A_126 = arith.cmpi ne, %convert_element_type3A, %cond3A : i32
      scf.if %cond3A_126 {
        %dma_wait3A_146 = arith.constant 0 : i32
        %dma_wait3A_147 = arith.constant 0 : i32
        %dma_wait3A_148 = tpu.memref_slice %arg9[%sub3A_104, %dma_wait3A_146, %dma_wait3A_147] : memref<2x784x16xf32, #tpu.memory_space<vmem>> -> memref<1x784x16xf32, #tpu.memory_space<vmem>>
        %dma_wait3A_149 = tpu.memref_squeeze %dma_wait3A_148 : memref<1x784x16xf32, #tpu.memory_space<vmem>> -> memref<784x16xf32, #tpu.memory_space<vmem>>
        %dma_wait3A_150 = arith.constant 0 : i32
        %dma_wait3A_151 = tpu.memref_slice %arg8[%rem3A_114, %dma_wait3A_150] : memref<3x784xi32, #tpu.memory_space<vmem>> -> memref<1x784xi32, #tpu.memory_space<vmem>>
        %dma_wait3A_152 = tpu.memref_squeeze %dma_wait3A_151 : memref<1x784xi32, #tpu.memory_space<vmem>> -> memref<784xi32, #tpu.memory_space<vmem>>
        %dma_wait3A_153 = arith.constant 0 : i32
        %dma_wait3A_154 = arith.constant 0 : i32
        %dma_wait3A_155 = tpu.memref_slice %arg10[%dma_wait3A_153, %dma_wait3A_154] : memref<100352x16xf32, #tpu.memory_space<vmem_shared>> -> memref<100352x16xf32, #tpu.memory_space<vmem_shared>>
        tpu.wait_indirect_dma semaphore(%arg13 : memref<!tpu.dma_semaphore, #tpu.memory_space<semaphore_mem>>) src(%dma_wait3A_149 : memref<784x16xf32, #tpu.memory_space<vmem>>) dst(%dma_wait3A_155 : memref<100352x16xf32, #tpu.memory_space<vmem_shared>>)
      } else {
      }
      %dma_start3A_127 = arith.constant 0 : i32
      %dma_start3A_128 = arith.constant 0 : i32
      %dma_start3A_129 = tpu.memref_slice %arg9[%rem3A_103, %dma_start3A_127, %dma_start3A_128] : memref<2x784x16xf32, #tpu.memory_space<vmem>> -> memref<1x784x16xf32, #tpu.memory_space<vmem>>
      %dma_start3A_130 = tpu.memref_squeeze %dma_start3A_129 : memref<1x784x16xf32, #tpu.memory_space<vmem>> -> memref<784x16xf32, #tpu.memory_space<vmem>>
      %dma_start3A_131 = arith.constant 0 : i32
      %dma_start3A_132 = tpu.memref_slice %arg8[%rem3A_106, %dma_start3A_131] : memref<3x784xi32, #tpu.memory_space<vmem>> -> memref<1x784xi32, #tpu.memory_space<vmem>>
      %dma_start3A_133 = tpu.memref_squeeze %dma_start3A_132 : memref<1x784xi32, #tpu.memory_space<vmem>> -> memref<784xi32, #tpu.memory_space<vmem>>
      %dma_start3A_134 = arith.constant 0 : i32
      %dma_start3A_135 = arith.constant 0 : i32
      %dma_start3A_136 = tpu.memref_slice %arg10[%dma_start3A_134, %dma_start3A_135] : memref<100352x16xf32, #tpu.memory_space<vmem_shared>> -> memref<100352x16xf32, #tpu.memory_space<vmem_shared>>
      tpu.enqueue_indirect_dma source(%dma_start3A_130 : memref<784x16xf32, #tpu.memory_space<vmem>>) target(%dma_start3A_136 : memref<100352x16xf32, #tpu.memory_space<vmem_shared>>) offsets(%dma_start3A_133 : memref<784xi32, #tpu.memory_space<vmem>>) semaphore(%arg13 : memref<!tpu.dma_semaphore, #tpu.memory_space<semaphore_mem>>) {add = true}
      %le3A = arith.constant 126 : i32
      %le3A_137 = arith.cmpi sle, %scan3A_102, %le3A : i32
      %convert_element_type3A_138 = arith.extui %le3A_137 : i1 to i32
      %cond3A_139 = arith.constant 0 : i32
      %cond3A_140 = arith.cmpi ne, %convert_element_type3A_138, %cond3A_139 : i32
      scf.if %cond3A_140 {
        %add3A_146 = arith.constant 1 : i32
        %add3A_147 = arith.addi %scan3A_102, %add3A_146 : i32
        %mul3A_148 = arith.constant 784 : i32
        %mul3A_149 = arith.muli %add3A_147, %mul3A_148 : i32
        %add3A_150 = arith.addi %mul3A_6, %mul3A_149 : i32
        %dma_wait3A_151 = arith.constant 0 : i32
        %dma_wait3A_152 = tpu.memref_slice %arg7[%rem3A_110, %dma_wait3A_151] : memref<3x784xi32, #tpu.memory_space<vmem>> -> memref<1x784xi32, #tpu.memory_space<vmem>>
        %dma_wait3A_153 = tpu.memref_squeeze %dma_wait3A_152 : memref<1x784xi32, #tpu.memory_space<vmem>> -> memref<784xi32, #tpu.memory_space<vmem>>
        %dma_wait3A_154 = tpu.memref_slice %arg2[%add3A_150] : memref<3211264xi32, #tpu.memory_space<hbm>> -> memref<784xi32, #tpu.memory_space<hbm>>
        %dma_wait3A_155 = arith.constant 0 : i32
        %dma_wait3A_156 = tpu.memref_slice %arg7[%rem3A_110, %dma_wait3A_155] : memref<3x784xi32, #tpu.memory_space<vmem>> -> memref<1x784xi32, #tpu.memory_space<vmem>>
        %dma_wait3A_157 = tpu.memref_squeeze %dma_wait3A_156 : memref<1x784xi32, #tpu.memory_space<vmem>> -> memref<784xi32, #tpu.memory_space<vmem>>
        %dma_wait3A_158 = tpu.memref_slice %arg2[%add3A_150] : memref<3211264xi32, #tpu.memory_space<hbm>> -> memref<784xi32, #tpu.memory_space<hbm>>
        tpu.wait_dma2 semaphore(%arg11 : memref<!tpu.dma_semaphore, #tpu.memory_space<semaphore_mem>>) src(%dma_wait3A_158 : memref<784xi32, #tpu.memory_space<hbm>>) dst(%dma_wait3A_157 : memref<784xi32, #tpu.memory_space<vmem>>)
        %dma_wait3A_159 = arith.constant 0 : i32
        %dma_wait3A_160 = tpu.memref_slice %arg8[%rem3A_110, %dma_wait3A_159] : memref<3x784xi32, #tpu.memory_space<vmem>> -> memref<1x784xi32, #tpu.memory_space<vmem>>
        %dma_wait3A_161 = tpu.memref_squeeze %dma_wait3A_160 : memref<1x784xi32, #tpu.memory_space<vmem>> -> memref<784xi32, #tpu.memory_space<vmem>>
        %dma_wait3A_162 = tpu.memref_slice %arg3[%add3A_150] : memref<3211264xi32, #tpu.memory_space<hbm>> -> memref<784xi32, #tpu.memory_space<hbm>>
        %dma_wait3A_163 = arith.constant 0 : i32
        %dma_wait3A_164 = tpu.memref_slice %arg8[%rem3A_110, %dma_wait3A_163] : memref<3x784xi32, #tpu.memory_space<vmem>> -> memref<1x784xi32, #tpu.memory_space<vmem>>
        %dma_wait3A_165 = tpu.memref_squeeze %dma_wait3A_164 : memref<1x784xi32, #tpu.memory_space<vmem>> -> memref<784xi32, #tpu.memory_space<vmem>>
        %dma_wait3A_166 = tpu.memref_slice %arg3[%add3A_150] : memref<3211264xi32, #tpu.memory_space<hbm>> -> memref<784xi32, #tpu.memory_space<hbm>>
        tpu.wait_dma2 semaphore(%arg11 : memref<!tpu.dma_semaphore, #tpu.memory_space<semaphore_mem>>) src(%dma_wait3A_166 : memref<784xi32, #tpu.memory_space<hbm>>) dst(%dma_wait3A_165 : memref<784xi32, #tpu.memory_space<vmem>>)
        %dma_start3A_167 = arith.constant 0 : i32
        %dma_start3A_168 = arith.constant 0 : i32
        %dma_start3A_169 = tpu.memref_slice %arg9[%sub3A_104, %dma_start3A_167, %dma_start3A_168] : memref<2x784x16xf32, #tpu.memory_space<vmem>> -> memref<1x784x16xf32, #tpu.memory_space<vmem>>
        %dma_start3A_170 = tpu.memref_squeeze %dma_start3A_169 : memref<1x784x16xf32, #tpu.memory_space<vmem>> -> memref<784x16xf32, #tpu.memory_space<vmem>>
        %dma_start3A_171 = arith.constant 0 : i32
        %dma_start3A_172 = tpu.memref_slice %arg7[%rem3A_110, %dma_start3A_171] : memref<3x784xi32, #tpu.memory_space<vmem>> -> memref<1x784xi32, #tpu.memory_space<vmem>>
        %dma_start3A_173 = tpu.memref_squeeze %dma_start3A_172 : memref<1x784xi32, #tpu.memory_space<vmem>> -> memref<784xi32, #tpu.memory_space<vmem>>
        %dma_start3A_174 = arith.constant 0 : i32
        %dma_start3A_175 = arith.constant 0 : i32
        %dma_start3A_176 = tpu.memref_slice %arg4[%dma_start3A_174, %dma_start3A_175] : memref<100352x16xf32, #tpu.memory_space<hbm>> -> memref<100352x16xf32, #tpu.memory_space<hbm>>
        tpu.enqueue_indirect_dma source(%dma_start3A_176 : memref<100352x16xf32, #tpu.memory_space<hbm>>) target(%dma_start3A_170 : memref<784x16xf32, #tpu.memory_space<vmem>>) offsets(%dma_start3A_173 : memref<784xi32, #tpu.memory_space<vmem>>) semaphore(%arg12 : memref<!tpu.dma_semaphore, #tpu.memory_space<semaphore_mem>>)
      } else {
      }
      %le3A_141 = arith.constant 125 : i32
      %le3A_142 = arith.cmpi sle, %scan3A_102, %le3A_141 : i32
      %convert_element_type3A_143 = arith.extui %le3A_142 : i1 to i32
      %cond3A_144 = arith.constant 0 : i32
      %cond3A_145 = arith.cmpi ne, %convert_element_type3A_143, %cond3A_144 : i32
      scf.if %cond3A_145 {
        %add3A_146 = arith.constant 2 : i32
        %add3A_147 = arith.addi %scan3A_102, %add3A_146 : i32
        %mul3A_148 = arith.constant 784 : i32
        %mul3A_149 = arith.muli %add3A_147, %mul3A_148 : i32
        %add3A_150 = arith.addi %mul3A_6, %mul3A_149 : i32
        %dma_start3A_151 = arith.constant 0 : i32
        %dma_start3A_152 = tpu.memref_slice %arg7[%rem3A_114, %dma_start3A_151] : memref<3x784xi32, #tpu.memory_space<vmem>> -> memref<1x784xi32, #tpu.memory_space<vmem>>
        %dma_start3A_153 = tpu.memref_squeeze %dma_start3A_152 : memref<1x784xi32, #tpu.memory_space<vmem>> -> memref<784xi32, #tpu.memory_space<vmem>>
        %dma_start3A_154 = tpu.memref_slice %arg2[%add3A_150] : memref<3211264xi32, #tpu.memory_space<hbm>> -> memref<784xi32, #tpu.memory_space<hbm>>
        %dma_start3A_155 = arith.constant 0 : i32
        %dma_start3A_156 = tpu.memref_slice %arg7[%rem3A_114, %dma_start3A_155] : memref<3x784xi32, #tpu.memory_space<vmem>> -> memref<1x784xi32, #tpu.memory_space<vmem>>
        %dma_start3A_157 = tpu.memref_squeeze %dma_start3A_156 : memref<1x784xi32, #tpu.memory_space<vmem>> -> memref<784xi32, #tpu.memory_space<vmem>>
        %dma_start3A_158 = tpu.memref_slice %arg2[%add3A_150] : memref<3211264xi32, #tpu.memory_space<hbm>> -> memref<784xi32, #tpu.memory_space<hbm>>
        tpu.enqueue_dma source(%dma_start3A_158 : memref<784xi32, #tpu.memory_space<hbm>>) target(%dma_start3A_157 : memref<784xi32, #tpu.memory_space<vmem>>) target_semaphore(%arg11 : memref<!tpu.dma_semaphore, #tpu.memory_space<semaphore_mem>>)
        %dma_start3A_159 = arith.constant 0 : i32
        %dma_start3A_160 = tpu.memref_slice %arg8[%rem3A_114, %dma_start3A_159] : memref<3x784xi32, #tpu.memory_space<vmem>> -> memref<1x784xi32, #tpu.memory_space<vmem>>
        %dma_start3A_161 = tpu.memref_squeeze %dma_start3A_160 : memref<1x784xi32, #tpu.memory_space<vmem>> -> memref<784xi32, #tpu.memory_space<vmem>>
        %dma_start3A_162 = tpu.memref_slice %arg3[%add3A_150] : memref<3211264xi32, #tpu.memory_space<hbm>> -> memref<784xi32, #tpu.memory_space<hbm>>
        %dma_start3A_163 = arith.constant 0 : i32
        %dma_start3A_164 = tpu.memref_slice %arg8[%rem3A_114, %dma_start3A_163] : memref<3x784xi32, #tpu.memory_space<vmem>> -> memref<1x784xi32, #tpu.memory_space<vmem>>
        %dma_start3A_165 = tpu.memref_squeeze %dma_start3A_164 : memref<1x784xi32, #tpu.memory_space<vmem>> -> memref<784xi32, #tpu.memory_space<vmem>>
        %dma_start3A_166 = tpu.memref_slice %arg3[%add3A_150] : memref<3211264xi32, #tpu.memory_space<hbm>> -> memref<784xi32, #tpu.memory_space<hbm>>
        tpu.enqueue_dma source(%dma_start3A_166 : memref<784xi32, #tpu.memory_space<hbm>>) target(%dma_start3A_165 : memref<784xi32, #tpu.memory_space<vmem>>) target_semaphore(%arg11 : memref<!tpu.dma_semaphore, #tpu.memory_space<semaphore_mem>>)
      } else {
      }
    }
    %scan3A_81 = arith.constant 128 : i32
    %dma_wait3A_82 = arith.constant 1 : i32
    %dma_wait3A_83 = arith.constant 1 : i32
    %dma_wait3A_84 = arith.constant 0 : i32
    %dma_wait3A_85 = arith.constant 0 : i32
    %dma_wait3A_86 = tpu.memref_slice %arg9[%dma_wait3A_82, %dma_wait3A_84, %dma_wait3A_85] : memref<2x784x16xf32, #tpu.memory_space<vmem>> -> memref<1x784x16xf32, #tpu.memory_space<vmem>>
    %dma_wait3A_87 = tpu.memref_squeeze %dma_wait3A_86 : memref<1x784x16xf32, #tpu.memory_space<vmem>> -> memref<784x16xf32, #tpu.memory_space<vmem>>
    %dma_wait3A_88 = arith.constant 0 : i32
    %dma_wait3A_89 = tpu.memref_slice %arg8[%dma_wait3A_83, %dma_wait3A_88] : memref<3x784xi32, #tpu.memory_space<vmem>> -> memref<1x784xi32, #tpu.memory_space<vmem>>
    %dma_wait3A_90 = tpu.memref_squeeze %dma_wait3A_89 : memref<1x784xi32, #tpu.memory_space<vmem>> -> memref<784xi32, #tpu.memory_space<vmem>>
    %dma_wait3A_91 = arith.constant 0 : i32
    %dma_wait3A_92 = arith.constant 0 : i32
    %dma_wait3A_93 = tpu.memref_slice %arg10[%dma_wait3A_91, %dma_wait3A_92] : memref<100352x16xf32, #tpu.memory_space<vmem_shared>> -> memref<100352x16xf32, #tpu.memory_space<vmem_shared>>
    tpu.wait_indirect_dma semaphore(%arg13 : memref<!tpu.dma_semaphore, #tpu.memory_space<semaphore_mem>>) src(%dma_wait3A_87 : memref<784x16xf32, #tpu.memory_space<vmem>>) dst(%dma_wait3A_93 : memref<100352x16xf32, #tpu.memory_space<vmem_shared>>)
    %barrier3A_94 = arith.constant 0 : index
    tpu.barrier barrier_id(%barrier3A_94)
    %mul3A_95 = arith.constant 6272 : i32
    %mul3A_96 = arith.muli %arg1, %mul3A_95 : i32
    %mul3A_97 = arith.constant 100352 : i32
    %mul3A_98 = arith.muli %arg0, %mul3A_97 : i32
    %mul3A_99 = arith.constant 6272 : i32
    %mul3A_100 = arith.muli %arg1, %mul3A_99 : i32
    %add3A_101 = arith.addi %mul3A_98, %mul3A_100 : i32
    "tpu.region"() ({
      %run_scoped3A = tpu.sem_alloc : memref<!tpu.dma_semaphore, #tpu.memory_space<semaphore_mem>>
      %dma_start3A_102 = arith.constant 0 : i32
      %dma_start3A_103 = tpu.memref_slice %arg6[%add3A_101, %dma_start3A_102] : memref<200704x16xf32, #tpu.memory_space<hbm>> -> memref<6272x16xf32, #tpu.memory_space<hbm>>
      %dma_start3A_104 = arith.constant 0 : i32
      %dma_start3A_105 = tpu.memref_slice %arg10[%mul3A_96, %dma_start3A_104] : memref<100352x16xf32, #tpu.memory_space<vmem_shared>> -> memref<6272x16xf32, #tpu.memory_space<vmem_shared>>
      tpu.enqueue_dma source(%dma_start3A_105 : memref<6272x16xf32, #tpu.memory_space<vmem_shared>>) target(%dma_start3A_103 : memref<6272x16xf32, #tpu.memory_space<hbm>>) target_semaphore(%run_scoped3A : memref<!tpu.dma_semaphore, #tpu.memory_space<semaphore_mem>>)
      %dma_wait3A_106 = arith.constant 0 : i32
      %dma_wait3A_107 = tpu.memref_slice %arg6[%add3A_101, %dma_wait3A_106] : memref<200704x16xf32, #tpu.memory_space<hbm>> -> memref<6272x16xf32, #tpu.memory_space<hbm>>
      %dma_wait3A_108 = arith.constant 0 : i32
      %dma_wait3A_109 = tpu.memref_slice %arg10[%mul3A_96, %dma_wait3A_108] : memref<100352x16xf32, #tpu.memory_space<vmem_shared>> -> memref<6272x16xf32, #tpu.memory_space<vmem_shared>>
      tpu.wait_dma2 semaphore(%run_scoped3A : memref<!tpu.dma_semaphore, #tpu.memory_space<semaphore_mem>>) src(%dma_wait3A_109 : memref<6272x16xf32, #tpu.memory_space<vmem_shared>>) dst(%dma_wait3A_107 : memref<6272x16xf32, #tpu.memory_space<hbm>>)
      tpu.yield
    }) : () -> ()
    return
  }
}

#map = affine_map<(d0, d1) -> (0)>
#map1 = affine_map<(d0, d1) -> (0, 0)>
module attributes {stable_mosaic.version = 14 : i64} {
  func.func @_sc_gather_scatter(%arg0: i32, %arg1: i32, %arg2: memref<3211264xi32, #tpu.memory_space<hbm>>, %arg3: memref<3211264xi32, #tpu.memory_space<hbm>>, %arg4: memref<100352x16xf32, #tpu.memory_space<hbm>>, %arg5: memref<100352x16xf32, #tpu.memory_space<hbm>>, %arg6: memref<200704x16xf32, #tpu.memory_space<hbm>>, %arg7: memref<3x784xi32, #tpu.memory_space<vmem>>, %arg8: memref<3x784xi32, #tpu.memory_space<vmem>>, %arg9: memref<2x784x16xf32, #tpu.memory_space<vmem>>, %arg10: memref<100352x16xf32, #tpu.memory_space<vmem_shared>>, %arg11: memref<!tpu.dma_semaphore, #tpu.memory_space<semaphore_mem>>, %arg12: memref<!tpu.dma_semaphore, #tpu.memory_space<semaphore_mem>>, %arg13: memref<!tpu.dma_semaphore, #tpu.memory_space<semaphore_mem>>) attributes {dimension_semantics = [#tpu.dimension_semantics<core_parallel>, #tpu.dimension_semantics<subcore_parallel>], iteration_bounds = array<i64: 2, 16>, scalar_prefetch = 0 : i64, scratch_operands = 7 : i64, tpu.core_type = #tpu.core_type<sc_vector_subcore>, window_params = [{transform_indices = #map}, {transform_indices = #map}, {transform_indices = #map1}, {transform_indices = #map1}, {transform_indices = #map1}]} {
    %mul3A = arith.constant 2 : i32
    %mul3A_0 = arith.muli %arg1, %mul3A : i32
    %add3A = arith.addi %mul3A_0, %arg0 : i32
    %mul3A_1 = arith.constant 6272 : i32
    %mul3A_2 = arith.muli %arg1, %mul3A_1 : i32
    %mul3A_3 = arith.constant 6272 : i32
    %mul3A_4 = arith.muli %arg1, %mul3A_3 : i32
    "tpu.region"() ({
      %run_scoped3A = tpu.sem_alloc : memref<!tpu.dma_semaphore, #tpu.memory_space<semaphore_mem>>
      %dma_start3A_102 = arith.constant 0 : i32
      %dma_start3A_103 = tpu.memref_slice %arg10[%mul3A_4, %dma_start3A_102] : memref<100352x16xf32, #tpu.memory_space<vmem_shared>> -> memref<6272x16xf32, #tpu.memory_space<vmem_shared>>
      %dma_start3A_104 = arith.constant 0 : i32
      %dma_start3A_105 = tpu.memref_slice %arg5[%mul3A_2, %dma_start3A_104] : memref<100352x16xf32, #tpu.memory_space<hbm>> -> memref<6272x16xf32, #tpu.memory_space<hbm>>
      tpu.enqueue_dma source(%dma_start3A_105 : memref<6272x16xf32, #tpu.memory_space<hbm>>) target(%dma_start3A_103 : memref<6272x16xf32, #tpu.memory_space<vmem_shared>>) target_semaphore(%run_scoped3A : memref<!tpu.dma_semaphore, #tpu.memory_space<semaphore_mem>>)
      %dma_wait3A_106 = arith.constant 0 : i32
      %dma_wait3A_107 = tpu.memref_slice %arg10[%mul3A_4, %dma_wait3A_106] : memref<100352x16xf32, #tpu.memory_space<vmem_shared>> -> memref<6272x16xf32, #tpu.memory_space<vmem_shared>>
      %dma_wait3A_108 = arith.constant 0 : i32
      %dma_wait3A_109 = tpu.memref_slice %arg5[%mul3A_2, %dma_wait3A_108] : memref<100352x16xf32, #tpu.memory_space<hbm>> -> memref<6272x16xf32, #tpu.memory_space<hbm>>
      tpu.wait_dma2 semaphore(%run_scoped3A : memref<!tpu.dma_semaphore, #tpu.memory_space<semaphore_mem>>) src(%dma_wait3A_109 : memref<6272x16xf32, #tpu.memory_space<hbm>>) dst(%dma_wait3A_107 : memref<6272x16xf32, #tpu.memory_space<vmem_shared>>)
      tpu.yield
    }) : () -> ()
    %barrier3A = arith.constant 0 : index
    tpu.barrier barrier_id(%barrier3A)
    %mul3A_5 = arith.constant 100352 : i32
    %mul3A_6 = arith.muli %add3A, %mul3A_5 : i32
    %add3A_7 = arith.constant 0 : i32
    %add3A_8 = arith.addi %mul3A_6, %add3A_7 : i32
    %dma_start3A = arith.constant 0 : i32
    %dma_start3A_9 = arith.constant 0 : i32
    %dma_start3A_10 = tpu.memref_slice %arg7[%dma_start3A, %dma_start3A_9] : memref<3x784xi32, #tpu.memory_space<vmem>> -> memref<1x784xi32, #tpu.memory_space<vmem>>
    %dma_start3A_11 = tpu.memref_squeeze %dma_start3A_10 : memref<1x784xi32, #tpu.memory_space<vmem>> -> memref<784xi32, #tpu.memory_space<vmem>>
    %dma_start3A_12 = tpu.memref_slice %arg2[%add3A_8] : memref<3211264xi32, #tpu.memory_space<hbm>> -> memref<784xi32, #tpu.memory_space<hbm>>
    %dma_start3A_13 = arith.constant 0 : i32
    %dma_start3A_14 = tpu.memref_slice %arg7[%dma_start3A, %dma_start3A_13] : memref<3x784xi32, #tpu.memory_space<vmem>> -> memref<1x784xi32, #tpu.memory_space<vmem>>
    %dma_start3A_15 = tpu.memref_squeeze %dma_start3A_14 : memref<1x784xi32, #tpu.memory_space<vmem>> -> memref<784xi32, #tpu.memory_space<vmem>>
    %dma_start3A_16 = tpu.memref_slice %arg2[%add3A_8] : memref<3211264xi32, #tpu.memory_space<hbm>> -> memref<784xi32, #tpu.memory_space<hbm>>
    tpu.enqueue_dma source(%dma_start3A_16 : memref<784xi32, #tpu.memory_space<hbm>>) target(%dma_start3A_15 : memref<784xi32, #tpu.memory_space<vmem>>) target_semaphore(%arg11 : memref<!tpu.dma_semaphore, #tpu.memory_space<semaphore_mem>>)
    %dma_start3A_17 = arith.constant 0 : i32
    %dma_start3A_18 = arith.constant 0 : i32
    %dma_start3A_19 = tpu.memref_slice %arg8[%dma_start3A_17, %dma_start3A_18] : memref<3x784xi32, #tpu.memory_space<vmem>> -> memref<1x784xi32, #tpu.memory_space<vmem>>
    %dma_start3A_20 = tpu.memref_squeeze %dma_start3A_19 : memref<1x784xi32, #tpu.memory_space<vmem>> -> memref<784xi32, #tpu.memory_space<vmem>>
    %dma_start3A_21 = tpu.memref_slice %arg3[%add3A_8] : memref<3211264xi32, #tpu.memory_space<hbm>> -> memref<784xi32, #tpu.memory_space<hbm>>
    %dma_start3A_22 = arith.constant 0 : i32
    %dma_start3A_23 = tpu.memref_slice %arg8[%dma_start3A_17, %dma_start3A_22] : memref<3x784xi32, #tpu.memory_space<vmem>> -> memref<1x784xi32, #tpu.memory_space<vmem>>
    %dma_start3A_24 = tpu.memref_squeeze %dma_start3A_23 : memref<1x784xi32, #tpu.memory_space<vmem>> -> memref<784xi32, #tpu.memory_space<vmem>>
    %dma_start3A_25 = tpu.memref_slice %arg3[%add3A_8] : memref<3211264xi32, #tpu.memory_space<hbm>> -> memref<784xi32, #tpu.memory_space<hbm>>
    tpu.enqueue_dma source(%dma_start3A_25 : memref<784xi32, #tpu.memory_space<hbm>>) target(%dma_start3A_24 : memref<784xi32, #tpu.memory_space<vmem>>) target_semaphore(%arg11 : memref<!tpu.dma_semaphore, #tpu.memory_space<semaphore_mem>>)
    %add3A_26 = arith.constant 0 : i32
    %add3A_27 = arith.addi %mul3A_6, %add3A_26 : i32
    %dma_wait3A = arith.constant 0 : i32
    %dma_wait3A_28 = arith.constant 0 : i32
    %dma_wait3A_29 = tpu.memref_slice %arg7[%dma_wait3A, %dma_wait3A_28] : memref<3x784xi32, #tpu.memory_space<vmem>> -> memref<1x784xi32, #tpu.memory_space<vmem>>
    %dma_wait3A_30 = tpu.memref_squeeze %dma_wait3A_29 : memref<1x784xi32, #tpu.memory_space<vmem>> -> memref<784xi32, #tpu.memory_space<vmem>>
    %dma_wait3A_31 = tpu.memref_slice %arg2[%add3A_27] : memref<3211264xi32, #tpu.memory_space<hbm>> -> memref<784xi32, #tpu.memory_space<hbm>>
    %dma_wait3A_32 = arith.constant 0 : i32
    %dma_wait3A_33 = tpu.memref_slice %arg7[%dma_wait3A, %dma_wait3A_32] : memref<3x784xi32, #tpu.memory_space<vmem>> -> memref<1x784xi32, #tpu.memory_space<vmem>>
    %dma_wait3A_34 = tpu.memref_squeeze %dma_wait3A_33 : memref<1x784xi32, #tpu.memory_space<vmem>> -> memref<784xi32, #tpu.memory_space<vmem>>
    %dma_wait3A_35 = tpu.memref_slice %arg2[%add3A_27] : memref<3211264xi32, #tpu.memory_space<hbm>> -> memref<784xi32, #tpu.memory_space<hbm>>
    tpu.wait_dma2 semaphore(%arg11 : memref<!tpu.dma_semaphore, #tpu.memory_space<semaphore_mem>>) src(%dma_wait3A_35 : memref<784xi32, #tpu.memory_space<hbm>>) dst(%dma_wait3A_34 : memref<784xi32, #tpu.memory_space<vmem>>)
    %dma_wait3A_36 = arith.constant 0 : i32
    %dma_wait3A_37 = arith.constant 0 : i32
    %dma_wait3A_38 = tpu.memref_slice %arg8[%dma_wait3A_36, %dma_wait3A_37] : memref<3x784xi32, #tpu.memory_space<vmem>> -> memref<1x784xi32, #tpu.memory_space<vmem>>
    %dma_wait3A_39 = tpu.memref_squeeze %dma_wait3A_38 : memref<1x784xi32, #tpu.memory_space<vmem>> -> memref<784xi32, #tpu.memory_space<vmem>>
    %dma_wait3A_40 = tpu.memref_slice %arg3[%add3A_27] : memref<3211264xi32, #tpu.memory_space<hbm>> -> memref<784xi32, #tpu.memory_space<hbm>>
    %dma_wait3A_41 = arith.constant 0 : i32
    %dma_wait3A_42 = tpu.memref_slice %arg8[%dma_wait3A_36, %dma_wait3A_41] : memref<3x784xi32, #tpu.memory_space<vmem>> -> memref<1x784xi32, #tpu.memory_space<vmem>>
    %dma_wait3A_43 = tpu.memref_squeeze %dma_wait3A_42 : memref<1x784xi32, #tpu.memory_space<vmem>> -> memref<784xi32, #tpu.memory_space<vmem>>
    %dma_wait3A_44 = tpu.memref_slice %arg3[%add3A_27] : memref<3211264xi32, #tpu.memory_space<hbm>> -> memref<784xi32, #tpu.memory_space<hbm>>
    tpu.wait_dma2 semaphore(%arg11 : memref<!tpu.dma_semaphore, #tpu.memory_space<semaphore_mem>>) src(%dma_wait3A_44 : memref<784xi32, #tpu.memory_space<hbm>>) dst(%dma_wait3A_43 : memref<784xi32, #tpu.memory_space<vmem>>)
    %dma_start3A_45 = arith.constant 0 : i32
    %dma_start3A_46 = arith.constant 0 : i32
    %dma_start3A_47 = arith.constant 0 : i32
    %dma_start3A_48 = arith.constant 0 : i32
    %dma_start3A_49 = tpu.memref_slice %arg9[%dma_start3A_46, %dma_start3A_47, %dma_start3A_48] : memref<2x784x16xf32, #tpu.memory_space<vmem>> -> memref<1x784x16xf32, #tpu.memory_space<vmem>>
    %dma_start3A_50 = tpu.memref_squeeze %dma_start3A_49 : memref<1x784x16xf32, #tpu.memory_space<vmem>> -> memref<784x16xf32, #tpu.memory_space<vmem>>
    %dma_start3A_51 = arith.constant 0 : i32
    %dma_start3A_52 = tpu.memref_slice %arg7[%dma_start3A_45, %dma_start3A_51] : memref<3x784xi32, #tpu.memory_space<vmem>> -> memref<1x784xi32, #tpu.memory_space<vmem>>
    %dma_start3A_53 = tpu.memref_squeeze %dma_start3A_52 : memref<1x784xi32, #tpu.memory_space<vmem>> -> memref<784xi32, #tpu.memory_space<vmem>>
    %dma_start3A_54 = arith.constant 0 : i32
    %dma_start3A_55 = arith.constant 0 : i32
    %dma_start3A_56 = tpu.memref_slice %arg4[%dma_start3A_54, %dma_start3A_55] : memref<100352x16xf32, #tpu.memory_space<hbm>> -> memref<100352x16xf32, #tpu.memory_space<hbm>>
    tpu.enqueue_indirect_dma source(%dma_start3A_56 : memref<100352x16xf32, #tpu.memory_space<hbm>>) target(%dma_start3A_50 : memref<784x16xf32, #tpu.memory_space<vmem>>) offsets(%dma_start3A_53 : memref<784xi32, #tpu.memory_space<vmem>>) semaphore(%arg12 : memref<!tpu.dma_semaphore, #tpu.memory_space<semaphore_mem>>)
    %add3A_57 = arith.constant 784 : i32
    %add3A_58 = arith.addi %mul3A_6, %add3A_57 : i32
    %dma_start3A_59 = arith.constant 1 : i32
    %dma_start3A_60 = arith.constant 0 : i32
    %dma_start3A_61 = tpu.memref_slice %arg7[%dma_start3A_59, %dma_start3A_60] : memref<3x784xi32, #tpu.memory_space<vmem>> -> memref<1x784xi32, #tpu.memory_space<vmem>>
    %dma_start3A_62 = tpu.memref_squeeze %dma_start3A_61 : memref<1x784xi32, #tpu.memory_space<vmem>> -> memref<784xi32, #tpu.memory_space<vmem>>
    %dma_start3A_63 = tpu.memref_slice %arg2[%add3A_58] : memref<3211264xi32, #tpu.memory_space<hbm>> -> memref<784xi32, #tpu.memory_space<hbm>>
    %dma_start3A_64 = arith.constant 0 : i32
    %dma_start3A_65 = tpu.memref_slice %arg7[%dma_start3A_59, %dma_start3A_64] : memref<3x784xi32, #tpu.memory_space<vmem>> -> memref<1x784xi32, #tpu.memory_space<vmem>>
    %dma_start3A_66 = tpu.memref_squeeze %dma_start3A_65 : memref<1x784xi32, #tpu.memory_space<vmem>> -> memref<784xi32, #tpu.memory_space<vmem>>
    %dma_start3A_67 = tpu.memref_slice %arg2[%add3A_58] : memref<3211264xi32, #tpu.memory_space<hbm>> -> memref<784xi32, #tpu.memory_space<hbm>>
    tpu.enqueue_dma source(%dma_start3A_67 : memref<784xi32, #tpu.memory_space<hbm>>) target(%dma_start3A_66 : memref<784xi32, #tpu.memory_space<vmem>>) target_semaphore(%arg11 : memref<!tpu.dma_semaphore, #tpu.memory_space<semaphore_mem>>)
    %dma_start3A_68 = arith.constant 1 : i32
    %dma_start3A_69 = arith.constant 0 : i32
    %dma_start3A_70 = tpu.memref_slice %arg8[%dma_start3A_68, %dma_start3A_69] : memref<3x784xi32, #tpu.memory_space<vmem>> -> memref<1x784xi32, #tpu.memory_space<vmem>>
    %dma_start3A_71 = tpu.memref_squeeze %dma_start3A_70 : memref<1x784xi32, #tpu.memory_space<vmem>> -> memref<784xi32, #tpu.memory_space<vmem>>
    %dma_start3A_72 = tpu.memref_slice %arg3[%add3A_58] : memref<3211264xi32, #tpu.memory_space<hbm>> -> memref<784xi32, #tpu.memory_space<hbm>>
    %dma_start3A_73 = arith.constant 0 : i32
    %dma_start3A_74 = tpu.memref_slice %arg8[%dma_start3A_68, %dma_start3A_73] : memref<3x784xi32, #tpu.memory_space<vmem>> -> memref<1x784xi32, #tpu.memory_space<vmem>>
    %dma_start3A_75 = tpu.memref_squeeze %dma_start3A_74 : memref<1x784xi32, #tpu.memory_space<vmem>> -> memref<784xi32, #tpu.memory_space<vmem>>
    %dma_start3A_76 = tpu.memref_slice %arg3[%add3A_58] : memref<3211264xi32, #tpu.memory_space<hbm>> -> memref<784xi32, #tpu.memory_space<hbm>>
    tpu.enqueue_dma source(%dma_start3A_76 : memref<784xi32, #tpu.memory_space<hbm>>) target(%dma_start3A_75 : memref<784xi32, #tpu.memory_space<vmem>>) target_semaphore(%arg11 : memref<!tpu.dma_semaphore, #tpu.memory_space<semaphore_mem>>)
    %scan3A = arith.constant 0 : i32
    %scan3A_77 = arith.constant 0 : i32
    %scan3A_78 = arith.constant 128 : i32
    %scan3A_79 = arith.addi %scan3A_77, %scan3A_78 : i32
    %scan3A_80 = arith.constant 1 : i32
    scf.for %scan3A_102 = %scan3A_77 to %scan3A_79 step %scan3A_80  : i32 {
      %rem3A = arith.constant 2 : i32
      %rem3A_103 = arith.remsi %scan3A_102, %rem3A : i32
      %sub3A = arith.constant 1 : i32
      %sub3A_104 = arith.subi %sub3A, %rem3A_103 : i32
      %rem3A_105 = arith.constant 3 : i32
      %rem3A_106 = arith.remsi %scan3A_102, %rem3A_105 : i32
      %add3A_107 = arith.constant 1 : i32
      %add3A_108 = arith.addi %scan3A_102, %add3A_107 : i32
      %rem3A_109 = arith.constant 3 : i32
      %rem3A_110 = arith.remsi %add3A_108, %rem3A_109 : i32
      %add3A_111 = arith.constant 2 : i32
      %add3A_112 = arith.addi %scan3A_102, %add3A_111 : i32
      %rem3A_113 = arith.constant 3 : i32
      %rem3A_114 = arith.remsi %add3A_112, %rem3A_113 : i32
      %dma_wait3A_115 = arith.constant 0 : i32
      %dma_wait3A_116 = arith.constant 0 : i32
      %dma_wait3A_117 = tpu.memref_slice %arg9[%rem3A_103, %dma_wait3A_115, %dma_wait3A_116] : memref<2x784x16xf32, #tpu.memory_space<vmem>> -> memref<1x784x16xf32, #tpu.memory_space<vmem>>
      %dma_wait3A_118 = tpu.memref_squeeze %dma_wait3A_117 : memref<1x784x16xf32, #tpu.memory_space<vmem>> -> memref<784x16xf32, #tpu.memory_space<vmem>>
      %dma_wait3A_119 = arith.constant 0 : i32
      %dma_wait3A_120 = tpu.memref_slice %arg7[%rem3A_106, %dma_wait3A_119] : memref<3x784xi32, #tpu.memory_space<vmem>> -> memref<1x784xi32, #tpu.memory_space<vmem>>
      %dma_wait3A_121 = tpu.memref_squeeze %dma_wait3A_120 : memref<1x784xi32, #tpu.memory_space<vmem>> -> memref<784xi32, #tpu.memory_space<vmem>>
      %dma_wait3A_122 = arith.constant 0 : i32
      %dma_wait3A_123 = arith.constant 0 : i32
      %dma_wait3A_124 = tpu.memref_slice %arg4[%dma_wait3A_122, %dma_wait3A_123] : memref<100352x16xf32, #tpu.memory_space<hbm>> -> memref<100352x16xf32, #tpu.memory_space<hbm>>
      tpu.wait_indirect_dma semaphore(%arg12 : memref<!tpu.dma_semaphore, #tpu.memory_space<semaphore_mem>>) src(%dma_wait3A_124 : memref<100352x16xf32, #tpu.memory_space<hbm>>) dst(%dma_wait3A_118 : memref<784x16xf32, #tpu.memory_space<vmem>>)
      %ge3A = arith.constant 1 : i32
      %ge3A_125 = arith.cmpi sge, %scan3A_102, %ge3A : i32
      %convert_element_type3A = arith.extui %ge3A_125 : i1 to i32
      %cond3A = arith.constant 0 : i32
      %cond3A_126 = arith.cmpi ne, %convert_element_type3A, %cond3A : i32
      scf.if %cond3A_126 {
        %dma_wait3A_146 = arith.constant 0 : i32
        %dma_wait3A_147 = arith.constant 0 : i32
        %dma_wait3A_148 = tpu.memref_slice %arg9[%sub3A_104, %dma_wait3A_146, %dma_wait3A_147] : memref<2x784x16xf32, #tpu.memory_space<vmem>> -> memref<1x784x16xf32, #tpu.memory_space<vmem>>
        %dma_wait3A_149 = tpu.memref_squeeze %dma_wait3A_148 : memref<1x784x16xf32, #tpu.memory_space<vmem>> -> memref<784x16xf32, #tpu.memory_space<vmem>>
        %dma_wait3A_150 = arith.constant 0 : i32
        %dma_wait3A_151 = tpu.memref_slice %arg8[%rem3A_114, %dma_wait3A_150] : memref<3x784xi32, #tpu.memory_space<vmem>> -> memref<1x784xi32, #tpu.memory_space<vmem>>
        %dma_wait3A_152 = tpu.memref_squeeze %dma_wait3A_151 : memref<1x784xi32, #tpu.memory_space<vmem>> -> memref<784xi32, #tpu.memory_space<vmem>>
        %dma_wait3A_153 = arith.constant 0 : i32
        %dma_wait3A_154 = arith.constant 0 : i32
        %dma_wait3A_155 = tpu.memref_slice %arg10[%dma_wait3A_153, %dma_wait3A_154] : memref<100352x16xf32, #tpu.memory_space<vmem_shared>> -> memref<100352x16xf32, #tpu.memory_space<vmem_shared>>
        tpu.wait_indirect_dma semaphore(%arg13 : memref<!tpu.dma_semaphore, #tpu.memory_space<semaphore_mem>>) src(%dma_wait3A_149 : memref<784x16xf32, #tpu.memory_space<vmem>>) dst(%dma_wait3A_155 : memref<100352x16xf32, #tpu.memory_space<vmem_shared>>)
      } else {
      }
      %dma_start3A_127 = arith.constant 0 : i32
      %dma_start3A_128 = arith.constant 0 : i32
      %dma_start3A_129 = tpu.memref_slice %arg9[%rem3A_103, %dma_start3A_127, %dma_start3A_128] : memref<2x784x16xf32, #tpu.memory_space<vmem>> -> memref<1x784x16xf32, #tpu.memory_space<vmem>>
      %dma_start3A_130 = tpu.memref_squeeze %dma_start3A_129 : memref<1x784x16xf32, #tpu.memory_space<vmem>> -> memref<784x16xf32, #tpu.memory_space<vmem>>
      %dma_start3A_131 = arith.constant 0 : i32
      %dma_start3A_132 = tpu.memref_slice %arg8[%rem3A_106, %dma_start3A_131] : memref<3x784xi32, #tpu.memory_space<vmem>> -> memref<1x784xi32, #tpu.memory_space<vmem>>
      %dma_start3A_133 = tpu.memref_squeeze %dma_start3A_132 : memref<1x784xi32, #tpu.memory_space<vmem>> -> memref<784xi32, #tpu.memory_space<vmem>>
      %dma_start3A_134 = arith.constant 0 : i32
      %dma_start3A_135 = arith.constant 0 : i32
      %dma_start3A_136 = tpu.memref_slice %arg10[%dma_start3A_134, %dma_start3A_135] : memref<100352x16xf32, #tpu.memory_space<vmem_shared>> -> memref<100352x16xf32, #tpu.memory_space<vmem_shared>>
      tpu.enqueue_indirect_dma source(%dma_start3A_130 : memref<784x16xf32, #tpu.memory_space<vmem>>) target(%dma_start3A_136 : memref<100352x16xf32, #tpu.memory_space<vmem_shared>>) offsets(%dma_start3A_133 : memref<784xi32, #tpu.memory_space<vmem>>) semaphore(%arg13 : memref<!tpu.dma_semaphore, #tpu.memory_space<semaphore_mem>>) {add = true}
      %le3A = arith.constant 126 : i32
      %le3A_137 = arith.cmpi sle, %scan3A_102, %le3A : i32
      %convert_element_type3A_138 = arith.extui %le3A_137 : i1 to i32
      %cond3A_139 = arith.constant 0 : i32
      %cond3A_140 = arith.cmpi ne, %convert_element_type3A_138, %cond3A_139 : i32
      scf.if %cond3A_140 {
        %add3A_146 = arith.constant 1 : i32
        %add3A_147 = arith.addi %scan3A_102, %add3A_146 : i32
        %mul3A_148 = arith.constant 784 : i32
        %mul3A_149 = arith.muli %add3A_147, %mul3A_148 : i32
        %add3A_150 = arith.addi %mul3A_6, %mul3A_149 : i32
        %dma_wait3A_151 = arith.constant 0 : i32
        %dma_wait3A_152 = tpu.memref_slice %arg7[%rem3A_110, %dma_wait3A_151] : memref<3x784xi32, #tpu.memory_space<vmem>> -> memref<1x784xi32, #tpu.memory_space<vmem>>
        %dma_wait3A_153 = tpu.memref_squeeze %dma_wait3A_152 : memref<1x784xi32, #tpu.memory_space<vmem>> -> memref<784xi32, #tpu.memory_space<vmem>>
        %dma_wait3A_154 = tpu.memref_slice %arg2[%add3A_150] : memref<3211264xi32, #tpu.memory_space<hbm>> -> memref<784xi32, #tpu.memory_space<hbm>>
        %dma_wait3A_155 = arith.constant 0 : i32
        %dma_wait3A_156 = tpu.memref_slice %arg7[%rem3A_110, %dma_wait3A_155] : memref<3x784xi32, #tpu.memory_space<vmem>> -> memref<1x784xi32, #tpu.memory_space<vmem>>
        %dma_wait3A_157 = tpu.memref_squeeze %dma_wait3A_156 : memref<1x784xi32, #tpu.memory_space<vmem>> -> memref<784xi32, #tpu.memory_space<vmem>>
        %dma_wait3A_158 = tpu.memref_slice %arg2[%add3A_150] : memref<3211264xi32, #tpu.memory_space<hbm>> -> memref<784xi32, #tpu.memory_space<hbm>>
        tpu.wait_dma2 semaphore(%arg11 : memref<!tpu.dma_semaphore, #tpu.memory_space<semaphore_mem>>) src(%dma_wait3A_158 : memref<784xi32, #tpu.memory_space<hbm>>) dst(%dma_wait3A_157 : memref<784xi32, #tpu.memory_space<vmem>>)
        %dma_wait3A_159 = arith.constant 0 : i32
        %dma_wait3A_160 = tpu.memref_slice %arg8[%rem3A_110, %dma_wait3A_159] : memref<3x784xi32, #tpu.memory_space<vmem>> -> memref<1x784xi32, #tpu.memory_space<vmem>>
        %dma_wait3A_161 = tpu.memref_squeeze %dma_wait3A_160 : memref<1x784xi32, #tpu.memory_space<vmem>> -> memref<784xi32, #tpu.memory_space<vmem>>
        %dma_wait3A_162 = tpu.memref_slice %arg3[%add3A_150] : memref<3211264xi32, #tpu.memory_space<hbm>> -> memref<784xi32, #tpu.memory_space<hbm>>
        %dma_wait3A_163 = arith.constant 0 : i32
        %dma_wait3A_164 = tpu.memref_slice %arg8[%rem3A_110, %dma_wait3A_163] : memref<3x784xi32, #tpu.memory_space<vmem>> -> memref<1x784xi32, #tpu.memory_space<vmem>>
        %dma_wait3A_165 = tpu.memref_squeeze %dma_wait3A_164 : memref<1x784xi32, #tpu.memory_space<vmem>> -> memref<784xi32, #tpu.memory_space<vmem>>
        %dma_wait3A_166 = tpu.memref_slice %arg3[%add3A_150] : memref<3211264xi32, #tpu.memory_space<hbm>> -> memref<784xi32, #tpu.memory_space<hbm>>
        tpu.wait_dma2 semaphore(%arg11 : memref<!tpu.dma_semaphore, #tpu.memory_space<semaphore_mem>>) src(%dma_wait3A_166 : memref<784xi32, #tpu.memory_space<hbm>>) dst(%dma_wait3A_165 : memref<784xi32, #tpu.memory_space<vmem>>)
        %dma_start3A_167 = arith.constant 0 : i32
        %dma_start3A_168 = arith.constant 0 : i32
        %dma_start3A_169 = tpu.memref_slice %arg9[%sub3A_104, %dma_start3A_167, %dma_start3A_168] : memref<2x784x16xf32, #tpu.memory_space<vmem>> -> memref<1x784x16xf32, #tpu.memory_space<vmem>>
        %dma_start3A_170 = tpu.memref_squeeze %dma_start3A_169 : memref<1x784x16xf32, #tpu.memory_space<vmem>> -> memref<784x16xf32, #tpu.memory_space<vmem>>
        %dma_start3A_171 = arith.constant 0 : i32
        %dma_start3A_172 = tpu.memref_slice %arg7[%rem3A_110, %dma_start3A_171] : memref<3x784xi32, #tpu.memory_space<vmem>> -> memref<1x784xi32, #tpu.memory_space<vmem>>
        %dma_start3A_173 = tpu.memref_squeeze %dma_start3A_172 : memref<1x784xi32, #tpu.memory_space<vmem>> -> memref<784xi32, #tpu.memory_space<vmem>>
        %dma_start3A_174 = arith.constant 0 : i32
        %dma_start3A_175 = arith.constant 0 : i32
        %dma_start3A_176 = tpu.memref_slice %arg4[%dma_start3A_174, %dma_start3A_175] : memref<100352x16xf32, #tpu.memory_space<hbm>> -> memref<100352x16xf32, #tpu.memory_space<hbm>>
        tpu.enqueue_indirect_dma source(%dma_start3A_176 : memref<100352x16xf32, #tpu.memory_space<hbm>>) target(%dma_start3A_170 : memref<784x16xf32, #tpu.memory_space<vmem>>) offsets(%dma_start3A_173 : memref<784xi32, #tpu.memory_space<vmem>>) semaphore(%arg12 : memref<!tpu.dma_semaphore, #tpu.memory_space<semaphore_mem>>)
      } else {
      }
      %le3A_141 = arith.constant 125 : i32
      %le3A_142 = arith.cmpi sle, %scan3A_102, %le3A_141 : i32
      %convert_element_type3A_143 = arith.extui %le3A_142 : i1 to i32
      %cond3A_144 = arith.constant 0 : i32
      %cond3A_145 = arith.cmpi ne, %convert_element_type3A_143, %cond3A_144 : i32
      scf.if %cond3A_145 {
        %add3A_146 = arith.constant 2 : i32
        %add3A_147 = arith.addi %scan3A_102, %add3A_146 : i32
        %mul3A_148 = arith.constant 784 : i32
        %mul3A_149 = arith.muli %add3A_147, %mul3A_148 : i32
        %add3A_150 = arith.addi %mul3A_6, %mul3A_149 : i32
        %dma_start3A_151 = arith.constant 0 : i32
        %dma_start3A_152 = tpu.memref_slice %arg7[%rem3A_114, %dma_start3A_151] : memref<3x784xi32, #tpu.memory_space<vmem>> -> memref<1x784xi32, #tpu.memory_space<vmem>>
        %dma_start3A_153 = tpu.memref_squeeze %dma_start3A_152 : memref<1x784xi32, #tpu.memory_space<vmem>> -> memref<784xi32, #tpu.memory_space<vmem>>
        %dma_start3A_154 = tpu.memref_slice %arg2[%add3A_150] : memref<3211264xi32, #tpu.memory_space<hbm>> -> memref<784xi32, #tpu.memory_space<hbm>>
        %dma_start3A_155 = arith.constant 0 : i32
        %dma_start3A_156 = tpu.memref_slice %arg7[%rem3A_114, %dma_start3A_155] : memref<3x784xi32, #tpu.memory_space<vmem>> -> memref<1x784xi32, #tpu.memory_space<vmem>>
        %dma_start3A_157 = tpu.memref_squeeze %dma_start3A_156 : memref<1x784xi32, #tpu.memory_space<vmem>> -> memref<784xi32, #tpu.memory_space<vmem>>
        %dma_start3A_158 = tpu.memref_slice %arg2[%add3A_150] : memref<3211264xi32, #tpu.memory_space<hbm>> -> memref<784xi32, #tpu.memory_space<hbm>>
        tpu.enqueue_dma source(%dma_start3A_158 : memref<784xi32, #tpu.memory_space<hbm>>) target(%dma_start3A_157 : memref<784xi32, #tpu.memory_space<vmem>>) target_semaphore(%arg11 : memref<!tpu.dma_semaphore, #tpu.memory_space<semaphore_mem>>)
        %dma_start3A_159 = arith.constant 0 : i32
        %dma_start3A_160 = tpu.memref_slice %arg8[%rem3A_114, %dma_start3A_159] : memref<3x784xi32, #tpu.memory_space<vmem>> -> memref<1x784xi32, #tpu.memory_space<vmem>>
        %dma_start3A_161 = tpu.memref_squeeze %dma_start3A_160 : memref<1x784xi32, #tpu.memory_space<vmem>> -> memref<784xi32, #tpu.memory_space<vmem>>
        %dma_start3A_162 = tpu.memref_slice %arg3[%add3A_150] : memref<3211264xi32, #tpu.memory_space<hbm>> -> memref<784xi32, #tpu.memory_space<hbm>>
        %dma_start3A_163 = arith.constant 0 : i32
        %dma_start3A_164 = tpu.memref_slice %arg8[%rem3A_114, %dma_start3A_163] : memref<3x784xi32, #tpu.memory_space<vmem>> -> memref<1x784xi32, #tpu.memory_space<vmem>>
        %dma_start3A_165 = tpu.memref_squeeze %dma_start3A_164 : memref<1x784xi32, #tpu.memory_space<vmem>> -> memref<784xi32, #tpu.memory_space<vmem>>
        %dma_start3A_166 = tpu.memref_slice %arg3[%add3A_150] : memref<3211264xi32, #tpu.memory_space<hbm>> -> memref<784xi32, #tpu.memory_space<hbm>>
        tpu.enqueue_dma source(%dma_start3A_166 : memref<784xi32, #tpu.memory_space<hbm>>) target(%dma_start3A_165 : memref<784xi32, #tpu.memory_space<vmem>>) target_semaphore(%arg11 : memref<!tpu.dma_semaphore, #tpu.memory_space<semaphore_mem>>)
      } else {
      }
    }
    %scan3A_81 = arith.constant 128 : i32
    %dma_wait3A_82 = arith.constant 1 : i32
    %dma_wait3A_83 = arith.constant 1 : i32
    %dma_wait3A_84 = arith.constant 0 : i32
    %dma_wait3A_85 = arith.constant 0 : i32
    %dma_wait3A_86 = tpu.memref_slice %arg9[%dma_wait3A_82, %dma_wait3A_84, %dma_wait3A_85] : memref<2x784x16xf32, #tpu.memory_space<vmem>> -> memref<1x784x16xf32, #tpu.memory_space<vmem>>
    %dma_wait3A_87 = tpu.memref_squeeze %dma_wait3A_86 : memref<1x784x16xf32, #tpu.memory_space<vmem>> -> memref<784x16xf32, #tpu.memory_space<vmem>>
    %dma_wait3A_88 = arith.constant 0 : i32
    %dma_wait3A_89 = tpu.memref_slice %arg8[%dma_wait3A_83, %dma_wait3A_88] : memref<3x784xi32, #tpu.memory_space<vmem>> -> memref<1x784xi32, #tpu.memory_space<vmem>>
    %dma_wait3A_90 = tpu.memref_squeeze %dma_wait3A_89 : memref<1x784xi32, #tpu.memory_space<vmem>> -> memref<784xi32, #tpu.memory_space<vmem>>
    %dma_wait3A_91 = arith.constant 0 : i32
    %dma_wait3A_92 = arith.constant 0 : i32
    %dma_wait3A_93 = tpu.memref_slice %arg10[%dma_wait3A_91, %dma_wait3A_92] : memref<100352x16xf32, #tpu.memory_space<vmem_shared>> -> memref<100352x16xf32, #tpu.memory_space<vmem_shared>>
    tpu.wait_indirect_dma semaphore(%arg13 : memref<!tpu.dma_semaphore, #tpu.memory_space<semaphore_mem>>) src(%dma_wait3A_87 : memref<784x16xf32, #tpu.memory_space<vmem>>) dst(%dma_wait3A_93 : memref<100352x16xf32, #tpu.memory_space<vmem_shared>>)
    %barrier3A_94 = arith.constant 0 : index
    tpu.barrier barrier_id(%barrier3A_94)
    %mul3A_95 = arith.constant 6272 : i32
    %mul3A_96 = arith.muli %arg1, %mul3A_95 : i32
    %mul3A_97 = arith.constant 100352 : i32
    %mul3A_98 = arith.muli %arg0, %mul3A_97 : i32
    %mul3A_99 = arith.constant 6272 : i32
    %mul3A_100 = arith.muli %arg1, %mul3A_99 : i32
    %add3A_101 = arith.addi %mul3A_98, %mul3A_100 : i32
    "tpu.region"() ({
      %run_scoped3A = tpu.sem_alloc : memref<!tpu.dma_semaphore, #tpu.memory_space<semaphore_mem>>
      %dma_start3A_102 = arith.constant 0 : i32
      %dma_start3A_103 = tpu.memref_slice %arg6[%add3A_101, %dma_start3A_102] : memref<200704x16xf32, #tpu.memory_space<hbm>> -> memref<6272x16xf32, #tpu.memory_space<hbm>>
      %dma_start3A_104 = arith.constant 0 : i32
      %dma_start3A_105 = tpu.memref_slice %arg10[%mul3A_96, %dma_start3A_104] : memref<100352x16xf32, #tpu.memory_space<vmem_shared>> -> memref<6272x16xf32, #tpu.memory_space<vmem_shared>>
      tpu.enqueue_dma source(%dma_start3A_105 : memref<6272x16xf32, #tpu.memory_space<vmem_shared>>) target(%dma_start3A_103 : memref<6272x16xf32, #tpu.memory_space<hbm>>) target_semaphore(%run_scoped3A : memref<!tpu.dma_semaphore, #tpu.memory_space<semaphore_mem>>)
      %dma_wait3A_106 = arith.constant 0 : i32
      %dma_wait3A_107 = tpu.memref_slice %arg6[%add3A_101, %dma_wait3A_106] : memref<200704x16xf32, #tpu.memory_space<hbm>> -> memref<6272x16xf32, #tpu.memory_space<hbm>>
      %dma_wait3A_108 = arith.constant 0 : i32
      %dma_wait3A_109 = tpu.memref_slice %arg10[%mul3A_96, %dma_wait3A_108] : memref<100352x16xf32, #tpu.memory_space<vmem_shared>> -> memref<6272x16xf32, #tpu.memory_space<vmem_shared>>
      tpu.wait_dma2 semaphore(%run_scoped3A : memref<!tpu.dma_semaphore, #tpu.memory_space<semaphore_mem>>) src(%dma_wait3A_109 : memref<6272x16xf32, #tpu.memory_space<vmem_shared>>) dst(%dma_wait3A_107 : memref<6272x16xf32, #tpu.memory_space<hbm>>)
      tpu.yield
    }) : () -> ()
    return
  }
}

#map = affine_map<(d0, d1) -> (0)>
#map1 = affine_map<(d0, d1) -> (0, 0)>
module attributes {stable_mosaic.version = 14 : i64} {
  func.func @_sc_gather_scatter(%arg0: i32, %arg1: i32, %arg2: memref<3211264xi32, #tpu.memory_space<hbm>>, %arg3: memref<3211264xi32, #tpu.memory_space<hbm>>, %arg4: memref<100352x16xf32, #tpu.memory_space<hbm>>, %arg5: memref<100352x16xf32, #tpu.memory_space<hbm>>, %arg6: memref<200704x16xf32, #tpu.memory_space<hbm>>, %arg7: memref<3x784xi32, #tpu.memory_space<vmem>>, %arg8: memref<3x784xi32, #tpu.memory_space<vmem>>, %arg9: memref<2x784x16xf32, #tpu.memory_space<vmem>>, %arg10: memref<100352x16xf32, #tpu.memory_space<vmem_shared>>, %arg11: memref<!tpu.dma_semaphore, #tpu.memory_space<semaphore_mem>>, %arg12: memref<!tpu.dma_semaphore, #tpu.memory_space<semaphore_mem>>, %arg13: memref<!tpu.dma_semaphore, #tpu.memory_space<semaphore_mem>>) attributes {dimension_semantics = [#tpu.dimension_semantics<core_parallel>, #tpu.dimension_semantics<subcore_parallel>], iteration_bounds = array<i64: 2, 16>, scalar_prefetch = 0 : i64, scratch_operands = 7 : i64, tpu.core_type = #tpu.core_type<sc_vector_subcore>, window_params = [{transform_indices = #map}, {transform_indices = #map}, {transform_indices = #map1}, {transform_indices = #map1}, {transform_indices = #map1}]} {
    %mul3A = arith.constant 2 : i32
    %mul3A_0 = arith.muli %arg1, %mul3A : i32
    %add3A = arith.addi %mul3A_0, %arg0 : i32
    %mul3A_1 = arith.constant 6272 : i32
    %mul3A_2 = arith.muli %arg1, %mul3A_1 : i32
    %mul3A_3 = arith.constant 6272 : i32
    %mul3A_4 = arith.muli %arg1, %mul3A_3 : i32
    "tpu.region"() ({
      %run_scoped3A = tpu.sem_alloc : memref<!tpu.dma_semaphore, #tpu.memory_space<semaphore_mem>>
      %dma_start3A_102 = arith.constant 0 : i32
      %dma_start3A_103 = tpu.memref_slice %arg10[%mul3A_4, %dma_start3A_102] : memref<100352x16xf32, #tpu.memory_space<vmem_shared>> -> memref<6272x16xf32, #tpu.memory_space<vmem_shared>>
      %dma_start3A_104 = arith.constant 0 : i32
      %dma_start3A_105 = tpu.memref_slice %arg5[%mul3A_2, %dma_start3A_104] : memref<100352x16xf32, #tpu.memory_space<hbm>> -> memref<6272x16xf32, #tpu.memory_space<hbm>>
      tpu.enqueue_dma source(%dma_start3A_105 : memref<6272x16xf32, #tpu.memory_space<hbm>>) target(%dma_start3A_103 : memref<6272x16xf32, #tpu.memory_space<vmem_shared>>) target_semaphore(%run_scoped3A : memref<!tpu.dma_semaphore, #tpu.memory_space<semaphore_mem>>)
      %dma_wait3A_106 = arith.constant 0 : i32
      %dma_wait3A_107 = tpu.memref_slice %arg10[%mul3A_4, %dma_wait3A_106] : memref<100352x16xf32, #tpu.memory_space<vmem_shared>> -> memref<6272x16xf32, #tpu.memory_space<vmem_shared>>
      %dma_wait3A_108 = arith.constant 0 : i32
      %dma_wait3A_109 = tpu.memref_slice %arg5[%mul3A_2, %dma_wait3A_108] : memref<100352x16xf32, #tpu.memory_space<hbm>> -> memref<6272x16xf32, #tpu.memory_space<hbm>>
      tpu.wait_dma2 semaphore(%run_scoped3A : memref<!tpu.dma_semaphore, #tpu.memory_space<semaphore_mem>>) src(%dma_wait3A_109 : memref<6272x16xf32, #tpu.memory_space<hbm>>) dst(%dma_wait3A_107 : memref<6272x16xf32, #tpu.memory_space<vmem_shared>>)
      tpu.yield
    }) : () -> ()
    %barrier3A = arith.constant 0 : index
    tpu.barrier barrier_id(%barrier3A)
    %mul3A_5 = arith.constant 100352 : i32
    %mul3A_6 = arith.muli %add3A, %mul3A_5 : i32
    %add3A_7 = arith.constant 0 : i32
    %add3A_8 = arith.addi %mul3A_6, %add3A_7 : i32
    %dma_start3A = arith.constant 0 : i32
    %dma_start3A_9 = arith.constant 0 : i32
    %dma_start3A_10 = tpu.memref_slice %arg7[%dma_start3A, %dma_start3A_9] : memref<3x784xi32, #tpu.memory_space<vmem>> -> memref<1x784xi32, #tpu.memory_space<vmem>>
    %dma_start3A_11 = tpu.memref_squeeze %dma_start3A_10 : memref<1x784xi32, #tpu.memory_space<vmem>> -> memref<784xi32, #tpu.memory_space<vmem>>
    %dma_start3A_12 = tpu.memref_slice %arg2[%add3A_8] : memref<3211264xi32, #tpu.memory_space<hbm>> -> memref<784xi32, #tpu.memory_space<hbm>>
    %dma_start3A_13 = arith.constant 0 : i32
    %dma_start3A_14 = tpu.memref_slice %arg7[%dma_start3A, %dma_start3A_13] : memref<3x784xi32, #tpu.memory_space<vmem>> -> memref<1x784xi32, #tpu.memory_space<vmem>>
    %dma_start3A_15 = tpu.memref_squeeze %dma_start3A_14 : memref<1x784xi32, #tpu.memory_space<vmem>> -> memref<784xi32, #tpu.memory_space<vmem>>
    %dma_start3A_16 = tpu.memref_slice %arg2[%add3A_8] : memref<3211264xi32, #tpu.memory_space<hbm>> -> memref<784xi32, #tpu.memory_space<hbm>>
    tpu.enqueue_dma source(%dma_start3A_16 : memref<784xi32, #tpu.memory_space<hbm>>) target(%dma_start3A_15 : memref<784xi32, #tpu.memory_space<vmem>>) target_semaphore(%arg11 : memref<!tpu.dma_semaphore, #tpu.memory_space<semaphore_mem>>)
    %dma_start3A_17 = arith.constant 0 : i32
    %dma_start3A_18 = arith.constant 0 : i32
    %dma_start3A_19 = tpu.memref_slice %arg8[%dma_start3A_17, %dma_start3A_18] : memref<3x784xi32, #tpu.memory_space<vmem>> -> memref<1x784xi32, #tpu.memory_space<vmem>>
    %dma_start3A_20 = tpu.memref_squeeze %dma_start3A_19 : memref<1x784xi32, #tpu.memory_space<vmem>> -> memref<784xi32, #tpu.memory_space<vmem>>
    %dma_start3A_21 = tpu.memref_slice %arg3[%add3A_8] : memref<3211264xi32, #tpu.memory_space<hbm>> -> memref<784xi32, #tpu.memory_space<hbm>>
    %dma_start3A_22 = arith.constant 0 : i32
    %dma_start3A_23 = tpu.memref_slice %arg8[%dma_start3A_17, %dma_start3A_22] : memref<3x784xi32, #tpu.memory_space<vmem>> -> memref<1x784xi32, #tpu.memory_space<vmem>>
    %dma_start3A_24 = tpu.memref_squeeze %dma_start3A_23 : memref<1x784xi32, #tpu.memory_space<vmem>> -> memref<784xi32, #tpu.memory_space<vmem>>
    %dma_start3A_25 = tpu.memref_slice %arg3[%add3A_8] : memref<3211264xi32, #tpu.memory_space<hbm>> -> memref<784xi32, #tpu.memory_space<hbm>>
    tpu.enqueue_dma source(%dma_start3A_25 : memref<784xi32, #tpu.memory_space<hbm>>) target(%dma_start3A_24 : memref<784xi32, #tpu.memory_space<vmem>>) target_semaphore(%arg11 : memref<!tpu.dma_semaphore, #tpu.memory_space<semaphore_mem>>)
    %add3A_26 = arith.constant 0 : i32
    %add3A_27 = arith.addi %mul3A_6, %add3A_26 : i32
    %dma_wait3A = arith.constant 0 : i32
    %dma_wait3A_28 = arith.constant 0 : i32
    %dma_wait3A_29 = tpu.memref_slice %arg7[%dma_wait3A, %dma_wait3A_28] : memref<3x784xi32, #tpu.memory_space<vmem>> -> memref<1x784xi32, #tpu.memory_space<vmem>>
    %dma_wait3A_30 = tpu.memref_squeeze %dma_wait3A_29 : memref<1x784xi32, #tpu.memory_space<vmem>> -> memref<784xi32, #tpu.memory_space<vmem>>
    %dma_wait3A_31 = tpu.memref_slice %arg2[%add3A_27] : memref<3211264xi32, #tpu.memory_space<hbm>> -> memref<784xi32, #tpu.memory_space<hbm>>
    %dma_wait3A_32 = arith.constant 0 : i32
    %dma_wait3A_33 = tpu.memref_slice %arg7[%dma_wait3A, %dma_wait3A_32] : memref<3x784xi32, #tpu.memory_space<vmem>> -> memref<1x784xi32, #tpu.memory_space<vmem>>
    %dma_wait3A_34 = tpu.memref_squeeze %dma_wait3A_33 : memref<1x784xi32, #tpu.memory_space<vmem>> -> memref<784xi32, #tpu.memory_space<vmem>>
    %dma_wait3A_35 = tpu.memref_slice %arg2[%add3A_27] : memref<3211264xi32, #tpu.memory_space<hbm>> -> memref<784xi32, #tpu.memory_space<hbm>>
    tpu.wait_dma2 semaphore(%arg11 : memref<!tpu.dma_semaphore, #tpu.memory_space<semaphore_mem>>) src(%dma_wait3A_35 : memref<784xi32, #tpu.memory_space<hbm>>) dst(%dma_wait3A_34 : memref<784xi32, #tpu.memory_space<vmem>>)
    %dma_wait3A_36 = arith.constant 0 : i32
    %dma_wait3A_37 = arith.constant 0 : i32
    %dma_wait3A_38 = tpu.memref_slice %arg8[%dma_wait3A_36, %dma_wait3A_37] : memref<3x784xi32, #tpu.memory_space<vmem>> -> memref<1x784xi32, #tpu.memory_space<vmem>>
    %dma_wait3A_39 = tpu.memref_squeeze %dma_wait3A_38 : memref<1x784xi32, #tpu.memory_space<vmem>> -> memref<784xi32, #tpu.memory_space<vmem>>
    %dma_wait3A_40 = tpu.memref_slice %arg3[%add3A_27] : memref<3211264xi32, #tpu.memory_space<hbm>> -> memref<784xi32, #tpu.memory_space<hbm>>
    %dma_wait3A_41 = arith.constant 0 : i32
    %dma_wait3A_42 = tpu.memref_slice %arg8[%dma_wait3A_36, %dma_wait3A_41] : memref<3x784xi32, #tpu.memory_space<vmem>> -> memref<1x784xi32, #tpu.memory_space<vmem>>
    %dma_wait3A_43 = tpu.memref_squeeze %dma_wait3A_42 : memref<1x784xi32, #tpu.memory_space<vmem>> -> memref<784xi32, #tpu.memory_space<vmem>>
    %dma_wait3A_44 = tpu.memref_slice %arg3[%add3A_27] : memref<3211264xi32, #tpu.memory_space<hbm>> -> memref<784xi32, #tpu.memory_space<hbm>>
    tpu.wait_dma2 semaphore(%arg11 : memref<!tpu.dma_semaphore, #tpu.memory_space<semaphore_mem>>) src(%dma_wait3A_44 : memref<784xi32, #tpu.memory_space<hbm>>) dst(%dma_wait3A_43 : memref<784xi32, #tpu.memory_space<vmem>>)
    %dma_start3A_45 = arith.constant 0 : i32
    %dma_start3A_46 = arith.constant 0 : i32
    %dma_start3A_47 = arith.constant 0 : i32
    %dma_start3A_48 = arith.constant 0 : i32
    %dma_start3A_49 = tpu.memref_slice %arg9[%dma_start3A_46, %dma_start3A_47, %dma_start3A_48] : memref<2x784x16xf32, #tpu.memory_space<vmem>> -> memref<1x784x16xf32, #tpu.memory_space<vmem>>
    %dma_start3A_50 = tpu.memref_squeeze %dma_start3A_49 : memref<1x784x16xf32, #tpu.memory_space<vmem>> -> memref<784x16xf32, #tpu.memory_space<vmem>>
    %dma_start3A_51 = arith.constant 0 : i32
    %dma_start3A_52 = tpu.memref_slice %arg7[%dma_start3A_45, %dma_start3A_51] : memref<3x784xi32, #tpu.memory_space<vmem>> -> memref<1x784xi32, #tpu.memory_space<vmem>>
    %dma_start3A_53 = tpu.memref_squeeze %dma_start3A_52 : memref<1x784xi32, #tpu.memory_space<vmem>> -> memref<784xi32, #tpu.memory_space<vmem>>
    %dma_start3A_54 = arith.constant 0 : i32
    %dma_start3A_55 = arith.constant 0 : i32
    %dma_start3A_56 = tpu.memref_slice %arg4[%dma_start3A_54, %dma_start3A_55] : memref<100352x16xf32, #tpu.memory_space<hbm>> -> memref<100352x16xf32, #tpu.memory_space<hbm>>
    tpu.enqueue_indirect_dma source(%dma_start3A_56 : memref<100352x16xf32, #tpu.memory_space<hbm>>) target(%dma_start3A_50 : memref<784x16xf32, #tpu.memory_space<vmem>>) offsets(%dma_start3A_53 : memref<784xi32, #tpu.memory_space<vmem>>) semaphore(%arg12 : memref<!tpu.dma_semaphore, #tpu.memory_space<semaphore_mem>>)
    %add3A_57 = arith.constant 784 : i32
    %add3A_58 = arith.addi %mul3A_6, %add3A_57 : i32
    %dma_start3A_59 = arith.constant 1 : i32
    %dma_start3A_60 = arith.constant 0 : i32
    %dma_start3A_61 = tpu.memref_slice %arg7[%dma_start3A_59, %dma_start3A_60] : memref<3x784xi32, #tpu.memory_space<vmem>> -> memref<1x784xi32, #tpu.memory_space<vmem>>
    %dma_start3A_62 = tpu.memref_squeeze %dma_start3A_61 : memref<1x784xi32, #tpu.memory_space<vmem>> -> memref<784xi32, #tpu.memory_space<vmem>>
    %dma_start3A_63 = tpu.memref_slice %arg2[%add3A_58] : memref<3211264xi32, #tpu.memory_space<hbm>> -> memref<784xi32, #tpu.memory_space<hbm>>
    %dma_start3A_64 = arith.constant 0 : i32
    %dma_start3A_65 = tpu.memref_slice %arg7[%dma_start3A_59, %dma_start3A_64] : memref<3x784xi32, #tpu.memory_space<vmem>> -> memref<1x784xi32, #tpu.memory_space<vmem>>
    %dma_start3A_66 = tpu.memref_squeeze %dma_start3A_65 : memref<1x784xi32, #tpu.memory_space<vmem>> -> memref<784xi32, #tpu.memory_space<vmem>>
    %dma_start3A_67 = tpu.memref_slice %arg2[%add3A_58] : memref<3211264xi32, #tpu.memory_space<hbm>> -> memref<784xi32, #tpu.memory_space<hbm>>
    tpu.enqueue_dma source(%dma_start3A_67 : memref<784xi32, #tpu.memory_space<hbm>>) target(%dma_start3A_66 : memref<784xi32, #tpu.memory_space<vmem>>) target_semaphore(%arg11 : memref<!tpu.dma_semaphore, #tpu.memory_space<semaphore_mem>>)
    %dma_start3A_68 = arith.constant 1 : i32
    %dma_start3A_69 = arith.constant 0 : i32
    %dma_start3A_70 = tpu.memref_slice %arg8[%dma_start3A_68, %dma_start3A_69] : memref<3x784xi32, #tpu.memory_space<vmem>> -> memref<1x784xi32, #tpu.memory_space<vmem>>
    %dma_start3A_71 = tpu.memref_squeeze %dma_start3A_70 : memref<1x784xi32, #tpu.memory_space<vmem>> -> memref<784xi32, #tpu.memory_space<vmem>>
    %dma_start3A_72 = tpu.memref_slice %arg3[%add3A_58] : memref<3211264xi32, #tpu.memory_space<hbm>> -> memref<784xi32, #tpu.memory_space<hbm>>
    %dma_start3A_73 = arith.constant 0 : i32
    %dma_start3A_74 = tpu.memref_slice %arg8[%dma_start3A_68, %dma_start3A_73] : memref<3x784xi32, #tpu.memory_space<vmem>> -> memref<1x784xi32, #tpu.memory_space<vmem>>
    %dma_start3A_75 = tpu.memref_squeeze %dma_start3A_74 : memref<1x784xi32, #tpu.memory_space<vmem>> -> memref<784xi32, #tpu.memory_space<vmem>>
    %dma_start3A_76 = tpu.memref_slice %arg3[%add3A_58] : memref<3211264xi32, #tpu.memory_space<hbm>> -> memref<784xi32, #tpu.memory_space<hbm>>
    tpu.enqueue_dma source(%dma_start3A_76 : memref<784xi32, #tpu.memory_space<hbm>>) target(%dma_start3A_75 : memref<784xi32, #tpu.memory_space<vmem>>) target_semaphore(%arg11 : memref<!tpu.dma_semaphore, #tpu.memory_space<semaphore_mem>>)
    %scan3A = arith.constant 0 : i32
    %scan3A_77 = arith.constant 0 : i32
    %scan3A_78 = arith.constant 128 : i32
    %scan3A_79 = arith.addi %scan3A_77, %scan3A_78 : i32
    %scan3A_80 = arith.constant 1 : i32
    scf.for %scan3A_102 = %scan3A_77 to %scan3A_79 step %scan3A_80  : i32 {
      %rem3A = arith.constant 2 : i32
      %rem3A_103 = arith.remsi %scan3A_102, %rem3A : i32
      %sub3A = arith.constant 1 : i32
      %sub3A_104 = arith.subi %sub3A, %rem3A_103 : i32
      %rem3A_105 = arith.constant 3 : i32
      %rem3A_106 = arith.remsi %scan3A_102, %rem3A_105 : i32
      %add3A_107 = arith.constant 1 : i32
      %add3A_108 = arith.addi %scan3A_102, %add3A_107 : i32
      %rem3A_109 = arith.constant 3 : i32
      %rem3A_110 = arith.remsi %add3A_108, %rem3A_109 : i32
      %add3A_111 = arith.constant 2 : i32
      %add3A_112 = arith.addi %scan3A_102, %add3A_111 : i32
      %rem3A_113 = arith.constant 3 : i32
      %rem3A_114 = arith.remsi %add3A_112, %rem3A_113 : i32
      %dma_wait3A_115 = arith.constant 0 : i32
      %dma_wait3A_116 = arith.constant 0 : i32
      %dma_wait3A_117 = tpu.memref_slice %arg9[%rem3A_103, %dma_wait3A_115, %dma_wait3A_116] : memref<2x784x16xf32, #tpu.memory_space<vmem>> -> memref<1x784x16xf32, #tpu.memory_space<vmem>>
      %dma_wait3A_118 = tpu.memref_squeeze %dma_wait3A_117 : memref<1x784x16xf32, #tpu.memory_space<vmem>> -> memref<784x16xf32, #tpu.memory_space<vmem>>
      %dma_wait3A_119 = arith.constant 0 : i32
      %dma_wait3A_120 = tpu.memref_slice %arg7[%rem3A_106, %dma_wait3A_119] : memref<3x784xi32, #tpu.memory_space<vmem>> -> memref<1x784xi32, #tpu.memory_space<vmem>>
      %dma_wait3A_121 = tpu.memref_squeeze %dma_wait3A_120 : memref<1x784xi32, #tpu.memory_space<vmem>> -> memref<784xi32, #tpu.memory_space<vmem>>
      %dma_wait3A_122 = arith.constant 0 : i32
      %dma_wait3A_123 = arith.constant 0 : i32
      %dma_wait3A_124 = tpu.memref_slice %arg4[%dma_wait3A_122, %dma_wait3A_123] : memref<100352x16xf32, #tpu.memory_space<hbm>> -> memref<100352x16xf32, #tpu.memory_space<hbm>>
      tpu.wait_indirect_dma semaphore(%arg12 : memref<!tpu.dma_semaphore, #tpu.memory_space<semaphore_mem>>) src(%dma_wait3A_124 : memref<100352x16xf32, #tpu.memory_space<hbm>>) dst(%dma_wait3A_118 : memref<784x16xf32, #tpu.memory_space<vmem>>)
      %ge3A = arith.constant 1 : i32
      %ge3A_125 = arith.cmpi sge, %scan3A_102, %ge3A : i32
      %convert_element_type3A = arith.extui %ge3A_125 : i1 to i32
      %cond3A = arith.constant 0 : i32
      %cond3A_126 = arith.cmpi ne, %convert_element_type3A, %cond3A : i32
      scf.if %cond3A_126 {
        %dma_wait3A_146 = arith.constant 0 : i32
        %dma_wait3A_147 = arith.constant 0 : i32
        %dma_wait3A_148 = tpu.memref_slice %arg9[%sub3A_104, %dma_wait3A_146, %dma_wait3A_147] : memref<2x784x16xf32, #tpu.memory_space<vmem>> -> memref<1x784x16xf32, #tpu.memory_space<vmem>>
        %dma_wait3A_149 = tpu.memref_squeeze %dma_wait3A_148 : memref<1x784x16xf32, #tpu.memory_space<vmem>> -> memref<784x16xf32, #tpu.memory_space<vmem>>
        %dma_wait3A_150 = arith.constant 0 : i32
        %dma_wait3A_151 = tpu.memref_slice %arg8[%rem3A_114, %dma_wait3A_150] : memref<3x784xi32, #tpu.memory_space<vmem>> -> memref<1x784xi32, #tpu.memory_space<vmem>>
        %dma_wait3A_152 = tpu.memref_squeeze %dma_wait3A_151 : memref<1x784xi32, #tpu.memory_space<vmem>> -> memref<784xi32, #tpu.memory_space<vmem>>
        %dma_wait3A_153 = arith.constant 0 : i32
        %dma_wait3A_154 = arith.constant 0 : i32
        %dma_wait3A_155 = tpu.memref_slice %arg10[%dma_wait3A_153, %dma_wait3A_154] : memref<100352x16xf32, #tpu.memory_space<vmem_shared>> -> memref<100352x16xf32, #tpu.memory_space<vmem_shared>>
        tpu.wait_indirect_dma semaphore(%arg13 : memref<!tpu.dma_semaphore, #tpu.memory_space<semaphore_mem>>) src(%dma_wait3A_149 : memref<784x16xf32, #tpu.memory_space<vmem>>) dst(%dma_wait3A_155 : memref<100352x16xf32, #tpu.memory_space<vmem_shared>>)
      } else {
      }
      %dma_start3A_127 = arith.constant 0 : i32
      %dma_start3A_128 = arith.constant 0 : i32
      %dma_start3A_129 = tpu.memref_slice %arg9[%rem3A_103, %dma_start3A_127, %dma_start3A_128] : memref<2x784x16xf32, #tpu.memory_space<vmem>> -> memref<1x784x16xf32, #tpu.memory_space<vmem>>
      %dma_start3A_130 = tpu.memref_squeeze %dma_start3A_129 : memref<1x784x16xf32, #tpu.memory_space<vmem>> -> memref<784x16xf32, #tpu.memory_space<vmem>>
      %dma_start3A_131 = arith.constant 0 : i32
      %dma_start3A_132 = tpu.memref_slice %arg8[%rem3A_106, %dma_start3A_131] : memref<3x784xi32, #tpu.memory_space<vmem>> -> memref<1x784xi32, #tpu.memory_space<vmem>>
      %dma_start3A_133 = tpu.memref_squeeze %dma_start3A_132 : memref<1x784xi32, #tpu.memory_space<vmem>> -> memref<784xi32, #tpu.memory_space<vmem>>
      %dma_start3A_134 = arith.constant 0 : i32
      %dma_start3A_135 = arith.constant 0 : i32
      %dma_start3A_136 = tpu.memref_slice %arg10[%dma_start3A_134, %dma_start3A_135] : memref<100352x16xf32, #tpu.memory_space<vmem_shared>> -> memref<100352x16xf32, #tpu.memory_space<vmem_shared>>
      tpu.enqueue_indirect_dma source(%dma_start3A_130 : memref<784x16xf32, #tpu.memory_space<vmem>>) target(%dma_start3A_136 : memref<100352x16xf32, #tpu.memory_space<vmem_shared>>) offsets(%dma_start3A_133 : memref<784xi32, #tpu.memory_space<vmem>>) semaphore(%arg13 : memref<!tpu.dma_semaphore, #tpu.memory_space<semaphore_mem>>) {add = true}
      %le3A = arith.constant 126 : i32
      %le3A_137 = arith.cmpi sle, %scan3A_102, %le3A : i32
      %convert_element_type3A_138 = arith.extui %le3A_137 : i1 to i32
      %cond3A_139 = arith.constant 0 : i32
      %cond3A_140 = arith.cmpi ne, %convert_element_type3A_138, %cond3A_139 : i32
      scf.if %cond3A_140 {
        %add3A_146 = arith.constant 1 : i32
        %add3A_147 = arith.addi %scan3A_102, %add3A_146 : i32
        %mul3A_148 = arith.constant 784 : i32
        %mul3A_149 = arith.muli %add3A_147, %mul3A_148 : i32
        %add3A_150 = arith.addi %mul3A_6, %mul3A_149 : i32
        %dma_wait3A_151 = arith.constant 0 : i32
        %dma_wait3A_152 = tpu.memref_slice %arg7[%rem3A_110, %dma_wait3A_151] : memref<3x784xi32, #tpu.memory_space<vmem>> -> memref<1x784xi32, #tpu.memory_space<vmem>>
        %dma_wait3A_153 = tpu.memref_squeeze %dma_wait3A_152 : memref<1x784xi32, #tpu.memory_space<vmem>> -> memref<784xi32, #tpu.memory_space<vmem>>
        %dma_wait3A_154 = tpu.memref_slice %arg2[%add3A_150] : memref<3211264xi32, #tpu.memory_space<hbm>> -> memref<784xi32, #tpu.memory_space<hbm>>
        %dma_wait3A_155 = arith.constant 0 : i32
        %dma_wait3A_156 = tpu.memref_slice %arg7[%rem3A_110, %dma_wait3A_155] : memref<3x784xi32, #tpu.memory_space<vmem>> -> memref<1x784xi32, #tpu.memory_space<vmem>>
        %dma_wait3A_157 = tpu.memref_squeeze %dma_wait3A_156 : memref<1x784xi32, #tpu.memory_space<vmem>> -> memref<784xi32, #tpu.memory_space<vmem>>
        %dma_wait3A_158 = tpu.memref_slice %arg2[%add3A_150] : memref<3211264xi32, #tpu.memory_space<hbm>> -> memref<784xi32, #tpu.memory_space<hbm>>
        tpu.wait_dma2 semaphore(%arg11 : memref<!tpu.dma_semaphore, #tpu.memory_space<semaphore_mem>>) src(%dma_wait3A_158 : memref<784xi32, #tpu.memory_space<hbm>>) dst(%dma_wait3A_157 : memref<784xi32, #tpu.memory_space<vmem>>)
        %dma_wait3A_159 = arith.constant 0 : i32
        %dma_wait3A_160 = tpu.memref_slice %arg8[%rem3A_110, %dma_wait3A_159] : memref<3x784xi32, #tpu.memory_space<vmem>> -> memref<1x784xi32, #tpu.memory_space<vmem>>
        %dma_wait3A_161 = tpu.memref_squeeze %dma_wait3A_160 : memref<1x784xi32, #tpu.memory_space<vmem>> -> memref<784xi32, #tpu.memory_space<vmem>>
        %dma_wait3A_162 = tpu.memref_slice %arg3[%add3A_150] : memref<3211264xi32, #tpu.memory_space<hbm>> -> memref<784xi32, #tpu.memory_space<hbm>>
        %dma_wait3A_163 = arith.constant 0 : i32
        %dma_wait3A_164 = tpu.memref_slice %arg8[%rem3A_110, %dma_wait3A_163] : memref<3x784xi32, #tpu.memory_space<vmem>> -> memref<1x784xi32, #tpu.memory_space<vmem>>
        %dma_wait3A_165 = tpu.memref_squeeze %dma_wait3A_164 : memref<1x784xi32, #tpu.memory_space<vmem>> -> memref<784xi32, #tpu.memory_space<vmem>>
        %dma_wait3A_166 = tpu.memref_slice %arg3[%add3A_150] : memref<3211264xi32, #tpu.memory_space<hbm>> -> memref<784xi32, #tpu.memory_space<hbm>>
        tpu.wait_dma2 semaphore(%arg11 : memref<!tpu.dma_semaphore, #tpu.memory_space<semaphore_mem>>) src(%dma_wait3A_166 : memref<784xi32, #tpu.memory_space<hbm>>) dst(%dma_wait3A_165 : memref<784xi32, #tpu.memory_space<vmem>>)
        %dma_start3A_167 = arith.constant 0 : i32
        %dma_start3A_168 = arith.constant 0 : i32
        %dma_start3A_169 = tpu.memref_slice %arg9[%sub3A_104, %dma_start3A_167, %dma_start3A_168] : memref<2x784x16xf32, #tpu.memory_space<vmem>> -> memref<1x784x16xf32, #tpu.memory_space<vmem>>
        %dma_start3A_170 = tpu.memref_squeeze %dma_start3A_169 : memref<1x784x16xf32, #tpu.memory_space<vmem>> -> memref<784x16xf32, #tpu.memory_space<vmem>>
        %dma_start3A_171 = arith.constant 0 : i32
        %dma_start3A_172 = tpu.memref_slice %arg7[%rem3A_110, %dma_start3A_171] : memref<3x784xi32, #tpu.memory_space<vmem>> -> memref<1x784xi32, #tpu.memory_space<vmem>>
        %dma_start3A_173 = tpu.memref_squeeze %dma_start3A_172 : memref<1x784xi32, #tpu.memory_space<vmem>> -> memref<784xi32, #tpu.memory_space<vmem>>
        %dma_start3A_174 = arith.constant 0 : i32
        %dma_start3A_175 = arith.constant 0 : i32
        %dma_start3A_176 = tpu.memref_slice %arg4[%dma_start3A_174, %dma_start3A_175] : memref<100352x16xf32, #tpu.memory_space<hbm>> -> memref<100352x16xf32, #tpu.memory_space<hbm>>
        tpu.enqueue_indirect_dma source(%dma_start3A_176 : memref<100352x16xf32, #tpu.memory_space<hbm>>) target(%dma_start3A_170 : memref<784x16xf32, #tpu.memory_space<vmem>>) offsets(%dma_start3A_173 : memref<784xi32, #tpu.memory_space<vmem>>) semaphore(%arg12 : memref<!tpu.dma_semaphore, #tpu.memory_space<semaphore_mem>>)
      } else {
      }
      %le3A_141 = arith.constant 125 : i32
      %le3A_142 = arith.cmpi sle, %scan3A_102, %le3A_141 : i32
      %convert_element_type3A_143 = arith.extui %le3A_142 : i1 to i32
      %cond3A_144 = arith.constant 0 : i32
      %cond3A_145 = arith.cmpi ne, %convert_element_type3A_143, %cond3A_144 : i32
      scf.if %cond3A_145 {
        %add3A_146 = arith.constant 2 : i32
        %add3A_147 = arith.addi %scan3A_102, %add3A_146 : i32
        %mul3A_148 = arith.constant 784 : i32
        %mul3A_149 = arith.muli %add3A_147, %mul3A_148 : i32
        %add3A_150 = arith.addi %mul3A_6, %mul3A_149 : i32
        %dma_start3A_151 = arith.constant 0 : i32
        %dma_start3A_152 = tpu.memref_slice %arg7[%rem3A_114, %dma_start3A_151] : memref<3x784xi32, #tpu.memory_space<vmem>> -> memref<1x784xi32, #tpu.memory_space<vmem>>
        %dma_start3A_153 = tpu.memref_squeeze %dma_start3A_152 : memref<1x784xi32, #tpu.memory_space<vmem>> -> memref<784xi32, #tpu.memory_space<vmem>>
        %dma_start3A_154 = tpu.memref_slice %arg2[%add3A_150] : memref<3211264xi32, #tpu.memory_space<hbm>> -> memref<784xi32, #tpu.memory_space<hbm>>
        %dma_start3A_155 = arith.constant 0 : i32
        %dma_start3A_156 = tpu.memref_slice %arg7[%rem3A_114, %dma_start3A_155] : memref<3x784xi32, #tpu.memory_space<vmem>> -> memref<1x784xi32, #tpu.memory_space<vmem>>
        %dma_start3A_157 = tpu.memref_squeeze %dma_start3A_156 : memref<1x784xi32, #tpu.memory_space<vmem>> -> memref<784xi32, #tpu.memory_space<vmem>>
        %dma_start3A_158 = tpu.memref_slice %arg2[%add3A_150] : memref<3211264xi32, #tpu.memory_space<hbm>> -> memref<784xi32, #tpu.memory_space<hbm>>
        tpu.enqueue_dma source(%dma_start3A_158 : memref<784xi32, #tpu.memory_space<hbm>>) target(%dma_start3A_157 : memref<784xi32, #tpu.memory_space<vmem>>) target_semaphore(%arg11 : memref<!tpu.dma_semaphore, #tpu.memory_space<semaphore_mem>>)
        %dma_start3A_159 = arith.constant 0 : i32
        %dma_start3A_160 = tpu.memref_slice %arg8[%rem3A_114, %dma_start3A_159] : memref<3x784xi32, #tpu.memory_space<vmem>> -> memref<1x784xi32, #tpu.memory_space<vmem>>
        %dma_start3A_161 = tpu.memref_squeeze %dma_start3A_160 : memref<1x784xi32, #tpu.memory_space<vmem>> -> memref<784xi32, #tpu.memory_space<vmem>>
        %dma_start3A_162 = tpu.memref_slice %arg3[%add3A_150] : memref<3211264xi32, #tpu.memory_space<hbm>> -> memref<784xi32, #tpu.memory_space<hbm>>
        %dma_start3A_163 = arith.constant 0 : i32
        %dma_start3A_164 = tpu.memref_slice %arg8[%rem3A_114, %dma_start3A_163] : memref<3x784xi32, #tpu.memory_space<vmem>> -> memref<1x784xi32, #tpu.memory_space<vmem>>
        %dma_start3A_165 = tpu.memref_squeeze %dma_start3A_164 : memref<1x784xi32, #tpu.memory_space<vmem>> -> memref<784xi32, #tpu.memory_space<vmem>>
        %dma_start3A_166 = tpu.memref_slice %arg3[%add3A_150] : memref<3211264xi32, #tpu.memory_space<hbm>> -> memref<784xi32, #tpu.memory_space<hbm>>
        tpu.enqueue_dma source(%dma_start3A_166 : memref<784xi32, #tpu.memory_space<hbm>>) target(%dma_start3A_165 : memref<784xi32, #tpu.memory_space<vmem>>) target_semaphore(%arg11 : memref<!tpu.dma_semaphore, #tpu.memory_space<semaphore_mem>>)
      } else {
      }
    }
    %scan3A_81 = arith.constant 128 : i32
    %dma_wait3A_82 = arith.constant 1 : i32
    %dma_wait3A_83 = arith.constant 1 : i32
    %dma_wait3A_84 = arith.constant 0 : i32
    %dma_wait3A_85 = arith.constant 0 : i32
    %dma_wait3A_86 = tpu.memref_slice %arg9[%dma_wait3A_82, %dma_wait3A_84, %dma_wait3A_85] : memref<2x784x16xf32, #tpu.memory_space<vmem>> -> memref<1x784x16xf32, #tpu.memory_space<vmem>>
    %dma_wait3A_87 = tpu.memref_squeeze %dma_wait3A_86 : memref<1x784x16xf32, #tpu.memory_space<vmem>> -> memref<784x16xf32, #tpu.memory_space<vmem>>
    %dma_wait3A_88 = arith.constant 0 : i32
    %dma_wait3A_89 = tpu.memref_slice %arg8[%dma_wait3A_83, %dma_wait3A_88] : memref<3x784xi32, #tpu.memory_space<vmem>> -> memref<1x784xi32, #tpu.memory_space<vmem>>
    %dma_wait3A_90 = tpu.memref_squeeze %dma_wait3A_89 : memref<1x784xi32, #tpu.memory_space<vmem>> -> memref<784xi32, #tpu.memory_space<vmem>>
    %dma_wait3A_91 = arith.constant 0 : i32
    %dma_wait3A_92 = arith.constant 0 : i32
    %dma_wait3A_93 = tpu.memref_slice %arg10[%dma_wait3A_91, %dma_wait3A_92] : memref<100352x16xf32, #tpu.memory_space<vmem_shared>> -> memref<100352x16xf32, #tpu.memory_space<vmem_shared>>
    tpu.wait_indirect_dma semaphore(%arg13 : memref<!tpu.dma_semaphore, #tpu.memory_space<semaphore_mem>>) src(%dma_wait3A_87 : memref<784x16xf32, #tpu.memory_space<vmem>>) dst(%dma_wait3A_93 : memref<100352x16xf32, #tpu.memory_space<vmem_shared>>)
    %barrier3A_94 = arith.constant 0 : index
    tpu.barrier barrier_id(%barrier3A_94)
    %mul3A_95 = arith.constant 6272 : i32
    %mul3A_96 = arith.muli %arg1, %mul3A_95 : i32
    %mul3A_97 = arith.constant 100352 : i32
    %mul3A_98 = arith.muli %arg0, %mul3A_97 : i32
    %mul3A_99 = arith.constant 6272 : i32
    %mul3A_100 = arith.muli %arg1, %mul3A_99 : i32
    %add3A_101 = arith.addi %mul3A_98, %mul3A_100 : i32
    "tpu.region"() ({
      %run_scoped3A = tpu.sem_alloc : memref<!tpu.dma_semaphore, #tpu.memory_space<semaphore_mem>>
      %dma_start3A_102 = arith.constant 0 : i32
      %dma_start3A_103 = tpu.memref_slice %arg6[%add3A_101, %dma_start3A_102] : memref<200704x16xf32, #tpu.memory_space<hbm>> -> memref<6272x16xf32, #tpu.memory_space<hbm>>
      %dma_start3A_104 = arith.constant 0 : i32
      %dma_start3A_105 = tpu.memref_slice %arg10[%mul3A_96, %dma_start3A_104] : memref<100352x16xf32, #tpu.memory_space<vmem_shared>> -> memref<6272x16xf32, #tpu.memory_space<vmem_shared>>
      tpu.enqueue_dma source(%dma_start3A_105 : memref<6272x16xf32, #tpu.memory_space<vmem_shared>>) target(%dma_start3A_103 : memref<6272x16xf32, #tpu.memory_space<hbm>>) target_semaphore(%run_scoped3A : memref<!tpu.dma_semaphore, #tpu.memory_space<semaphore_mem>>)
      %dma_wait3A_106 = arith.constant 0 : i32
      %dma_wait3A_107 = tpu.memref_slice %arg6[%add3A_101, %dma_wait3A_106] : memref<200704x16xf32, #tpu.memory_space<hbm>> -> memref<6272x16xf32, #tpu.memory_space<hbm>>
      %dma_wait3A_108 = arith.constant 0 : i32
      %dma_wait3A_109 = tpu.memref_slice %arg10[%mul3A_96, %dma_wait3A_108] : memref<100352x16xf32, #tpu.memory_space<vmem_shared>> -> memref<6272x16xf32, #tpu.memory_space<vmem_shared>>
      tpu.wait_dma2 semaphore(%run_scoped3A : memref<!tpu.dma_semaphore, #tpu.memory_space<semaphore_mem>>) src(%dma_wait3A_109 : memref<6272x16xf32, #tpu.memory_space<vmem_shared>>) dst(%dma_wait3A_107 : memref<6272x16xf32, #tpu.memory_space<hbm>>)
      tpu.yield
    }) : () -> ()
    return
  }
}

module attributes {stable_mosaic.version = 14 : i64} {
  func.func @_tc0_body(%arg0: i32, %arg1: memref<2000x896xf32, #tpu.memory_space<vmem>>, %arg2: memref<896x16xf32, #tpu.memory_space<vmem>>, %arg3: memref<2000x16xf32, #tpu.memory_space<vmem>>) attributes {dimension_semantics = [#tpu.dimension_semantics<arbitrary>], iteration_bounds = array<i64: 50>, scalar_prefetch = 0 : i64, scratch_operands = 0 : i64, tpu.core_type = #tpu.core_type<tc>, window_params = [{transform_indices = @transform_0, window_bounds = array<i64: 2000, 896>}, {pipeline_mode = #tpu.pipeline_mode<synchronous>, transform_indices = @transform_1, window_bounds = array<i64: 896, 16>}, {transform_indices = @transform_2, window_bounds = array<i64: 2000, 16>}]} {
    %get3A = arith.constant 0 : index
    %get3A_0 = arith.constant 0 : index
    %get3A_1 = vector.load %arg1[%get3A, %get3A_0] : memref<2000x896xf32, #tpu.memory_space<vmem>>, vector<2000x896xf32>
    %get3A_2 = arith.constant 0 : index
    %get3A_3 = arith.constant 0 : index
    %get3A_4 = vector.load %arg2[%get3A_2, %get3A_3] : memref<896x16xf32, #tpu.memory_space<vmem>>, vector<896x16xf32>
    %dot_general3A = arith.constant dense<0.000000e+00> : vector<2000x16xf32>
    %dot_general3A_5 = tpu.matmul %get3A_1, %get3A_4, %dot_general3A {dimension_numbers = #tpu.dot_dimension_numbers<[1], [0], [0], [1], [0, 0, 1, 1], [], []>, transpose_lhs_hint = false} : vector<2000x896xf32>, vector<896x16xf32>, vector<2000x16xf32> -> vector<2000x16xf32>
    %swap3A = arith.constant 0 : index
    %swap3A_6 = arith.constant 0 : index
    %swap3A_7 = vector.load %arg3[%swap3A, %swap3A_6] : memref<2000x16xf32, #tpu.memory_space<vmem>>, vector<2000x16xf32>
    tpu.vector_store %arg3[%swap3A, %swap3A_6], %dot_general3A_5 {strides = array<i32>} : memref<2000x16xf32, #tpu.memory_space<vmem>>, vector<2000x16xf32>,
    return
  }
  func.func @transform_0(%arg0: i32) -> (i32, i32) {
    %c0_i32 = arith.constant 0 : i32
    %c0_i32_0 = arith.constant 0 : i32
    return %arg0, %c0_i32 : i32, i32
  }
  func.func @transform_1(%arg0: i32) -> (i32, i32) {
    %c0_i32 = arith.constant 0 : i32
    %c0_i32_0 = arith.constant 0 : i32
    %c0_i32_1 = arith.constant 0 : i32
    return %c0_i32, %c0_i32_0 : i32, i32
  }
  func.func @transform_2(%arg0: i32) -> (i32, i32) {
    %c0_i32 = arith.constant 0 : i32
    %c0_i32_0 = arith.constant 0 : i32
    return %arg0, %c0_i32 : i32, i32
  }
}

module attributes {stable_mosaic.version = 14 : i64} {
  func.func @_pre_body(%arg0: i32, %arg1: memref<3136x128xf32, #tpu.memory_space<vmem>>, %arg2: memref<3136x128xf32, #tpu.memory_space<vmem>>, %arg3: memref<3136x128xf32, #tpu.memory_space<vmem>>, %arg4: memref<3136x128xf32, #tpu.memory_space<vmem>>, %arg5: memref<3136x128xf32, #tpu.memory_space<vmem>>) attributes {dimension_semantics = [#tpu.dimension_semantics<arbitrary>], iteration_bounds = array<i64: 4>, scalar_prefetch = 0 : i64, scratch_operands = 0 : i64, tpu.core_type = #tpu.core_type<tc>, window_params = [{transform_indices = @transform_0, window_bounds = array<i64: 3136, 128>}, {transform_indices = @transform_1, window_bounds = array<i64: 3136, 128>}, {transform_indices = @transform_2, window_bounds = array<i64: 3136, 128>}, {transform_indices = @transform_3, window_bounds = array<i64: 3136, 128>}, {transform_indices = @transform_4, window_bounds = array<i64: 3136, 128>}]} {
    %get3A = arith.constant 0 : index
    %get3A_0 = arith.constant 0 : index
    %get3A_1 = vector.load %arg2[%get3A, %get3A_0] : memref<3136x128xf32, #tpu.memory_space<vmem>>, vector<3136x128xf32>
    %add3A = arith.constant 1.000000e+00 : f32
    %add3A_2 = vector.broadcast %add3A : f32 to vector<3136x128xf32>
    %add3A_3 = arith.addf %add3A_2, %get3A_1 : vector<3136x128xf32>
    %get3A_4 = arith.constant 0 : index
    %get3A_5 = arith.constant 0 : index
    %get3A_6 = vector.load %arg3[%get3A_4, %get3A_5] : memref<3136x128xf32, #tpu.memory_space<vmem>>, vector<3136x128xf32>
    %add3A_7 = arith.addf %add3A_3, %get3A_6 : vector<3136x128xf32>
    %rsqrt3A = math.rsqrt %add3A_7 : vector<3136x128xf32>
    %swap3A = arith.constant 0 : index
    %swap3A_8 = arith.constant 0 : index
    %swap3A_9 = vector.load %arg4[%swap3A, %swap3A_8] : memref<3136x128xf32, #tpu.memory_space<vmem>>, vector<3136x128xf32>
    tpu.vector_store %arg4[%swap3A, %swap3A_8], %rsqrt3A {strides = array<i32>} : memref<3136x128xf32, #tpu.memory_space<vmem>>, vector<3136x128xf32>,
    %get3A_10 = arith.constant 0 : index
    %get3A_11 = arith.constant 0 : index
    %get3A_12 = vector.load %arg1[%get3A_10, %get3A_11] : memref<3136x128xf32, #tpu.memory_space<vmem>>, vector<3136x128xf32>
    %mul3A = arith.mulf %get3A_12, %rsqrt3A : vector<3136x128xf32>
    %swap3A_13 = arith.constant 0 : index
    %swap3A_14 = arith.constant 0 : index
    %swap3A_15 = vector.load %arg5[%swap3A_13, %swap3A_14] : memref<3136x128xf32, #tpu.memory_space<vmem>>, vector<3136x128xf32>
    tpu.vector_store %arg5[%swap3A_13, %swap3A_14], %mul3A {strides = array<i32>} : memref<3136x128xf32, #tpu.memory_space<vmem>>, vector<3136x128xf32>,
    return
  }
  func.func @transform_0(%arg0: i32) -> (i32, i32) {
    %c0_i32 = arith.constant 0 : i32
    %c0_i32_0 = arith.constant 0 : i32
    return %arg0, %c0_i32 : i32, i32
  }
  func.func @transform_1(%arg0: i32) -> (i32, i32) {
    %c0_i32 = arith.constant 0 : i32
    %c0_i32_0 = arith.constant 0 : i32
    return %arg0, %c0_i32 : i32, i32
  }
  func.func @transform_2(%arg0: i32) -> (i32, i32) {
    %c0_i32 = arith.constant 0 : i32
    %c0_i32_0 = arith.constant 0 : i32
    return %arg0, %c0_i32 : i32, i32
  }
  func.func @transform_3(%arg0: i32) -> (i32, i32) {
    %c0_i32 = arith.constant 0 : i32
    %c0_i32_0 = arith.constant 0 : i32
    return %arg0, %c0_i32 : i32, i32
  }
  func.func @transform_4(%arg0: i32) -> (i32, i32) {
    %c0_i32 = arith.constant 0 : i32
    %c0_i32_0 = arith.constant 0 : i32
    return %arg0, %c0_i32 : i32, i32
  }
}

module attributes {stable_mosaic.version = 14 : i64} {
  func.func @_layer_body(%arg0: i32, %arg1: memref<3136x128xf32, #tpu.memory_space<vmem>>, %arg2: memref<3136x128xf32, #tpu.memory_space<vmem>>, %arg3: memref<3136x128xf32, #tpu.memory_space<vmem>>, %arg4: memref<3136x128xf32, #tpu.memory_space<vmem>>, %arg5: memref<128x128xf32, #tpu.memory_space<vmem>>, %arg6: memref<1x128xf32, #tpu.memory_space<vmem>>, %arg7: memref<1x128xf32, #tpu.memory_space<vmem>>, %arg8: memref<1x128xf32, #tpu.memory_space<vmem>>, %arg9: memref<128x128xf32, #tpu.memory_space<vmem>>, %arg10: memref<3136x128xf32, #tpu.memory_space<vmem>>, %arg11: memref<3136x128xf32, #tpu.memory_space<vmem>>) attributes {dimension_semantics = [#tpu.dimension_semantics<arbitrary>], iteration_bounds = array<i64: 4>, scalar_prefetch = 0 : i64, scratch_operands = 0 : i64, tpu.core_type = #tpu.core_type<tc>, window_params = [{transform_indices = @transform_0, window_bounds = array<i64: 3136, 128>}, {transform_indices = @transform_1, window_bounds = array<i64: 3136, 128>}, {transform_indices = @transform_2, window_bounds = array<i64: 3136, 128>}, {transform_indices = @transform_3, window_bounds = array<i64: 3136, 128>}, {pipeline_mode = #tpu.pipeline_mode<synchronous>, transform_indices = @transform_4, window_bounds = array<i64: 128, 128>}, {pipeline_mode = #tpu.pipeline_mode<synchronous>, transform_indices = @transform_5, window_bounds = array<i64: 1, 128>}, {pipeline_mode = #tpu.pipeline_mode<synchronous>, transform_indices = @transform_6, window_bounds = array<i64: 1, 128>}, {pipeline_mode = #tpu.pipeline_mode<synchronous>, transform_indices = @transform_7, window_bounds = array<i64: 1, 128>}, {pipeline_mode = #tpu.pipeline_mode<synchronous>, transform_indices = @transform_8, window_bounds = array<i64: 128, 128>}, {transform_indices = @transform_9, window_bounds = array<i64: 3136, 128>}, {transform_indices = @transform_10, window_bounds = array<i64: 3136, 128>}]} {
    %get3A = arith.constant 0 : index
    %get3A_0 = arith.constant 0 : index
    %get3A_1 = vector.load %arg4[%get3A, %get3A_0] : memref<3136x128xf32, #tpu.memory_space<vmem>>, vector<3136x128xf32>
    %get3A_2 = arith.constant 0 : index
    %get3A_3 = arith.constant 0 : index
    %get3A_4 = vector.load %arg1[%get3A_2, %get3A_3] : memref<3136x128xf32, #tpu.memory_space<vmem>>, vector<3136x128xf32>
    %get3A_5 = arith.constant 0 : index
    %get3A_6 = arith.constant 0 : index
    %get3A_7 = vector.load %arg2[%get3A_5, %get3A_6] : memref<3136x128xf32, #tpu.memory_space<vmem>>, vector<3136x128xf32>
    %add3A = arith.addf %get3A_4, %get3A_7 : vector<3136x128xf32>
    %get3A_8 = arith.constant 0 : index
    %get3A_9 = arith.constant 0 : index
    %get3A_10 = vector.load %arg3[%get3A_8, %get3A_9] : memref<3136x128xf32, #tpu.memory_space<vmem>>, vector<3136x128xf32>
    %add3A_11 = arith.addf %add3A, %get3A_10 : vector<3136x128xf32>
    %mul3A = arith.mulf %get3A_1, %add3A_11 : vector<3136x128xf32>
    %get3A_12 = arith.constant 0 : index
    %get3A_13 = arith.constant 0 : index
    %get3A_14 = vector.load %arg8[%get3A_12, %get3A_13] : memref<1x128xf32, #tpu.memory_space<vmem>>, vector<1x128xf32>
    %add3A_15 = vector.broadcast %get3A_14 : vector<1x128xf32> to vector<3136x128xf32>
    %add3A_16 = arith.addf %mul3A, %add3A_15 : vector<3136x128xf32>
    %get3A_17 = arith.constant 0 : index
    %get3A_18 = arith.constant 0 : index
    %get3A_19 = vector.load %arg5[%get3A_17, %get3A_18] : memref<128x128xf32, #tpu.memory_space<vmem>>, vector<128x128xf32>
    %get3A_20 = arith.constant 0 : index
    %get3A_21 = arith.constant 0 : index
    %get3A_22 = vector.load %arg6[%get3A_20, %get3A_21] : memref<1x128xf32, #tpu.memory_space<vmem>>, vector<1x128xf32>
    %get3A_23 = arith.constant 0 : index
    %get3A_24 = arith.constant 0 : index
    %get3A_25 = vector.load %arg7[%get3A_23, %get3A_24] : memref<1x128xf32, #tpu.memory_space<vmem>>, vector<1x128xf32>
    %dot_general3A = arith.constant dense<0.000000e+00> : vector<3136x128xf32>
    %dot_general3A_26 = tpu.matmul %add3A_16, %get3A_19, %dot_general3A {dimension_numbers = #tpu.dot_dimension_numbers<[1], [0], [0], [1], [0, 0, 1, 1], [], []>, transpose_lhs_hint = false} : vector<3136x128xf32>, vector<128x128xf32>, vector<3136x128xf32> -> vector<3136x128xf32>
    %sub3A = arith.subf %add3A_16, %dot_general3A_26 : vector<3136x128xf32>
    %mul3A_27 = arith.mulf %sub3A, %sub3A : vector<3136x128xf32>
    %dot_general3A_28 = arith.constant dense<0.000000e+00> : vector<3136x128xf32>
    %dot_general3A_29 = tpu.matmul %mul3A_27, %get3A_19, %dot_general3A_28 {dimension_numbers = #tpu.dot_dimension_numbers<[1], [0], [0], [1], [0, 0, 1, 1], [], []>, transpose_lhs_hint = false} : vector<3136x128xf32>, vector<128x128xf32>, vector<3136x128xf32> -> vector<3136x128xf32>
    %add3A_30 = arith.constant 9.99999974E-6 : f32
    %add3A_31 = vector.broadcast %add3A_30 : f32 to vector<3136x128xf32>
    %add3A_32 = arith.addf %dot_general3A_29, %add3A_31 : vector<3136x128xf32>
    %rsqrt3A = math.rsqrt %add3A_32 : vector<3136x128xf32>
    %mul3A_33 = arith.mulf %sub3A, %rsqrt3A : vector<3136x128xf32>
    %mul3A_34 = vector.broadcast %get3A_22 : vector<1x128xf32> to vector<3136x128xf32>
    %mul3A_35 = arith.mulf %mul3A_33, %mul3A_34 : vector<3136x128xf32>
    %add3A_36 = vector.broadcast %get3A_25 : vector<1x128xf32> to vector<3136x128xf32>
    %add3A_37 = arith.addf %mul3A_35, %add3A_36 : vector<3136x128xf32>
    %max3A = arith.constant 0.000000e+00 : f32
    %max3A_38 = vector.broadcast %max3A : f32 to vector<3136x128xf32>
    %max3A_39 = arith.maximumf %add3A_37, %max3A_38 : vector<3136x128xf32>
    %swap3A = arith.constant 0 : index
    %swap3A_40 = arith.constant 0 : index
    %swap3A_41 = vector.load %arg10[%swap3A, %swap3A_40] : memref<3136x128xf32, #tpu.memory_space<vmem>>, vector<3136x128xf32>
    tpu.vector_store %arg10[%swap3A, %swap3A_40], %max3A_39 {strides = array<i32>} : memref<3136x128xf32, #tpu.memory_space<vmem>>, vector<3136x128xf32>,
    %get3A_42 = arith.constant 0 : index
    %get3A_43 = arith.constant 0 : index
    %get3A_44 = vector.load %arg9[%get3A_42, %get3A_43] : memref<128x128xf32, #tpu.memory_space<vmem>>, vector<128x128xf32>
    %dot_general3A_45 = arith.constant dense<0.000000e+00> : vector<3136x128xf32>
    %dot_general3A_46 = tpu.matmul %max3A_39, %get3A_44, %dot_general3A_45 {dimension_numbers = #tpu.dot_dimension_numbers<[1], [0], [0], [1], [0, 0, 1, 1], [], []>, transpose_lhs_hint = false} : vector<3136x128xf32>, vector<128x128xf32>, vector<3136x128xf32> -> vector<3136x128xf32>
    %mul3A_47 = arith.mulf %dot_general3A_46, %get3A_1 : vector<3136x128xf32>
    %swap3A_48 = arith.constant 0 : index
    %swap3A_49 = arith.constant 0 : index
    %swap3A_50 = vector.load %arg11[%swap3A_48, %swap3A_49] : memref<3136x128xf32, #tpu.memory_space<vmem>>, vector<3136x128xf32>
    tpu.vector_store %arg11[%swap3A_48, %swap3A_49], %mul3A_47 {strides = array<i32>} : memref<3136x128xf32, #tpu.memory_space<vmem>>, vector<3136x128xf32>,
    return
  }
  func.func @transform_0(%arg0: i32) -> (i32, i32) {
    %c0_i32 = arith.constant 0 : i32
    %c0_i32_0 = arith.constant 0 : i32
    return %arg0, %c0_i32 : i32, i32
  }
  func.func @transform_1(%arg0: i32) -> (i32, i32) {
    %c0_i32 = arith.constant 0 : i32
    %c0_i32_0 = arith.constant 0 : i32
    return %arg0, %c0_i32 : i32, i32
  }
  func.func @transform_2(%arg0: i32) -> (i32, i32) {
    %c0_i32 = arith.constant 0 : i32
    %c0_i32_0 = arith.constant 0 : i32
    return %arg0, %c0_i32 : i32, i32
  }
  func.func @transform_3(%arg0: i32) -> (i32, i32) {
    %c0_i32 = arith.constant 0 : i32
    %c0_i32_0 = arith.constant 0 : i32
    return %arg0, %c0_i32 : i32, i32
  }
  func.func @transform_4(%arg0: i32) -> (i32, i32) {
    %c0_i32 = arith.constant 0 : i32
    %c0_i32_0 = arith.constant 0 : i32
    %c0_i32_1 = arith.constant 0 : i32
    return %c0_i32, %c0_i32_0 : i32, i32
  }
  func.func @transform_5(%arg0: i32) -> (i32, i32) {
    %c0_i32 = arith.constant 0 : i32
    %c0_i32_0 = arith.constant 0 : i32
    %c0_i32_1 = arith.constant 0 : i32
    return %c0_i32, %c0_i32_0 : i32, i32
  }
  func.func @transform_6(%arg0: i32) -> (i32, i32) {
    %c0_i32 = arith.constant 0 : i32
    %c0_i32_0 = arith.constant 0 : i32
    %c0_i32_1 = arith.constant 0 : i32
    return %c0_i32, %c0_i32_0 : i32, i32
  }
  func.func @transform_7(%arg0: i32) -> (i32, i32) {
    %c0_i32 = arith.constant 0 : i32
    %c0_i32_0 = arith.constant 0 : i32
    %c0_i32_1 = arith.constant 0 : i32
    return %c0_i32, %c0_i32_0 : i32, i32
  }
  func.func @transform_8(%arg0: i32) -> (i32, i32) {
    %c0_i32 = arith.constant 0 : i32
    %c0_i32_0 = arith.constant 0 : i32
    %c0_i32_1 = arith.constant 0 : i32
    return %c0_i32, %c0_i32_0 : i32, i32
  }
  func.func @transform_9(%arg0: i32) -> (i32, i32) {
    %c0_i32 = arith.constant 0 : i32
    %c0_i32_0 = arith.constant 0 : i32
    return %arg0, %c0_i32 : i32, i32
  }
  func.func @transform_10(%arg0: i32) -> (i32, i32) {
    %c0_i32 = arith.constant 0 : i32
    %c0_i32_0 = arith.constant 0 : i32
    return %arg0, %c0_i32 : i32, i32
  }
}

module attributes {stable_mosaic.version = 14 : i64} {
  func.func @_last_layer_body(%arg0: i32, %arg1: memref<3136x128xf32, #tpu.memory_space<vmem>>, %arg2: memref<3136x128xf32, #tpu.memory_space<vmem>>, %arg3: memref<3136x128xf32, #tpu.memory_space<vmem>>, %arg4: memref<3136x128xf32, #tpu.memory_space<vmem>>, %arg5: memref<128x128xf32, #tpu.memory_space<vmem>>, %arg6: memref<1x128xf32, #tpu.memory_space<vmem>>, %arg7: memref<1x128xf32, #tpu.memory_space<vmem>>, %arg8: memref<1x128xf32, #tpu.memory_space<vmem>>, %arg9: memref<3136x128xf32, #tpu.memory_space<vmem>>) attributes {dimension_semantics = [#tpu.dimension_semantics<arbitrary>], iteration_bounds = array<i64: 4>, scalar_prefetch = 0 : i64, scratch_operands = 0 : i64, tpu.core_type = #tpu.core_type<tc>, window_params = [{transform_indices = @transform_0, window_bounds = array<i64: 3136, 128>}, {transform_indices = @transform_1, window_bounds = array<i64: 3136, 128>}, {transform_indices = @transform_2, window_bounds = array<i64: 3136, 128>}, {transform_indices = @transform_3, window_bounds = array<i64: 3136, 128>}, {pipeline_mode = #tpu.pipeline_mode<synchronous>, transform_indices = @transform_4, window_bounds = array<i64: 128, 128>}, {pipeline_mode = #tpu.pipeline_mode<synchronous>, transform_indices = @transform_5, window_bounds = array<i64: 1, 128>}, {pipeline_mode = #tpu.pipeline_mode<synchronous>, transform_indices = @transform_6, window_bounds = array<i64: 1, 128>}, {pipeline_mode = #tpu.pipeline_mode<synchronous>, transform_indices = @transform_7, window_bounds = array<i64: 1, 128>}, {transform_indices = @transform_8, window_bounds = array<i64: 3136, 128>}]} {
    %get3A = arith.constant 0 : index
    %get3A_0 = arith.constant 0 : index
    %get3A_1 = vector.load %arg4[%get3A, %get3A_0] : memref<3136x128xf32, #tpu.memory_space<vmem>>, vector<3136x128xf32>
    %get3A_2 = arith.constant 0 : index
    %get3A_3 = arith.constant 0 : index
    %get3A_4 = vector.load %arg1[%get3A_2, %get3A_3] : memref<3136x128xf32, #tpu.memory_space<vmem>>, vector<3136x128xf32>
    %get3A_5 = arith.constant 0 : index
    %get3A_6 = arith.constant 0 : index
    %get3A_7 = vector.load %arg2[%get3A_5, %get3A_6] : memref<3136x128xf32, #tpu.memory_space<vmem>>, vector<3136x128xf32>
    %add3A = arith.addf %get3A_4, %get3A_7 : vector<3136x128xf32>
    %get3A_8 = arith.constant 0 : index
    %get3A_9 = arith.constant 0 : index
    %get3A_10 = vector.load %arg3[%get3A_8, %get3A_9] : memref<3136x128xf32, #tpu.memory_space<vmem>>, vector<3136x128xf32>
    %add3A_11 = arith.addf %add3A, %get3A_10 : vector<3136x128xf32>
    %mul3A = arith.mulf %get3A_1, %add3A_11 : vector<3136x128xf32>
    %get3A_12 = arith.constant 0 : index
    %get3A_13 = arith.constant 0 : index
    %get3A_14 = vector.load %arg8[%get3A_12, %get3A_13] : memref<1x128xf32, #tpu.memory_space<vmem>>, vector<1x128xf32>
    %add3A_15 = vector.broadcast %get3A_14 : vector<1x128xf32> to vector<3136x128xf32>
    %add3A_16 = arith.addf %mul3A, %add3A_15 : vector<3136x128xf32>
    %get3A_17 = arith.constant 0 : index
    %get3A_18 = arith.constant 0 : index
    %get3A_19 = vector.load %arg5[%get3A_17, %get3A_18] : memref<128x128xf32, #tpu.memory_space<vmem>>, vector<128x128xf32>
    %get3A_20 = arith.constant 0 : index
    %get3A_21 = arith.constant 0 : index
    %get3A_22 = vector.load %arg6[%get3A_20, %get3A_21] : memref<1x128xf32, #tpu.memory_space<vmem>>, vector<1x128xf32>
    %get3A_23 = arith.constant 0 : index
    %get3A_24 = arith.constant 0 : index
    %get3A_25 = vector.load %arg7[%get3A_23, %get3A_24] : memref<1x128xf32, #tpu.memory_space<vmem>>, vector<1x128xf32>
    %dot_general3A = arith.constant dense<0.000000e+00> : vector<3136x128xf32>
    %dot_general3A_26 = tpu.matmul %add3A_16, %get3A_19, %dot_general3A {dimension_numbers = #tpu.dot_dimension_numbers<[1], [0], [0], [1], [0, 0, 1, 1], [], []>, transpose_lhs_hint = false} : vector<3136x128xf32>, vector<128x128xf32>, vector<3136x128xf32> -> vector<3136x128xf32>
    %sub3A = arith.subf %add3A_16, %dot_general3A_26 : vector<3136x128xf32>
    %mul3A_27 = arith.mulf %sub3A, %sub3A : vector<3136x128xf32>
    %dot_general3A_28 = arith.constant dense<0.000000e+00> : vector<3136x128xf32>
    %dot_general3A_29 = tpu.matmul %mul3A_27, %get3A_19, %dot_general3A_28 {dimension_numbers = #tpu.dot_dimension_numbers<[1], [0], [0], [1], [0, 0, 1, 1], [], []>, transpose_lhs_hint = false} : vector<3136x128xf32>, vector<128x128xf32>, vector<3136x128xf32> -> vector<3136x128xf32>
    %add3A_30 = arith.constant 9.99999974E-6 : f32
    %add3A_31 = vector.broadcast %add3A_30 : f32 to vector<3136x128xf32>
    %add3A_32 = arith.addf %dot_general3A_29, %add3A_31 : vector<3136x128xf32>
    %rsqrt3A = math.rsqrt %add3A_32 : vector<3136x128xf32>
    %mul3A_33 = arith.mulf %sub3A, %rsqrt3A : vector<3136x128xf32>
    %mul3A_34 = vector.broadcast %get3A_22 : vector<1x128xf32> to vector<3136x128xf32>
    %mul3A_35 = arith.mulf %mul3A_33, %mul3A_34 : vector<3136x128xf32>
    %add3A_36 = vector.broadcast %get3A_25 : vector<1x128xf32> to vector<3136x128xf32>
    %add3A_37 = arith.addf %mul3A_35, %add3A_36 : vector<3136x128xf32>
    %max3A = arith.constant 0.000000e+00 : f32
    %max3A_38 = vector.broadcast %max3A : f32 to vector<3136x128xf32>
    %max3A_39 = arith.maximumf %add3A_37, %max3A_38 : vector<3136x128xf32>
    %swap3A = arith.constant 0 : index
    %swap3A_40 = arith.constant 0 : index
    %swap3A_41 = vector.load %arg9[%swap3A, %swap3A_40] : memref<3136x128xf32, #tpu.memory_space<vmem>>, vector<3136x128xf32>
    tpu.vector_store %arg9[%swap3A, %swap3A_40], %max3A_39 {strides = array<i32>} : memref<3136x128xf32, #tpu.memory_space<vmem>>, vector<3136x128xf32>,
    return
  }
  func.func @transform_0(%arg0: i32) -> (i32, i32) {
    %c0_i32 = arith.constant 0 : i32
    %c0_i32_0 = arith.constant 0 : i32
    return %arg0, %c0_i32 : i32, i32
  }
  func.func @transform_1(%arg0: i32) -> (i32, i32) {
    %c0_i32 = arith.constant 0 : i32
    %c0_i32_0 = arith.constant 0 : i32
    return %arg0, %c0_i32 : i32, i32
  }
  func.func @transform_2(%arg0: i32) -> (i32, i32) {
    %c0_i32 = arith.constant 0 : i32
    %c0_i32_0 = arith.constant 0 : i32
    return %arg0, %c0_i32 : i32, i32
  }
  func.func @transform_3(%arg0: i32) -> (i32, i32) {
    %c0_i32 = arith.constant 0 : i32
    %c0_i32_0 = arith.constant 0 : i32
    return %arg0, %c0_i32 : i32, i32
  }
  func.func @transform_4(%arg0: i32) -> (i32, i32) {
    %c0_i32 = arith.constant 0 : i32
    %c0_i32_0 = arith.constant 0 : i32
    %c0_i32_1 = arith.constant 0 : i32
    return %c0_i32, %c0_i32_0 : i32, i32
  }
  func.func @transform_5(%arg0: i32) -> (i32, i32) {
    %c0_i32 = arith.constant 0 : i32
    %c0_i32_0 = arith.constant 0 : i32
    %c0_i32_1 = arith.constant 0 : i32
    return %c0_i32, %c0_i32_0 : i32, i32
  }
  func.func @transform_6(%arg0: i32) -> (i32, i32) {
    %c0_i32 = arith.constant 0 : i32
    %c0_i32_0 = arith.constant 0 : i32
    %c0_i32_1 = arith.constant 0 : i32
    return %c0_i32, %c0_i32_0 : i32, i32
  }
  func.func @transform_7(%arg0: i32) -> (i32, i32) {
    %c0_i32 = arith.constant 0 : i32
    %c0_i32_0 = arith.constant 0 : i32
    %c0_i32_1 = arith.constant 0 : i32
    return %c0_i32, %c0_i32_0 : i32, i32
  }
  func.func @transform_8(%arg0: i32) -> (i32, i32) {
    %c0_i32 = arith.constant 0 : i32
    %c0_i32_0 = arith.constant 0 : i32
    return %arg0, %c0_i32 : i32, i32
  }
}

module attributes {stable_mosaic.version = 14 : i64} {
  func.func @_final_body(%arg0: i32, %arg1: memref<2000x16xf32, #tpu.memory_space<vmem>>, %arg2: memref<2000x16xf32, #tpu.memory_space<vmem>>, %arg3: memref<2000x16xf32, #tpu.memory_space<vmem>>, %arg4: memref<2000x16xf32, #tpu.memory_space<vmem>>, %arg5: memref<128x64xf32, #tpu.memory_space<vmem>>, %arg6: memref<256x64xf32, #tpu.memory_space<vmem>>, %arg7: memref<4x64xf32, #tpu.memory_space<vmem>>, %arg8: memref<64x1xf32, #tpu.memory_space<vmem>>, %arg9: memref<64x1xf32, #tpu.memory_space<vmem>>, %arg10: memref<1x1xf32, #tpu.memory_space<vmem>>, %arg11: memref<16x640xf32, #tpu.memory_space<vmem>>, %arg12: memref<1x640xf32, #tpu.memory_space<vmem>>, %arg13: memref<2000x640xf32, #tpu.memory_space<vmem>>) attributes {dimension_semantics = [#tpu.dimension_semantics<arbitrary>], iteration_bounds = array<i64: 50>, scalar_prefetch = 0 : i64, scratch_operands = 0 : i64, tpu.core_type = #tpu.core_type<tc>, window_params = [{transform_indices = @transform_0, window_bounds = array<i64: 2000, 16>}, {transform_indices = @transform_1, window_bounds = array<i64: 2000, 16>}, {transform_indices = @transform_2, window_bounds = array<i64: 2000, 16>}, {transform_indices = @transform_3, window_bounds = array<i64: 2000, 16>}, {pipeline_mode = #tpu.pipeline_mode<synchronous>, transform_indices = @transform_4, window_bounds = array<i64: 128, 64>}, {pipeline_mode = #tpu.pipeline_mode<synchronous>, transform_indices = @transform_5, window_bounds = array<i64: 256, 64>}, {pipeline_mode = #tpu.pipeline_mode<synchronous>, transform_indices = @transform_6, window_bounds = array<i64: 4, 64>}, {pipeline_mode = #tpu.pipeline_mode<synchronous>, transform_indices = @transform_7, window_bounds = array<i64: 64, 1>}, {pipeline_mode = #tpu.pipeline_mode<synchronous>, transform_indices = @transform_8, window_bounds = array<i64: 64, 1>}, {pipeline_mode = #tpu.pipeline_mode<synchronous>, transform_indices = @transform_9, window_bounds = array<i64: 1, 1>}, {pipeline_mode = #tpu.pipeline_mode<synchronous>, transform_indices = @transform_10, window_bounds = array<i64: 16, 640>}, {pipeline_mode = #tpu.pipeline_mode<synchronous>, transform_indices = @transform_11, window_bounds = array<i64: 1, 640>}, {transform_indices = @transform_12, window_bounds = array<i64: 2000, 640>}]} {
    %get3A = arith.constant 0 : index
    %get3A_0 = arith.constant 0 : index
    %get3A_1 = vector.load %arg1[%get3A, %get3A_0] : memref<2000x16xf32, #tpu.memory_space<vmem>>, vector<2000x16xf32>
    %get3A_2 = arith.constant 0 : index
    %get3A_3 = arith.constant 0 : index
    %get3A_4 = vector.load %arg2[%get3A_2, %get3A_3] : memref<2000x16xf32, #tpu.memory_space<vmem>>, vector<2000x16xf32>
    %get3A_5 = arith.constant 0 : index
    %get3A_6 = arith.constant 0 : index
    %get3A_7 = vector.load %arg3[%get3A_5, %get3A_6] : memref<2000x16xf32, #tpu.memory_space<vmem>>, vector<2000x16xf32>
    %get3A_8 = arith.constant 0 : index
    %get3A_9 = arith.constant 0 : index
    %get3A_10 = vector.load %arg4[%get3A_8, %get3A_9] : memref<2000x16xf32, #tpu.memory_space<vmem>>, vector<2000x16xf32>
    %broadcast_in_dim3A = arith.constant 0.000000e+00 : f32
    %broadcast_in_dim3A_11 = vector.broadcast %broadcast_in_dim3A : f32 to vector<2000x64xf32>
    %broadcast_in_dim3A_12 = arith.constant 0.000000e+00 : f32
    %broadcast_in_dim3A_13 = vector.broadcast %broadcast_in_dim3A_12 : f32 to vector<2000x64xf32>
    %concatenate3A = tpu.concatenate %get3A_1, %get3A_10 in 1 : vector<2000x16xf32>, vector<2000x16xf32> -> vector<2000x32xf32>
    %get3A_14 = arith.constant 0 : index
    %get3A_15 = arith.constant 0 : index
    %get3A_16 = vector.load %arg5[%get3A_14, %get3A_15] : memref<128x64xf32, #tpu.memory_space<vmem>>, vector<32x64xf32>
    %dot_general3A = arith.constant dense<0.000000e+00> : vector<2000x64xf32>
    %dot_general3A_17 = tpu.matmul %concatenate3A, %get3A_16, %dot_general3A {dimension_numbers = #tpu.dot_dimension_numbers<[1], [0], [0], [1], [0, 0, 1, 1], [], []>, transpose_lhs_hint = false} : vector<2000x32xf32>, vector<32x64xf32>, vector<2000x64xf32> -> vector<2000x64xf32>
    %get3A_18 = arith.constant 0 : index
    %get3A_19 = arith.constant 0 : index
    %get3A_20 = vector.load %arg6[%get3A_18, %get3A_19] : memref<256x64xf32, #tpu.memory_space<vmem>>, vector<64x64xf32>
    %dot_general3A_21 = arith.constant dense<0.000000e+00> : vector<2000x64xf32>
    %dot_general3A_22 = tpu.matmul %broadcast_in_dim3A_11, %get3A_20, %dot_general3A_21 {dimension_numbers = #tpu.dot_dimension_numbers<[1], [0], [0], [1], [0, 0, 1, 1], [], []>, transpose_lhs_hint = false} : vector<2000x64xf32>, vector<64x64xf32>, vector<2000x64xf32> -> vector<2000x64xf32>
    %add3A = arith.addf %dot_general3A_17, %dot_general3A_22 : vector<2000x64xf32>
    %get3A_23 = arith.constant 0 : index
    %get3A_24 = arith.constant 0 : index
    %get3A_25 = vector.load %arg7[%get3A_23, %get3A_24] : memref<4x64xf32, #tpu.memory_space<vmem>>, vector<1x64xf32>
    %add3A_26 = vector.broadcast %get3A_25 : vector<1x64xf32> to vector<2000x64xf32>
    %add3A_27 = arith.addf %add3A, %add3A_26 : vector<2000x64xf32>
    %logistic3A = arith.negf %add3A_27 : vector<2000x64xf32>
    %logistic3A_28 = math.exp %logistic3A : vector<2000x64xf32>
    %logistic3A_29 = arith.constant 1.000000e+00 : f32
    %logistic3A_30 = vector.broadcast %logistic3A_29 : f32 to vector<2000x64xf32>
    %logistic3A_31 = arith.addf %logistic3A_30, %logistic3A_28 : vector<2000x64xf32>
    %logistic3A_32 = arith.divf %logistic3A_30, %logistic3A_31 : vector<2000x64xf32>
    %get3A_33 = arith.constant 32 : index
    %get3A_34 = arith.constant 0 : index
    %get3A_35 = vector.load %arg5[%get3A_33, %get3A_34] : memref<128x64xf32, #tpu.memory_space<vmem>>, vector<32x64xf32>
    %dot_general3A_36 = arith.constant dense<0.000000e+00> : vector<2000x64xf32>
    %dot_general3A_37 = tpu.matmul %concatenate3A, %get3A_35, %dot_general3A_36 {dimension_numbers = #tpu.dot_dimension_numbers<[1], [0], [0], [1], [0, 0, 1, 1], [], []>, transpose_lhs_hint = false} : vector<2000x32xf32>, vector<32x64xf32>, vector<2000x64xf32> -> vector<2000x64xf32>
    %get3A_38 = arith.constant 64 : index
    %get3A_39 = arith.constant 0 : index
    %get3A_40 = vector.load %arg6[%get3A_38, %get3A_39] : memref<256x64xf32, #tpu.memory_space<vmem>>, vector<64x64xf32>
    %dot_general3A_41 = arith.constant dense<0.000000e+00> : vector<2000x64xf32>
    %dot_general3A_42 = tpu.matmul %broadcast_in_dim3A_11, %get3A_40, %dot_general3A_41 {dimension_numbers = #tpu.dot_dimension_numbers<[1], [0], [0], [1], [0, 0, 1, 1], [], []>, transpose_lhs_hint = false} : vector<2000x64xf32>, vector<64x64xf32>, vector<2000x64xf32> -> vector<2000x64xf32>
    %add3A_43 = arith.addf %dot_general3A_37, %dot_general3A_42 : vector<2000x64xf32>
    %get3A_44 = arith.constant 1 : index
    %get3A_45 = arith.constant 0 : index
    %get3A_46 = vector.load %arg7[%get3A_44, %get3A_45] : memref<4x64xf32, #tpu.memory_space<vmem>>, vector<1x64xf32>
    %add3A_47 = vector.broadcast %get3A_46 : vector<1x64xf32> to vector<2000x64xf32>
    %add3A_48 = arith.addf %add3A_43, %add3A_47 : vector<2000x64xf32>
    %logistic3A_49 = arith.negf %add3A_48 : vector<2000x64xf32>
    %logistic3A_50 = math.exp %logistic3A_49 : vector<2000x64xf32>
    %logistic3A_51 = arith.constant 1.000000e+00 : f32
    %logistic3A_52 = vector.broadcast %logistic3A_51 : f32 to vector<2000x64xf32>
    %logistic3A_53 = arith.addf %logistic3A_52, %logistic3A_50 : vector<2000x64xf32>
    %logistic3A_54 = arith.divf %logistic3A_52, %logistic3A_53 : vector<2000x64xf32>
    %get3A_55 = arith.constant 64 : index
    %get3A_56 = arith.constant 0 : index
    %get3A_57 = vector.load %arg5[%get3A_55, %get3A_56] : memref<128x64xf32, #tpu.memory_space<vmem>>, vector<32x64xf32>
    %dot_general3A_58 = arith.constant dense<0.000000e+00> : vector<2000x64xf32>
    %dot_general3A_59 = tpu.matmul %concatenate3A, %get3A_57, %dot_general3A_58 {dimension_numbers = #tpu.dot_dimension_numbers<[1], [0], [0], [1], [0, 0, 1, 1], [], []>, transpose_lhs_hint = false} : vector<2000x32xf32>, vector<32x64xf32>, vector<2000x64xf32> -> vector<2000x64xf32>
    %get3A_60 = arith.constant 128 : index
    %get3A_61 = arith.constant 0 : index
    %get3A_62 = vector.load %arg6[%get3A_60, %get3A_61] : memref<256x64xf32, #tpu.memory_space<vmem>>, vector<64x64xf32>
    %dot_general3A_63 = arith.constant dense<0.000000e+00> : vector<2000x64xf32>
    %dot_general3A_64 = tpu.matmul %broadcast_in_dim3A_11, %get3A_62, %dot_general3A_63 {dimension_numbers = #tpu.dot_dimension_numbers<[1], [0], [0], [1], [0, 0, 1, 1], [], []>, transpose_lhs_hint = false} : vector<2000x64xf32>, vector<64x64xf32>, vector<2000x64xf32> -> vector<2000x64xf32>
    %add3A_65 = arith.addf %dot_general3A_59, %dot_general3A_64 : vector<2000x64xf32>
    %get3A_66 = arith.constant 2 : index
    %get3A_67 = arith.constant 0 : index
    %get3A_68 = vector.load %arg7[%get3A_66, %get3A_67] : memref<4x64xf32, #tpu.memory_space<vmem>>, vector<1x64xf32>
    %add3A_69 = vector.broadcast %get3A_68 : vector<1x64xf32> to vector<2000x64xf32>
    %add3A_70 = arith.addf %add3A_65, %add3A_69 : vector<2000x64xf32>
    %tanh3A = math.tanh %add3A_70 : vector<2000x64xf32>
    %get3A_71 = arith.constant 96 : index
    %get3A_72 = arith.constant 0 : index
    %get3A_73 = vector.load %arg5[%get3A_71, %get3A_72] : memref<128x64xf32, #tpu.memory_space<vmem>>, vector<32x64xf32>
    %dot_general3A_74 = arith.constant dense<0.000000e+00> : vector<2000x64xf32>
    %dot_general3A_75 = tpu.matmul %concatenate3A, %get3A_73, %dot_general3A_74 {dimension_numbers = #tpu.dot_dimension_numbers<[1], [0], [0], [1], [0, 0, 1, 1], [], []>, transpose_lhs_hint = false} : vector<2000x32xf32>, vector<32x64xf32>, vector<2000x64xf32> -> vector<2000x64xf32>
    %get3A_76 = arith.constant 192 : index
    %get3A_77 = arith.constant 0 : index
    %get3A_78 = vector.load %arg6[%get3A_76, %get3A_77] : memref<256x64xf32, #tpu.memory_space<vmem>>, vector<64x64xf32>
    %dot_general3A_79 = arith.constant dense<0.000000e+00> : vector<2000x64xf32>
    %dot_general3A_80 = tpu.matmul %broadcast_in_dim3A_11, %get3A_78, %dot_general3A_79 {dimension_numbers = #tpu.dot_dimension_numbers<[1], [0], [0], [1], [0, 0, 1, 1], [], []>, transpose_lhs_hint = false} : vector<2000x64xf32>, vector<64x64xf32>, vector<2000x64xf32> -> vector<2000x64xf32>
    %add3A_81 = arith.addf %dot_general3A_75, %dot_general3A_80 : vector<2000x64xf32>
    %get3A_82 = arith.constant 3 : index
    %get3A_83 = arith.constant 0 : index
    %get3A_84 = vector.load %arg7[%get3A_82, %get3A_83] : memref<4x64xf32, #tpu.memory_space<vmem>>, vector<1x64xf32>
    %add3A_85 = vector.broadcast %get3A_84 : vector<1x64xf32> to vector<2000x64xf32>
    %add3A_86 = arith.addf %add3A_81, %add3A_85 : vector<2000x64xf32>
    %logistic3A_87 = arith.negf %add3A_86 : vector<2000x64xf32>
    %logistic3A_88 = math.exp %logistic3A_87 : vector<2000x64xf32>
    %logistic3A_89 = arith.constant 1.000000e+00 : f32
    %logistic3A_90 = vector.broadcast %logistic3A_89 : f32 to vector<2000x64xf32>
    %logistic3A_91 = arith.addf %logistic3A_90, %logistic3A_88 : vector<2000x64xf32>
    %logistic3A_92 = arith.divf %logistic3A_90, %logistic3A_91 : vector<2000x64xf32>
    %mul3A = arith.mulf %logistic3A_54, %broadcast_in_dim3A_13 : vector<2000x64xf32>
    %mul3A_93 = arith.mulf %logistic3A_32, %tanh3A : vector<2000x64xf32>
    %add3A_94 = arith.addf %mul3A, %mul3A_93 : vector<2000x64xf32>
    %tanh3A_95 = math.tanh %add3A_94 : vector<2000x64xf32>
    %mul3A_96 = arith.mulf %logistic3A_92, %tanh3A_95 : vector<2000x64xf32>
    %concatenate3A_97 = tpu.concatenate %get3A_4, %get3A_7 in 1 : vector<2000x16xf32>, vector<2000x16xf32> -> vector<2000x32xf32>
    %get3A_98 = arith.constant 0 : index
    %get3A_99 = arith.constant 0 : index
    %get3A_100 = vector.load %arg5[%get3A_98, %get3A_99] : memref<128x64xf32, #tpu.memory_space<vmem>>, vector<32x64xf32>
    %dot_general3A_101 = arith.constant dense<0.000000e+00> : vector<2000x64xf32>
    %dot_general3A_102 = tpu.matmul %concatenate3A_97, %get3A_100, %dot_general3A_101 {dimension_numbers = #tpu.dot_dimension_numbers<[1], [0], [0], [1], [0, 0, 1, 1], [], []>, transpose_lhs_hint = false} : vector<2000x32xf32>, vector<32x64xf32>, vector<2000x64xf32> -> vector<2000x64xf32>
    %get3A_103 = arith.constant 0 : index
    %get3A_104 = arith.constant 0 : index
    %get3A_105 = vector.load %arg6[%get3A_103, %get3A_104] : memref<256x64xf32, #tpu.memory_space<vmem>>, vector<64x64xf32>
    %dot_general3A_106 = arith.constant dense<0.000000e+00> : vector<2000x64xf32>
    %dot_general3A_107 = tpu.matmul %mul3A_96, %get3A_105, %dot_general3A_106 {dimension_numbers = #tpu.dot_dimension_numbers<[1], [0], [0], [1], [0, 0, 1, 1], [], []>, transpose_lhs_hint = false} : vector<2000x64xf32>, vector<64x64xf32>, vector<2000x64xf32> -> vector<2000x64xf32>
    %add3A_108 = arith.addf %dot_general3A_102, %dot_general3A_107 : vector<2000x64xf32>
    %get3A_109 = arith.constant 0 : index
    %get3A_110 = arith.constant 0 : index
    %get3A_111 = vector.load %arg7[%get3A_109, %get3A_110] : memref<4x64xf32, #tpu.memory_space<vmem>>, vector<1x64xf32>
    %add3A_112 = vector.broadcast %get3A_111 : vector<1x64xf32> to vector<2000x64xf32>
    %add3A_113 = arith.addf %add3A_108, %add3A_112 : vector<2000x64xf32>
    %logistic3A_114 = arith.negf %add3A_113 : vector<2000x64xf32>
    %logistic3A_115 = math.exp %logistic3A_114 : vector<2000x64xf32>
    %logistic3A_116 = arith.constant 1.000000e+00 : f32
    %logistic3A_117 = vector.broadcast %logistic3A_116 : f32 to vector<2000x64xf32>
    %logistic3A_118 = arith.addf %logistic3A_117, %logistic3A_115 : vector<2000x64xf32>
    %logistic3A_119 = arith.divf %logistic3A_117, %logistic3A_118 : vector<2000x64xf32>
    %get3A_120 = arith.constant 32 : index
    %get3A_121 = arith.constant 0 : index
    %get3A_122 = vector.load %arg5[%get3A_120, %get3A_121] : memref<128x64xf32, #tpu.memory_space<vmem>>, vector<32x64xf32>
    %dot_general3A_123 = arith.constant dense<0.000000e+00> : vector<2000x64xf32>
    %dot_general3A_124 = tpu.matmul %concatenate3A_97, %get3A_122, %dot_general3A_123 {dimension_numbers = #tpu.dot_dimension_numbers<[1], [0], [0], [1], [0, 0, 1, 1], [], []>, transpose_lhs_hint = false} : vector<2000x32xf32>, vector<32x64xf32>, vector<2000x64xf32> -> vector<2000x64xf32>
    %get3A_125 = arith.constant 64 : index
    %get3A_126 = arith.constant 0 : index
    %get3A_127 = vector.load %arg6[%get3A_125, %get3A_126] : memref<256x64xf32, #tpu.memory_space<vmem>>, vector<64x64xf32>
    %dot_general3A_128 = arith.constant dense<0.000000e+00> : vector<2000x64xf32>
    %dot_general3A_129 = tpu.matmul %mul3A_96, %get3A_127, %dot_general3A_128 {dimension_numbers = #tpu.dot_dimension_numbers<[1], [0], [0], [1], [0, 0, 1, 1], [], []>, transpose_lhs_hint = false} : vector<2000x64xf32>, vector<64x64xf32>, vector<2000x64xf32> -> vector<2000x64xf32>
    %add3A_130 = arith.addf %dot_general3A_124, %dot_general3A_129 : vector<2000x64xf32>
    %get3A_131 = arith.constant 1 : index
    %get3A_132 = arith.constant 0 : index
    %get3A_133 = vector.load %arg7[%get3A_131, %get3A_132] : memref<4x64xf32, #tpu.memory_space<vmem>>, vector<1x64xf32>
    %add3A_134 = vector.broadcast %get3A_133 : vector<1x64xf32> to vector<2000x64xf32>
    %add3A_135 = arith.addf %add3A_130, %add3A_134 : vector<2000x64xf32>
    %logistic3A_136 = arith.negf %add3A_135 : vector<2000x64xf32>
    %logistic3A_137 = math.exp %logistic3A_136 : vector<2000x64xf32>
    %logistic3A_138 = arith.constant 1.000000e+00 : f32
    %logistic3A_139 = vector.broadcast %logistic3A_138 : f32 to vector<2000x64xf32>
    %logistic3A_140 = arith.addf %logistic3A_139, %logistic3A_137 : vector<2000x64xf32>
    %logistic3A_141 = arith.divf %logistic3A_139, %logistic3A_140 : vector<2000x64xf32>
    %get3A_142 = arith.constant 64 : index
    %get3A_143 = arith.constant 0 : index
    %get3A_144 = vector.load %arg5[%get3A_142, %get3A_143] : memref<128x64xf32, #tpu.memory_space<vmem>>, vector<32x64xf32>
    %dot_general3A_145 = arith.constant dense<0.000000e+00> : vector<2000x64xf32>
    %dot_general3A_146 = tpu.matmul %concatenate3A_97, %get3A_144, %dot_general3A_145 {dimension_numbers = #tpu.dot_dimension_numbers<[1], [0], [0], [1], [0, 0, 1, 1], [], []>, transpose_lhs_hint = false} : vector<2000x32xf32>, vector<32x64xf32>, vector<2000x64xf32> -> vector<2000x64xf32>
    %get3A_147 = arith.constant 128 : index
    %get3A_148 = arith.constant 0 : index
    %get3A_149 = vector.load %arg6[%get3A_147, %get3A_148] : memref<256x64xf32, #tpu.memory_space<vmem>>, vector<64x64xf32>
    %dot_general3A_150 = arith.constant dense<0.000000e+00> : vector<2000x64xf32>
    %dot_general3A_151 = tpu.matmul %mul3A_96, %get3A_149, %dot_general3A_150 {dimension_numbers = #tpu.dot_dimension_numbers<[1], [0], [0], [1], [0, 0, 1, 1], [], []>, transpose_lhs_hint = false} : vector<2000x64xf32>, vector<64x64xf32>, vector<2000x64xf32> -> vector<2000x64xf32>
    %add3A_152 = arith.addf %dot_general3A_146, %dot_general3A_151 : vector<2000x64xf32>
    %get3A_153 = arith.constant 2 : index
    %get3A_154 = arith.constant 0 : index
    %get3A_155 = vector.load %arg7[%get3A_153, %get3A_154] : memref<4x64xf32, #tpu.memory_space<vmem>>, vector<1x64xf32>
    %add3A_156 = vector.broadcast %get3A_155 : vector<1x64xf32> to vector<2000x64xf32>
    %add3A_157 = arith.addf %add3A_152, %add3A_156 : vector<2000x64xf32>
    %tanh3A_158 = math.tanh %add3A_157 : vector<2000x64xf32>
    %get3A_159 = arith.constant 96 : index
    %get3A_160 = arith.constant 0 : index
    %get3A_161 = vector.load %arg5[%get3A_159, %get3A_160] : memref<128x64xf32, #tpu.memory_space<vmem>>, vector<32x64xf32>
    %dot_general3A_162 = arith.constant dense<0.000000e+00> : vector<2000x64xf32>
    %dot_general3A_163 = tpu.matmul %concatenate3A_97, %get3A_161, %dot_general3A_162 {dimension_numbers = #tpu.dot_dimension_numbers<[1], [0], [0], [1], [0, 0, 1, 1], [], []>, transpose_lhs_hint = false} : vector<2000x32xf32>, vector<32x64xf32>, vector<2000x64xf32> -> vector<2000x64xf32>
    %get3A_164 = arith.constant 192 : index
    %get3A_165 = arith.constant 0 : index
    %get3A_166 = vector.load %arg6[%get3A_164, %get3A_165] : memref<256x64xf32, #tpu.memory_space<vmem>>, vector<64x64xf32>
    %dot_general3A_167 = arith.constant dense<0.000000e+00> : vector<2000x64xf32>
    %dot_general3A_168 = tpu.matmul %mul3A_96, %get3A_166, %dot_general3A_167 {dimension_numbers = #tpu.dot_dimension_numbers<[1], [0], [0], [1], [0, 0, 1, 1], [], []>, transpose_lhs_hint = false} : vector<2000x64xf32>, vector<64x64xf32>, vector<2000x64xf32> -> vector<2000x64xf32>
    %add3A_169 = arith.addf %dot_general3A_163, %dot_general3A_168 : vector<2000x64xf32>
    %get3A_170 = arith.constant 3 : index
    %get3A_171 = arith.constant 0 : index
    %get3A_172 = vector.load %arg7[%get3A_170, %get3A_171] : memref<4x64xf32, #tpu.memory_space<vmem>>, vector<1x64xf32>
    %add3A_173 = vector.broadcast %get3A_172 : vector<1x64xf32> to vector<2000x64xf32>
    %add3A_174 = arith.addf %add3A_169, %add3A_173 : vector<2000x64xf32>
    %logistic3A_175 = arith.negf %add3A_174 : vector<2000x64xf32>
    %logistic3A_176 = math.exp %logistic3A_175 : vector<2000x64xf32>
    %logistic3A_177 = arith.constant 1.000000e+00 : f32
    %logistic3A_178 = vector.broadcast %logistic3A_177 : f32 to vector<2000x64xf32>
    %logistic3A_179 = arith.addf %logistic3A_178, %logistic3A_176 : vector<2000x64xf32>
    %logistic3A_180 = arith.divf %logistic3A_178, %logistic3A_179 : vector<2000x64xf32>
    %mul3A_181 = arith.mulf %logistic3A_141, %add3A_94 : vector<2000x64xf32>
    %mul3A_182 = arith.mulf %logistic3A_119, %tanh3A_158 : vector<2000x64xf32>
    %add3A_183 = arith.addf %mul3A_181, %mul3A_182 : vector<2000x64xf32>
    %tanh3A_184 = math.tanh %add3A_183 : vector<2000x64xf32>
    %mul3A_185 = arith.mulf %logistic3A_180, %tanh3A_184 : vector<2000x64xf32>
    %concatenate3A_186 = tpu.concatenate %get3A_7, %get3A_4 in 1 : vector<2000x16xf32>, vector<2000x16xf32> -> vector<2000x32xf32>
    %get3A_187 = arith.constant 0 : index
    %get3A_188 = arith.constant 0 : index
    %get3A_189 = vector.load %arg5[%get3A_187, %get3A_188] : memref<128x64xf32, #tpu.memory_space<vmem>>, vector<32x64xf32>
    %dot_general3A_190 = arith.constant dense<0.000000e+00> : vector<2000x64xf32>
    %dot_general3A_191 = tpu.matmul %concatenate3A_186, %get3A_189, %dot_general3A_190 {dimension_numbers = #tpu.dot_dimension_numbers<[1], [0], [0], [1], [0, 0, 1, 1], [], []>, transpose_lhs_hint = false} : vector<2000x32xf32>, vector<32x64xf32>, vector<2000x64xf32> -> vector<2000x64xf32>
    %get3A_192 = arith.constant 0 : index
    %get3A_193 = arith.constant 0 : index
    %get3A_194 = vector.load %arg6[%get3A_192, %get3A_193] : memref<256x64xf32, #tpu.memory_space<vmem>>, vector<64x64xf32>
    %dot_general3A_195 = arith.constant dense<0.000000e+00> : vector<2000x64xf32>
    %dot_general3A_196 = tpu.matmul %mul3A_185, %get3A_194, %dot_general3A_195 {dimension_numbers = #tpu.dot_dimension_numbers<[1], [0], [0], [1], [0, 0, 1, 1], [], []>, transpose_lhs_hint = false} : vector<2000x64xf32>, vector<64x64xf32>, vector<2000x64xf32> -> vector<2000x64xf32>
    %add3A_197 = arith.addf %dot_general3A_191, %dot_general3A_196 : vector<2000x64xf32>
    %get3A_198 = arith.constant 0 : index
    %get3A_199 = arith.constant 0 : index
    %get3A_200 = vector.load %arg7[%get3A_198, %get3A_199] : memref<4x64xf32, #tpu.memory_space<vmem>>, vector<1x64xf32>
    %add3A_201 = vector.broadcast %get3A_200 : vector<1x64xf32> to vector<2000x64xf32>
    %add3A_202 = arith.addf %add3A_197, %add3A_201 : vector<2000x64xf32>
    %logistic3A_203 = arith.negf %add3A_202 : vector<2000x64xf32>
    %logistic3A_204 = math.exp %logistic3A_203 : vector<2000x64xf32>
    %logistic3A_205 = arith.constant 1.000000e+00 : f32
    %logistic3A_206 = vector.broadcast %logistic3A_205 : f32 to vector<2000x64xf32>
    %logistic3A_207 = arith.addf %logistic3A_206, %logistic3A_204 : vector<2000x64xf32>
    %logistic3A_208 = arith.divf %logistic3A_206, %logistic3A_207 : vector<2000x64xf32>
    %get3A_209 = arith.constant 32 : index
    %get3A_210 = arith.constant 0 : index
    %get3A_211 = vector.load %arg5[%get3A_209, %get3A_210] : memref<128x64xf32, #tpu.memory_space<vmem>>, vector<32x64xf32>
    %dot_general3A_212 = arith.constant dense<0.000000e+00> : vector<2000x64xf32>
    %dot_general3A_213 = tpu.matmul %concatenate3A_186, %get3A_211, %dot_general3A_212 {dimension_numbers = #tpu.dot_dimension_numbers<[1], [0], [0], [1], [0, 0, 1, 1], [], []>, transpose_lhs_hint = false} : vector<2000x32xf32>, vector<32x64xf32>, vector<2000x64xf32> -> vector<2000x64xf32>
    %get3A_214 = arith.constant 64 : index
    %get3A_215 = arith.constant 0 : index
    %get3A_216 = vector.load %arg6[%get3A_214, %get3A_215] : memref<256x64xf32, #tpu.memory_space<vmem>>, vector<64x64xf32>
    %dot_general3A_217 = arith.constant dense<0.000000e+00> : vector<2000x64xf32>
    %dot_general3A_218 = tpu.matmul %mul3A_185, %get3A_216, %dot_general3A_217 {dimension_numbers = #tpu.dot_dimension_numbers<[1], [0], [0], [1], [0, 0, 1, 1], [], []>, transpose_lhs_hint = false} : vector<2000x64xf32>, vector<64x64xf32>, vector<2000x64xf32> -> vector<2000x64xf32>
    %add3A_219 = arith.addf %dot_general3A_213, %dot_general3A_218 : vector<2000x64xf32>
    %get3A_220 = arith.constant 1 : index
    %get3A_221 = arith.constant 0 : index
    %get3A_222 = vector.load %arg7[%get3A_220, %get3A_221] : memref<4x64xf32, #tpu.memory_space<vmem>>, vector<1x64xf32>
    %add3A_223 = vector.broadcast %get3A_222 : vector<1x64xf32> to vector<2000x64xf32>
    %add3A_224 = arith.addf %add3A_219, %add3A_223 : vector<2000x64xf32>
    %logistic3A_225 = arith.negf %add3A_224 : vector<2000x64xf32>
    %logistic3A_226 = math.exp %logistic3A_225 : vector<2000x64xf32>
    %logistic3A_227 = arith.constant 1.000000e+00 : f32
    %logistic3A_228 = vector.broadcast %logistic3A_227 : f32 to vector<2000x64xf32>
    %logistic3A_229 = arith.addf %logistic3A_228, %logistic3A_226 : vector<2000x64xf32>
    %logistic3A_230 = arith.divf %logistic3A_228, %logistic3A_229 : vector<2000x64xf32>
    %get3A_231 = arith.constant 64 : index
    %get3A_232 = arith.constant 0 : index
    %get3A_233 = vector.load %arg5[%get3A_231, %get3A_232] : memref<128x64xf32, #tpu.memory_space<vmem>>, vector<32x64xf32>
    %dot_general3A_234 = arith.constant dense<0.000000e+00> : vector<2000x64xf32>
    %dot_general3A_235 = tpu.matmul %concatenate3A_186, %get3A_233, %dot_general3A_234 {dimension_numbers = #tpu.dot_dimension_numbers<[1], [0], [0], [1], [0, 0, 1, 1], [], []>, transpose_lhs_hint = false} : vector<2000x32xf32>, vector<32x64xf32>, vector<2000x64xf32> -> vector<2000x64xf32>
    %get3A_236 = arith.constant 128 : index
    %get3A_237 = arith.constant 0 : index
    %get3A_238 = vector.load %arg6[%get3A_236, %get3A_237] : memref<256x64xf32, #tpu.memory_space<vmem>>, vector<64x64xf32>
    %dot_general3A_239 = arith.constant dense<0.000000e+00> : vector<2000x64xf32>
    %dot_general3A_240 = tpu.matmul %mul3A_185, %get3A_238, %dot_general3A_239 {dimension_numbers = #tpu.dot_dimension_numbers<[1], [0], [0], [1], [0, 0, 1, 1], [], []>, transpose_lhs_hint = false} : vector<2000x64xf32>, vector<64x64xf32>, vector<2000x64xf32> -> vector<2000x64xf32>
    %add3A_241 = arith.addf %dot_general3A_235, %dot_general3A_240 : vector<2000x64xf32>
    %get3A_242 = arith.constant 2 : index
    %get3A_243 = arith.constant 0 : index
    %get3A_244 = vector.load %arg7[%get3A_242, %get3A_243] : memref<4x64xf32, #tpu.memory_space<vmem>>, vector<1x64xf32>
    %add3A_245 = vector.broadcast %get3A_244 : vector<1x64xf32> to vector<2000x64xf32>
    %add3A_246 = arith.addf %add3A_241, %add3A_245 : vector<2000x64xf32>
    %tanh3A_247 = math.tanh %add3A_246 : vector<2000x64xf32>
    %get3A_248 = arith.constant 96 : index
    %get3A_249 = arith.constant 0 : index
    %get3A_250 = vector.load %arg5[%get3A_248, %get3A_249] : memref<128x64xf32, #tpu.memory_space<vmem>>, vector<32x64xf32>
    %dot_general3A_251 = arith.constant dense<0.000000e+00> : vector<2000x64xf32>
    %dot_general3A_252 = tpu.matmul %concatenate3A_186, %get3A_250, %dot_general3A_251 {dimension_numbers = #tpu.dot_dimension_numbers<[1], [0], [0], [1], [0, 0, 1, 1], [], []>, transpose_lhs_hint = false} : vector<2000x32xf32>, vector<32x64xf32>, vector<2000x64xf32> -> vector<2000x64xf32>
    %get3A_253 = arith.constant 192 : index
    %get3A_254 = arith.constant 0 : index
    %get3A_255 = vector.load %arg6[%get3A_253, %get3A_254] : memref<256x64xf32, #tpu.memory_space<vmem>>, vector<64x64xf32>
    %dot_general3A_256 = arith.constant dense<0.000000e+00> : vector<2000x64xf32>
    %dot_general3A_257 = tpu.matmul %mul3A_185, %get3A_255, %dot_general3A_256 {dimension_numbers = #tpu.dot_dimension_numbers<[1], [0], [0], [1], [0, 0, 1, 1], [], []>, transpose_lhs_hint = false} : vector<2000x64xf32>, vector<64x64xf32>, vector<2000x64xf32> -> vector<2000x64xf32>
    %add3A_258 = arith.addf %dot_general3A_252, %dot_general3A_257 : vector<2000x64xf32>
    %get3A_259 = arith.constant 3 : index
    %get3A_260 = arith.constant 0 : index
    %get3A_261 = vector.load %arg7[%get3A_259, %get3A_260] : memref<4x64xf32, #tpu.memory_space<vmem>>, vector<1x64xf32>
    %add3A_262 = vector.broadcast %get3A_261 : vector<1x64xf32> to vector<2000x64xf32>
    %add3A_263 = arith.addf %add3A_258, %add3A_262 : vector<2000x64xf32>
    %logistic3A_264 = arith.negf %add3A_263 : vector<2000x64xf32>
    %logistic3A_265 = math.exp %logistic3A_264 : vector<2000x64xf32>
    %logistic3A_266 = arith.constant 1.000000e+00 : f32
    %logistic3A_267 = vector.broadcast %logistic3A_266 : f32 to vector<2000x64xf32>
    %logistic3A_268 = arith.addf %logistic3A_267, %logistic3A_265 : vector<2000x64xf32>
    %logistic3A_269 = arith.divf %logistic3A_267, %logistic3A_268 : vector<2000x64xf32>
    %mul3A_270 = arith.mulf %logistic3A_230, %add3A_183 : vector<2000x64xf32>
    %mul3A_271 = arith.mulf %logistic3A_208, %tanh3A_247 : vector<2000x64xf32>
    %add3A_272 = arith.addf %mul3A_270, %mul3A_271 : vector<2000x64xf32>
    %tanh3A_273 = math.tanh %add3A_272 : vector<2000x64xf32>
    %mul3A_274 = arith.mulf %logistic3A_269, %tanh3A_273 : vector<2000x64xf32>
    %concatenate3A_275 = tpu.concatenate %get3A_10, %get3A_1 in 1 : vector<2000x16xf32>, vector<2000x16xf32> -> vector<2000x32xf32>
    %get3A_276 = arith.constant 0 : index
    %get3A_277 = arith.constant 0 : index
    %get3A_278 = vector.load %arg5[%get3A_276, %get3A_277] : memref<128x64xf32, #tpu.memory_space<vmem>>, vector<32x64xf32>
    %dot_general3A_279 = arith.constant dense<0.000000e+00> : vector<2000x64xf32>
    %dot_general3A_280 = tpu.matmul %concatenate3A_275, %get3A_278, %dot_general3A_279 {dimension_numbers = #tpu.dot_dimension_numbers<[1], [0], [0], [1], [0, 0, 1, 1], [], []>, transpose_lhs_hint = false} : vector<2000x32xf32>, vector<32x64xf32>, vector<2000x64xf32> -> vector<2000x64xf32>
    %get3A_281 = arith.constant 0 : index
    %get3A_282 = arith.constant 0 : index
    %get3A_283 = vector.load %arg6[%get3A_281, %get3A_282] : memref<256x64xf32, #tpu.memory_space<vmem>>, vector<64x64xf32>
    %dot_general3A_284 = arith.constant dense<0.000000e+00> : vector<2000x64xf32>
    %dot_general3A_285 = tpu.matmul %mul3A_274, %get3A_283, %dot_general3A_284 {dimension_numbers = #tpu.dot_dimension_numbers<[1], [0], [0], [1], [0, 0, 1, 1], [], []>, transpose_lhs_hint = false} : vector<2000x64xf32>, vector<64x64xf32>, vector<2000x64xf32> -> vector<2000x64xf32>
    %add3A_286 = arith.addf %dot_general3A_280, %dot_general3A_285 : vector<2000x64xf32>
    %get3A_287 = arith.constant 0 : index
    %get3A_288 = arith.constant 0 : index
    %get3A_289 = vector.load %arg7[%get3A_287, %get3A_288] : memref<4x64xf32, #tpu.memory_space<vmem>>, vector<1x64xf32>
    %add3A_290 = vector.broadcast %get3A_289 : vector<1x64xf32> to vector<2000x64xf32>
    %add3A_291 = arith.addf %add3A_286, %add3A_290 : vector<2000x64xf32>
    %logistic3A_292 = arith.negf %add3A_291 : vector<2000x64xf32>
    %logistic3A_293 = math.exp %logistic3A_292 : vector<2000x64xf32>
    %logistic3A_294 = arith.constant 1.000000e+00 : f32
    %logistic3A_295 = vector.broadcast %logistic3A_294 : f32 to vector<2000x64xf32>
    %logistic3A_296 = arith.addf %logistic3A_295, %logistic3A_293 : vector<2000x64xf32>
    %logistic3A_297 = arith.divf %logistic3A_295, %logistic3A_296 : vector<2000x64xf32>
    %get3A_298 = arith.constant 32 : index
    %get3A_299 = arith.constant 0 : index
    %get3A_300 = vector.load %arg5[%get3A_298, %get3A_299] : memref<128x64xf32, #tpu.memory_space<vmem>>, vector<32x64xf32>
    %dot_general3A_301 = arith.constant dense<0.000000e+00> : vector<2000x64xf32>
    %dot_general3A_302 = tpu.matmul %concatenate3A_275, %get3A_300, %dot_general3A_301 {dimension_numbers = #tpu.dot_dimension_numbers<[1], [0], [0], [1], [0, 0, 1, 1], [], []>, transpose_lhs_hint = false} : vector<2000x32xf32>, vector<32x64xf32>, vector<2000x64xf32> -> vector<2000x64xf32>
    %get3A_303 = arith.constant 64 : index
    %get3A_304 = arith.constant 0 : index
    %get3A_305 = vector.load %arg6[%get3A_303, %get3A_304] : memref<256x64xf32, #tpu.memory_space<vmem>>, vector<64x64xf32>
    %dot_general3A_306 = arith.constant dense<0.000000e+00> : vector<2000x64xf32>
    %dot_general3A_307 = tpu.matmul %mul3A_274, %get3A_305, %dot_general3A_306 {dimension_numbers = #tpu.dot_dimension_numbers<[1], [0], [0], [1], [0, 0, 1, 1], [], []>, transpose_lhs_hint = false} : vector<2000x64xf32>, vector<64x64xf32>, vector<2000x64xf32> -> vector<2000x64xf32>
    %add3A_308 = arith.addf %dot_general3A_302, %dot_general3A_307 : vector<2000x64xf32>
    %get3A_309 = arith.constant 1 : index
    %get3A_310 = arith.constant 0 : index
    %get3A_311 = vector.load %arg7[%get3A_309, %get3A_310] : memref<4x64xf32, #tpu.memory_space<vmem>>, vector<1x64xf32>
    %add3A_312 = vector.broadcast %get3A_311 : vector<1x64xf32> to vector<2000x64xf32>
    %add3A_313 = arith.addf %add3A_308, %add3A_312 : vector<2000x64xf32>
    %logistic3A_314 = arith.negf %add3A_313 : vector<2000x64xf32>
    %logistic3A_315 = math.exp %logistic3A_314 : vector<2000x64xf32>
    %logistic3A_316 = arith.constant 1.000000e+00 : f32
    %logistic3A_317 = vector.broadcast %logistic3A_316 : f32 to vector<2000x64xf32>
    %logistic3A_318 = arith.addf %logistic3A_317, %logistic3A_315 : vector<2000x64xf32>
    %logistic3A_319 = arith.divf %logistic3A_317, %logistic3A_318 : vector<2000x64xf32>
    %get3A_320 = arith.constant 64 : index
    %get3A_321 = arith.constant 0 : index
    %get3A_322 = vector.load %arg5[%get3A_320, %get3A_321] : memref<128x64xf32, #tpu.memory_space<vmem>>, vector<32x64xf32>
    %dot_general3A_323 = arith.constant dense<0.000000e+00> : vector<2000x64xf32>
    %dot_general3A_324 = tpu.matmul %concatenate3A_275, %get3A_322, %dot_general3A_323 {dimension_numbers = #tpu.dot_dimension_numbers<[1], [0], [0], [1], [0, 0, 1, 1], [], []>, transpose_lhs_hint = false} : vector<2000x32xf32>, vector<32x64xf32>, vector<2000x64xf32> -> vector<2000x64xf32>
    %get3A_325 = arith.constant 128 : index
    %get3A_326 = arith.constant 0 : index
    %get3A_327 = vector.load %arg6[%get3A_325, %get3A_326] : memref<256x64xf32, #tpu.memory_space<vmem>>, vector<64x64xf32>
    %dot_general3A_328 = arith.constant dense<0.000000e+00> : vector<2000x64xf32>
    %dot_general3A_329 = tpu.matmul %mul3A_274, %get3A_327, %dot_general3A_328 {dimension_numbers = #tpu.dot_dimension_numbers<[1], [0], [0], [1], [0, 0, 1, 1], [], []>, transpose_lhs_hint = false} : vector<2000x64xf32>, vector<64x64xf32>, vector<2000x64xf32> -> vector<2000x64xf32>
    %add3A_330 = arith.addf %dot_general3A_324, %dot_general3A_329 : vector<2000x64xf32>
    %get3A_331 = arith.constant 2 : index
    %get3A_332 = arith.constant 0 : index
    %get3A_333 = vector.load %arg7[%get3A_331, %get3A_332] : memref<4x64xf32, #tpu.memory_space<vmem>>, vector<1x64xf32>
    %add3A_334 = vector.broadcast %get3A_333 : vector<1x64xf32> to vector<2000x64xf32>
    %add3A_335 = arith.addf %add3A_330, %add3A_334 : vector<2000x64xf32>
    %tanh3A_336 = math.tanh %add3A_335 : vector<2000x64xf32>
    %get3A_337 = arith.constant 96 : index
    %get3A_338 = arith.constant 0 : index
    %get3A_339 = vector.load %arg5[%get3A_337, %get3A_338] : memref<128x64xf32, #tpu.memory_space<vmem>>, vector<32x64xf32>
    %dot_general3A_340 = arith.constant dense<0.000000e+00> : vector<2000x64xf32>
    %dot_general3A_341 = tpu.matmul %concatenate3A_275, %get3A_339, %dot_general3A_340 {dimension_numbers = #tpu.dot_dimension_numbers<[1], [0], [0], [1], [0, 0, 1, 1], [], []>, transpose_lhs_hint = false} : vector<2000x32xf32>, vector<32x64xf32>, vector<2000x64xf32> -> vector<2000x64xf32>
    %get3A_342 = arith.constant 192 : index
    %get3A_343 = arith.constant 0 : index
    %get3A_344 = vector.load %arg6[%get3A_342, %get3A_343] : memref<256x64xf32, #tpu.memory_space<vmem>>, vector<64x64xf32>
    %dot_general3A_345 = arith.constant dense<0.000000e+00> : vector<2000x64xf32>
    %dot_general3A_346 = tpu.matmul %mul3A_274, %get3A_344, %dot_general3A_345 {dimension_numbers = #tpu.dot_dimension_numbers<[1], [0], [0], [1], [0, 0, 1, 1], [], []>, transpose_lhs_hint = false} : vector<2000x64xf32>, vector<64x64xf32>, vector<2000x64xf32> -> vector<2000x64xf32>
    %add3A_347 = arith.addf %dot_general3A_341, %dot_general3A_346 : vector<2000x64xf32>
    %get3A_348 = arith.constant 3 : index
    %get3A_349 = arith.constant 0 : index
    %get3A_350 = vector.load %arg7[%get3A_348, %get3A_349] : memref<4x64xf32, #tpu.memory_space<vmem>>, vector<1x64xf32>
    %add3A_351 = vector.broadcast %get3A_350 : vector<1x64xf32> to vector<2000x64xf32>
    %add3A_352 = arith.addf %add3A_347, %add3A_351 : vector<2000x64xf32>
    %logistic3A_353 = arith.negf %add3A_352 : vector<2000x64xf32>
    %logistic3A_354 = math.exp %logistic3A_353 : vector<2000x64xf32>
    %logistic3A_355 = arith.constant 1.000000e+00 : f32
    %logistic3A_356 = vector.broadcast %logistic3A_355 : f32 to vector<2000x64xf32>
    %logistic3A_357 = arith.addf %logistic3A_356, %logistic3A_354 : vector<2000x64xf32>
    %logistic3A_358 = arith.divf %logistic3A_356, %logistic3A_357 : vector<2000x64xf32>
    %mul3A_359 = arith.mulf %logistic3A_319, %add3A_272 : vector<2000x64xf32>
    %mul3A_360 = arith.mulf %logistic3A_297, %tanh3A_336 : vector<2000x64xf32>
    %add3A_361 = arith.addf %mul3A_359, %mul3A_360 : vector<2000x64xf32>
    %tanh3A_362 = math.tanh %add3A_361 : vector<2000x64xf32>
    %mul3A_363 = arith.mulf %logistic3A_358, %tanh3A_362 : vector<2000x64xf32>
    %get3A_364 = arith.constant 0 : index
    %get3A_365 = arith.constant 0 : index
    %get3A_366 = vector.load %arg10[%get3A_364, %get3A_365] : memref<1x1xf32, #tpu.memory_space<vmem>>, vector<1x1xf32>
    %get3A_367 = vector.extract %get3A_366[0, 0] : f32 from vector<1x1xf32>
    %get3A_368 = arith.constant 0 : index
    %get3A_369 = arith.constant 0 : index
    %get3A_370 = vector.load %arg8[%get3A_368, %get3A_369] : memref<64x1xf32, #tpu.memory_space<vmem>>, vector<64x1xf32>
    %dot_general3A_371 = arith.constant dense<0.000000e+00> : vector<2000x1xf32>
    %dot_general3A_372 = tpu.matmul %mul3A_96, %get3A_370, %dot_general3A_371 {dimension_numbers = #tpu.dot_dimension_numbers<[1], [0], [0], [1], [0, 0, 1, 1], [], []>, transpose_lhs_hint = false} : vector<2000x64xf32>, vector<64x1xf32>, vector<2000x1xf32> -> vector<2000x1xf32>
    %get3A_373 = arith.constant 0 : index
    %get3A_374 = arith.constant 0 : index
    %get3A_375 = vector.load %arg9[%get3A_373, %get3A_374] : memref<64x1xf32, #tpu.memory_space<vmem>>, vector<64x1xf32>
    %dot_general3A_376 = arith.constant dense<0.000000e+00> : vector<2000x1xf32>
    %dot_general3A_377 = tpu.matmul %mul3A_363, %get3A_375, %dot_general3A_376 {dimension_numbers = #tpu.dot_dimension_numbers<[1], [0], [0], [1], [0, 0, 1, 1], [], []>, transpose_lhs_hint = false} : vector<2000x64xf32>, vector<64x1xf32>, vector<2000x1xf32> -> vector<2000x1xf32>
    %add3A_378 = arith.addf %dot_general3A_372, %dot_general3A_377 : vector<2000x1xf32>
    %add3A_379 = vector.broadcast %get3A_367 : f32 to vector<2000x1xf32>
    %add3A_380 = arith.addf %add3A_378, %add3A_379 : vector<2000x1xf32>
    %get3A_381 = arith.constant 0 : index
    %get3A_382 = arith.constant 0 : index
    %get3A_383 = vector.load %arg8[%get3A_381, %get3A_382] : memref<64x1xf32, #tpu.memory_space<vmem>>, vector<64x1xf32>
    %dot_general3A_384 = arith.constant dense<0.000000e+00> : vector<2000x1xf32>
    %dot_general3A_385 = tpu.matmul %mul3A_185, %get3A_383, %dot_general3A_384 {dimension_numbers = #tpu.dot_dimension_numbers<[1], [0], [0], [1], [0, 0, 1, 1], [], []>, transpose_lhs_hint = false} : vector<2000x64xf32>, vector<64x1xf32>, vector<2000x1xf32> -> vector<2000x1xf32>
    %get3A_386 = arith.constant 0 : index
    %get3A_387 = arith.constant 0 : index
    %get3A_388 = vector.load %arg9[%get3A_386, %get3A_387] : memref<64x1xf32, #tpu.memory_space<vmem>>, vector<64x1xf32>
    %dot_general3A_389 = arith.constant dense<0.000000e+00> : vector<2000x1xf32>
    %dot_general3A_390 = tpu.matmul %mul3A_274, %get3A_388, %dot_general3A_389 {dimension_numbers = #tpu.dot_dimension_numbers<[1], [0], [0], [1], [0, 0, 1, 1], [], []>, transpose_lhs_hint = false} : vector<2000x64xf32>, vector<64x1xf32>, vector<2000x1xf32> -> vector<2000x1xf32>
    %add3A_391 = arith.addf %dot_general3A_385, %dot_general3A_390 : vector<2000x1xf32>
    %add3A_392 = vector.broadcast %get3A_367 : f32 to vector<2000x1xf32>
    %add3A_393 = arith.addf %add3A_391, %add3A_392 : vector<2000x1xf32>
    %get3A_394 = arith.constant 0 : index
    %get3A_395 = arith.constant 0 : index
    %get3A_396 = vector.load %arg8[%get3A_394, %get3A_395] : memref<64x1xf32, #tpu.memory_space<vmem>>, vector<64x1xf32>
    %dot_general3A_397 = arith.constant dense<0.000000e+00> : vector<2000x1xf32>
    %dot_general3A_398 = tpu.matmul %mul3A_274, %get3A_396, %dot_general3A_397 {dimension_numbers = #tpu.dot_dimension_numbers<[1], [0], [0], [1], [0, 0, 1, 1], [], []>, transpose_lhs_hint = false} : vector<2000x64xf32>, vector<64x1xf32>, vector<2000x1xf32> -> vector<2000x1xf32>
    %get3A_399 = arith.constant 0 : index
    %get3A_400 = arith.constant 0 : index
    %get3A_401 = vector.load %arg9[%get3A_399, %get3A_400] : memref<64x1xf32, #tpu.memory_space<vmem>>, vector<64x1xf32>
    %dot_general3A_402 = arith.constant dense<0.000000e+00> : vector<2000x1xf32>
    %dot_general3A_403 = tpu.matmul %mul3A_185, %get3A_401, %dot_general3A_402 {dimension_numbers = #tpu.dot_dimension_numbers<[1], [0], [0], [1], [0, 0, 1, 1], [], []>, transpose_lhs_hint = false} : vector<2000x64xf32>, vector<64x1xf32>, vector<2000x1xf32> -> vector<2000x1xf32>
    %add3A_404 = arith.addf %dot_general3A_398, %dot_general3A_403 : vector<2000x1xf32>
    %add3A_405 = vector.broadcast %get3A_367 : f32 to vector<2000x1xf32>
    %add3A_406 = arith.addf %add3A_404, %add3A_405 : vector<2000x1xf32>
    %get3A_407 = arith.constant 0 : index
    %get3A_408 = arith.constant 0 : index
    %get3A_409 = vector.load %arg8[%get3A_407, %get3A_408] : memref<64x1xf32, #tpu.memory_space<vmem>>, vector<64x1xf32>
    %dot_general3A_410 = arith.constant dense<0.000000e+00> : vector<2000x1xf32>
    %dot_general3A_411 = tpu.matmul %mul3A_363, %get3A_409, %dot_general3A_410 {dimension_numbers = #tpu.dot_dimension_numbers<[1], [0], [0], [1], [0, 0, 1, 1], [], []>, transpose_lhs_hint = false} : vector<2000x64xf32>, vector<64x1xf32>, vector<2000x1xf32> -> vector<2000x1xf32>
    %get3A_412 = arith.constant 0 : index
    %get3A_413 = arith.constant 0 : index
    %get3A_414 = vector.load %arg9[%get3A_412, %get3A_413] : memref<64x1xf32, #tpu.memory_space<vmem>>, vector<64x1xf32>
    %dot_general3A_415 = arith.constant dense<0.000000e+00> : vector<2000x1xf32>
    %dot_general3A_416 = tpu.matmul %mul3A_96, %get3A_414, %dot_general3A_415 {dimension_numbers = #tpu.dot_dimension_numbers<[1], [0], [0], [1], [0, 0, 1, 1], [], []>, transpose_lhs_hint = false} : vector<2000x64xf32>, vector<64x1xf32>, vector<2000x1xf32> -> vector<2000x1xf32>
    %add3A_417 = arith.addf %dot_general3A_411, %dot_general3A_416 : vector<2000x1xf32>
    %add3A_418 = vector.broadcast %get3A_367 : f32 to vector<2000x1xf32>
    %add3A_419 = arith.addf %add3A_417, %add3A_418 : vector<2000x1xf32>
    %max3A = arith.maximumf %add3A_380, %add3A_393 : vector<2000x1xf32>
    %max3A_420 = arith.maximumf %add3A_406, %add3A_419 : vector<2000x1xf32>
    %max3A_421 = arith.maximumf %max3A, %max3A_420 : vector<2000x1xf32>
    %sub3A = arith.subf %add3A_380, %max3A_421 : vector<2000x1xf32>
    %exp3A = math.exp %sub3A : vector<2000x1xf32>
    %sub3A_422 = arith.subf %add3A_393, %max3A_421 : vector<2000x1xf32>
    %exp3A_423 = math.exp %sub3A_422 : vector<2000x1xf32>
    %sub3A_424 = arith.subf %add3A_406, %max3A_421 : vector<2000x1xf32>
    %exp3A_425 = math.exp %sub3A_424 : vector<2000x1xf32>
    %sub3A_426 = arith.subf %add3A_419, %max3A_421 : vector<2000x1xf32>
    %exp3A_427 = math.exp %sub3A_426 : vector<2000x1xf32>
    %add3A_428 = arith.addf %exp3A, %exp3A_423 : vector<2000x1xf32>
    %add3A_429 = arith.addf %add3A_428, %exp3A_425 : vector<2000x1xf32>
    %add3A_430 = arith.addf %add3A_429, %exp3A_427 : vector<2000x1xf32>
    %mul3A_431 = vector.broadcast %exp3A : vector<2000x1xf32> to vector<2000x16xf32>
    %mul3A_432 = arith.mulf %mul3A_431, %get3A_1 : vector<2000x16xf32>
    %add3A_433 = arith.constant 0.000000e+00 : f32
    %add3A_434 = vector.broadcast %add3A_433 : f32 to vector<2000x16xf32>
    %add3A_435 = arith.addf %add3A_434, %mul3A_432 : vector<2000x16xf32>
    %mul3A_436 = vector.broadcast %exp3A_423 : vector<2000x1xf32> to vector<2000x16xf32>
    %mul3A_437 = arith.mulf %mul3A_436, %get3A_4 : vector<2000x16xf32>
    %add3A_438 = arith.addf %add3A_435, %mul3A_437 : vector<2000x16xf32>
    %mul3A_439 = vector.broadcast %exp3A_425 : vector<2000x1xf32> to vector<2000x16xf32>
    %mul3A_440 = arith.mulf %mul3A_439, %get3A_7 : vector<2000x16xf32>
    %add3A_441 = arith.addf %add3A_438, %mul3A_440 : vector<2000x16xf32>
    %mul3A_442 = vector.broadcast %exp3A_427 : vector<2000x1xf32> to vector<2000x16xf32>
    %mul3A_443 = arith.mulf %mul3A_442, %get3A_10 : vector<2000x16xf32>
    %add3A_444 = arith.addf %add3A_441, %mul3A_443 : vector<2000x16xf32>
    %div3A = vector.broadcast %add3A_430 : vector<2000x1xf32> to vector<2000x16xf32>
    %div3A_445 = arith.divf %add3A_444, %div3A : vector<2000x16xf32>
    %get3A_446 = arith.constant 0 : index
    %get3A_447 = arith.constant 0 : index
    %get3A_448 = vector.load %arg11[%get3A_446, %get3A_447] : memref<16x640xf32, #tpu.memory_space<vmem>>, vector<16x640xf32>
    %dot_general3A_449 = arith.constant dense<0.000000e+00> : vector<2000x640xf32>
    %dot_general3A_450 = tpu.matmul %div3A_445, %get3A_448, %dot_general3A_449 {dimension_numbers = #tpu.dot_dimension_numbers<[1], [0], [0], [1], [0, 0, 1, 1], [], []>, transpose_lhs_hint = false} : vector<2000x16xf32>, vector<16x640xf32>, vector<2000x640xf32> -> vector<2000x640xf32>
    %get3A_451 = arith.constant 0 : index
    %get3A_452 = arith.constant 0 : index
    %get3A_453 = vector.load %arg12[%get3A_451, %get3A_452] : memref<1x640xf32, #tpu.memory_space<vmem>>, vector<1x640xf32>
    %add3A_454 = vector.broadcast %get3A_453 : vector<1x640xf32> to vector<2000x640xf32>
    %add3A_455 = arith.addf %dot_general3A_450, %add3A_454 : vector<2000x640xf32>
    %swap3A = arith.constant 0 : index
    %swap3A_456 = arith.constant 0 : index
    %swap3A_457 = vector.load %arg13[%swap3A, %swap3A_456] : memref<2000x640xf32, #tpu.memory_space<vmem>>, vector<2000x640xf32>
    tpu.vector_store %arg13[%swap3A, %swap3A_456], %add3A_455 {strides = array<i32>} : memref<2000x640xf32, #tpu.memory_space<vmem>>, vector<2000x640xf32>,
    return
  }
  func.func @transform_0(%arg0: i32) -> (i32, i32) {
    %c0_i32 = arith.constant 0 : i32
    %c0_i32_0 = arith.constant 0 : i32
    return %arg0, %c0_i32 : i32, i32
  }
  func.func @transform_1(%arg0: i32) -> (i32, i32) {
    %c0_i32 = arith.constant 0 : i32
    %c0_i32_0 = arith.constant 0 : i32
    return %arg0, %c0_i32 : i32, i32
  }
  func.func @transform_2(%arg0: i32) -> (i32, i32) {
    %c0_i32 = arith.constant 0 : i32
    %c0_i32_0 = arith.constant 0 : i32
    return %arg0, %c0_i32 : i32, i32
  }
  func.func @transform_3(%arg0: i32) -> (i32, i32) {
    %c0_i32 = arith.constant 0 : i32
    %c0_i32_0 = arith.constant 0 : i32
    return %arg0, %c0_i32 : i32, i32
  }
  func.func @transform_4(%arg0: i32) -> (i32, i32) {
    %c0_i32 = arith.constant 0 : i32
    %c0_i32_0 = arith.constant 0 : i32
    %c0_i32_1 = arith.constant 0 : i32
    return %c0_i32, %c0_i32_0 : i32, i32
  }
  func.func @transform_5(%arg0: i32) -> (i32, i32) {
    %c0_i32 = arith.constant 0 : i32
    %c0_i32_0 = arith.constant 0 : i32
    %c0_i32_1 = arith.constant 0 : i32
    return %c0_i32, %c0_i32_0 : i32, i32
  }
  func.func @transform_6(%arg0: i32) -> (i32, i32) {
    %c0_i32 = arith.constant 0 : i32
    %c0_i32_0 = arith.constant 0 : i32
    %c0_i32_1 = arith.constant 0 : i32
    return %c0_i32, %c0_i32_0 : i32, i32
  }
  func.func @transform_7(%arg0: i32) -> (i32, i32) {
    %c0_i32 = arith.constant 0 : i32
    %c0_i32_0 = arith.constant 0 : i32
    %c0_i32_1 = arith.constant 0 : i32
    return %c0_i32, %c0_i32_0 : i32, i32
  }
  func.func @transform_8(%arg0: i32) -> (i32, i32) {
    %c0_i32 = arith.constant 0 : i32
    %c0_i32_0 = arith.constant 0 : i32
    %c0_i32_1 = arith.constant 0 : i32
    return %c0_i32, %c0_i32_0 : i32, i32
  }
  func.func @transform_9(%arg0: i32) -> (i32, i32) {
    %c0_i32 = arith.constant 0 : i32
    %c0_i32_0 = arith.constant 0 : i32
    %c0_i32_1 = arith.constant 0 : i32
    return %c0_i32, %c0_i32_0 : i32, i32
  }
  func.func @transform_10(%arg0: i32) -> (i32, i32) {
    %c0_i32 = arith.constant 0 : i32
    %c0_i32_0 = arith.constant 0 : i32
    %c0_i32_1 = arith.constant 0 : i32
    return %c0_i32, %c0_i32_0 : i32, i32
  }
  func.func @transform_11(%arg0: i32) -> (i32, i32) {
    %c0_i32 = arith.constant 0 : i32
    %c0_i32_0 = arith.constant 0 : i32
    %c0_i32_1 = arith.constant 0 : i32
    return %c0_i32, %c0_i32_0 : i32, i32
  }
  func.func @transform_12(%arg0: i32) -> (i32, i32) {
    %c0_i32 = arith.constant 0 : i32
    %c0_i32_0 = arith.constant 0 : i32
    return %arg0, %c0_i32 : i32, i32
  }
}

</mosaic_0001>

<sc_bundles>
// kernel: kernel.14.cloned.1.call-start
scs
__scs_entry_jumppad:
0x0: {  	(pc) =	sbr.rel $0x88, $3  }
0x1: {  	(tag) =	ssettag $0x0;
	lr =	simm.s32 $0x1  }
0x2: {  	[smem:$0x3F83] =	sst lr;
	_ =	strace $0xD0000000  }
0x3: {  	_ = 	snop  }
0x4: {  	_ = 	snop  }
0x5: {  	_ = 	snop  }
0x6: {  	_ = 	snop  }
0x7: {  	_ = 	snop  }
__scs_overlays_trampoline_lowered:
0x8: {  	[smem:$0x3F92] =	sst s0  }
0x9: {  	[smem:$0x3F93] =	sst s1  }
0xa: {  	[smem:$0x3F94] =	sst s2  }
0xb: {  	[smem:$0x3F95] =	sst s3  }
0xc: {  	[smem:$0x3F96] =	sst s4  }
0xd: {  	[smem:$0x3F97] =	sst s5  }
0xe: {  	[smem:$0x3F98] =	sst s6  }
0xf: {  	[smem:$0x3F99] =	sst s7  }
0x10: {  	[smem:$0x3F9A] =	sst s8  }
0x11: {  	[smem:$0x3F9B] =	sst s9;
	s0 =	simm.s32 @!p0 $0x0  }
0x12: {  	s1 =	sld [smem:$0x3F81];
	s0 =	simm.s32 @p0 $0x1  }
0x13: {  	[smem:$0x3F9C] =	sst s0;
	s0 =	simm.s32 @!p1 $0x0  }
0x14: {  	s2 =	sld [smem:$0x3F80];
	s0 =	simm.s32 @p1 $0x1  }
0x15: {  	[smem:$0x3F9D] =	sst s0;
	s0 =	simm.s32 @!p2 $0x0  }
0x16: {  	s3 =	sld [smem:$0x3FDB];
	s0 =	simm.s32 @p2 $0x1  }
0x17: {  	s4 =	simm.s32 $0x1BF5;
	[smem:$0x3F9F] =	sst s0  }
0x18: {  	s0 =	sld [smem:$0x3F82];
	_ =	swait.ge [sflag:s4], $0x0  }
0x19: {  	s7 =	sld [smem:$0x3F83]  }
0x1a: {  	s8 =	sadd.s32 $0xFFFFE003, lr  }
0x1b: {  	s9 =	sadd.s32 $0xFFFFFEF7, lr;
	s5 =	simm.s32 $0xFFFFFFFF;
	p2 =	slt.u32 s8, $0xFFFFF086  }
0x1c: {  	p1 =	slt.u32 s9, $0xF7A;
	s5 =	simm.s32 @!p2 $0x0  }
0x1d: {  	s5 =	simm.s32 @p1 $0x1;
	p0 =	seq.s32 s7, s2  }
0x1e: {  	s7 =	smul.u32 @!p0 $0xF7A, s2;
	p2 =	seq.s32 @!p0 s5, $0x0  }
0x1f: {  	s9 =	smul.u32 $0xF7A, s1;
	s8 =	simm.s32 @!p0 $0x1BF5;
	p2 =	por !p2, p0  }
0x20: {  	[sflag:s8] =	ssyncset.s32 @!p0 $0xFFFFF086;
	s6 =	sadd.s32 @!p0 s3, s7;
	s7 =	simm.s32 @!p0 $0x108  }
0x21: {  	s3 =	sadd.s32 s3, s9;
	s6 =	sadd.s32 @!p0 $0x88, s6;
	s7 =	simm.s32 @p2 $0x1082  }
0x22: {  	[simem:s7], [sflag:s8] =	dma.local @!p0 [hbm:s6], $0xF7A  }
0x23: {  	s9 =	sor.u32 $0xD0000000, s2;
	s6 =	simm.s32 $0x108;
	_ =	swait.ge @!p0 [sflag:s8], $0x0  }
0x24: {  	s3 =	sadd.s32 $0x88, s3;
	s6 =	simm.s32 @!p1 $0x1082;
	[sflag:s4] =	ssyncset.s32 $0xFFFFF086  }
0x25: {  	[simem:s6], [sflag:s4] =	dma.local [hbm:s3], $0xF7A  }
0x26: {  	[smem:$0x3F83] =	sst s1;
	(tag) =	ssettag s2;
	_ =	strace s9  }
0x27: {  	s1 =	sld [smem:$0x3F93]  }
0x28: {  	s2 =	sld [smem:$0x3F94]  }
0x29: {  	s4 =	sld [smem:$0x3F96]  }
0x2a: {  	p0 =	seq.s32 s5, $0x0;
	s5 =	sld [smem:$0x3F97]  }
0x2b: {  	s6 =	sld [smem:$0x3F98]  }
0x2c: {  	s7 =	sld [smem:$0x3F99]  }
0x2d: {  	s3 =	simm.s32 $0x108;
	s8 =	sld [smem:$0x3F9A]  }
0x2e: {  	s3 =	simm.s32 @!p0 $0x1082;
	s9 =	sld [smem:$0x3F9B]  }
0x2f: {  	lr =	sadd.s32 s0, s3;
	s0 =	sld [smem:$0x3F92]  }
0x30: {  	s3 =	sld [smem:$0x3F95]  }
0x31: {  	[smem:$0x3F9E] =	sst s10  }
0x32: {  	s10 =	sld [smem:$0x3F9C];
	_ =	sdelay $0x3  }
0x33: {  	p0 =	seq.s32 s10, $0x1;
	s10 =	sld [smem:$0x3F9E];
	_ =	sdelay $0x3  }
0x34: {  	[smem:$0x3F9E] =	sst s10  }
0x35: {  	s10 =	sld [smem:$0x3F9D];
	_ =	sdelay $0x3  }
0x36: {  	p1 =	seq.s32 s10, $0x1;
	s10 =	sld [smem:$0x3F9E];
	_ =	sdelay $0x3  }
0x37: {  	[smem:$0x3F9E] =	sst s10  }
0x38: {  	s10 =	sld [smem:$0x3F9F]  }
0x39: {  	_ = 	snop;
	(pc) =	sbr.ind lr, $3  }
0x3a: {  	_ = 	snop  }
0x3b: {  	_ = 	snop  }
0x3c: {  	p2 =	seq.s32 s10, $0x1;
	s10 =	sld [smem:$0x3F9E]  }
0x3d: {  	_ =	shalt  }
0x3e: {  	_ =	shalt  }
0x3f: {  	_ =	shalt  }
0x40: {  	_ =	shalt  }
0x41: {  	_ =	shalt  }
0x42: {  	_ =	shalt  }
0x43: {  	_ =	shalt  }
0x44: {  	_ =	shalt  }
0x45: {  	_ =	shalt  }
0x46: {  	_ =	shalt  }
0x47: {  	_ =	shalt  }
0x48: {  	_ =	shalt  }
0x49: {  	_ =	shalt  }
0x4a: {  	_ =	shalt  }
0x4b: {  	_ =	shalt  }
0x4c: {  	_ =	shalt  }
0x4d: {  	_ =	shalt  }
0x4e: {  	_ =	shalt  }
0x4f: {  	_ =	shalt  }
0x50: {  	_ =	shalt  }
0x51: {  	_ =	shalt  }
0x52: {  	_ =	shalt  }
0x53: {  	_ =	shalt  }
0x54: {  	_ =	shalt  }
0x55: {  	_ =	shalt  }
0x56: {  	_ =	shalt  }
0x57: {  	_ =	shalt  }
0x58: {  	_ =	shalt  }
0x59: {  	_ =	shalt  }
0x5a: {  	_ =	shalt  }
0x5b: {  	_ =	shalt  }
0x5c: {  	_ =	shalt  }
0x5d: {  	_ =	shalt  }
0x5e: {  	_ =	shalt  }
0x5f: {  	_ =	shalt  }
0x60: {  	_ =	shalt  }
0x61: {  	_ =	shalt  }
0x62: {  	_ =	shalt  }
0x63: {  	_ =	shalt  }
0x64: {  	_ =	shalt  }
0x65: {  	_ =	shalt  }
0x66: {  	_ =	shalt  }
0x67: {  	_ =	shalt  }
0x68: {  	_ =	shalt  }
0x69: {  	_ =	shalt  }
0x6a: {  	_ =	shalt  }
0x6b: {  	_ =	shalt  }
0x6c: {  	_ =	shalt  }
0x6d: {  	_ =	shalt  }
0x6e: {  	_ =	shalt  }
0x6f: {  	_ =	shalt  }
0x70: {  	_ =	shalt  }
0x71: {  	_ =	shalt  }
0x72: {  	_ =	shalt  }
0x73: {  	_ =	shalt  }
0x74: {  	_ =	shalt  }
0x75: {  	_ =	shalt  }
0x76: {  	_ =	shalt  }
0x77: {  	_ =	shalt  }
0x78: {  	_ =	shalt  }
0x79: {  	_ =	shalt  }
0x7a: {  	_ =	shalt  }
0x7b: {  	_ =	shalt  }
0x7c: {  	_ =	shalt  }
0x7d: {  	_ =	shalt  }
0x7e: {  	_ =	shalt  }
0x7f: {  	_ =	shalt  }
0x80: {  	_ =	shalt  }
0x81: {  	_ =	shalt  }
0x82: {  	_ =	shalt  }
0x83: {  	_ =	shalt  }
0x84: {  	_ =	shalt  }
0x85: {  	_ =	shalt  }
0x86: {  	_ =	shalt  }
0x87: {  	_ =	shalt  }
.Lfunc_end0:
.L_simem_size_0:
called_computation_lowered:
.L_overlay_start_0:
0x88: {  	s2 =	sld [smem:$0x3FD9]  }
0x89: {  	s3 =	sld [smem:$0x3FFE];
	_ =	sdelay $0x1  }
0x8a: {  	s1 =	srdreg.scid  }
0x8b: {  	s0 =	sand.u32 $0x1, s1  }
0x8c: {  	s16 =	sshll.u32 s0, $0xA;
	s2 =	sadd.s32 s3, s2  }
0x8d: {  	s2 =	sadd.s32 s2, s16  }
0x8e: {  	[smem:$0x3FAA] =	sst s2  }
0x8f: {  	_ = 	snop  }
0x90: {  	(tm) =	ssettm $0x1  }
0x91: {  	s17 =	sld [smem:$0x3FFB];
	_ =	sdelay $0x3  }
0x92: {  	_ =	strace s17  }
0x93: {  	s2 =	sld [smem:$0x3FFC];
	_ =	sdelay $0x3  }
0x94: {  	_ =	strace s2  }
0x95: {  	s2 =	sld [smem:$0x3FFD];
	_ =	sdelay $0x3  }
0x96: {  	_ =	strace s2  }
0x97: {  	_ =	strace $0x8FFFFFFF  }
0x98: {  	s18 =	sld [smem:$0x3FDB];
	_ =	sdelay $0x1  }
0x99: {  	s19 =	simm.s32 $_scs_section_size  }
0x9a: {  	s4 =	simm.s32 $_size__tile_overlayer_lowered;
	s5 =	simm.s32 $_tile_overlayer_lowered  }
0x9b: {  	s22 =	simm.s32 $0x1BFF;
	s21 =	sshll.u32 s5, $0x1;
	s2 =	sadd.s32 s19, s18  }
0x9c: {  	s6 =	simm.s32 $0x0;
	s20 =	sshll.u32 s4, $0x1;
	s4 =	sadd.s32 s21, s2  }
0x9d: {  	[timem:s6], [sflag:s22] =	dma.local [hbm:s4], s20  }
0x9e: {  	_ =	swait.ge [sflag:s22], s20  }
0x9f: {  	s3 =	ssub.s32 $0x0, s20;
	[sflag:s22] =	ssyncset.done $0x0  }
0xa0: {  	[sflag:s22] =	ssyncadd.s32 s3;
	_ =	sdelay $0x1  }
0xa1: {  	s23 =	simm.s32 $0x1B8B  }
0xa2: {  	_ =	swait.ge [sflag:s23], $0x1  }
0xa3: {  	[sflag:s23] =	ssyncset.done $0x0  }
0xa4: {  	s25 =	simm.s32 $0x1B8E;
	s24 =	sld [smem:$0x3FFE];
	[sflag:s23] =	ssyncadd.s32 $0xFFFFFFFF  }
0xa5: {  	s26 =	simm.s32 $execute0_lowered;
	[smem:$0x3FD2] =	sst s25  }
0xa6: {  	s4 =	sshll.u32 s26, $0x1;
	_ =	strace $0x80000046;
	[dreg:$0x1] =	wrdreg $0xFFFFFFFF  }
0xa7: {  	s28 =	simm.s32 $_size_execute0_lowered;
	s2 =	sadd.s32 s2, s4;
	[dreg:$0x0] =	wrdreg $0x0  }
0xa8: {  	s4 =	sshll.u32 s28, $0x1;
	[dreg:$0x2] =	wrdreg s2  }
0xa9: {  	[dreg:$0x3] =	wrdreg s4  }
0xaa: {  	[dreg:$0x4] =	wrdreg $0xC0  }
0xab: {  	_ =	task [dreg:s6], $0x5FFFF  }
0xac: {  	[dreg:$0x1] =	wrdreg $0xFFFFFFFF  }
0xad: {  	[dreg:$0x0] =	wrdreg $0x60  }
0xae: {  	[dreg:$0x2] =	wrdreg s24  }
0xaf: {  	[dreg:$0x3] =	wrdreg $0x3A300  }
0xb0: {  	[dreg:$0x4] =	wrdreg $0x9  }
0xb1: {  	_ =	task.clear_ibuf [dreg:s6], $0x5FFFF;
	_ =	strace $0x90000046  }
0xb2: {  	s29 =	simm.s32 $0x9;
	_ =	strace $0x80000048  }
0xb3: {  	_ =	swait.ge [sflag:s29], $0x1  }
0xb4: {  	[sflag:s29] =	ssyncadd.s32 $0xFFFFFFFF  }
0xb5: {  	_ =	strace $0x90000048  }
0xb6: {  	_ =	sfence  }
0xb7: {  	s30 =	sld [smem:$0x0];
	_ =	sdelay $0x2  }
0xb8: {  	s31 =	sshll.u32 s1, $0xD;
	s1 =	sshrl.u32 s1, $0x2  }
0xb9: {  	s3 =	sand.u32 $0x4000, s31;
	s1 =	sadd.s32 s1, s30  }
0xba: {  	s0 =	sor.u32 s3, s0;
	s1 =	sshll.u32 s1, $0x11  }
0xbb: {  	s0 =	sor.u32 s1, s0  }
0xbc: {  	s0 =	sadd.s32 $0x8F2B, s0  }
0xbd: {  	[sflag:s0] =	ssyncadd.remote.s32 $0x1  }
0xbe: {  	_ =	sfence.sel $0xFFFF  }
0xbf: {  	[dreg:$0x0] =	wrdreg $0xFFFFFFFF;
	(pc) =	sbr.abs _section_cstart, $3  }
0xc0: {  	[dreg:$0x1] =	wrdreg $0xFFFFFFFF  }
0xc1: {  	_ =	task.clear_ibuf [dreg:s6], $0x2FFFF;
	_ =	strace $0x9FFFFFFF  }
0xc2: {  	(tm) =	ssettm $0x7FFFFFFF  }
0xc3: {  	_ =	shalt  }
tec
execute0_lowered:
.L_overlay_start_1:
0x0: {  	(tag) =	ssettag $0x1  }
0x1: {  	s5 =	rddreg [dreg:$0x0]  }
0x2: {  	s1 =	rddreg [dreg:$0x1]  }
0x3: {  	s0 =	rddreg [dreg:$0x2];
	s3 =	simm.s32 $0x0;
	s2 =	stileid.u32  }
0x4: {  	s4 =	srdreg.scid;
	s16 =	simm.s32 $0x310;
	s17 =	simm.s32 $0x2  }
0x5: {  	s18 =	simm.s32 $0x0;
	[smem:$0x7FF] =	sst s3;
	s6 =	smul.u32 $0x18800, s2  }
0x6: {  	s11 =	sadd.s32 $0x6D000, s5;
	s7 =	sand.u32 $0x1, s4;
	s8 =	smul.u32 $0x3100, s2  }
0x7: {  	s24 =	sshll.u32 s2, $0x1;
	s4 =	sadd.s32 $0xCF000, s5;
	s13 =	smul.u32 $0x31000, s2  }
0x8: {  	s28 =	sshll.u32 s2, $0x6;
	_ =	strace $0x80000047;
	s10 =	smul.u32 $0x31000, s7  }
0x9: {  	s12 =	sor.u32 s7, s24;
	s25 =	ssub.s32 $0x2, s7;
	s7 =	smul.u32 $0x18800, s7  }
0xa: {  	s9 =	sshrl.u32 s6, $0x3;
	s12 =	smul.u32 $0x18800, s12;
	s26 =	sshrl.u32 s25, $0x1  }
0xb: {  	s15 =	sadd.s32 s6, s1;
	s6 =	sor.u32 $0x1C03, s28;
	s9 =	sadd.s32 s9, s5  }
0xc: {  	s8 =	sadd.s32 s8, s10;
	s10 =	ssub.s32 s25, s26;
	s30 =	sadd.s32 s7, s13  }
.Ltmp0:
0xd: {  	s13 =	simm.s32 $0x3;
	s14 =	sadd.s32 s8, s5;
	(pc) =	sbr.rel .LBB2_1-.Ltmp0, $4  }
0xe: {  	s5 =	sadd.s32 $0xCF800, s9;
	s29 =	sshrl.u32 s12, $0x3;
	s31 =	sor.u32 $0x620, s30  }
0xf: {  	s10 =	smax.u32 s10, $0x1;
	s7 =	sadd.s32 s11, s29;
	s9 =	sadd.s32 $0x100800, s14  }
0x10: {  	s12 =	sshrl.u32 s31, $0x3;
	s14 =	simm.s32 $0x930;
	s8 =	sadd.s32 $0x62, s7  }
0x11: {  	s11 =	sadd.s32 s12, s11;
	s12 =	sshrl.u32 s15, $0x3;
	s15 =	simm.s32 $0x1  }
.LBB2_6:
0x12: {  	_ =	swait.ge [sflag:s17], $0x3100  }
0x13: {  	s18 =	sadd.s32 $0x1, s18;
	[sflag:s17] =	ssyncset.done $0x0  }
0x14: {  	p0 =	sne.s32 s18, s10;
	[sflag:s17] =	ssyncadd.s32 $0xFFFFCF00  }
.Ltmp1:
0x15: {  	[bflag:$0x0] =	sbarrier.arrive $0xFFFF;
	(pc) =	sbr.rel @!p0 .LBB2_7-.Ltmp1, $4  }
0x16: {  	[hbm:s9], [sflag:s6] =	dma.local [spmem:s12], $0x3100  }
0x17: {  	_ =	swait.ge [sflag:s13], $0x3100  }
0x18: {  	[sflag:s13] =	ssyncset.done $0x0  }
0x19: {  	[sflag:s13] =	ssyncadd.s32 $0xFFFFCF00  }
.LBB2_1:
0x1a: {  	[spmem:s12], [sflag:s6] =	dma.local [hbm:s5], $0x3100  }
0x1b: {  	_ =	swait.ge [sflag:s13], $0x3100  }
0x1c: {  	[sflag:s13] =	ssyncset.done $0x0  }
0x1d: {  	[sflag:s13] =	ssyncadd.s32 $0xFFFFCF00  }
0x1e: {  	[tilespmem:s14], [sflag:$0x3] =	stream.linear.gather [hbm4b:s4+s3], $0x3100, $0x38;
	[tilespmem:$0x1C230] =	vst v63  }
0x1f: {  	_ =	swait.ge [sflag:s13], $0x3100  }
0x20: {  	[sflag:s13] =	ssyncset.done $0x0  }
0x21: {  	[sflag:s13] =	ssyncadd.s32 $0xFFFFCF00  }
0x22: {  	[bflag:$0x0] =	sbarrier.arrive $0xFFFF  }
0x23: {  	[tilespmem:s3], [sflag:$0x1] =	stream.linear.gather [hbm4b:s7+s3], $0x310, $0x38;
	[tilespmem:$0x1C230] =	vst v63  }
.Ltmp2:
0x24: {  	_ = 	snop;
	(pc) =	sbr.rel .LBB2_2-.Ltmp2, $4  }
0x25: {  	_ =	swait.ge [sflag:s15], $0x310  }
0x26: {  	[sflag:s15] =	ssyncset.done $0x0  }
0x27: {  	s19 =	smov.u32 s11;
	s20 =	simm.s32 $0x0;
	[sflag:s15] =	ssyncadd.s32 $0xFFFFFCF0  }
0x28: {  	[tilespmem:s16], [sflag:$0x1] =	stream.linear.gather [hbm4b:s8+s3], $0x310, $0x38;
	[tilespmem:$0x1C230] =	vst v63  }
.LBB2_3:
0x29: {  	[spmem:s1] =	stream.indirect.scatter.add.f32 [tilespmem:s14], [sflag:$0x2], $0x10, s22, s16, $0xb8;
	[tilespmem:$0x1C230] =	vst v63  }
.LBB2_5:
0x2a: {  	s21 =	sadd.s32 $0x156, s21  }
0x2b: {  	s21 =	sshrl.u32 s21, $0x9  }
0x2c: {  	s21 =	sand.u32 $0x7F, s21  }
0x2d: {  	s21 =	smul.u32 $0x3, s21;
	_ =	sdelay $0x1  }
0x2e: {  	s21 =	ssub.s32 s20, s21  }
0x2f: {  	s21 =	sadd.s32 $0x2, s21  }
0x30: {  	p0 =	sgt.u32 s20, $0x7D;
	s21 =	sand.u32 $0xFF, s21  }
0x31: {  	_ =	swait.ge [sflag:s15], $0x310;
	s21 =	smul.u32 @!p0 $0xC40, s21  }
0x32: {  	[sflag:s15] =	ssyncset.done $0x0;
	s22 =	simm.s32 @!p0 $0x0  }
0x33: {  	[sflag:s15] =	ssyncadd.s32 $0xFFFFFCF0;
	s20 =	sadd.s32 $0x1, s20;
	s21 =	sshrl.u32 @!p0 s21, $0x2  }
0x34: {  	[tilespmem:s21], [sflag:$0x1] =	stream.linear.gather @!p0 [hbm4b:s19+s22], $0x310, $0x38;
	[tilespmem:$0x1C230] =	vst v63  }
0x35: {  	p0 =	sne.s32 s20, $0x80  }
.Ltmp3:
0x36: {  	_ = 	snop;
	(pc) =	sbr.rel @!p0 .LBB2_6-.Ltmp3, $2  }
0x37: {  	_ =	sdelay $0x2  }
0x38: {  	s19 =	sadd.s32 $0x62, s19  }
.LBB2_2:
0x39: {  	s21 =	smul.u32 $0xAB, s20;
	_ =	sdelay $0x1  }
0x3a: {  	s22 =	sshrl.u32 s21, $0x9  }
0x3b: {  	s22 =	sand.u32 $0x7F, s22  }
0x3c: {  	s22 =	smul.u32 $0x3, s22  }
0x3d: {  	p0 =	sne.s32 s20, $0x0  }
.Ltmp4:
0x3e: {  	s22 =	ssub.s32 s20, s22;
	(pc) =	sbr.rel @!p0 .LBB2_3-.Ltmp4, $3  }
0x3f: {  	s22 =	sand.u32 $0xFF, s22  }
0x40: {  	s22 =	smul.u32 $0xC40, s22;
	_ =	sdelay $0x1  }
0x41: {  	s22 =	sshrl.u32 s22, $0x2  }
0x42: {  	p0 =	seq.s32 s20, $0x7F  }
.Ltmp5:
0x43: {  	_ = 	snop;
	(pc) =	sbr.rel @!p0 .LBB2_5-.Ltmp5, $4  }
.Ltmp6:
0x44: {  	_ =	swait.ge [sflag:s17], $0x3100;
	(pc) =	sbr.rel @p0 .LBB2_6-.Ltmp6, $4  }
0x45: {  	[sflag:s17] =	ssyncset.done $0x0  }
0x46: {  	[sflag:s17] =	ssyncadd.s32 $0xFFFFCF00  }
0x47: {  	[spmem:s1] =	stream.indirect.scatter.add.f32 [tilespmem:s14], [sflag:$0x2], $0x10, s22, s16, $0xb8;
	[tilespmem:$0x1C230] =	vst v63  }
0x48: {  	_ = 	snop  }
.LBB2_7:
0x49: {  	_ =	sfence.sel $0x180000  }
0x4a: {  	[bflag:$0x0] =	sbarrier.arrive $0xFFFF  }
0x4b: {  	p0 =	sne.s32 s2, $0x0;
	_ =	strace $0x90000047  }
0x4c: {  	s0 =	sadd.s32 @!p0 $0x100000, s0;
	[bflag:$0x2] =	sbarrier.arrive $0xFFFF  }
0x4d: {  	[sflag:s0] =	ssyncadd.tile.s32 @!p0 $0x1;
	_ =	shalt  }
.Lfunc_end2:
_tile_overlayer_lowered:
.L_overlay_start_2:
0x4e: {  	(tag) =	ssettag $0x2  }
0x4f: {  	s0 =	rddreg [dreg:$0x0];
	s2 =	stileid.u32  }
0x50: {  	s1 =	rddreg [dreg:$0x1];
	p0 =	sne.s32 s2, $0x0  }
0x51: {  	s3 =	rddreg [dreg:$0x2];
	[bflag:$0x3] =	sbarrier.arrive $0xFFFF;
	s2 =	simm.s32 @!p0 $0x1C03  }
0x52: {  	[timem:s3], [sflag:s2] =	dma.local @!p0 [hbm:s0], s1  }
0x53: {  	s0 =	simm.s32 @!p0 $0x3  }
0x54: {  	_ =	swait.ge @!p0 [sflag:s0], s1  }
0x55: {  	s1 =	ssub.s32 @!p0 $0x0, s1;
	[sflag:s0] =	ssyncset.done @!p0 $0x0  }
0x56: {  	[sflag:s0] =	ssyncadd.s32 @!p0 s1  }
0x57: {  	[bflag:$0x3] =	sbarrier.arrive $0xFFFF  }
0x58: {  	_ =	shalt  }

// kernel: kernel.17.cloned.1.call-start
scs
__scs_entry_jumppad:
0x0: {  	(pc) =	sbr.rel $0x88, $3  }
0x1: {  	(tag) =	ssettag $0x0;
	lr =	simm.s32 $0x1  }
0x2: {  	[smem:$0x3F83] =	sst lr;
	_ =	strace $0xD0000000  }
0x3: {  	_ = 	snop  }
0x4: {  	_ = 	snop  }
0x5: {  	_ = 	snop  }
0x6: {  	_ = 	snop  }
0x7: {  	_ = 	snop  }
__scs_overlays_trampoline_lowered:
0x8: {  	[smem:$0x3F92] =	sst s0  }
0x9: {  	[smem:$0x3F93] =	sst s1  }
0xa: {  	[smem:$0x3F94] =	sst s2  }
0xb: {  	[smem:$0x3F95] =	sst s3  }
0xc: {  	[smem:$0x3F96] =	sst s4  }
0xd: {  	[smem:$0x3F97] =	sst s5  }
0xe: {  	[smem:$0x3F98] =	sst s6  }
0xf: {  	[smem:$0x3F99] =	sst s7  }
0x10: {  	[smem:$0x3F9A] =	sst s8  }
0x11: {  	[smem:$0x3F9B] =	sst s9;
	s0 =	simm.s32 @!p0 $0x0  }
0x12: {  	s1 =	sld [smem:$0x3F81];
	s0 =	simm.s32 @p0 $0x1  }
0x13: {  	[smem:$0x3F9C] =	sst s0;
	s0 =	simm.s32 @!p1 $0x0  }
0x14: {  	s2 =	sld [smem:$0x3F80];
	s0 =	simm.s32 @p1 $0x1  }
0x15: {  	[smem:$0x3F9D] =	sst s0;
	s0 =	simm.s32 @!p2 $0x0  }
0x16: {  	s3 =	sld [smem:$0x3FDB];
	s0 =	simm.s32 @p2 $0x1  }
0x17: {  	s4 =	simm.s32 $0x1BF5;
	[smem:$0x3F9F] =	sst s0  }
0x18: {  	s0 =	sld [smem:$0x3F82];
	_ =	swait.ge [sflag:s4], $0x0  }
0x19: {  	s7 =	sld [smem:$0x3F83]  }
0x1a: {  	s8 =	sadd.s32 $0xFFFFE003, lr  }
0x1b: {  	s9 =	sadd.s32 $0xFFFFFEF7, lr;
	s5 =	simm.s32 $0xFFFFFFFF;
	p2 =	slt.u32 s8, $0xFFFFF086  }
0x1c: {  	p1 =	slt.u32 s9, $0xF7A;
	s5 =	simm.s32 @!p2 $0x0  }
0x1d: {  	s5 =	simm.s32 @p1 $0x1;
	p0 =	seq.s32 s7, s2  }
0x1e: {  	s7 =	smul.u32 @!p0 $0xF7A, s2;
	p2 =	seq.s32 @!p0 s5, $0x0  }
0x1f: {  	s9 =	smul.u32 $0xF7A, s1;
	s8 =	simm.s32 @!p0 $0x1BF5;
	p2 =	por !p2, p0  }
0x20: {  	[sflag:s8] =	ssyncset.s32 @!p0 $0xFFFFF086;
	s6 =	sadd.s32 @!p0 s3, s7;
	s7 =	simm.s32 @!p0 $0x108  }
0x21: {  	s3 =	sadd.s32 s3, s9;
	s6 =	sadd.s32 @!p0 $0x88, s6;
	s7 =	simm.s32 @p2 $0x1082  }
0x22: {  	[simem:s7], [sflag:s8] =	dma.local @!p0 [hbm:s6], $0xF7A  }
0x23: {  	s9 =	sor.u32 $0xD0000000, s2;
	s6 =	simm.s32 $0x108;
	_ =	swait.ge @!p0 [sflag:s8], $0x0  }
0x24: {  	s3 =	sadd.s32 $0x88, s3;
	s6 =	simm.s32 @!p1 $0x1082;
	[sflag:s4] =	ssyncset.s32 $0xFFFFF086  }
0x25: {  	[simem:s6], [sflag:s4] =	dma.local [hbm:s3], $0xF7A  }
0x26: {  	[smem:$0x3F83] =	sst s1;
	(tag) =	ssettag s2;
	_ =	strace s9  }
0x27: {  	s1 =	sld [smem:$0x3F93]  }
0x28: {  	s2 =	sld [smem:$0x3F94]  }
0x29: {  	s4 =	sld [smem:$0x3F96]  }
0x2a: {  	p0 =	seq.s32 s5, $0x0;
	s5 =	sld [smem:$0x3F97]  }
0x2b: {  	s6 =	sld [smem:$0x3F98]  }
0x2c: {  	s7 =	sld [smem:$0x3F99]  }
0x2d: {  	s3 =	simm.s32 $0x108;
	s8 =	sld [smem:$0x3F9A]  }
0x2e: {  	s3 =	simm.s32 @!p0 $0x1082;
	s9 =	sld [smem:$0x3F9B]  }
0x2f: {  	lr =	sadd.s32 s0, s3;
	s0 =	sld [smem:$0x3F92]  }
0x30: {  	s3 =	sld [smem:$0x3F95]  }
0x31: {  	[smem:$0x3F9E] =	sst s10  }
0x32: {  	s10 =	sld [smem:$0x3F9C];
	_ =	sdelay $0x3  }
0x33: {  	p0 =	seq.s32 s10, $0x1;
	s10 =	sld [smem:$0x3F9E];
	_ =	sdelay $0x3  }
0x34: {  	[smem:$0x3F9E] =	sst s10  }
0x35: {  	s10 =	sld [smem:$0x3F9D];
	_ =	sdelay $0x3  }
0x36: {  	p1 =	seq.s32 s10, $0x1;
	s10 =	sld [smem:$0x3F9E];
	_ =	sdelay $0x3  }
0x37: {  	[smem:$0x3F9E] =	sst s10  }
0x38: {  	s10 =	sld [smem:$0x3F9F]  }
0x39: {  	_ = 	snop;
	(pc) =	sbr.ind lr, $3  }
0x3a: {  	_ = 	snop  }
0x3b: {  	_ = 	snop  }
0x3c: {  	p2 =	seq.s32 s10, $0x1;
	s10 =	sld [smem:$0x3F9E]  }
0x3d: {  	_ =	shalt  }
0x3e: {  	_ =	shalt  }
0x3f: {  	_ =	shalt  }
0x40: {  	_ =	shalt  }
0x41: {  	_ =	shalt  }
0x42: {  	_ =	shalt  }
0x43: {  	_ =	shalt  }
0x44: {  	_ =	shalt  }
0x45: {  	_ =	shalt  }
0x46: {  	_ =	shalt  }
0x47: {  	_ =	shalt  }
0x48: {  	_ =	shalt  }
0x49: {  	_ =	shalt  }
0x4a: {  	_ =	shalt  }
0x4b: {  	_ =	shalt  }
0x4c: {  	_ =	shalt  }
0x4d: {  	_ =	shalt  }
0x4e: {  	_ =	shalt  }
0x4f: {  	_ =	shalt  }
0x50: {  	_ =	shalt  }
0x51: {  	_ =	shalt  }
0x52: {  	_ =	shalt  }
0x53: {  	_ =	shalt  }
0x54: {  	_ =	shalt  }
0x55: {  	_ =	shalt  }
0x56: {  	_ =	shalt  }
0x57: {  	_ =	shalt  }
0x58: {  	_ =	shalt  }
0x59: {  	_ =	shalt  }
0x5a: {  	_ =	shalt  }
0x5b: {  	_ =	shalt  }
0x5c: {  	_ =	shalt  }
0x5d: {  	_ =	shalt  }
0x5e: {  	_ =	shalt  }
0x5f: {  	_ =	shalt  }
0x60: {  	_ =	shalt  }
0x61: {  	_ =	shalt  }
0x62: {  	_ =	shalt  }
0x63: {  	_ =	shalt  }
0x64: {  	_ =	shalt  }
0x65: {  	_ =	shalt  }
0x66: {  	_ =	shalt  }
0x67: {  	_ =	shalt  }
0x68: {  	_ =	shalt  }
0x69: {  	_ =	shalt  }
0x6a: {  	_ =	shalt  }
0x6b: {  	_ =	shalt  }
0x6c: {  	_ =	shalt  }
0x6d: {  	_ =	shalt  }
0x6e: {  	_ =	shalt  }
0x6f: {  	_ =	shalt  }
0x70: {  	_ =	shalt  }
0x71: {  	_ =	shalt  }
0x72: {  	_ =	shalt  }
0x73: {  	_ =	shalt  }
0x74: {  	_ =	shalt  }
0x75: {  	_ =	shalt  }
0x76: {  	_ =	shalt  }
0x77: {  	_ =	shalt  }
0x78: {  	_ =	shalt  }
0x79: {  	_ =	shalt  }
0x7a: {  	_ =	shalt  }
0x7b: {  	_ =	shalt  }
0x7c: {  	_ =	shalt  }
0x7d: {  	_ =	shalt  }
0x7e: {  	_ =	shalt  }
0x7f: {  	_ =	shalt  }
0x80: {  	_ =	shalt  }
0x81: {  	_ =	shalt  }
0x82: {  	_ =	shalt  }
0x83: {  	_ =	shalt  }
0x84: {  	_ =	shalt  }
0x85: {  	_ =	shalt  }
0x86: {  	_ =	shalt  }
0x87: {  	_ =	shalt  }
.Lfunc_end0:
.L_simem_size_0:
called_computation.1_lowered:
.L_overlay_start_0:
0x88: {  	s2 =	sld [smem:$0x3FD9]  }
0x89: {  	s3 =	sld [smem:$0x3FFE];
	_ =	sdelay $0x1  }
0x8a: {  	s1 =	srdreg.scid  }
0x8b: {  	s0 =	sand.u32 $0x1, s1  }
0x8c: {  	s17 =	sshll.u32 s0, $0xA;
	s2 =	sadd.s32 s3, s2  }
0x8d: {  	s2 =	sadd.s32 s2, s17  }
0x8e: {  	[smem:$0x3FAA] =	sst s2  }
0x8f: {  	_ = 	snop  }
0x90: {  	s2 =	sld [smem:$0x3FD0];
	(tm) =	ssettm $0x1  }
0x91: {  	s18 =	sld [smem:$0x3FFB];
	_ =	sdelay $0x3  }
0x92: {  	_ =	strace s18  }
0x93: {  	s3 =	sld [smem:$0x3FFC];
	_ =	sdelay $0x3  }
0x94: {  	_ =	strace s3  }
0x95: {  	s3 =	sld [smem:$0x3FFD];
	_ =	sdelay $0x3  }
0x96: {  	_ =	strace s3  }
0x97: {  	_ =	strace $0x8FFFFFFF  }
0x98: {  	s19 =	sld [smem:$0x3FDB];
	_ =	sdelay $0x1  }
0x99: {  	s4 =	simm.s32 $_scs_section_size  }
0x9a: {  	s5 =	simm.s32 $_size__tile_overlayer_lowered;
	s6 =	simm.s32 $_tile_overlayer_lowered  }
0x9b: {  	s22 =	simm.s32 $0x1BFF;
	s21 =	sshll.u32 s6, $0x1;
	s3 =	sadd.s32 s4, s19  }
0x9c: {  	s7 =	simm.s32 $0x0;
	s20 =	sshll.u32 s5, $0x1;
	s5 =	sadd.s32 s21, s3  }
0x9d: {  	[timem:s7], [sflag:s22] =	dma.local [hbm:s5], s20  }
0x9e: {  	_ =	swait.ge [sflag:s22], s20  }
0x9f: {  	s4 =	ssub.s32 $0x0, s20;
	[sflag:s22] =	ssyncset.done $0x0  }
0xa0: {  	[sflag:s22] =	ssyncadd.s32 s4;
	_ =	sdelay $0x1  }
0xa1: {  	s23 =	simm.s32 $0x1B8B  }
0xa2: {  	_ =	swait.ge [sflag:s23], $0x1  }
0xa3: {  	[sflag:s23] =	ssyncset.done $0x0  }
0xa4: {  	s25 =	simm.s32 $0x1B8E;
	s24 =	sld [smem:$0x3FFE];
	[sflag:s23] =	ssyncadd.s32 $0xFFFFFFFF  }
0xa5: {  	s26 =	simm.s32 $execute0_lowered;
	[smem:$0x3FD2] =	sst s25  }
0xa6: {  	s5 =	sshll.u32 s26, $0x1;
	_ =	strace $0x80000049;
	[dreg:$0x1] =	wrdreg $0xFFFFFFFF  }
0xa7: {  	s28 =	simm.s32 $_size_execute0_lowered;
	s3 =	sadd.s32 s3, s5;
	[dreg:$0x0] =	wrdreg $0x0  }
0xa8: {  	s5 =	sshll.u32 s28, $0x1;
	[dreg:$0x2] =	wrdreg s3  }
0xa9: {  	[dreg:$0x3] =	wrdreg s5  }
0xaa: {  	[dreg:$0x4] =	wrdreg $0xC0  }
0xab: {  	_ =	task [dreg:s7], $0x5FFFF  }
0xac: {  	[dreg:$0x1] =	wrdreg $0xFFFFFFFF  }
0xad: {  	[dreg:$0x0] =	wrdreg $0x60  }
0xae: {  	[dreg:$0x2] =	wrdreg s24  }
0xaf: {  	[dreg:$0x3] =	wrdreg s2  }
0xb0: {  	[dreg:$0x4] =	wrdreg $0x74600  }
0xb1: {  	[dreg:$0x5] =	wrdreg $0x9  }
0xb2: {  	_ =	task.clear_ibuf [dreg:s7], $0x6FFFF;
	_ =	strace $0x90000049  }
0xb3: {  	s29 =	simm.s32 $0x9;
	_ =	strace $0x8000004B  }
0xb4: {  	_ =	swait.ge [sflag:s29], $0x1  }
0xb5: {  	[sflag:s29] =	ssyncadd.s32 $0xFFFFFFFF  }
0xb6: {  	_ =	strace $0x9000004B  }
0xb7: {  	_ =	sfence  }
0xb8: {  	s30 =	sld [smem:$0x0];
	_ =	sdelay $0x2  }
0xb9: {  	s31 =	sshll.u32 s1, $0xD;
	s1 =	sshrl.u32 s1, $0x2  }
0xba: {  	s3 =	sand.u32 $0x4000, s31;
	s1 =	sadd.s32 s1, s30  }
0xbb: {  	s0 =	sor.u32 s3, s0;
	s1 =	sshll.u32 s1, $0x11  }
0xbc: {  	s0 =	sor.u32 s1, s0  }
0xbd: {  	s0 =	sadd.s32 $0x8F2B, s0  }
0xbe: {  	[sflag:s0] =	ssyncadd.remote.s32 $0x1  }
0xbf: {  	_ =	sfence.sel $0xFFFF  }
0xc0: {  	[dreg:$0x0] =	wrdreg $0xFFFFFFFF;
	(pc) =	sbr.abs _section_cstart, $3  }
0xc1: {  	[dreg:$0x1] =	wrdreg $0xFFFFFFFF  }
0xc2: {  	_ =	task.clear_ibuf [dreg:s7], $0x2FFFF;
	_ =	strace $0x9FFFFFFF  }
0xc3: {  	(tm) =	ssettm $0x7FFFFFFF  }
tec
execute0_lowered:
.L_overlay_start_1:
0x0: {  	(tag) =	ssettag $0x1  }
0x1: {  	s0 =	rddreg [dreg:$0x0]  }
0x2: {  	s11 =	rddreg [dreg:$0x1]  }
0x3: {  	s2 =	rddreg [dreg:$0x2]  }
0x4: {  	s3 =	simm.s32 $0x0;
	s1 =	stileid.u32;
	s6 =	srdreg.scid  }
0x5: {  	s20 =	simm.s32 $0x1260;
	s21 =	simm.s32 $0xC40;
	s22 =	simm.s32 $0x2  }
0x6: {  	s23 =	simm.s32 $0x3;
	s24 =	simm.s32 $0x0;
	[smem:$0x7FF] =	sst s3  }
0x7: {  	s5 =	smul.u32 $0x18800, s1;
	s14 =	sadd.s32 $0x162800, s0;
	s13 =	sadd.s32 $0x6D000, s0  }
0x8: {  	s4 =	sadd.s32 $0xB400, s0;
	s8 =	sand.u32 $0x1, s6;
	s12 =	smul.u32 $0x3100, s1  }
0x9: {  	s28 =	sshll.u32 s1, $0x1;
	s29 =	sshll.u32 s1, $0x6;
	s10 =	smul.u32 $0x31000, s1  }
0xa: {  	_ =	strace $0x8000004A;
	s6 =	ssub.s32 $0x2, s8;
	s17 =	smul.u32 $0x18800, s8  }
0xb: {  	s19 =	smul.u32 $0x31000, s8;
	s7 =	sshrl.u32 s5, $0x3;
	s9 =	sshrl.u32 s6, $0x1  }
0xc: {  	s16 =	sadd.s32 s5, s2;
	s0 =	sadd.s32 s7, s0;
	s7 =	sor.u32 s8, s28  }
0xd: {  	s15 =	ssub.s32 s6, s9;
	s6 =	sor.u32 $0x1C04, s29;
	s31 =	sadd.s32 s17, s10  }
0xe: {  	s12 =	sadd.s32 s12, s19;
	s17 =	simm.s32 $0x930;
	s19 =	simm.s32 $0x310  }
0xf: {  	s7 =	smul.u32 $0x18800, s7;
	s5 =	sadd.s32 $0xCF800, s0;
	s0 =	sor.u32 $0x620, s31  }
.Ltmp0:
0x10: {  	s11 =	sadd.s32 s11, s12;
	s12 =	smax.u32 s15, $0x1;
	(pc) =	sbr.rel .LBB2_1-.Ltmp0, $4  }
0x11: {  	s15 =	sshrl.u32 s16, $0x3;
	s16 =	simm.s32 $0x4;
	s30 =	sshrl.u32 s7, $0x3  }
0x12: {  	s0 =	sshrl.u32 s0, $0x3;
	s7 =	sadd.s32 s14, s30;
	s18 =	sor.u32 $0x62, s30  }
0x13: {  	s8 =	sadd.s32 s13, s30;
	s9 =	sadd.s32 s14, s18;
	s10 =	sadd.s32 s13, s18  }
0x14: {  	s13 =	sadd.s32 s0, s13;
	s14 =	sadd.s32 s0, s14;
	s18 =	simm.s32 $0x1  }
.LBB2_6:
0x15: {  	_ =	swait.ge [sflag:s23], $0x3100  }
0x16: {  	s24 =	sadd.s32 $0x1, s24;
	[sflag:s23] =	ssyncset.done $0x0  }
0x17: {  	p0 =	sne.s32 s24, s12;
	[sflag:s23] =	ssyncadd.s32 $0xFFFFCF00  }
.Ltmp1:
0x18: {  	[bflag:$0x0] =	sbarrier.arrive $0xFFFF;
	(pc) =	sbr.rel @!p0 .LBB2_7-.Ltmp1, $4  }
0x19: {  	[hbm:s11], [sflag:s6] =	dma.local [spmem:s15], $0x3100  }
0x1a: {  	_ =	swait.ge [sflag:s16], $0x3100  }
0x1b: {  	[sflag:s16] =	ssyncset.done $0x0  }
0x1c: {  	[sflag:s16] =	ssyncadd.s32 $0xFFFFCF00  }
.LBB2_1:
0x1d: {  	[spmem:s15], [sflag:s6] =	dma.local [hbm:s5], $0x3100  }
0x1e: {  	_ =	swait.ge [sflag:s16], $0x3100  }
0x1f: {  	[sflag:s16] =	ssyncset.done $0x0  }
0x20: {  	[sflag:s16] =	ssyncadd.s32 $0xFFFFCF00  }
0x21: {  	[bflag:$0x0] =	sbarrier.arrive $0xFFFF  }
0x22: {  	[tilespmem:s3], [sflag:$0x1] =	stream.linear.gather [hbm4b:s7+s3], $0x310, $0x38;
	[tilespmem:$0x1FC60] =	vst v63  }
0x23: {  	_ = 	snop  }
0x24: {  	[tilespmem:s17], [sflag:$0x1] =	stream.linear.gather [hbm4b:s8+s3], $0x310, $0x38;
	[tilespmem:$0x1FC60] =	vst v63  }
0x25: {  	_ =	swait.ge [sflag:s18], $0x310  }
0x26: {  	[sflag:s18] =	ssyncset.done $0x0  }
0x27: {  	[sflag:s18] =	ssyncadd.s32 $0xFFFFFCF0  }
0x28: {  	_ =	swait.ge [sflag:s18], $0x310  }
0x29: {  	[sflag:s18] =	ssyncset.done $0x0  }
0x2a: {  	[sflag:s18] =	ssyncadd.s32 $0xFFFFFCF0  }
0x2b: {  	[tilespmem:s20], [sflag:$0x2] =	stream.indirect.gather [hbm4b:s4+s19], $0x10, s3, s19, $0xb8;
	[tilespmem:$0x1FC60] =	vst v63  }
.Ltmp2:
0x2c: {  	_ = 	snop;
	(pc) =	sbr.rel .LBB2_2-.Ltmp2, $4  }
0x2d: {  	_ = 	snop  }
0x2e: {  	[tilespmem:s19], [sflag:$0x1] =	stream.linear.gather [hbm4b:s9+s3], $0x310, $0x38;
	[tilespmem:$0x1FC60] =	vst v63  }
0x2f: {  	s25 =	smov.u32 s14;
	s26 =	smov.u32 s13;
	s28 =	simm.s32 $0x0  }
0x30: {  	[tilespmem:s21], [sflag:$0x1] =	stream.linear.gather [hbm4b:s10+s3], $0x310, $0x38;
	[tilespmem:$0x1FC60] =	vst v63  }
.LBB2_3:
0x31: {  	s0 =	sadd.s32 $0x930, s0  }
0x32: {  	[spmem:s2] =	stream.indirect.scatter.add.f32 [tilespmem:s31], [sflag:$0x3], $0x10, s0, s19, $0xb8;
	[tilespmem:$0x1FC60] =	vst v63  }
.LBB2_5:
0x33: {  	s0 =	sadd.s32 $0xAB, s29  }
0x34: {  	s0 =	sshrl.u32 s0, $0x9  }
0x35: {  	s31 =	sadd.s32 $0x156, s29;
	s0 =	sand.u32 $0x7F, s0  }
0x36: {  	s30 =	sxor.u32 $0x1, s30;
	_ =	swait.ge [sflag:s18], $0x310;
	s0 =	smul.u32 $0x3, s0  }
0x37: {  	s29 =	sshrl.u32 s31, $0x9;
	s31 =	sadd.s32 $0x1, s28;
	[sflag:s18] =	ssyncset.done $0x0  }
0x38: {  	s30 =	smul.u32 $0xC400, s30;
	s29 =	sand.u32 $0x7F, s29;
	s0 =	ssub.s32 s31, s0  }
0x39: {  	[sflag:s18] =	ssyncadd.s32 $0xFFFFFCF0;
	s29 =	smul.u32 $0x3, s29;
	s0 =	sand.u32 $0xFF, s0  }
0x3a: {  	_ =	swait.ge [sflag:s18], $0x310;
	s30 =	sshrl.u32 s30, $0x2;
	s0 =	smul.u32 $0xC40, s0  }
0x3b: {  	[sflag:s18] =	ssyncset.done $0x0;
	s30 =	sadd.s32 $0x1260, s30;
	s29 =	ssub.s32 s28, s29  }
0x3c: {  	[sflag:s18] =	ssyncadd.s32 $0xFFFFFCF0;
	s29 =	sadd.s32 $0x2, s29;
	s0 =	sshrl.u32 s0, $0x2  }
0x3d: {  	[tilespmem:s30], [sflag:$0x2] =	stream.indirect.gather [hbm4b:s4+s19], $0x10, s0, s19, $0xb8;
	[tilespmem:$0x1FC60] =	vst v63  }
0x3e: {  	p0 =	sgt.u32 s28, $0x7D;
	s0 =	sand.u32 $0xFF, s29  }
0x3f: {  	s0 =	smul.u32 @!p0 $0x310, s0  }
0x40: {  	s28 =	simm.s32 @!p0 $0x0  }
0x41: {  	[tilespmem:s0], [sflag:$0x1] =	stream.linear.gather @!p0 [hbm4b:s25+s28], $0x310, $0x38;
	[tilespmem:$0x1FC60] =	vst v63  }
0x42: {  	s0 =	sadd.s32 @!p0 $0x930, s0  }
0x43: {  	[tilespmem:s0], [sflag:$0x1] =	stream.linear.gather @!p0 [hbm4b:s26+s28], $0x310, $0x38;
	[tilespmem:$0x1FC60] =	vst v63  }
0x44: {  	p0 =	sne.s32 s31, $0x80  }
.Ltmp3:
0x45: {  	_ = 	snop;
	(pc) =	sbr.rel @!p0 .LBB2_6-.Ltmp3, $2  }
0x46: {  	_ =	sdelay $0x2  }
0x47: {  	s25 =	sadd.s32 $0x62, s25;
	s26 =	sadd.s32 $0x62, s26;
	s28 =	smov.u32 s31  }
.LBB2_2:
0x48: {  	s29 =	smul.u32 $0xAB, s28;
	_ =	sdelay $0x1  }
0x49: {  	s0 =	sshrl.u32 s29, $0x9  }
0x4a: {  	s0 =	sand.u32 $0x7F, s0  }
0x4b: {  	s0 =	smul.u32 $0x3, s0  }
0x4c: {  	p0 =	sne.s32 s28, $0x0  }
.Ltmp4:
0x4d: {  	s30 =	sand.u32 $0x1, s28;
	s0 =	ssub.s32 s28, s0;
	(pc) =	sbr.rel @!p0 .LBB2_3-.Ltmp4, $4  }
0x4e: {  	s31 =	smul.u32 $0xC400, s30;
	s0 =	sand.u32 $0xFF, s0  }
0x4f: {  	_ =	swait.ge [sflag:s22], $0x3100;
	s0 =	smul.u32 $0xC40, s0  }
0x50: {  	[sflag:s22] =	ssyncset.done $0x0;
	s31 =	sshrl.u32 s31, $0x2  }
0x51: {  	[sflag:s22] =	ssyncadd.s32 $0xFFFFCF00;
	s31 =	sadd.s32 $0x1260, s31;
	s0 =	sshrl.u32 s0, $0x2  }
0x52: {  	p0 =	seq.s32 s28, $0x7F  }
.Ltmp5:
0x53: {  	_ = 	snop;
	(pc) =	sbr.rel @!p0 .LBB2_5-.Ltmp5, $4  }
.Ltmp6:
0x54: {  	_ =	swait.ge [sflag:s23], $0x3100;
	(pc) =	sbr.rel @p0 .LBB2_6-.Ltmp6, $4  }
0x55: {  	[sflag:s23] =	ssyncset.done $0x0  }
0x56: {  	s0 =	sadd.s32 $0x930, s0;
	[sflag:s23] =	ssyncadd.s32 $0xFFFFCF00  }
0x57: {  	[spmem:s2] =	stream.indirect.scatter.add.f32 [tilespmem:s31], [sflag:$0x3], $0x10, s0, s19, $0xb8;
	[tilespmem:$0x1FC60] =	vst v63  }
0x58: {  	_ = 	snop  }
.LBB2_7:
0x59: {  	_ =	sfence.sel $0x180000  }
0x5a: {  	[bflag:$0x0] =	sbarrier.arrive $0xFFFF  }
0x5b: {  	_ =	strace $0x9000004A  }
0x5c: {  	[bflag:$0x2] =	sbarrier.arrive $0xFFFF  }
0x5d: {  	p0 =	sne.s32 s1, $0x0;
	s0 =	rddreg [dreg:$0x3]  }
0x5e: {  	s0 =	sadd.s32 @!p0 $0x100000, s0  }
0x5f: {  	[sflag:s0] =	ssyncadd.tile.s32 @!p0 $0x1;
	_ =	shalt  }
.Lfunc_end2:
_tile_overlayer_lowered:
.L_overlay_start_2:
0x60: {  	(tag) =	ssettag $0x2  }
0x61: {  	s0 =	rddreg [dreg:$0x0];
	s2 =	stileid.u32  }
0x62: {  	s1 =	rddreg [dreg:$0x1];
	p0 =	sne.s32 s2, $0x0  }
0x63: {  	s3 =	rddreg [dreg:$0x2];
	[bflag:$0x3] =	sbarrier.arrive $0xFFFF;
	s2 =	simm.s32 @!p0 $0x1C04  }
0x64: {  	[timem:s3], [sflag:s2] =	dma.local @!p0 [hbm:s0], s1  }
0x65: {  	s0 =	simm.s32 @!p0 $0x4  }
0x66: {  	_ =	swait.ge @!p0 [sflag:s0], s1  }
0x67: {  	s1 =	ssub.s32 @!p0 $0x0, s1;
	[sflag:s0] =	ssyncset.done @!p0 $0x0  }
0x68: {  	[sflag:s0] =	ssyncadd.s32 @!p0 s1  }
0x69: {  	[bflag:$0x3] =	sbarrier.arrive $0xFFFF  }
0x6a: {  	_ =	shalt  }

// kernel: kernel.20.cloned.1.call-start
scs
__scs_entry_jumppad:
0x0: {  	(pc) =	sbr.rel $0x88, $3  }
0x1: {  	(tag) =	ssettag $0x0;
	lr =	simm.s32 $0x1  }
0x2: {  	[smem:$0x3F83] =	sst lr;
	_ =	strace $0xD0000000  }
0x3: {  	_ = 	snop  }
0x4: {  	_ = 	snop  }
0x5: {  	_ = 	snop  }
0x6: {  	_ = 	snop  }
0x7: {  	_ = 	snop  }
__scs_overlays_trampoline_lowered:
0x8: {  	[smem:$0x3F92] =	sst s0  }
0x9: {  	[smem:$0x3F93] =	sst s1  }
0xa: {  	[smem:$0x3F94] =	sst s2  }
0xb: {  	[smem:$0x3F95] =	sst s3  }
0xc: {  	[smem:$0x3F96] =	sst s4  }
0xd: {  	[smem:$0x3F97] =	sst s5  }
0xe: {  	[smem:$0x3F98] =	sst s6  }
0xf: {  	[smem:$0x3F99] =	sst s7  }
0x10: {  	[smem:$0x3F9A] =	sst s8  }
0x11: {  	[smem:$0x3F9B] =	sst s9;
	s0 =	simm.s32 @!p0 $0x0  }
0x12: {  	s1 =	sld [smem:$0x3F81];
	s0 =	simm.s32 @p0 $0x1  }
0x13: {  	[smem:$0x3F9C] =	sst s0;
	s0 =	simm.s32 @!p1 $0x0  }
0x14: {  	s2 =	sld [smem:$0x3F80];
	s0 =	simm.s32 @p1 $0x1  }
0x15: {  	[smem:$0x3F9D] =	sst s0;
	s0 =	simm.s32 @!p2 $0x0  }
0x16: {  	s3 =	sld [smem:$0x3FDB];
	s0 =	simm.s32 @p2 $0x1  }
0x17: {  	s4 =	simm.s32 $0x1BF5;
	[smem:$0x3F9F] =	sst s0  }
0x18: {  	s0 =	sld [smem:$0x3F82];
	_ =	swait.ge [sflag:s4], $0x0  }
0x19: {  	s7 =	sld [smem:$0x3F83]  }
0x1a: {  	s8 =	sadd.s32 $0xFFFFE003, lr  }
0x1b: {  	s9 =	sadd.s32 $0xFFFFFEF7, lr;
	s5 =	simm.s32 $0xFFFFFFFF;
	p2 =	slt.u32 s8, $0xFFFFF086  }
0x1c: {  	p1 =	slt.u32 s9, $0xF7A;
	s5 =	simm.s32 @!p2 $0x0  }
0x1d: {  	s5 =	simm.s32 @p1 $0x1;
	p0 =	seq.s32 s7, s2  }
0x1e: {  	s7 =	smul.u32 @!p0 $0xF7A, s2;
	p2 =	seq.s32 @!p0 s5, $0x0  }
0x1f: {  	s9 =	smul.u32 $0xF7A, s1;
	s8 =	simm.s32 @!p0 $0x1BF5;
	p2 =	por !p2, p0  }
0x20: {  	[sflag:s8] =	ssyncset.s32 @!p0 $0xFFFFF086;
	s6 =	sadd.s32 @!p0 s3, s7;
	s7 =	simm.s32 @!p0 $0x108  }
0x21: {  	s3 =	sadd.s32 s3, s9;
	s6 =	sadd.s32 @!p0 $0x88, s6;
	s7 =	simm.s32 @p2 $0x1082  }
0x22: {  	[simem:s7], [sflag:s8] =	dma.local @!p0 [hbm:s6], $0xF7A  }
0x23: {  	s9 =	sor.u32 $0xD0000000, s2;
	s6 =	simm.s32 $0x108;
	_ =	swait.ge @!p0 [sflag:s8], $0x0  }
0x24: {  	s3 =	sadd.s32 $0x88, s3;
	s6 =	simm.s32 @!p1 $0x1082;
	[sflag:s4] =	ssyncset.s32 $0xFFFFF086  }
0x25: {  	[simem:s6], [sflag:s4] =	dma.local [hbm:s3], $0xF7A  }
0x26: {  	[smem:$0x3F83] =	sst s1;
	(tag) =	ssettag s2;
	_ =	strace s9  }
0x27: {  	s1 =	sld [smem:$0x3F93]  }
0x28: {  	s2 =	sld [smem:$0x3F94]  }
0x29: {  	s4 =	sld [smem:$0x3F96]  }
0x2a: {  	p0 =	seq.s32 s5, $0x0;
	s5 =	sld [smem:$0x3F97]  }
0x2b: {  	s6 =	sld [smem:$0x3F98]  }
0x2c: {  	s7 =	sld [smem:$0x3F99]  }
0x2d: {  	s3 =	simm.s32 $0x108;
	s8 =	sld [smem:$0x3F9A]  }
0x2e: {  	s3 =	simm.s32 @!p0 $0x1082;
	s9 =	sld [smem:$0x3F9B]  }
0x2f: {  	lr =	sadd.s32 s0, s3;
	s0 =	sld [smem:$0x3F92]  }
0x30: {  	s3 =	sld [smem:$0x3F95]  }
0x31: {  	[smem:$0x3F9E] =	sst s10  }
0x32: {  	s10 =	sld [smem:$0x3F9C];
	_ =	sdelay $0x3  }
0x33: {  	p0 =	seq.s32 s10, $0x1;
	s10 =	sld [smem:$0x3F9E];
	_ =	sdelay $0x3  }
0x34: {  	[smem:$0x3F9E] =	sst s10  }
0x35: {  	s10 =	sld [smem:$0x3F9D];
	_ =	sdelay $0x3  }
0x36: {  	p1 =	seq.s32 s10, $0x1;
	s10 =	sld [smem:$0x3F9E];
	_ =	sdelay $0x3  }
0x37: {  	[smem:$0x3F9E] =	sst s10  }
0x38: {  	s10 =	sld [smem:$0x3F9F]  }
0x39: {  	_ = 	snop;
	(pc) =	sbr.ind lr, $3  }
0x3a: {  	_ = 	snop  }
0x3b: {  	_ = 	snop  }
0x3c: {  	p2 =	seq.s32 s10, $0x1;
	s10 =	sld [smem:$0x3F9E]  }
0x3d: {  	_ =	shalt  }
0x3e: {  	_ =	shalt  }
0x3f: {  	_ =	shalt  }
0x40: {  	_ =	shalt  }
0x41: {  	_ =	shalt  }
0x42: {  	_ =	shalt  }
0x43: {  	_ =	shalt  }
0x44: {  	_ =	shalt  }
0x45: {  	_ =	shalt  }
0x46: {  	_ =	shalt  }
0x47: {  	_ =	shalt  }
0x48: {  	_ =	shalt  }
0x49: {  	_ =	shalt  }
0x4a: {  	_ =	shalt  }
0x4b: {  	_ =	shalt  }
0x4c: {  	_ =	shalt  }
0x4d: {  	_ =	shalt  }
0x4e: {  	_ =	shalt  }
0x4f: {  	_ =	shalt  }
0x50: {  	_ =	shalt  }
0x51: {  	_ =	shalt  }
0x52: {  	_ =	shalt  }
0x53: {  	_ =	shalt  }
0x54: {  	_ =	shalt  }
0x55: {  	_ =	shalt  }
0x56: {  	_ =	shalt  }
0x57: {  	_ =	shalt  }
0x58: {  	_ =	shalt  }
0x59: {  	_ =	shalt  }
0x5a: {  	_ =	shalt  }
0x5b: {  	_ =	shalt  }
0x5c: {  	_ =	shalt  }
0x5d: {  	_ =	shalt  }
0x5e: {  	_ =	shalt  }
0x5f: {  	_ =	shalt  }
0x60: {  	_ =	shalt  }
0x61: {  	_ =	shalt  }
0x62: {  	_ =	shalt  }
0x63: {  	_ =	shalt  }
0x64: {  	_ =	shalt  }
0x65: {  	_ =	shalt  }
0x66: {  	_ =	shalt  }
0x67: {  	_ =	shalt  }
0x68: {  	_ =	shalt  }
0x69: {  	_ =	shalt  }
0x6a: {  	_ =	shalt  }
0x6b: {  	_ =	shalt  }
0x6c: {  	_ =	shalt  }
0x6d: {  	_ =	shalt  }
0x6e: {  	_ =	shalt  }
0x6f: {  	_ =	shalt  }
0x70: {  	_ =	shalt  }
0x71: {  	_ =	shalt  }
0x72: {  	_ =	shalt  }
0x73: {  	_ =	shalt  }
0x74: {  	_ =	shalt  }
0x75: {  	_ =	shalt  }
0x76: {  	_ =	shalt  }
0x77: {  	_ =	shalt  }
0x78: {  	_ =	shalt  }
0x79: {  	_ =	shalt  }
0x7a: {  	_ =	shalt  }
0x7b: {  	_ =	shalt  }
0x7c: {  	_ =	shalt  }
0x7d: {  	_ =	shalt  }
0x7e: {  	_ =	shalt  }
0x7f: {  	_ =	shalt  }
0x80: {  	_ =	shalt  }
0x81: {  	_ =	shalt  }
0x82: {  	_ =	shalt  }
0x83: {  	_ =	shalt  }
0x84: {  	_ =	shalt  }
0x85: {  	_ =	shalt  }
0x86: {  	_ =	shalt  }
0x87: {  	_ =	shalt  }
.Lfunc_end0:
.L_simem_size_0:
called_computation.2_lowered:
.L_overlay_start_0:
0x88: {  	s2 =	sld [smem:$0x3FD9]  }
0x89: {  	s3 =	sld [smem:$0x3FFE];
	_ =	sdelay $0x1  }
0x8a: {  	s1 =	srdreg.scid  }
0x8b: {  	s0 =	sand.u32 $0x1, s1  }
0x8c: {  	s17 =	sshll.u32 s0, $0xA;
	s2 =	sadd.s32 s3, s2  }
0x8d: {  	s2 =	sadd.s32 s2, s17  }
0x8e: {  	[smem:$0x3FAA] =	sst s2  }
0x8f: {  	_ = 	snop  }
0x90: {  	s2 =	sld [smem:$0x3FD0];
	(tm) =	ssettm $0x1  }
0x91: {  	s18 =	sld [smem:$0x3FFB];
	_ =	sdelay $0x3  }
0x92: {  	_ =	strace s18  }
0x93: {  	s3 =	sld [smem:$0x3FFC];
	_ =	sdelay $0x3  }
0x94: {  	_ =	strace s3  }
0x95: {  	s3 =	sld [smem:$0x3FFD];
	_ =	sdelay $0x3  }
0x96: {  	_ =	strace s3  }
0x97: {  	_ =	strace $0x8FFFFFFF  }
0x98: {  	s19 =	sld [smem:$0x3FDB];
	_ =	sdelay $0x1  }
0x99: {  	s4 =	simm.s32 $_scs_section_size  }
0x9a: {  	s5 =	simm.s32 $_size__tile_overlayer_lowered;
	s6 =	simm.s32 $_tile_overlayer_lowered  }
0x9b: {  	s22 =	simm.s32 $0x1BFF;
	s21 =	sshll.u32 s6, $0x1;
	s3 =	sadd.s32 s4, s19  }
0x9c: {  	s7 =	simm.s32 $0x0;
	s20 =	sshll.u32 s5, $0x1;
	s5 =	sadd.s32 s21, s3  }
0x9d: {  	[timem:s7], [sflag:s22] =	dma.local [hbm:s5], s20  }
0x9e: {  	_ =	swait.ge [sflag:s22], s20  }
0x9f: {  	s4 =	ssub.s32 $0x0, s20;
	[sflag:s22] =	ssyncset.done $0x0  }
0xa0: {  	[sflag:s22] =	ssyncadd.s32 s4;
	_ =	sdelay $0x1  }
0xa1: {  	s23 =	simm.s32 $0x1B8B  }
0xa2: {  	_ =	swait.ge [sflag:s23], $0x1  }
0xa3: {  	[sflag:s23] =	ssyncset.done $0x0  }
0xa4: {  	s25 =	simm.s32 $0x1B8E;
	s24 =	sld [smem:$0x3FFE];
	[sflag:s23] =	ssyncadd.s32 $0xFFFFFFFF  }
0xa5: {  	s26 =	simm.s32 $execute0_lowered;
	[smem:$0x3FD2] =	sst s25  }
0xa6: {  	s5 =	sshll.u32 s26, $0x1;
	_ =	strace $0x8000004C;
	[dreg:$0x1] =	wrdreg $0xFFFFFFFF  }
0xa7: {  	s28 =	simm.s32 $_size_execute0_lowered;
	s3 =	sadd.s32 s3, s5;
	[dreg:$0x0] =	wrdreg $0x0  }
0xa8: {  	s5 =	sshll.u32 s28, $0x1;
	[dreg:$0x2] =	wrdreg s3  }
0xa9: {  	[dreg:$0x3] =	wrdreg s5  }
0xaa: {  	[dreg:$0x4] =	wrdreg $0xC0  }
0xab: {  	_ =	task [dreg:s7], $0x5FFFF  }
0xac: {  	[dreg:$0x1] =	wrdreg $0xFFFFFFFF  }
0xad: {  	[dreg:$0x0] =	wrdreg $0x60  }
0xae: {  	[dreg:$0x2] =	wrdreg s24  }
0xaf: {  	[dreg:$0x3] =	wrdreg s2  }
0xb0: {  	[dreg:$0x4] =	wrdreg $0x74600  }
0xb1: {  	[dreg:$0x5] =	wrdreg $0x9  }
0xb2: {  	_ =	task.clear_ibuf [dreg:s7], $0x6FFFF;
	_ =	strace $0x9000004C  }
0xb3: {  	s29 =	simm.s32 $0x9;
	_ =	strace $0x8000004E  }
0xb4: {  	_ =	swait.ge [sflag:s29], $0x1  }
0xb5: {  	[sflag:s29] =	ssyncadd.s32 $0xFFFFFFFF  }
0xb6: {  	_ =	strace $0x9000004E  }
0xb7: {  	_ =	sfence  }
0xb8: {  	s30 =	sld [smem:$0x0];
	_ =	sdelay $0x2  }
0xb9: {  	s31 =	sshll.u32 s1, $0xD;
	s1 =	sshrl.u32 s1, $0x2  }
0xba: {  	s3 =	sand.u32 $0x4000, s31;
	s1 =	sadd.s32 s1, s30  }
0xbb: {  	s0 =	sor.u32 s3, s0;
	s1 =	sshll.u32 s1, $0x11  }
0xbc: {  	s0 =	sor.u32 s1, s0  }
0xbd: {  	s0 =	sadd.s32 $0x8F2B, s0  }
0xbe: {  	[sflag:s0] =	ssyncadd.remote.s32 $0x1  }
0xbf: {  	_ =	sfence.sel $0xFFFF  }
0xc0: {  	[dreg:$0x0] =	wrdreg $0xFFFFFFFF;
	(pc) =	sbr.abs _section_cstart, $3  }
0xc1: {  	[dreg:$0x1] =	wrdreg $0xFFFFFFFF  }
0xc2: {  	_ =	task.clear_ibuf [dreg:s7], $0x2FFFF;
	_ =	strace $0x9FFFFFFF  }
0xc3: {  	(tm) =	ssettm $0x7FFFFFFF  }
tec
execute0_lowered:
.L_overlay_start_1:
0x0: {  	(tag) =	ssettag $0x1  }
0x1: {  	s0 =	rddreg [dreg:$0x0]  }
0x2: {  	s11 =	rddreg [dreg:$0x1]  }
0x3: {  	s2 =	rddreg [dreg:$0x2]  }
0x4: {  	s3 =	simm.s32 $0x0;
	s1 =	stileid.u32;
	s6 =	srdreg.scid  }
0x5: {  	s20 =	simm.s32 $0x1260;
	s21 =	simm.s32 $0xC40;
	s22 =	simm.s32 $0x2  }
0x6: {  	s23 =	simm.s32 $0x3;
	s24 =	simm.s32 $0x0;
	[smem:$0x7FF] =	sst s3  }
0x7: {  	s5 =	smul.u32 $0x18800, s1;
	s14 =	sadd.s32 $0x162800, s0;
	s13 =	sadd.s32 $0x6D000, s0  }
0x8: {  	s4 =	sadd.s32 $0xB400, s0;
	s8 =	sand.u32 $0x1, s6;
	s12 =	smul.u32 $0x3100, s1  }
0x9: {  	s28 =	sshll.u32 s1, $0x1;
	s29 =	sshll.u32 s1, $0x6;
	s10 =	smul.u32 $0x31000, s1  }
0xa: {  	_ =	strace $0x8000004D;
	s6 =	ssub.s32 $0x2, s8;
	s17 =	smul.u32 $0x18800, s8  }
0xb: {  	s19 =	smul.u32 $0x31000, s8;
	s7 =	sshrl.u32 s5, $0x3;
	s9 =	sshrl.u32 s6, $0x1  }
0xc: {  	s16 =	sadd.s32 s5, s2;
	s0 =	sadd.s32 s7, s0;
	s7 =	sor.u32 s8, s28  }
0xd: {  	s15 =	ssub.s32 s6, s9;
	s6 =	sor.u32 $0x1C04, s29;
	s31 =	sadd.s32 s17, s10  }
0xe: {  	s12 =	sadd.s32 s12, s19;
	s17 =	simm.s32 $0x930;
	s19 =	simm.s32 $0x310  }
0xf: {  	s7 =	smul.u32 $0x18800, s7;
	s5 =	sadd.s32 $0xCF800, s0;
	s0 =	sor.u32 $0x620, s31  }
.Ltmp0:
0x10: {  	s11 =	sadd.s32 s11, s12;
	s12 =	smax.u32 s15, $0x1;
	(pc) =	sbr.rel .LBB2_1-.Ltmp0, $4  }
0x11: {  	s15 =	sshrl.u32 s16, $0x3;
	s16 =	simm.s32 $0x4;
	s30 =	sshrl.u32 s7, $0x3  }
0x12: {  	s0 =	sshrl.u32 s0, $0x3;
	s7 =	sadd.s32 s14, s30;
	s18 =	sor.u32 $0x62, s30  }
0x13: {  	s8 =	sadd.s32 s13, s30;
	s9 =	sadd.s32 s14, s18;
	s10 =	sadd.s32 s13, s18  }
0x14: {  	s13 =	sadd.s32 s0, s13;
	s14 =	sadd.s32 s0, s14;
	s18 =	simm.s32 $0x1  }
.LBB2_6:
0x15: {  	_ =	swait.ge [sflag:s23], $0x3100  }
0x16: {  	s24 =	sadd.s32 $0x1, s24;
	[sflag:s23] =	ssyncset.done $0x0  }
0x17: {  	p0 =	sne.s32 s24, s12;
	[sflag:s23] =	ssyncadd.s32 $0xFFFFCF00  }
.Ltmp1:
0x18: {  	[bflag:$0x0] =	sbarrier.arrive $0xFFFF;
	(pc) =	sbr.rel @!p0 .LBB2_7-.Ltmp1, $4  }
0x19: {  	[hbm:s11], [sflag:s6] =	dma.local [spmem:s15], $0x3100  }
0x1a: {  	_ =	swait.ge [sflag:s16], $0x3100  }
0x1b: {  	[sflag:s16] =	ssyncset.done $0x0  }
0x1c: {  	[sflag:s16] =	ssyncadd.s32 $0xFFFFCF00  }
.LBB2_1:
0x1d: {  	[spmem:s15], [sflag:s6] =	dma.local [hbm:s5], $0x3100  }
0x1e: {  	_ =	swait.ge [sflag:s16], $0x3100  }
0x1f: {  	[sflag:s16] =	ssyncset.done $0x0  }
0x20: {  	[sflag:s16] =	ssyncadd.s32 $0xFFFFCF00  }
0x21: {  	[bflag:$0x0] =	sbarrier.arrive $0xFFFF  }
0x22: {  	[tilespmem:s3], [sflag:$0x1] =	stream.linear.gather [hbm4b:s7+s3], $0x310, $0x38;
	[tilespmem:$0x1FC60] =	vst v63  }
0x23: {  	_ = 	snop  }
0x24: {  	[tilespmem:s17], [sflag:$0x1] =	stream.linear.gather [hbm4b:s8+s3], $0x310, $0x38;
	[tilespmem:$0x1FC60] =	vst v63  }
0x25: {  	_ =	swait.ge [sflag:s18], $0x310  }
0x26: {  	[sflag:s18] =	ssyncset.done $0x0  }
0x27: {  	[sflag:s18] =	ssyncadd.s32 $0xFFFFFCF0  }
0x28: {  	_ =	swait.ge [sflag:s18], $0x310  }
0x29: {  	[sflag:s18] =	ssyncset.done $0x0  }
0x2a: {  	[sflag:s18] =	ssyncadd.s32 $0xFFFFFCF0  }
0x2b: {  	[tilespmem:s20], [sflag:$0x2] =	stream.indirect.gather [hbm4b:s4+s19], $0x10, s3, s19, $0xb8;
	[tilespmem:$0x1FC60] =	vst v63  }
.Ltmp2:
0x2c: {  	_ = 	snop;
	(pc) =	sbr.rel .LBB2_2-.Ltmp2, $4  }
0x2d: {  	_ = 	snop  }
0x2e: {  	[tilespmem:s19], [sflag:$0x1] =	stream.linear.gather [hbm4b:s9+s3], $0x310, $0x38;
	[tilespmem:$0x1FC60] =	vst v63  }
0x2f: {  	s25 =	smov.u32 s14;
	s26 =	smov.u32 s13;
	s28 =	simm.s32 $0x0  }
0x30: {  	[tilespmem:s21], [sflag:$0x1] =	stream.linear.gather [hbm4b:s10+s3], $0x310, $0x38;
	[tilespmem:$0x1FC60] =	vst v63  }
.LBB2_3:
0x31: {  	s0 =	sadd.s32 $0x930, s0  }
0x32: {  	[spmem:s2] =	stream.indirect.scatter.add.f32 [tilespmem:s31], [sflag:$0x3], $0x10, s0, s19, $0xb8;
	[tilespmem:$0x1FC60] =	vst v63  }
.LBB2_5:
0x33: {  	s0 =	sadd.s32 $0xAB, s29  }
0x34: {  	s0 =	sshrl.u32 s0, $0x9  }
0x35: {  	s31 =	sadd.s32 $0x156, s29;
	s0 =	sand.u32 $0x7F, s0  }
0x36: {  	s30 =	sxor.u32 $0x1, s30;
	_ =	swait.ge [sflag:s18], $0x310;
	s0 =	smul.u32 $0x3, s0  }
0x37: {  	s29 =	sshrl.u32 s31, $0x9;
	s31 =	sadd.s32 $0x1, s28;
	[sflag:s18] =	ssyncset.done $0x0  }
0x38: {  	s30 =	smul.u32 $0xC400, s30;
	s29 =	sand.u32 $0x7F, s29;
	s0 =	ssub.s32 s31, s0  }
0x39: {  	[sflag:s18] =	ssyncadd.s32 $0xFFFFFCF0;
	s29 =	smul.u32 $0x3, s29;
	s0 =	sand.u32 $0xFF, s0  }
0x3a: {  	_ =	swait.ge [sflag:s18], $0x310;
	s30 =	sshrl.u32 s30, $0x2;
	s0 =	smul.u32 $0xC40, s0  }
0x3b: {  	[sflag:s18] =	ssyncset.done $0x0;
	s30 =	sadd.s32 $0x1260, s30;
	s29 =	ssub.s32 s28, s29  }
0x3c: {  	[sflag:s18] =	ssyncadd.s32 $0xFFFFFCF0;
	s29 =	sadd.s32 $0x2, s29;
	s0 =	sshrl.u32 s0, $0x2  }
0x3d: {  	[tilespmem:s30], [sflag:$0x2] =	stream.indirect.gather [hbm4b:s4+s19], $0x10, s0, s19, $0xb8;
	[tilespmem:$0x1FC60] =	vst v63  }
0x3e: {  	p0 =	sgt.u32 s28, $0x7D;
	s0 =	sand.u32 $0xFF, s29  }
0x3f: {  	s0 =	smul.u32 @!p0 $0x310, s0  }
0x40: {  	s28 =	simm.s32 @!p0 $0x0  }
0x41: {  	[tilespmem:s0], [sflag:$0x1] =	stream.linear.gather @!p0 [hbm4b:s25+s28], $0x310, $0x38;
	[tilespmem:$0x1FC60] =	vst v63  }
0x42: {  	s0 =	sadd.s32 @!p0 $0x930, s0  }
0x43: {  	[tilespmem:s0], [sflag:$0x1] =	stream.linear.gather @!p0 [hbm4b:s26+s28], $0x310, $0x38;
	[tilespmem:$0x1FC60] =	vst v63  }
0x44: {  	p0 =	sne.s32 s31, $0x80  }
.Ltmp3:
0x45: {  	_ = 	snop;
	(pc) =	sbr.rel @!p0 .LBB2_6-.Ltmp3, $2  }
0x46: {  	_ =	sdelay $0x2  }
0x47: {  	s25 =	sadd.s32 $0x62, s25;
	s26 =	sadd.s32 $0x62, s26;
	s28 =	smov.u32 s31  }
.LBB2_2:
0x48: {  	s29 =	smul.u32 $0xAB, s28;
	_ =	sdelay $0x1  }
0x49: {  	s0 =	sshrl.u32 s29, $0x9  }
0x4a: {  	s0 =	sand.u32 $0x7F, s0  }
0x4b: {  	s0 =	smul.u32 $0x3, s0  }
0x4c: {  	p0 =	sne.s32 s28, $0x0  }
.Ltmp4:
0x4d: {  	s30 =	sand.u32 $0x1, s28;
	s0 =	ssub.s32 s28, s0;
	(pc) =	sbr.rel @!p0 .LBB2_3-.Ltmp4, $4  }
0x4e: {  	s31 =	smul.u32 $0xC400, s30;
	s0 =	sand.u32 $0xFF, s0  }
0x4f: {  	_ =	swait.ge [sflag:s22], $0x3100;
	s0 =	smul.u32 $0xC40, s0  }
0x50: {  	[sflag:s22] =	ssyncset.done $0x0;
	s31 =	sshrl.u32 s31, $0x2  }
0x51: {  	[sflag:s22] =	ssyncadd.s32 $0xFFFFCF00;
	s31 =	sadd.s32 $0x1260, s31;
	s0 =	sshrl.u32 s0, $0x2  }
0x52: {  	p0 =	seq.s32 s28, $0x7F  }
.Ltmp5:
0x53: {  	_ = 	snop;
	(pc) =	sbr.rel @!p0 .LBB2_5-.Ltmp5, $4  }
.Ltmp6:
0x54: {  	_ =	swait.ge [sflag:s23], $0x3100;
	(pc) =	sbr.rel @p0 .LBB2_6-.Ltmp6, $4  }
0x55: {  	[sflag:s23] =	ssyncset.done $0x0  }
0x56: {  	s0 =	sadd.s32 $0x930, s0;
	[sflag:s23] =	ssyncadd.s32 $0xFFFFCF00  }
0x57: {  	[spmem:s2] =	stream.indirect.scatter.add.f32 [tilespmem:s31], [sflag:$0x3], $0x10, s0, s19, $0xb8;
	[tilespmem:$0x1FC60] =	vst v63  }
0x58: {  	_ = 	snop  }
.LBB2_7:
0x59: {  	_ =	sfence.sel $0x180000  }
0x5a: {  	[bflag:$0x0] =	sbarrier.arrive $0xFFFF  }
0x5b: {  	_ =	strace $0x9000004D  }
0x5c: {  	[bflag:$0x2] =	sbarrier.arrive $0xFFFF  }
0x5d: {  	p0 =	sne.s32 s1, $0x0;
	s0 =	rddreg [dreg:$0x3]  }
0x5e: {  	s0 =	sadd.s32 @!p0 $0x100000, s0  }
0x5f: {  	[sflag:s0] =	ssyncadd.tile.s32 @!p0 $0x1;
	_ =	shalt  }
.Lfunc_end2:
_tile_overlayer_lowered:
.L_overlay_start_2:
0x60: {  	(tag) =	ssettag $0x2  }
0x61: {  	s0 =	rddreg [dreg:$0x0];
	s2 =	stileid.u32  }
0x62: {  	s1 =	rddreg [dreg:$0x1];
	p0 =	sne.s32 s2, $0x0  }
0x63: {  	s3 =	rddreg [dreg:$0x2];
	[bflag:$0x3] =	sbarrier.arrive $0xFFFF;
	s2 =	simm.s32 @!p0 $0x1C04  }
0x64: {  	[timem:s3], [sflag:s2] =	dma.local @!p0 [hbm:s0], s1  }
0x65: {  	s0 =	simm.s32 @!p0 $0x4  }
0x66: {  	_ =	swait.ge @!p0 [sflag:s0], s1  }
0x67: {  	s1 =	ssub.s32 @!p0 $0x0, s1;
	[sflag:s0] =	ssyncset.done @!p0 $0x0  }
0x68: {  	[sflag:s0] =	ssyncadd.s32 @!p0 s1  }
0x69: {  	[bflag:$0x3] =	sbarrier.arrive $0xFFFF  }
0x6a: {  	_ =	shalt  }

// kernel: kernel.23.cloned.1.call-start
scs
__scs_entry_jumppad:
0x0: {  	(pc) =	sbr.rel $0x88, $3  }
0x1: {  	(tag) =	ssettag $0x0;
	lr =	simm.s32 $0x1  }
0x2: {  	[smem:$0x3F83] =	sst lr;
	_ =	strace $0xD0000000  }
0x3: {  	_ = 	snop  }
0x4: {  	_ = 	snop  }
0x5: {  	_ = 	snop  }
0x6: {  	_ = 	snop  }
0x7: {  	_ = 	snop  }
__scs_overlays_trampoline_lowered:
0x8: {  	[smem:$0x3F92] =	sst s0  }
0x9: {  	[smem:$0x3F93] =	sst s1  }
0xa: {  	[smem:$0x3F94] =	sst s2  }
0xb: {  	[smem:$0x3F95] =	sst s3  }
0xc: {  	[smem:$0x3F96] =	sst s4  }
0xd: {  	[smem:$0x3F97] =	sst s5  }
0xe: {  	[smem:$0x3F98] =	sst s6  }
0xf: {  	[smem:$0x3F99] =	sst s7  }
0x10: {  	[smem:$0x3F9A] =	sst s8  }
0x11: {  	[smem:$0x3F9B] =	sst s9;
	s0 =	simm.s32 @!p0 $0x0  }
0x12: {  	s1 =	sld [smem:$0x3F81];
	s0 =	simm.s32 @p0 $0x1  }
0x13: {  	[smem:$0x3F9C] =	sst s0;
	s0 =	simm.s32 @!p1 $0x0  }
0x14: {  	s2 =	sld [smem:$0x3F80];
	s0 =	simm.s32 @p1 $0x1  }
0x15: {  	[smem:$0x3F9D] =	sst s0;
	s0 =	simm.s32 @!p2 $0x0  }
0x16: {  	s3 =	sld [smem:$0x3FDB];
	s0 =	simm.s32 @p2 $0x1  }
0x17: {  	s4 =	simm.s32 $0x1BF5;
	[smem:$0x3F9F] =	sst s0  }
0x18: {  	s0 =	sld [smem:$0x3F82];
	_ =	swait.ge [sflag:s4], $0x0  }
0x19: {  	s7 =	sld [smem:$0x3F83]  }
0x1a: {  	s8 =	sadd.s32 $0xFFFFE003, lr  }
0x1b: {  	s9 =	sadd.s32 $0xFFFFFEF7, lr;
	s5 =	simm.s32 $0xFFFFFFFF;
	p2 =	slt.u32 s8, $0xFFFFF086  }
0x1c: {  	p1 =	slt.u32 s9, $0xF7A;
	s5 =	simm.s32 @!p2 $0x0  }
0x1d: {  	s5 =	simm.s32 @p1 $0x1;
	p0 =	seq.s32 s7, s2  }
0x1e: {  	s7 =	smul.u32 @!p0 $0xF7A, s2;
	p2 =	seq.s32 @!p0 s5, $0x0  }
0x1f: {  	s9 =	smul.u32 $0xF7A, s1;
	s8 =	simm.s32 @!p0 $0x1BF5;
	p2 =	por !p2, p0  }
0x20: {  	[sflag:s8] =	ssyncset.s32 @!p0 $0xFFFFF086;
	s6 =	sadd.s32 @!p0 s3, s7;
	s7 =	simm.s32 @!p0 $0x108  }
0x21: {  	s3 =	sadd.s32 s3, s9;
	s6 =	sadd.s32 @!p0 $0x88, s6;
	s7 =	simm.s32 @p2 $0x1082  }
0x22: {  	[simem:s7], [sflag:s8] =	dma.local @!p0 [hbm:s6], $0xF7A  }
0x23: {  	s9 =	sor.u32 $0xD0000000, s2;
	s6 =	simm.s32 $0x108;
	_ =	swait.ge @!p0 [sflag:s8], $0x0  }
0x24: {  	s3 =	sadd.s32 $0x88, s3;
	s6 =	simm.s32 @!p1 $0x1082;
	[sflag:s4] =	ssyncset.s32 $0xFFFFF086  }
0x25: {  	[simem:s6], [sflag:s4] =	dma.local [hbm:s3], $0xF7A  }
0x26: {  	[smem:$0x3F83] =	sst s1;
	(tag) =	ssettag s2;
	_ =	strace s9  }
0x27: {  	s1 =	sld [smem:$0x3F93]  }
0x28: {  	s2 =	sld [smem:$0x3F94]  }
0x29: {  	s4 =	sld [smem:$0x3F96]  }
0x2a: {  	p0 =	seq.s32 s5, $0x0;
	s5 =	sld [smem:$0x3F97]  }
0x2b: {  	s6 =	sld [smem:$0x3F98]  }
0x2c: {  	s7 =	sld [smem:$0x3F99]  }
0x2d: {  	s3 =	simm.s32 $0x108;
	s8 =	sld [smem:$0x3F9A]  }
0x2e: {  	s3 =	simm.s32 @!p0 $0x1082;
	s9 =	sld [smem:$0x3F9B]  }
0x2f: {  	lr =	sadd.s32 s0, s3;
	s0 =	sld [smem:$0x3F92]  }
0x30: {  	s3 =	sld [smem:$0x3F95]  }
0x31: {  	[smem:$0x3F9E] =	sst s10  }
0x32: {  	s10 =	sld [smem:$0x3F9C];
	_ =	sdelay $0x3  }
0x33: {  	p0 =	seq.s32 s10, $0x1;
	s10 =	sld [smem:$0x3F9E];
	_ =	sdelay $0x3  }
0x34: {  	[smem:$0x3F9E] =	sst s10  }
0x35: {  	s10 =	sld [smem:$0x3F9D];
	_ =	sdelay $0x3  }
0x36: {  	p1 =	seq.s32 s10, $0x1;
	s10 =	sld [smem:$0x3F9E];
	_ =	sdelay $0x3  }
0x37: {  	[smem:$0x3F9E] =	sst s10  }
0x38: {  	s10 =	sld [smem:$0x3F9F]  }
0x39: {  	_ = 	snop;
	(pc) =	sbr.ind lr, $3  }
0x3a: {  	_ = 	snop  }
0x3b: {  	_ = 	snop  }
0x3c: {  	p2 =	seq.s32 s10, $0x1;
	s10 =	sld [smem:$0x3F9E]  }
0x3d: {  	_ =	shalt  }
0x3e: {  	_ =	shalt  }
0x3f: {  	_ =	shalt  }
0x40: {  	_ =	shalt  }
0x41: {  	_ =	shalt  }
0x42: {  	_ =	shalt  }
0x43: {  	_ =	shalt  }
0x44: {  	_ =	shalt  }
0x45: {  	_ =	shalt  }
0x46: {  	_ =	shalt  }
0x47: {  	_ =	shalt  }
0x48: {  	_ =	shalt  }
0x49: {  	_ =	shalt  }
0x4a: {  	_ =	shalt  }
0x4b: {  	_ =	shalt  }
0x4c: {  	_ =	shalt  }
0x4d: {  	_ =	shalt  }
0x4e: {  	_ =	shalt  }
0x4f: {  	_ =	shalt  }
0x50: {  	_ =	shalt  }
0x51: {  	_ =	shalt  }
0x52: {  	_ =	shalt  }
0x53: {  	_ =	shalt  }
0x54: {  	_ =	shalt  }
0x55: {  	_ =	shalt  }
0x56: {  	_ =	shalt  }
0x57: {  	_ =	shalt  }
0x58: {  	_ =	shalt  }
0x59: {  	_ =	shalt  }
0x5a: {  	_ =	shalt  }
0x5b: {  	_ =	shalt  }
0x5c: {  	_ =	shalt  }
0x5d: {  	_ =	shalt  }
0x5e: {  	_ =	shalt  }
0x5f: {  	_ =	shalt  }
0x60: {  	_ =	shalt  }
0x61: {  	_ =	shalt  }
0x62: {  	_ =	shalt  }
0x63: {  	_ =	shalt  }
0x64: {  	_ =	shalt  }
0x65: {  	_ =	shalt  }
0x66: {  	_ =	shalt  }
0x67: {  	_ =	shalt  }
0x68: {  	_ =	shalt  }
0x69: {  	_ =	shalt  }
0x6a: {  	_ =	shalt  }
0x6b: {  	_ =	shalt  }
0x6c: {  	_ =	shalt  }
0x6d: {  	_ =	shalt  }
0x6e: {  	_ =	shalt  }
0x6f: {  	_ =	shalt  }
0x70: {  	_ =	shalt  }
0x71: {  	_ =	shalt  }
0x72: {  	_ =	shalt  }
0x73: {  	_ =	shalt  }
0x74: {  	_ =	shalt  }
0x75: {  	_ =	shalt  }
0x76: {  	_ =	shalt  }
0x77: {  	_ =	shalt  }
0x78: {  	_ =	shalt  }
0x79: {  	_ =	shalt  }
0x7a: {  	_ =	shalt  }
0x7b: {  	_ =	shalt  }
0x7c: {  	_ =	shalt  }
0x7d: {  	_ =	shalt  }
0x7e: {  	_ =	shalt  }
0x7f: {  	_ =	shalt  }
0x80: {  	_ =	shalt  }
0x81: {  	_ =	shalt  }
0x82: {  	_ =	shalt  }
0x83: {  	_ =	shalt  }
0x84: {  	_ =	shalt  }
0x85: {  	_ =	shalt  }
0x86: {  	_ =	shalt  }
0x87: {  	_ =	shalt  }
.Lfunc_end0:
.L_simem_size_0:
called_computation.3_lowered:
.L_overlay_start_0:
0x88: {  	s2 =	sld [smem:$0x3FD9]  }
0x89: {  	s3 =	sld [smem:$0x3FFE];
	_ =	sdelay $0x1  }
0x8a: {  	s1 =	srdreg.scid  }
0x8b: {  	s0 =	sand.u32 $0x1, s1  }
0x8c: {  	s17 =	sshll.u32 s0, $0xA;
	s2 =	sadd.s32 s3, s2  }
0x8d: {  	s2 =	sadd.s32 s2, s17  }
0x8e: {  	[smem:$0x3FAA] =	sst s2  }
0x8f: {  	_ = 	snop  }
0x90: {  	s2 =	sld [smem:$0x3FD0];
	(tm) =	ssettm $0x1  }
0x91: {  	s18 =	sld [smem:$0x3FFB];
	_ =	sdelay $0x3  }
0x92: {  	_ =	strace s18  }
0x93: {  	s3 =	sld [smem:$0x3FFC];
	_ =	sdelay $0x3  }
0x94: {  	_ =	strace s3  }
0x95: {  	s3 =	sld [smem:$0x3FFD];
	_ =	sdelay $0x3  }
0x96: {  	_ =	strace s3  }
0x97: {  	_ =	strace $0x8FFFFFFF  }
0x98: {  	s19 =	sld [smem:$0x3FDB];
	_ =	sdelay $0x1  }
0x99: {  	s4 =	simm.s32 $_scs_section_size  }
0x9a: {  	s5 =	simm.s32 $_size__tile_overlayer_lowered;
	s6 =	simm.s32 $_tile_overlayer_lowered  }
0x9b: {  	s22 =	simm.s32 $0x1BFF;
	s21 =	sshll.u32 s6, $0x1;
	s3 =	sadd.s32 s4, s19  }
0x9c: {  	s7 =	simm.s32 $0x0;
	s20 =	sshll.u32 s5, $0x1;
	s5 =	sadd.s32 s21, s3  }
0x9d: {  	[timem:s7], [sflag:s22] =	dma.local [hbm:s5], s20  }
0x9e: {  	_ =	swait.ge [sflag:s22], s20  }
0x9f: {  	s4 =	ssub.s32 $0x0, s20;
	[sflag:s22] =	ssyncset.done $0x0  }
0xa0: {  	[sflag:s22] =	ssyncadd.s32 s4;
	_ =	sdelay $0x1  }
0xa1: {  	s23 =	simm.s32 $0x1B8B  }
0xa2: {  	_ =	swait.ge [sflag:s23], $0x1  }
0xa3: {  	[sflag:s23] =	ssyncset.done $0x0  }
0xa4: {  	s25 =	simm.s32 $0x1B8E;
	s24 =	sld [smem:$0x3FFE];
	[sflag:s23] =	ssyncadd.s32 $0xFFFFFFFF  }
0xa5: {  	s26 =	simm.s32 $execute0_lowered;
	[smem:$0x3FD2] =	sst s25  }
0xa6: {  	s5 =	sshll.u32 s26, $0x1;
	_ =	strace $0x8000004F;
	[dreg:$0x1] =	wrdreg $0xFFFFFFFF  }
0xa7: {  	s28 =	simm.s32 $_size_execute0_lowered;
	s3 =	sadd.s32 s3, s5;
	[dreg:$0x0] =	wrdreg $0x0  }
0xa8: {  	s5 =	sshll.u32 s28, $0x1;
	[dreg:$0x2] =	wrdreg s3  }
0xa9: {  	[dreg:$0x3] =	wrdreg s5  }
0xaa: {  	[dreg:$0x4] =	wrdreg $0xC0  }
0xab: {  	_ =	task [dreg:s7], $0x5FFFF  }
0xac: {  	[dreg:$0x1] =	wrdreg $0xFFFFFFFF  }
0xad: {  	[dreg:$0x0] =	wrdreg $0x60  }
0xae: {  	[dreg:$0x2] =	wrdreg s24  }
0xaf: {  	[dreg:$0x3] =	wrdreg s2  }
0xb0: {  	[dreg:$0x4] =	wrdreg $0x74600  }
0xb1: {  	[dreg:$0x5] =	wrdreg $0x9  }
0xb2: {  	_ =	task.clear_ibuf [dreg:s7], $0x6FFFF;
	_ =	strace $0x9000004F  }
0xb3: {  	s29 =	simm.s32 $0x9;
	_ =	strace $0x80000051  }
0xb4: {  	_ =	swait.ge [sflag:s29], $0x1  }
0xb5: {  	[sflag:s29] =	ssyncadd.s32 $0xFFFFFFFF  }
0xb6: {  	_ =	strace $0x90000051  }
0xb7: {  	_ =	sfence  }
0xb8: {  	s30 =	sld [smem:$0x0];
	_ =	sdelay $0x2  }
0xb9: {  	s31 =	sshll.u32 s1, $0xD;
	s1 =	sshrl.u32 s1, $0x2  }
0xba: {  	s3 =	sand.u32 $0x4000, s31;
	s1 =	sadd.s32 s1, s30  }
0xbb: {  	s0 =	sor.u32 s3, s0;
	s1 =	sshll.u32 s1, $0x11  }
0xbc: {  	s0 =	sor.u32 s1, s0  }
0xbd: {  	s0 =	sadd.s32 $0x8F2B, s0  }
0xbe: {  	[sflag:s0] =	ssyncadd.remote.s32 $0x1  }
0xbf: {  	_ =	sfence.sel $0xFFFF  }
0xc0: {  	[dreg:$0x0] =	wrdreg $0xFFFFFFFF;
	(pc) =	sbr.abs _section_cstart, $3  }
0xc1: {  	[dreg:$0x1] =	wrdreg $0xFFFFFFFF  }
0xc2: {  	_ =	task.clear_ibuf [dreg:s7], $0x2FFFF;
	_ =	strace $0x9FFFFFFF  }
0xc3: {  	(tm) =	ssettm $0x7FFFFFFF  }
tec
execute0_lowered:
.L_overlay_start_1:
0x0: {  	(tag) =	ssettag $0x1  }
0x1: {  	s0 =	rddreg [dreg:$0x0]  }
0x2: {  	s11 =	rddreg [dreg:$0x1]  }
0x3: {  	s2 =	rddreg [dreg:$0x2]  }
0x4: {  	s3 =	simm.s32 $0x0;
	s1 =	stileid.u32;
	s6 =	srdreg.scid  }
0x5: {  	s20 =	simm.s32 $0x1260;
	s21 =	simm.s32 $0xC40;
	s22 =	simm.s32 $0x2  }
0x6: {  	s23 =	simm.s32 $0x3;
	s24 =	simm.s32 $0x0;
	[smem:$0x7FF] =	sst s3  }
0x7: {  	s5 =	smul.u32 $0x18800, s1;
	s14 =	sadd.s32 $0x162800, s0;
	s13 =	sadd.s32 $0x6D000, s0  }
0x8: {  	s4 =	sadd.s32 $0xB400, s0;
	s8 =	sand.u32 $0x1, s6;
	s12 =	smul.u32 $0x3100, s1  }
0x9: {  	s28 =	sshll.u32 s1, $0x1;
	s29 =	sshll.u32 s1, $0x6;
	s10 =	smul.u32 $0x31000, s1  }
0xa: {  	_ =	strace $0x80000050;
	s6 =	ssub.s32 $0x2, s8;
	s17 =	smul.u32 $0x18800, s8  }
0xb: {  	s19 =	smul.u32 $0x31000, s8;
	s7 =	sshrl.u32 s5, $0x3;
	s9 =	sshrl.u32 s6, $0x1  }
0xc: {  	s16 =	sadd.s32 s5, s2;
	s0 =	sadd.s32 s7, s0;
	s7 =	sor.u32 s8, s28  }
0xd: {  	s15 =	ssub.s32 s6, s9;
	s6 =	sor.u32 $0x1C04, s29;
	s31 =	sadd.s32 s17, s10  }
0xe: {  	s12 =	sadd.s32 s12, s19;
	s17 =	simm.s32 $0x930;
	s19 =	simm.s32 $0x310  }
0xf: {  	s7 =	smul.u32 $0x18800, s7;
	s5 =	sadd.s32 $0xCF800, s0;
	s0 =	sor.u32 $0x620, s31  }
.Ltmp0:
0x10: {  	s11 =	sadd.s32 s11, s12;
	s12 =	smax.u32 s15, $0x1;
	(pc) =	sbr.rel .LBB2_1-.Ltmp0, $4  }
0x11: {  	s15 =	sshrl.u32 s16, $0x3;
	s16 =	simm.s32 $0x4;
	s30 =	sshrl.u32 s7, $0x3  }
0x12: {  	s0 =	sshrl.u32 s0, $0x3;
	s7 =	sadd.s32 s14, s30;
	s18 =	sor.u32 $0x62, s30  }
0x13: {  	s8 =	sadd.s32 s13, s30;
	s9 =	sadd.s32 s14, s18;
	s10 =	sadd.s32 s13, s18  }
0x14: {  	s13 =	sadd.s32 s0, s13;
	s14 =	sadd.s32 s0, s14;
	s18 =	simm.s32 $0x1  }
.LBB2_6:
0x15: {  	_ =	swait.ge [sflag:s23], $0x3100  }
0x16: {  	s24 =	sadd.s32 $0x1, s24;
	[sflag:s23] =	ssyncset.done $0x0  }
0x17: {  	p0 =	sne.s32 s24, s12;
	[sflag:s23] =	ssyncadd.s32 $0xFFFFCF00  }
.Ltmp1:
0x18: {  	[bflag:$0x0] =	sbarrier.arrive $0xFFFF;
	(pc) =	sbr.rel @!p0 .LBB2_7-.Ltmp1, $4  }
0x19: {  	[hbm:s11], [sflag:s6] =	dma.local [spmem:s15], $0x3100  }
0x1a: {  	_ =	swait.ge [sflag:s16], $0x3100  }
0x1b: {  	[sflag:s16] =	ssyncset.done $0x0  }
0x1c: {  	[sflag:s16] =	ssyncadd.s32 $0xFFFFCF00  }
.LBB2_1:
0x1d: {  	[spmem:s15], [sflag:s6] =	dma.local [hbm:s5], $0x3100  }
0x1e: {  	_ =	swait.ge [sflag:s16], $0x3100  }
0x1f: {  	[sflag:s16] =	ssyncset.done $0x0  }
0x20: {  	[sflag:s16] =	ssyncadd.s32 $0xFFFFCF00  }
0x21: {  	[bflag:$0x0] =	sbarrier.arrive $0xFFFF  }
0x22: {  	[tilespmem:s3], [sflag:$0x1] =	stream.linear.gather [hbm4b:s7+s3], $0x310, $0x38;
	[tilespmem:$0x1FC60] =	vst v63  }
0x23: {  	_ = 	snop  }
0x24: {  	[tilespmem:s17], [sflag:$0x1] =	stream.linear.gather [hbm4b:s8+s3], $0x310, $0x38;
	[tilespmem:$0x1FC60] =	vst v63  }
0x25: {  	_ =	swait.ge [sflag:s18], $0x310  }
0x26: {  	[sflag:s18] =	ssyncset.done $0x0  }
0x27: {  	[sflag:s18] =	ssyncadd.s32 $0xFFFFFCF0  }
0x28: {  	_ =	swait.ge [sflag:s18], $0x310  }
0x29: {  	[sflag:s18] =	ssyncset.done $0x0  }
0x2a: {  	[sflag:s18] =	ssyncadd.s32 $0xFFFFFCF0  }
0x2b: {  	[tilespmem:s20], [sflag:$0x2] =	stream.indirect.gather [hbm4b:s4+s19], $0x10, s3, s19, $0xb8;
	[tilespmem:$0x1FC60] =	vst v63  }
.Ltmp2:
0x2c: {  	_ = 	snop;
	(pc) =	sbr.rel .LBB2_2-.Ltmp2, $4  }
0x2d: {  	_ = 	snop  }
0x2e: {  	[tilespmem:s19], [sflag:$0x1] =	stream.linear.gather [hbm4b:s9+s3], $0x310, $0x38;
	[tilespmem:$0x1FC60] =	vst v63  }
0x2f: {  	s25 =	smov.u32 s14;
	s26 =	smov.u32 s13;
	s28 =	simm.s32 $0x0  }
0x30: {  	[tilespmem:s21], [sflag:$0x1] =	stream.linear.gather [hbm4b:s10+s3], $0x310, $0x38;
	[tilespmem:$0x1FC60] =	vst v63  }
.LBB2_3:
0x31: {  	s0 =	sadd.s32 $0x930, s0  }
0x32: {  	[spmem:s2] =	stream.indirect.scatter.add.f32 [tilespmem:s31], [sflag:$0x3], $0x10, s0, s19, $0xb8;
	[tilespmem:$0x1FC60] =	vst v63  }
.LBB2_5:
0x33: {  	s0 =	sadd.s32 $0xAB, s29  }
0x34: {  	s0 =	sshrl.u32 s0, $0x9  }
0x35: {  	s31 =	sadd.s32 $0x156, s29;
	s0 =	sand.u32 $0x7F, s0  }
0x36: {  	s30 =	sxor.u32 $0x1, s30;
	_ =	swait.ge [sflag:s18], $0x310;
	s0 =	smul.u32 $0x3, s0  }
0x37: {  	s29 =	sshrl.u32 s31, $0x9;
	s31 =	sadd.s32 $0x1, s28;
	[sflag:s18] =	ssyncset.done $0x0  }
0x38: {  	s30 =	smul.u32 $0xC400, s30;
	s29 =	sand.u32 $0x7F, s29;
	s0 =	ssub.s32 s31, s0  }
0x39: {  	[sflag:s18] =	ssyncadd.s32 $0xFFFFFCF0;
	s29 =	smul.u32 $0x3, s29;
	s0 =	sand.u32 $0xFF, s0  }
0x3a: {  	_ =	swait.ge [sflag:s18], $0x310;
	s30 =	sshrl.u32 s30, $0x2;
	s0 =	smul.u32 $0xC40, s0  }
0x3b: {  	[sflag:s18] =	ssyncset.done $0x0;
	s30 =	sadd.s32 $0x1260, s30;
	s29 =	ssub.s32 s28, s29  }
0x3c: {  	[sflag:s18] =	ssyncadd.s32 $0xFFFFFCF0;
	s29 =	sadd.s32 $0x2, s29;
	s0 =	sshrl.u32 s0, $0x2  }
0x3d: {  	[tilespmem:s30], [sflag:$0x2] =	stream.indirect.gather [hbm4b:s4+s19], $0x10, s0, s19, $0xb8;
	[tilespmem:$0x1FC60] =	vst v63  }
0x3e: {  	p0 =	sgt.u32 s28, $0x7D;
	s0 =	sand.u32 $0xFF, s29  }
0x3f: {  	s0 =	smul.u32 @!p0 $0x310, s0  }
0x40: {  	s28 =	simm.s32 @!p0 $0x0  }
0x41: {  	[tilespmem:s0], [sflag:$0x1] =	stream.linear.gather @!p0 [hbm4b:s25+s28], $0x310, $0x38;
	[tilespmem:$0x1FC60] =	vst v63  }
0x42: {  	s0 =	sadd.s32 @!p0 $0x930, s0  }
0x43: {  	[tilespmem:s0], [sflag:$0x1] =	stream.linear.gather @!p0 [hbm4b:s26+s28], $0x310, $0x38;
	[tilespmem:$0x1FC60] =	vst v63  }
0x44: {  	p0 =	sne.s32 s31, $0x80  }
.Ltmp3:
0x45: {  	_ = 	snop;
	(pc) =	sbr.rel @!p0 .LBB2_6-.Ltmp3, $2  }
0x46: {  	_ =	sdelay $0x2  }
0x47: {  	s25 =	sadd.s32 $0x62, s25;
	s26 =	sadd.s32 $0x62, s26;
	s28 =	smov.u32 s31  }
.LBB2_2:
0x48: {  	s29 =	smul.u32 $0xAB, s28;
	_ =	sdelay $0x1  }
0x49: {  	s0 =	sshrl.u32 s29, $0x9  }
0x4a: {  	s0 =	sand.u32 $0x7F, s0  }
0x4b: {  	s0 =	smul.u32 $0x3, s0  }
0x4c: {  	p0 =	sne.s32 s28, $0x0  }
.Ltmp4:
0x4d: {  	s30 =	sand.u32 $0x1, s28;
	s0 =	ssub.s32 s28, s0;
	(pc) =	sbr.rel @!p0 .LBB2_3-.Ltmp4, $4  }
0x4e: {  	s31 =	smul.u32 $0xC400, s30;
	s0 =	sand.u32 $0xFF, s0  }
0x4f: {  	_ =	swait.ge [sflag:s22], $0x3100;
	s0 =	smul.u32 $0xC40, s0  }
0x50: {  	[sflag:s22] =	ssyncset.done $0x0;
	s31 =	sshrl.u32 s31, $0x2  }
0x51: {  	[sflag:s22] =	ssyncadd.s32 $0xFFFFCF00;
	s31 =	sadd.s32 $0x1260, s31;
	s0 =	sshrl.u32 s0, $0x2  }
0x52: {  	p0 =	seq.s32 s28, $0x7F  }
.Ltmp5:
0x53: {  	_ = 	snop;
	(pc) =	sbr.rel @!p0 .LBB2_5-.Ltmp5, $4  }
.Ltmp6:
0x54: {  	_ =	swait.ge [sflag:s23], $0x3100;
	(pc) =	sbr.rel @p0 .LBB2_6-.Ltmp6, $4  }
0x55: {  	[sflag:s23] =	ssyncset.done $0x0  }
0x56: {  	s0 =	sadd.s32 $0x930, s0;
	[sflag:s23] =	ssyncadd.s32 $0xFFFFCF00  }
0x57: {  	[spmem:s2] =	stream.indirect.scatter.add.f32 [tilespmem:s31], [sflag:$0x3], $0x10, s0, s19, $0xb8;
	[tilespmem:$0x1FC60] =	vst v63  }
0x58: {  	_ = 	snop  }
.LBB2_7:
0x59: {  	_ =	sfence.sel $0x180000  }
0x5a: {  	[bflag:$0x0] =	sbarrier.arrive $0xFFFF  }
0x5b: {  	_ =	strace $0x90000050  }
0x5c: {  	[bflag:$0x2] =	sbarrier.arrive $0xFFFF  }
0x5d: {  	p0 =	sne.s32 s1, $0x0;
	s0 =	rddreg [dreg:$0x3]  }
0x5e: {  	s0 =	sadd.s32 @!p0 $0x100000, s0  }
0x5f: {  	[sflag:s0] =	ssyncadd.tile.s32 @!p0 $0x1;
	_ =	shalt  }
.Lfunc_end2:
_tile_overlayer_lowered:
.L_overlay_start_2:
0x60: {  	(tag) =	ssettag $0x2  }
0x61: {  	s0 =	rddreg [dreg:$0x0];
	s2 =	stileid.u32  }
0x62: {  	s1 =	rddreg [dreg:$0x1];
	p0 =	sne.s32 s2, $0x0  }
0x63: {  	s3 =	rddreg [dreg:$0x2];
	[bflag:$0x3] =	sbarrier.arrive $0xFFFF;
	s2 =	simm.s32 @!p0 $0x1C04  }
0x64: {  	[timem:s3], [sflag:s2] =	dma.local @!p0 [hbm:s0], s1  }
0x65: {  	s0 =	simm.s32 @!p0 $0x4  }
0x66: {  	_ =	swait.ge @!p0 [sflag:s0], s1  }
0x67: {  	s1 =	ssub.s32 @!p0 $0x0, s1;
	[sflag:s0] =	ssyncset.done @!p0 $0x0  }
0x68: {  	[sflag:s0] =	ssyncadd.s32 @!p0 s1  }
0x69: {  	[bflag:$0x3] =	sbarrier.arrive $0xFFFF  }
0x6a: {  	_ =	shalt  }

// kernel: kernel.26.cloned.1.call-start
scs
__scs_entry_jumppad:
0x0: {  	(pc) =	sbr.rel $0x88, $3  }
0x1: {  	(tag) =	ssettag $0x0;
	lr =	simm.s32 $0x1  }
0x2: {  	[smem:$0x3F83] =	sst lr;
	_ =	strace $0xD0000000  }
0x3: {  	_ = 	snop  }
0x4: {  	_ = 	snop  }
0x5: {  	_ = 	snop  }
0x6: {  	_ = 	snop  }
0x7: {  	_ = 	snop  }
__scs_overlays_trampoline_lowered:
0x8: {  	[smem:$0x3F92] =	sst s0  }
0x9: {  	[smem:$0x3F93] =	sst s1  }
0xa: {  	[smem:$0x3F94] =	sst s2  }
0xb: {  	[smem:$0x3F95] =	sst s3  }
0xc: {  	[smem:$0x3F96] =	sst s4  }
0xd: {  	[smem:$0x3F97] =	sst s5  }
0xe: {  	[smem:$0x3F98] =	sst s6  }
0xf: {  	[smem:$0x3F99] =	sst s7  }
0x10: {  	[smem:$0x3F9A] =	sst s8  }
0x11: {  	[smem:$0x3F9B] =	sst s9;
	s0 =	simm.s32 @!p0 $0x0  }
0x12: {  	s1 =	sld [smem:$0x3F81];
	s0 =	simm.s32 @p0 $0x1  }
0x13: {  	[smem:$0x3F9C] =	sst s0;
	s0 =	simm.s32 @!p1 $0x0  }
0x14: {  	s2 =	sld [smem:$0x3F80];
	s0 =	simm.s32 @p1 $0x1  }
0x15: {  	[smem:$0x3F9D] =	sst s0;
	s0 =	simm.s32 @!p2 $0x0  }
0x16: {  	s3 =	sld [smem:$0x3FDB];
	s0 =	simm.s32 @p2 $0x1  }
0x17: {  	s4 =	simm.s32 $0x1BF5;
	[smem:$0x3F9F] =	sst s0  }
0x18: {  	s0 =	sld [smem:$0x3F82];
	_ =	swait.ge [sflag:s4], $0x0  }
0x19: {  	s7 =	sld [smem:$0x3F83]  }
0x1a: {  	s8 =	sadd.s32 $0xFFFFE003, lr  }
0x1b: {  	s9 =	sadd.s32 $0xFFFFFEF7, lr;
	s5 =	simm.s32 $0xFFFFFFFF;
	p2 =	slt.u32 s8, $0xFFFFF086  }
0x1c: {  	p1 =	slt.u32 s9, $0xF7A;
	s5 =	simm.s32 @!p2 $0x0  }
0x1d: {  	s5 =	simm.s32 @p1 $0x1;
	p0 =	seq.s32 s7, s2  }
0x1e: {  	s7 =	smul.u32 @!p0 $0xF7A, s2;
	p2 =	seq.s32 @!p0 s5, $0x0  }
0x1f: {  	s9 =	smul.u32 $0xF7A, s1;
	s8 =	simm.s32 @!p0 $0x1BF5;
	p2 =	por !p2, p0  }
0x20: {  	[sflag:s8] =	ssyncset.s32 @!p0 $0xFFFFF086;
	s6 =	sadd.s32 @!p0 s3, s7;
	s7 =	simm.s32 @!p0 $0x108  }
0x21: {  	s3 =	sadd.s32 s3, s9;
	s6 =	sadd.s32 @!p0 $0x88, s6;
	s7 =	simm.s32 @p2 $0x1082  }
0x22: {  	[simem:s7], [sflag:s8] =	dma.local @!p0 [hbm:s6], $0xF7A  }
0x23: {  	s9 =	sor.u32 $0xD0000000, s2;
	s6 =	simm.s32 $0x108;
	_ =	swait.ge @!p0 [sflag:s8], $0x0  }
0x24: {  	s3 =	sadd.s32 $0x88, s3;
	s6 =	simm.s32 @!p1 $0x1082;
	[sflag:s4] =	ssyncset.s32 $0xFFFFF086  }
0x25: {  	[simem:s6], [sflag:s4] =	dma.local [hbm:s3], $0xF7A  }
0x26: {  	[smem:$0x3F83] =	sst s1;
	(tag) =	ssettag s2;
	_ =	strace s9  }
0x27: {  	s1 =	sld [smem:$0x3F93]  }
0x28: {  	s2 =	sld [smem:$0x3F94]  }
0x29: {  	s4 =	sld [smem:$0x3F96]  }
0x2a: {  	p0 =	seq.s32 s5, $0x0;
	s5 =	sld [smem:$0x3F97]  }
0x2b: {  	s6 =	sld [smem:$0x3F98]  }
0x2c: {  	s7 =	sld [smem:$0x3F99]  }
0x2d: {  	s3 =	simm.s32 $0x108;
	s8 =	sld [smem:$0x3F9A]  }
0x2e: {  	s3 =	simm.s32 @!p0 $0x1082;
	s9 =	sld [smem:$0x3F9B]  }
0x2f: {  	lr =	sadd.s32 s0, s3;
	s0 =	sld [smem:$0x3F92]  }
0x30: {  	s3 =	sld [smem:$0x3F95]  }
0x31: {  	[smem:$0x3F9E] =	sst s10  }
0x32: {  	s10 =	sld [smem:$0x3F9C];
	_ =	sdelay $0x3  }
0x33: {  	p0 =	seq.s32 s10, $0x1;
	s10 =	sld [smem:$0x3F9E];
	_ =	sdelay $0x3  }
0x34: {  	[smem:$0x3F9E] =	sst s10  }
0x35: {  	s10 =	sld [smem:$0x3F9D];
	_ =	sdelay $0x3  }
0x36: {  	p1 =	seq.s32 s10, $0x1;
	s10 =	sld [smem:$0x3F9E];
	_ =	sdelay $0x3  }
0x37: {  	[smem:$0x3F9E] =	sst s10  }
0x38: {  	s10 =	sld [smem:$0x3F9F]  }
0x39: {  	_ = 	snop;
	(pc) =	sbr.ind lr, $3  }
0x3a: {  	_ = 	snop  }
0x3b: {  	_ = 	snop  }
0x3c: {  	p2 =	seq.s32 s10, $0x1;
	s10 =	sld [smem:$0x3F9E]  }
0x3d: {  	_ =	shalt  }
0x3e: {  	_ =	shalt  }
0x3f: {  	_ =	shalt  }
0x40: {  	_ =	shalt  }
0x41: {  	_ =	shalt  }
0x42: {  	_ =	shalt  }
0x43: {  	_ =	shalt  }
0x44: {  	_ =	shalt  }
0x45: {  	_ =	shalt  }
0x46: {  	_ =	shalt  }
0x47: {  	_ =	shalt  }
0x48: {  	_ =	shalt  }
0x49: {  	_ =	shalt  }
0x4a: {  	_ =	shalt  }
0x4b: {  	_ =	shalt  }
0x4c: {  	_ =	shalt  }
0x4d: {  	_ =	shalt  }
0x4e: {  	_ =	shalt  }
0x4f: {  	_ =	shalt  }
0x50: {  	_ =	shalt  }
0x51: {  	_ =	shalt  }
0x52: {  	_ =	shalt  }
0x53: {  	_ =	shalt  }
0x54: {  	_ =	shalt  }
0x55: {  	_ =	shalt  }
0x56: {  	_ =	shalt  }
0x57: {  	_ =	shalt  }
0x58: {  	_ =	shalt  }
0x59: {  	_ =	shalt  }
0x5a: {  	_ =	shalt  }
0x5b: {  	_ =	shalt  }
0x5c: {  	_ =	shalt  }
0x5d: {  	_ =	shalt  }
0x5e: {  	_ =	shalt  }
0x5f: {  	_ =	shalt  }
0x60: {  	_ =	shalt  }
0x61: {  	_ =	shalt  }
0x62: {  	_ =	shalt  }
0x63: {  	_ =	shalt  }
0x64: {  	_ =	shalt  }
0x65: {  	_ =	shalt  }
0x66: {  	_ =	shalt  }
0x67: {  	_ =	shalt  }
0x68: {  	_ =	shalt  }
0x69: {  	_ =	shalt  }
0x6a: {  	_ =	shalt  }
0x6b: {  	_ =	shalt  }
0x6c: {  	_ =	shalt  }
0x6d: {  	_ =	shalt  }
0x6e: {  	_ =	shalt  }
0x6f: {  	_ =	shalt  }
0x70: {  	_ =	shalt  }
0x71: {  	_ =	shalt  }
0x72: {  	_ =	shalt  }
0x73: {  	_ =	shalt  }
0x74: {  	_ =	shalt  }
0x75: {  	_ =	shalt  }
0x76: {  	_ =	shalt  }
0x77: {  	_ =	shalt  }
0x78: {  	_ =	shalt  }
0x79: {  	_ =	shalt  }
0x7a: {  	_ =	shalt  }
0x7b: {  	_ =	shalt  }
0x7c: {  	_ =	shalt  }
0x7d: {  	_ =	shalt  }
0x7e: {  	_ =	shalt  }
0x7f: {  	_ =	shalt  }
0x80: {  	_ =	shalt  }
0x81: {  	_ =	shalt  }
0x82: {  	_ =	shalt  }
0x83: {  	_ =	shalt  }
0x84: {  	_ =	shalt  }
0x85: {  	_ =	shalt  }
0x86: {  	_ =	shalt  }
0x87: {  	_ =	shalt  }
.Lfunc_end0:
.L_simem_size_0:
called_computation.4_lowered:
.L_overlay_start_0:
0x88: {  	s2 =	sld [smem:$0x3FD9]  }
0x89: {  	s3 =	sld [smem:$0x3FFE];
	_ =	sdelay $0x1  }
0x8a: {  	s1 =	srdreg.scid  }
0x8b: {  	s0 =	sand.u32 $0x1, s1  }
0x8c: {  	s17 =	sshll.u32 s0, $0xA;
	s2 =	sadd.s32 s3, s2  }
0x8d: {  	s2 =	sadd.s32 s2, s17  }
0x8e: {  	[smem:$0x3FAA] =	sst s2  }
0x8f: {  	_ = 	snop  }
0x90: {  	s2 =	sld [smem:$0x3FD0];
	(tm) =	ssettm $0x1  }
0x91: {  	s18 =	sld [smem:$0x3FFB];
	_ =	sdelay $0x3  }
0x92: {  	_ =	strace s18  }
0x93: {  	s3 =	sld [smem:$0x3FFC];
	_ =	sdelay $0x3  }
0x94: {  	_ =	strace s3  }
0x95: {  	s3 =	sld [smem:$0x3FFD];
	_ =	sdelay $0x3  }
0x96: {  	_ =	strace s3  }
0x97: {  	_ =	strace $0x8FFFFFFF  }
0x98: {  	s19 =	sld [smem:$0x3FDB];
	_ =	sdelay $0x1  }
0x99: {  	s4 =	simm.s32 $_scs_section_size  }
0x9a: {  	s5 =	simm.s32 $_size__tile_overlayer_lowered;
	s6 =	simm.s32 $_tile_overlayer_lowered  }
0x9b: {  	s22 =	simm.s32 $0x1BFF;
	s21 =	sshll.u32 s6, $0x1;
	s3 =	sadd.s32 s4, s19  }
0x9c: {  	s7 =	simm.s32 $0x0;
	s20 =	sshll.u32 s5, $0x1;
	s5 =	sadd.s32 s21, s3  }
0x9d: {  	[timem:s7], [sflag:s22] =	dma.local [hbm:s5], s20  }
0x9e: {  	_ =	swait.ge [sflag:s22], s20  }
0x9f: {  	s4 =	ssub.s32 $0x0, s20;
	[sflag:s22] =	ssyncset.done $0x0  }
0xa0: {  	[sflag:s22] =	ssyncadd.s32 s4;
	_ =	sdelay $0x1  }
0xa1: {  	s23 =	simm.s32 $0x1B8B  }
0xa2: {  	_ =	swait.ge [sflag:s23], $0x1  }
0xa3: {  	[sflag:s23] =	ssyncset.done $0x0  }
0xa4: {  	s25 =	simm.s32 $0x1B8E;
	s24 =	sld [smem:$0x3FFE];
	[sflag:s23] =	ssyncadd.s32 $0xFFFFFFFF  }
0xa5: {  	s26 =	simm.s32 $execute0_lowered;
	[smem:$0x3FD2] =	sst s25  }
0xa6: {  	s5 =	sshll.u32 s26, $0x1;
	_ =	strace $0x80000052;
	[dreg:$0x1] =	wrdreg $0xFFFFFFFF  }
0xa7: {  	s28 =	simm.s32 $_size_execute0_lowered;
	s3 =	sadd.s32 s3, s5;
	[dreg:$0x0] =	wrdreg $0x0  }
0xa8: {  	s5 =	sshll.u32 s28, $0x1;
	[dreg:$0x2] =	wrdreg s3  }
0xa9: {  	[dreg:$0x3] =	wrdreg s5  }
0xaa: {  	[dreg:$0x4] =	wrdreg $0xC0  }
0xab: {  	_ =	task [dreg:s7], $0x5FFFF  }
0xac: {  	[dreg:$0x1] =	wrdreg $0xFFFFFFFF  }
0xad: {  	[dreg:$0x0] =	wrdreg $0x60  }
0xae: {  	[dreg:$0x2] =	wrdreg s24  }
0xaf: {  	[dreg:$0x3] =	wrdreg s2  }
0xb0: {  	[dreg:$0x4] =	wrdreg $0x74600  }
0xb1: {  	[dreg:$0x5] =	wrdreg $0x9  }
0xb2: {  	_ =	task.clear_ibuf [dreg:s7], $0x6FFFF;
	_ =	strace $0x90000052  }
0xb3: {  	s29 =	simm.s32 $0x9;
	_ =	strace $0x80000054  }
0xb4: {  	_ =	swait.ge [sflag:s29], $0x1  }
0xb5: {  	[sflag:s29] =	ssyncadd.s32 $0xFFFFFFFF  }
0xb6: {  	_ =	strace $0x90000054  }
0xb7: {  	_ =	sfence  }
0xb8: {  	s30 =	sld [smem:$0x0];
	_ =	sdelay $0x2  }
0xb9: {  	s31 =	sshll.u32 s1, $0xD;
	s1 =	sshrl.u32 s1, $0x2  }
0xba: {  	s3 =	sand.u32 $0x4000, s31;
	s1 =	sadd.s32 s1, s30  }
0xbb: {  	s0 =	sor.u32 s3, s0;
	s1 =	sshll.u32 s1, $0x11  }
0xbc: {  	s0 =	sor.u32 s1, s0  }
0xbd: {  	s0 =	sadd.s32 $0x8F2B, s0  }
0xbe: {  	[sflag:s0] =	ssyncadd.remote.s32 $0x1  }
0xbf: {  	_ =	sfence.sel $0xFFFF  }
0xc0: {  	[dreg:$0x0] =	wrdreg $0xFFFFFFFF;
	(pc) =	sbr.abs _section_cstart, $3  }
0xc1: {  	[dreg:$0x1] =	wrdreg $0xFFFFFFFF  }
0xc2: {  	_ =	task.clear_ibuf [dreg:s7], $0x2FFFF;
	_ =	strace $0x9FFFFFFF  }
0xc3: {  	(tm) =	ssettm $0x7FFFFFFF  }
tec
execute0_lowered:
.L_overlay_start_1:
0x0: {  	(tag) =	ssettag $0x1  }
0x1: {  	s0 =	rddreg [dreg:$0x0]  }
0x2: {  	s11 =	rddreg [dreg:$0x1]  }
0x3: {  	s2 =	rddreg [dreg:$0x2]  }
0x4: {  	s3 =	simm.s32 $0x0;
	s1 =	stileid.u32;
	s6 =	srdreg.scid  }
0x5: {  	s20 =	simm.s32 $0x1260;
	s21 =	simm.s32 $0xC40;
	s22 =	simm.s32 $0x2  }
0x6: {  	s23 =	simm.s32 $0x3;
	s24 =	simm.s32 $0x0;
	[smem:$0x7FF] =	sst s3  }
0x7: {  	s5 =	smul.u32 $0x18800, s1;
	s14 =	sadd.s32 $0x162800, s0;
	s13 =	sadd.s32 $0x6D000, s0  }
0x8: {  	s4 =	sadd.s32 $0xB400, s0;
	s8 =	sand.u32 $0x1, s6;
	s12 =	smul.u32 $0x3100, s1  }
0x9: {  	s28 =	sshll.u32 s1, $0x1;
	s29 =	sshll.u32 s1, $0x6;
	s10 =	smul.u32 $0x31000, s1  }
0xa: {  	_ =	strace $0x80000053;
	s6 =	ssub.s32 $0x2, s8;
	s17 =	smul.u32 $0x18800, s8  }
0xb: {  	s19 =	smul.u32 $0x31000, s8;
	s7 =	sshrl.u32 s5, $0x3;
	s9 =	sshrl.u32 s6, $0x1  }
0xc: {  	s16 =	sadd.s32 s5, s2;
	s0 =	sadd.s32 s7, s0;
	s7 =	sor.u32 s8, s28  }
0xd: {  	s15 =	ssub.s32 s6, s9;
	s6 =	sor.u32 $0x1C04, s29;
	s31 =	sadd.s32 s17, s10  }
0xe: {  	s12 =	sadd.s32 s12, s19;
	s17 =	simm.s32 $0x930;
	s19 =	simm.s32 $0x310  }
0xf: {  	s7 =	smul.u32 $0x18800, s7;
	s5 =	sadd.s32 $0xCF800, s0;
	s0 =	sor.u32 $0x620, s31  }
.Ltmp0:
0x10: {  	s11 =	sadd.s32 s11, s12;
	s12 =	smax.u32 s15, $0x1;
	(pc) =	sbr.rel .LBB2_1-.Ltmp0, $4  }
0x11: {  	s15 =	sshrl.u32 s16, $0x3;
	s16 =	simm.s32 $0x4;
	s30 =	sshrl.u32 s7, $0x3  }
0x12: {  	s0 =	sshrl.u32 s0, $0x3;
	s7 =	sadd.s32 s14, s30;
	s18 =	sor.u32 $0x62, s30  }
0x13: {  	s8 =	sadd.s32 s13, s30;
	s9 =	sadd.s32 s14, s18;
	s10 =	sadd.s32 s13, s18  }
0x14: {  	s13 =	sadd.s32 s0, s13;
	s14 =	sadd.s32 s0, s14;
	s18 =	simm.s32 $0x1  }
.LBB2_6:
0x15: {  	_ =	swait.ge [sflag:s23], $0x3100  }
0x16: {  	s24 =	sadd.s32 $0x1, s24;
	[sflag:s23] =	ssyncset.done $0x0  }
0x17: {  	p0 =	sne.s32 s24, s12;
	[sflag:s23] =	ssyncadd.s32 $0xFFFFCF00  }
.Ltmp1:
0x18: {  	[bflag:$0x0] =	sbarrier.arrive $0xFFFF;
	(pc) =	sbr.rel @!p0 .LBB2_7-.Ltmp1, $4  }
0x19: {  	[hbm:s11], [sflag:s6] =	dma.local [spmem:s15], $0x3100  }
0x1a: {  	_ =	swait.ge [sflag:s16], $0x3100  }
0x1b: {  	[sflag:s16] =	ssyncset.done $0x0  }
0x1c: {  	[sflag:s16] =	ssyncadd.s32 $0xFFFFCF00  }
.LBB2_1:
0x1d: {  	[spmem:s15], [sflag:s6] =	dma.local [hbm:s5], $0x3100  }
0x1e: {  	_ =	swait.ge [sflag:s16], $0x3100  }
0x1f: {  	[sflag:s16] =	ssyncset.done $0x0  }
0x20: {  	[sflag:s16] =	ssyncadd.s32 $0xFFFFCF00  }
0x21: {  	[bflag:$0x0] =	sbarrier.arrive $0xFFFF  }
0x22: {  	[tilespmem:s3], [sflag:$0x1] =	stream.linear.gather [hbm4b:s7+s3], $0x310, $0x38;
	[tilespmem:$0x1FC60] =	vst v63  }
0x23: {  	_ = 	snop  }
0x24: {  	[tilespmem:s17], [sflag:$0x1] =	stream.linear.gather [hbm4b:s8+s3], $0x310, $0x38;
	[tilespmem:$0x1FC60] =	vst v63  }
0x25: {  	_ =	swait.ge [sflag:s18], $0x310  }
0x26: {  	[sflag:s18] =	ssyncset.done $0x0  }
0x27: {  	[sflag:s18] =	ssyncadd.s32 $0xFFFFFCF0  }
0x28: {  	_ =	swait.ge [sflag:s18], $0x310  }
0x29: {  	[sflag:s18] =	ssyncset.done $0x0  }
0x2a: {  	[sflag:s18] =	ssyncadd.s32 $0xFFFFFCF0  }
0x2b: {  	[tilespmem:s20], [sflag:$0x2] =	stream.indirect.gather [hbm4b:s4+s19], $0x10, s3, s19, $0xb8;
	[tilespmem:$0x1FC60] =	vst v63  }
.Ltmp2:
0x2c: {  	_ = 	snop;
	(pc) =	sbr.rel .LBB2_2-.Ltmp2, $4  }
0x2d: {  	_ = 	snop  }
0x2e: {  	[tilespmem:s19], [sflag:$0x1] =	stream.linear.gather [hbm4b:s9+s3], $0x310, $0x38;
	[tilespmem:$0x1FC60] =	vst v63  }
0x2f: {  	s25 =	smov.u32 s14;
	s26 =	smov.u32 s13;
	s28 =	simm.s32 $0x0  }
0x30: {  	[tilespmem:s21], [sflag:$0x1] =	stream.linear.gather [hbm4b:s10+s3], $0x310, $0x38;
	[tilespmem:$0x1FC60] =	vst v63  }
.LBB2_3:
0x31: {  	s0 =	sadd.s32 $0x930, s0  }
0x32: {  	[spmem:s2] =	stream.indirect.scatter.add.f32 [tilespmem:s31], [sflag:$0x3], $0x10, s0, s19, $0xb8;
	[tilespmem:$0x1FC60] =	vst v63  }
.LBB2_5:
0x33: {  	s0 =	sadd.s32 $0xAB, s29  }
0x34: {  	s0 =	sshrl.u32 s0, $0x9  }
0x35: {  	s31 =	sadd.s32 $0x156, s29;
	s0 =	sand.u32 $0x7F, s0  }
0x36: {  	s30 =	sxor.u32 $0x1, s30;
	_ =	swait.ge [sflag:s18], $0x310;
	s0 =	smul.u32 $0x3, s0  }
0x37: {  	s29 =	sshrl.u32 s31, $0x9;
	s31 =	sadd.s32 $0x1, s28;
	[sflag:s18] =	ssyncset.done $0x0  }
0x38: {  	s30 =	smul.u32 $0xC400, s30;
	s29 =	sand.u32 $0x7F, s29;
	s0 =	ssub.s32 s31, s0  }
0x39: {  	[sflag:s18] =	ssyncadd.s32 $0xFFFFFCF0;
	s29 =	smul.u32 $0x3, s29;
	s0 =	sand.u32 $0xFF, s0  }
0x3a: {  	_ =	swait.ge [sflag:s18], $0x310;
	s30 =	sshrl.u32 s30, $0x2;
	s0 =	smul.u32 $0xC40, s0  }
0x3b: {  	[sflag:s18] =	ssyncset.done $0x0;
	s30 =	sadd.s32 $0x1260, s30;
	s29 =	ssub.s32 s28, s29  }
0x3c: {  	[sflag:s18] =	ssyncadd.s32 $0xFFFFFCF0;
	s29 =	sadd.s32 $0x2, s29;
	s0 =	sshrl.u32 s0, $0x2  }
0x3d: {  	[tilespmem:s30], [sflag:$0x2] =	stream.indirect.gather [hbm4b:s4+s19], $0x10, s0, s19, $0xb8;
	[tilespmem:$0x1FC60] =	vst v63  }
0x3e: {  	p0 =	sgt.u32 s28, $0x7D;
	s0 =	sand.u32 $0xFF, s29  }
0x3f: {  	s0 =	smul.u32 @!p0 $0x310, s0  }
0x40: {  	s28 =	simm.s32 @!p0 $0x0  }
0x41: {  	[tilespmem:s0], [sflag:$0x1] =	stream.linear.gather @!p0 [hbm4b:s25+s28], $0x310, $0x38;
	[tilespmem:$0x1FC60] =	vst v63  }
0x42: {  	s0 =	sadd.s32 @!p0 $0x930, s0  }
0x43: {  	[tilespmem:s0], [sflag:$0x1] =	stream.linear.gather @!p0 [hbm4b:s26+s28], $0x310, $0x38;
	[tilespmem:$0x1FC60] =	vst v63  }
0x44: {  	p0 =	sne.s32 s31, $0x80  }
.Ltmp3:
0x45: {  	_ = 	snop;
	(pc) =	sbr.rel @!p0 .LBB2_6-.Ltmp3, $2  }
0x46: {  	_ =	sdelay $0x2  }
0x47: {  	s25 =	sadd.s32 $0x62, s25;
	s26 =	sadd.s32 $0x62, s26;
	s28 =	smov.u32 s31  }
.LBB2_2:
0x48: {  	s29 =	smul.u32 $0xAB, s28;
	_ =	sdelay $0x1  }
0x49: {  	s0 =	sshrl.u32 s29, $0x9  }
0x4a: {  	s0 =	sand.u32 $0x7F, s0  }
0x4b: {  	s0 =	smul.u32 $0x3, s0  }
0x4c: {  	p0 =	sne.s32 s28, $0x0  }
.Ltmp4:
0x4d: {  	s30 =	sand.u32 $0x1, s28;
	s0 =	ssub.s32 s28, s0;
	(pc) =	sbr.rel @!p0 .LBB2_3-.Ltmp4, $4  }
0x4e: {  	s31 =	smul.u32 $0xC400, s30;
	s0 =	sand.u32 $0xFF, s0  }
0x4f: {  	_ =	swait.ge [sflag:s22], $0x3100;
	s0 =	smul.u32 $0xC40, s0  }
0x50: {  	[sflag:s22] =	ssyncset.done $0x0;
	s31 =	sshrl.u32 s31, $0x2  }
0x51: {  	[sflag:s22] =	ssyncadd.s32 $0xFFFFCF00;
	s31 =	sadd.s32 $0x1260, s31;
	s0 =	sshrl.u32 s0, $0x2  }
0x52: {  	p0 =	seq.s32 s28, $0x7F  }
.Ltmp5:
0x53: {  	_ = 	snop;
	(pc) =	sbr.rel @!p0 .LBB2_5-.Ltmp5, $4  }
.Ltmp6:
0x54: {  	_ =	swait.ge [sflag:s23], $0x3100;
	(pc) =	sbr.rel @p0 .LBB2_6-.Ltmp6, $4  }
0x55: {  	[sflag:s23] =	ssyncset.done $0x0  }
0x56: {  	s0 =	sadd.s32 $0x930, s0;
	[sflag:s23] =	ssyncadd.s32 $0xFFFFCF00  }
0x57: {  	[spmem:s2] =	stream.indirect.scatter.add.f32 [tilespmem:s31], [sflag:$0x3], $0x10, s0, s19, $0xb8;
	[tilespmem:$0x1FC60] =	vst v63  }
0x58: {  	_ = 	snop  }
.LBB2_7:
0x59: {  	_ =	sfence.sel $0x180000  }
0x5a: {  	[bflag:$0x0] =	sbarrier.arrive $0xFFFF  }
0x5b: {  	_ =	strace $0x90000053  }
0x5c: {  	[bflag:$0x2] =	sbarrier.arrive $0xFFFF  }
0x5d: {  	p0 =	sne.s32 s1, $0x0;
	s0 =	rddreg [dreg:$0x3]  }
0x5e: {  	s0 =	sadd.s32 @!p0 $0x100000, s0  }
0x5f: {  	[sflag:s0] =	ssyncadd.tile.s32 @!p0 $0x1;
	_ =	shalt  }
.Lfunc_end2:
_tile_overlayer_lowered:
.L_overlay_start_2:
0x60: {  	(tag) =	ssettag $0x2  }
0x61: {  	s0 =	rddreg [dreg:$0x0];
	s2 =	stileid.u32  }
0x62: {  	s1 =	rddreg [dreg:$0x1];
	p0 =	sne.s32 s2, $0x0  }
0x63: {  	s3 =	rddreg [dreg:$0x2];
	[bflag:$0x3] =	sbarrier.arrive $0xFFFF;
	s2 =	simm.s32 @!p0 $0x1C04  }
0x64: {  	[timem:s3], [sflag:s2] =	dma.local @!p0 [hbm:s0], s1  }
0x65: {  	s0 =	simm.s32 @!p0 $0x4  }
0x66: {  	_ =	swait.ge @!p0 [sflag:s0], s1  }
0x67: {  	s1 =	ssub.s32 @!p0 $0x0, s1;
	[sflag:s0] =	ssyncset.done @!p0 $0x0  }
0x68: {  	[sflag:s0] =	ssyncadd.s32 @!p0 s1  }
0x69: {  	[bflag:$0x3] =	sbarrier.arrive $0xFFFF  }
0x6a: {  	_ =	shalt  }

</sc_bundles>
